<compile_context>
chip_gen: v7x
topology: tpu7x:2x2x1
jax: 0.10.2.dev20260603
libtpu: 0.0.44.dev20260713+nightly
codegen_flags: <defaults>
</compile_context>

<pallas_src>
import functools

import jax
import jax.numpy as jnp
from jax import lax
from jax.experimental import pallas as pl
from jax.experimental.pallas import tpu as pltpu
from jax.experimental.pallas import tpu_sc as plsc

N = 10000
NPAD = 10240
E = 320000
FH = 128
CHUNK = 128
CPS = 160
ROWS2D = 16 * CPS
SB = 40
DB = 80
DW = FH
RPS = NPAD // 16
RB = 256
GRID = NPAD // RB

_mesh = plsc.VectorSubcoreMesh(core_axis_name="c", subcore_axis_name="s")


@functools.partial(
    pl.kernel,
    out_type=jax.ShapeDtypeStruct((2, NPAD, DW), jnp.float32),
    mesh=_mesh,
    scratch_types=[
        pltpu.VMEM_SHARED((NPAD, DW), jnp.float32),
        pltpu.VMEM((DB, CHUNK), jnp.int32),
        pltpu.VMEM((CHUNK, DW), jnp.float32),
        pltpu.SemaphoreType.DMA,
    ],
)
def _sc_deg(dst2d, ones_blk, zeros64, deg_out, dacc, didx, ones_v, sem):
    c = lax.axis_index("c")
    s = lax.axis_index("s")
    base = s * RPS
    pltpu.sync_copy(ones_blk, ones_v)

    def zfire(i, _):
        pltpu.async_copy(zeros64, dacc.at[pl.ds(base + i * 64, 64)], sem)
        return 0

    lax.fori_loop(0, RPS // 64, zfire, 0)

    def zdrain(i, _):
        pltpu.make_async_copy(zeros64, dacc.at[pl.ds(base, 64)], sem).wait()
        return 0

    lax.fori_loop(0, RPS // 64, zdrain, 0)
    plsc.subcore_barrier()

    half = CPS // 2

    def blk(j, _):
        pltpu.sync_copy(
            dst2d.at[pl.ds(s * CPS + c * half + j * DB, DB)], didx)

        def fire(k, _):
            pltpu.async_copy(ones_v, dacc.at[didx.at[k]], sem, add=True)
            return 0

        lax.fori_loop(0, DB, fire, 0)

        def drain(k, _):
            pltpu.make_async_copy(ones_v, dacc.at[didx.at[0]], sem).wait()
            return 0

        lax.fori_loop(0, DB, drain, 0)
        return 0

    lax.fori_loop(0, half // DB, blk, 0)
    plsc.subcore_barrier()
    pltpu.sync_copy(dacc.at[pl.ds(base, RPS)],
                    deg_out.at[c].at[pl.ds(base, RPS)])


@functools.partial(
    pl.kernel,
    out_type=jax.ShapeDtypeStruct((2, NPAD, FH), jnp.float32),
    mesh=_mesh,
    scratch_types=[
        pltpu.VMEM_SHARED((NPAD, FH), jnp.float32),
        pltpu.VMEM((SB, CHUNK), jnp.int32),
        pltpu.VMEM((SB, CHUNK), jnp.int32),
        pltpu.VMEM((CHUNK, FH), jnp.float32),
        pltpu.VMEM((CHUNK, FH), jnp.float32),
        pltpu.SemaphoreType.DMA,
        pltpu.SemaphoreType.DMA,
    ],
)
def _sc_agg(gst, src2d, dst2d, zeros64, sst,
            acc, sidx, didx, rows_a, rows_b, sem_a, sem_b):
    c = lax.axis_index("c")
    s = lax.axis_index("s")
    base = s * RPS
    g = gst.at[c]

    def zfire(i, _):
        pltpu.async_copy(zeros64, acc.at[pl.ds(base + i * 64, 64)], sem_a)
        return 0

    lax.fori_loop(0, RPS // 64, zfire, 0)

    def zdrain(i, _):
        pltpu.make_async_copy(zeros64, acc.at[pl.ds(base, 64)], sem_a).wait()
        return 0

    lax.fori_loop(0, RPS // 64, zdrain, 0)
    plsc.subcore_barrier()

    def blk(j, _):
        rowbase = s * CPS + j * SB
        pltpu.sync_copy(src2d.at[pl.ds(rowbase, SB)], sidx)
        pltpu.sync_copy(dst2d.at[pl.ds(rowbase, SB)], didx)
        pltpu.async_copy(g.at[sidx.at[0]], rows_a, sem_a)

        def pair(p, _):
            k0 = p * 2
            pltpu.async_copy(g.at[sidx.at[k0 + 1]], rows_b, sem_b)
            pltpu.make_async_copy(g.at[sidx.at[k0]], rows_a, sem_a).wait()
            pltpu.sync_copy(rows_a, acc.at[didx.at[k0]], add=True)

            @pl.when(p + 1 < SB // 2)
            def _():
                pltpu.async_copy(g.at[sidx.at[k0 + 2]], rows_a, sem_a)

            pltpu.make_async_copy(g.at[sidx.at[k0 + 1]], rows_b, sem_b).wait()
            pltpu.sync_copy(rows_b, acc.at[didx.at[k0 + 1]], add=True)
            return 0

        lax.fori_loop(0, SB // 2, pair, 0)
        return 0

    lax.fori_loop(0, CPS // SB, blk, 0)
    plsc.subcore_barrier()
    sl = pl.ds(base, RPS)
    pltpu.sync_copy(acc.at[sl], sst.at[c].at[sl])


def _tc1_body(x_ref, w_ref, deg_ref, g_ref, dinv_ref):
    deg = deg_ref[0][:, 0:1] + deg_ref[1][:, 0:1] + 1.0
    dinv = lax.rsqrt(deg)
    dinv_ref[...] = jnp.broadcast_to(dinv, (RB, 8))
    t = jnp.dot(x_ref[...], w_ref[...], preferred_element_type=jnp.float32)
    g = t * dinv
    g_ref[0] = g[:, :FH]
    g_ref[1] = g[:, FH:]


_tc1 = pl.pallas_call(
    _tc1_body,
    grid=(GRID,),
    in_specs=[
        pl.BlockSpec((RB, 128), lambda i: (i, 0)),
        pl.BlockSpec((128, 256), lambda i: (0, 0)),
        pl.BlockSpec((2, RB, DW), lambda i: (0, i, 0)),
    ],
    out_specs=[
        pl.BlockSpec((2, RB, FH), lambda i: (0, i, 0)),
        pl.BlockSpec((RB, 8), lambda i: (i, 0)),
    ],
    out_shape=[
        jax.ShapeDtypeStruct((2, NPAD, FH), jnp.float32),
        jax.ShapeDtypeStruct((NPAD, 8), jnp.float32),
    ],
)


def _tcmid_body(s_ref, g_ref, dinv_ref, b_ref, w_ref, o_ref):
    dinv = dinv_ref[...][:, 0:1]
    b = b_ref[...]
    hl = (s_ref[0] + g_ref[0]) * dinv + b[:, :FH]
    hr = (s_ref[1] + g_ref[1]) * dinv + b[:, FH:]
    pleft = jnp.maximum(hl, 0.0)
    pright = jnp.maximum(hr, 0.0)
    w = w_ref[...]
    t = (jnp.dot(pleft, w[:FH, :], preferred_element_type=jnp.float32)
         + jnp.dot(pright, w[FH:, :], preferred_element_type=jnp.float32))
    g = t * dinv
    o_ref[0] = g[:, :FH]
    o_ref[1] = g[:, FH:]


_tcmid = pl.pallas_call(
    _tcmid_body,
    grid=(GRID,),
    in_specs=[
        pl.BlockSpec((2, RB, FH), lambda i: (0, i, 0)),
        pl.BlockSpec((2, RB, FH), lambda i: (0, i, 0)),
        pl.BlockSpec((RB, 8), lambda i: (i, 0)),
        pl.BlockSpec((1, 256), lambda i: (0, 0)),
        pl.BlockSpec((256, 256), lambda i: (0, 0)),
    ],
    out_specs=pl.BlockSpec((2, RB, FH), lambda i: (0, i, 0)),
    out_shape=jax.ShapeDtypeStruct((2, NPAD, FH), jnp.float32),
)


def _tcfin_body(s_ref, g_ref, dinv_ref, b_ref, o_ref):
    dinv = dinv_ref[...][:, 0:1]
    b = b_ref[...]
    hl = (s_ref[0] + g_ref[0]) * dinv + b[:, :FH]
    hr = (s_ref[1] + g_ref[1]) * dinv + b[:, FH:]
    n2 = (jnp.sum(hl * hl, axis=1, keepdims=True)
          + jnp.sum(hr * hr, axis=1, keepdims=True))
    inv = 1.0 / jnp.maximum(jnp.sqrt(n2), 1e-12)
    o_ref[...] = jnp.concatenate([hl * inv, hr * inv], axis=1)


_tcfin = pl.pallas_call(
    _tcfin_body,
    grid=(GRID,),
    in_specs=[
        pl.BlockSpec((2, RB, FH), lambda i: (0, i, 0)),
        pl.BlockSpec((2, RB, FH), lambda i: (0, i, 0)),
        pl.BlockSpec((RB, 8), lambda i: (i, 0)),
        pl.BlockSpec((1, 256), lambda i: (0, 0)),
    ],
    out_specs=pl.BlockSpec((RB, 256), lambda i: (i, 0)),
    out_shape=jax.ShapeDtypeStruct((NPAD, 256), jnp.float32),
)


def kernel(x, edge_index, W1, b1, W2, b2, W3, b3, W4, b4, W5, b5, W6, b6):
    x_p = jnp.zeros((NPAD, 128), jnp.float32).at[:N].set(x)
    src = edge_index[0]
    dst = edge_index[1]
    npad_e = ROWS2D * CHUNK - E
    pidx = jnp.arange(npad_e, dtype=jnp.int32)
    src2d = jnp.concatenate(
        [src, pidx % N]).reshape(ROWS2D, CHUNK)
    dst2d = jnp.concatenate(
        [dst, N + pidx % (NPAD - N)]).reshape(ROWS2D, CHUNK)
    ones_blk = jnp.ones((CHUNK, DW), jnp.float32)
    zeros64 = jnp.zeros((64, FH), jnp.float32)

    deg = _sc_deg(dst2d, ones_blk, zeros64)
    g, dinv8 = _tc1(x_p, W1, deg)
    for wn, bn in ((W2, b1), (W3, b2), (W4, b3), (W5, b4), (W6, b5)):
        sst = _sc_agg(g, src2d, dst2d, zeros64)
        g = _tcmid(sst, g, dinv8, bn.reshape(1, 256), wn)
    sst = _sc_agg(g, src2d, dst2d, zeros64)
    out = _tcfin(sst, g, dinv8, b6.reshape(1, 256))
    return out[:N]

# --- scband reference (transcript-rebuilt; emitter-appended) ---
"""Pipeline reference for scband-travel-recommendation-gnn-2388001816580 (READ-ONLY COPY).

The authoritative reference and input builder live on the scoring server;
editing this copy changes nothing except your own understanding.
"""

import jax, jax.numpy as jnp
import numpy as np

N = 10000
E = 320000
F_IN = 128
H = 256


def setup_inputs(seed: int = 0) -> dict:
    key = jax.random.key(seed)
    ks = jax.random.split(key, 16)
    x = jax.random.normal(ks[0], (N, F_IN), dtype=jnp.float32)
    edge_index = jax.random.randint(ks[1], (2, E), 0, N, dtype=jnp.int32)
    inp = {"x": x, "edge_index": edge_index}
    dims = [(F_IN, H), (H, H), (H, H), (H, H), (H, H), (H, H)]
    for i, (fi, fo) in enumerate(dims):
        inp[f"W{i+1}"] = jax.random.normal(ks[2 + i], (fi, fo), dtype=jnp.float32) * (1.0 / np.sqrt(fi))
        inp[f"b{i+1}"] = jnp.zeros((fo,), dtype=jnp.float32)
    return inp


def gcn_conv(x, src, dst, W, b):
    # PyG GCNConv: linear transform, add self-loops, symmetric normalization, sum aggregation, bias
    n = x.shape[0]
    h = x @ W
    loop = jnp.arange(n, dtype=src.dtype)
    s = jnp.concatenate([src, loop])
    d = jnp.concatenate([dst, loop])
    ones = jnp.ones(s.shape[0], dtype=h.dtype)
    deg = jax.ops.segment_sum(ones, d, num_segments=n)
    dinv = jnp.where(deg > 0, jax.lax.rsqrt(jnp.maximum(deg, 1e-12)), 0.0)
    norm = dinv[s] * dinv[d]
    msg = h[s] * norm[:, None]
    out = jax.ops.segment_sum(msg, d, num_segments=n)
    return out + b


def reference(x, edge_index, W1, b1, W2, b2, W3, b3, W4, b4, W5, b5, W6, b6):
    src = edge_index[0]
    dst = edge_index[1]
    # eval mode: dropout(p=0.5, training=False) is identity
    h = jax.nn.relu(gcn_conv(x, src, dst, W1, b1))
    h = jax.nn.relu(gcn_conv(h, src, dst, W2, b2))
    h = jax.nn.relu(gcn_conv(h, src, dst, W3, b3))
    h = jax.nn.relu(gcn_conv(h, src, dst, W4, b4))
    h = jax.nn.relu(gcn_conv(h, src, dst, W5, b5))
    h = gcn_conv(h, src, dst, W6, b6)
    # F.normalize(p=2, dim=1)
    nrm = jnp.linalg.norm(h, axis=1, keepdims=True)
    return h / jnp.maximum(nrm, 1e-12)

if __name__ == "__main__":
    import jax
    _d = setup_inputs()
    print(jax.jit(kernel)(*tuple(_d.values())))

</pallas_src>

<mosaic_0001>
#map = affine_map<(d0, d1) -> (0, 0, 0)>
#map1 = affine_map<(d0, d1) -> (0, 0)>
module attributes {stable_mosaic.version = 14 : i64} {
  func.func @_sc_agg(%arg0: i32, %arg1: i32, %arg2: memref<2x10240x128xf32, #tpu.memory_space<hbm>>, %arg3: memref<2560x128xi32, #tpu.memory_space<hbm>>, %arg4: memref<2560x128xi32, #tpu.memory_space<hbm>>, %arg5: memref<64x128xf32, #tpu.memory_space<hbm>>, %arg6: memref<2x10240x128xf32, #tpu.memory_space<hbm>>, %arg7: memref<10240x128xf32, #tpu.memory_space<vmem_shared>>, %arg8: memref<40x128xi32, #tpu.memory_space<vmem>>, %arg9: memref<40x128xi32, #tpu.memory_space<vmem>>, %arg10: memref<128x128xf32, #tpu.memory_space<vmem>>, %arg11: memref<128x128xf32, #tpu.memory_space<vmem>>, %arg12: memref<!tpu.dma_semaphore, #tpu.memory_space<semaphore_mem>>, %arg13: memref<!tpu.dma_semaphore, #tpu.memory_space<semaphore_mem>>) attributes {dimension_semantics = [#tpu.dimension_semantics<core_parallel>, #tpu.dimension_semantics<subcore_parallel>], iteration_bounds = array<i64: 2, 16>, scalar_prefetch = 0 : i64, scratch_operands = 7 : i64, tpu.core_type = #tpu.core_type<sc_vector_subcore>, window_params = [{transform_indices = #map}, {transform_indices = #map1}, {transform_indices = #map1}, {transform_indices = #map1}, {transform_indices = #map}]} {
    %mul3A = arith.constant 640 : i32
    %mul3A_0 = arith.muli %arg1, %mul3A : i32
    %scan3A = arith.constant 0 : i32
    %scan3A_1 = arith.constant 0 : i32
    %scan3A_2 = arith.constant 10 : i32
    %scan3A_3 = arith.addi %scan3A_1, %scan3A_2 : i32
    %scan3A_4 = arith.constant 1 : i32
    %scan3A_5 = scf.for %scan3A_22 = %scan3A_1 to %scan3A_3 step %scan3A_4 iter_args(%scan3A_23 = %scan3A) -> (i32)  : i32 {
      %mul3A_24 = arith.constant 64 : i32
      %mul3A_25 = arith.muli %scan3A_22, %mul3A_24 : i32
      %add3A = arith.addi %mul3A_0, %mul3A_25 : i32
      %dma_start3A = arith.constant 0 : i32
      %dma_start3A_26 = tpu.memref_slice %arg7[%add3A, %dma_start3A] : memref<10240x128xf32, #tpu.memory_space<vmem_shared>> -> memref<64x128xf32, #tpu.memory_space<vmem_shared>>
      tpu.enqueue_dma source(%arg5 : memref<64x128xf32, #tpu.memory_space<hbm>>) target(%dma_start3A_26 : memref<64x128xf32, #tpu.memory_space<vmem_shared>>) target_semaphore(%arg12 : memref<!tpu.dma_semaphore, #tpu.memory_space<semaphore_mem>>)
      %scan3A_27 = arith.constant 0 : i32
      scf.yield %scan3A_27 : i32
    }
    %scan3A_6 = arith.constant 10 : i32
    %scan3A_7 = arith.constant 0 : i32
    %scan3A_8 = arith.constant 0 : i32
    %scan3A_9 = arith.constant 10 : i32
    %scan3A_10 = arith.addi %scan3A_8, %scan3A_9 : i32
    %scan3A_11 = arith.constant 1 : i32
    %scan3A_12 = scf.for %scan3A_22 = %scan3A_8 to %scan3A_10 step %scan3A_11 iter_args(%scan3A_23 = %scan3A_7) -> (i32)  : i32 {
      %dma_wait3A = arith.constant 0 : i32
      %dma_wait3A_24 = tpu.memref_slice %arg7[%mul3A_0, %dma_wait3A] : memref<10240x128xf32, #tpu.memory_space<vmem_shared>> -> memref<64x128xf32, #tpu.memory_space<vmem_shared>>
      tpu.wait_dma2 semaphore(%arg12 : memref<!tpu.dma_semaphore, #tpu.memory_space<semaphore_mem>>) src(%arg5 : memref<64x128xf32, #tpu.memory_space<hbm>>) dst(%dma_wait3A_24 : memref<64x128xf32, #tpu.memory_space<vmem_shared>>)
      %scan3A_25 = arith.constant 0 : i32
      scf.yield %scan3A_25 : i32
    }
    %scan3A_13 = arith.constant 10 : i32
    %barrier3A = arith.constant 0 : index
    tpu.barrier barrier_id(%barrier3A)
    %scan3A_14 = arith.constant 0 : i32
    %scan3A_15 = arith.constant 0 : i32
    %scan3A_16 = arith.constant 4 : i32
    %scan3A_17 = arith.addi %scan3A_15, %scan3A_16 : i32
    %scan3A_18 = arith.constant 1 : i32
    %scan3A_19 = scf.for %scan3A_22 = %scan3A_15 to %scan3A_17 step %scan3A_18 iter_args(%scan3A_23 = %scan3A_14) -> (i32)  : i32 {
      %mul3A_24 = arith.constant 160 : i32
      %mul3A_25 = arith.muli %arg1, %mul3A_24 : i32
      %mul3A_26 = arith.constant 40 : i32
      %mul3A_27 = arith.muli %scan3A_22, %mul3A_26 : i32
      %add3A = arith.addi %mul3A_25, %mul3A_27 : i32
      "tpu.region"() ({
        %run_scoped3A = tpu.sem_alloc : memref<!tpu.dma_semaphore, #tpu.memory_space<semaphore_mem>>
        %dma_start3A_46 = arith.constant 0 : i32
        %dma_start3A_47 = tpu.memref_slice %arg3[%add3A, %dma_start3A_46] : memref<2560x128xi32, #tpu.memory_space<hbm>> -> memref<40x128xi32, #tpu.memory_space<hbm>>
        %dma_start3A_48 = arith.constant 0 : i32
        %dma_start3A_49 = tpu.memref_slice %arg3[%add3A, %dma_start3A_48] : memref<2560x128xi32, #tpu.memory_space<hbm>> -> memref<40x128xi32, #tpu.memory_space<hbm>>
        tpu.enqueue_dma source(%dma_start3A_49 : memref<40x128xi32, #tpu.memory_space<hbm>>) target(%arg8 : memref<40x128xi32, #tpu.memory_space<vmem>>) target_semaphore(%run_scoped3A : memref<!tpu.dma_semaphore, #tpu.memory_space<semaphore_mem>>)
        %dma_wait3A = arith.constant 0 : i32
        %dma_wait3A_50 = tpu.memref_slice %arg3[%add3A, %dma_wait3A] : memref<2560x128xi32, #tpu.memory_space<hbm>> -> memref<40x128xi32, #tpu.memory_space<hbm>>
        %dma_wait3A_51 = arith.constant 0 : i32
        %dma_wait3A_52 = tpu.memref_slice %arg3[%add3A, %dma_wait3A_51] : memref<2560x128xi32, #tpu.memory_space<hbm>> -> memref<40x128xi32, #tpu.memory_space<hbm>>
        tpu.wait_dma2 semaphore(%run_scoped3A : memref<!tpu.dma_semaphore, #tpu.memory_space<semaphore_mem>>) src(%dma_wait3A_52 : memref<40x128xi32, #tpu.memory_space<hbm>>) dst(%arg8 : memref<40x128xi32, #tpu.memory_space<vmem>>)
        tpu.yield
      }) : () -> ()
      "tpu.region"() ({
        %run_scoped3A = tpu.sem_alloc : memref<!tpu.dma_semaphore, #tpu.memory_space<semaphore_mem>>
        %dma_start3A_46 = arith.constant 0 : i32
        %dma_start3A_47 = tpu.memref_slice %arg4[%add3A, %dma_start3A_46] : memref<2560x128xi32, #tpu.memory_space<hbm>> -> memref<40x128xi32, #tpu.memory_space<hbm>>
        %dma_start3A_48 = arith.constant 0 : i32
        %dma_start3A_49 = tpu.memref_slice %arg4[%add3A, %dma_start3A_48] : memref<2560x128xi32, #tpu.memory_space<hbm>> -> memref<40x128xi32, #tpu.memory_space<hbm>>
        tpu.enqueue_dma source(%dma_start3A_49 : memref<40x128xi32, #tpu.memory_space<hbm>>) target(%arg9 : memref<40x128xi32, #tpu.memory_space<vmem>>) target_semaphore(%run_scoped3A : memref<!tpu.dma_semaphore, #tpu.memory_space<semaphore_mem>>)
        %dma_wait3A = arith.constant 0 : i32
        %dma_wait3A_50 = tpu.memref_slice %arg4[%add3A, %dma_wait3A] : memref<2560x128xi32, #tpu.memory_space<hbm>> -> memref<40x128xi32, #tpu.memory_space<hbm>>
        %dma_wait3A_51 = arith.constant 0 : i32
        %dma_wait3A_52 = tpu.memref_slice %arg4[%add3A, %dma_wait3A_51] : memref<2560x128xi32, #tpu.memory_space<hbm>> -> memref<40x128xi32, #tpu.memory_space<hbm>>
        tpu.wait_dma2 semaphore(%run_scoped3A : memref<!tpu.dma_semaphore, #tpu.memory_space<semaphore_mem>>) src(%dma_wait3A_52 : memref<40x128xi32, #tpu.memory_space<hbm>>) dst(%arg9 : memref<40x128xi32, #tpu.memory_space<vmem>>)
        tpu.yield
      }) : () -> ()
      %dma_start3A = arith.constant 0 : i32
      %dma_start3A_28 = arith.constant 0 : i32
      %dma_start3A_29 = tpu.memref_slice %arg8[%dma_start3A, %dma_start3A_28] : memref<40x128xi32, #tpu.memory_space<vmem>> -> memref<1x128xi32, #tpu.memory_space<vmem>>
      %dma_start3A_30 = tpu.memref_squeeze %dma_start3A_29 : memref<1x128xi32, #tpu.memory_space<vmem>> -> memref<128xi32, #tpu.memory_space<vmem>>
      %dma_start3A_31 = arith.constant 0 : i32
      %dma_start3A_32 = arith.constant 0 : i32
      %dma_start3A_33 = tpu.memref_slice %arg2[%arg0, %dma_start3A_31, %dma_start3A_32] : memref<2x10240x128xf32, #tpu.memory_space<hbm>> -> memref<1x10240x128xf32, #tpu.memory_space<hbm>>
      %dma_start3A_34 = tpu.memref_squeeze %dma_start3A_33 : memref<1x10240x128xf32, #tpu.memory_space<hbm>> -> memref<10240x128xf32, #tpu.memory_space<hbm>>
      %dma_start3A_35 = arith.constant 0 : i32
      %dma_start3A_36 = arith.constant 0 : i32
      %dma_start3A_37 = tpu.memref_slice %dma_start3A_34[%dma_start3A_35, %dma_start3A_36] : memref<10240x128xf32, #tpu.memory_space<hbm>> -> memref<10240x128xf32, #tpu.memory_space<hbm>>
      tpu.enqueue_indirect_dma source(%dma_start3A_37 : memref<10240x128xf32, #tpu.memory_space<hbm>>) target(%arg10 : memref<128x128xf32, #tpu.memory_space<vmem>>) offsets(%dma_start3A_30 : memref<128xi32, #tpu.memory_space<vmem>>) semaphore(%arg12 : memref<!tpu.dma_semaphore, #tpu.memory_space<semaphore_mem>>)
      %scan3A_38 = arith.constant 0 : i32
      %scan3A_39 = arith.constant 0 : i32
      %scan3A_40 = arith.constant 20 : i32
      %scan3A_41 = arith.addi %scan3A_39, %scan3A_40 : i32
      %scan3A_42 = arith.constant 1 : i32
      %scan3A_43 = scf.for %scan3A_46 = %scan3A_39 to %scan3A_41 step %scan3A_42 iter_args(%scan3A_47 = %scan3A_38) -> (i32)  : i32 {
        %mul3A_48 = arith.constant 2 : i32
        %mul3A_49 = arith.muli %scan3A_46, %mul3A_48 : i32
        %add3A_50 = arith.constant 1 : i32
        %add3A_51 = arith.addi %mul3A_49, %add3A_50 : i32
        %dma_start3A_52 = arith.constant 0 : i32
        %dma_start3A_53 = tpu.memref_slice %arg8[%add3A_51, %dma_start3A_52] : memref<40x128xi32, #tpu.memory_space<vmem>> -> memref<1x128xi32, #tpu.memory_space<vmem>>
        %dma_start3A_54 = tpu.memref_squeeze %dma_start3A_53 : memref<1x128xi32, #tpu.memory_space<vmem>> -> memref<128xi32, #tpu.memory_space<vmem>>
        %dma_start3A_55 = arith.constant 0 : i32
        %dma_start3A_56 = arith.constant 0 : i32
        %dma_start3A_57 = tpu.memref_slice %arg2[%arg0, %dma_start3A_55, %dma_start3A_56] : memref<2x10240x128xf32, #tpu.memory_space<hbm>> -> memref<1x10240x128xf32, #tpu.memory_space<hbm>>
        %dma_start3A_58 = tpu.memref_squeeze %dma_start3A_57 : memref<1x10240x128xf32, #tpu.memory_space<hbm>> -> memref<10240x128xf32, #tpu.memory_space<hbm>>
        %dma_start3A_59 = arith.constant 0 : i32
        %dma_start3A_60 = arith.constant 0 : i32
        %dma_start3A_61 = tpu.memref_slice %dma_start3A_58[%dma_start3A_59, %dma_start3A_60] : memref<10240x128xf32, #tpu.memory_space<hbm>> -> memref<10240x128xf32, #tpu.memory_space<hbm>>
        tpu.enqueue_indirect_dma source(%dma_start3A_61 : memref<10240x128xf32, #tpu.memory_space<hbm>>) target(%arg11 : memref<128x128xf32, #tpu.memory_space<vmem>>) offsets(%dma_start3A_54 : memref<128xi32, #tpu.memory_space<vmem>>) semaphore(%arg13 : memref<!tpu.dma_semaphore, #tpu.memory_space<semaphore_mem>>)
        %dma_wait3A = arith.constant 0 : i32
        %dma_wait3A_62 = tpu.memref_slice %arg8[%mul3A_49, %dma_wait3A] : memref<40x128xi32, #tpu.memory_space<vmem>> -> memref<1x128xi32, #tpu.memory_space<vmem>>
        %dma_wait3A_63 = tpu.memref_squeeze %dma_wait3A_62 : memref<1x128xi32, #tpu.memory_space<vmem>> -> memref<128xi32, #tpu.memory_space<vmem>>
        %dma_wait3A_64 = arith.constant 0 : i32
        %dma_wait3A_65 = arith.constant 0 : i32
        %dma_wait3A_66 = tpu.memref_slice %arg2[%arg0, %dma_wait3A_64, %dma_wait3A_65] : memref<2x10240x128xf32, #tpu.memory_space<hbm>> -> memref<1x10240x128xf32, #tpu.memory_space<hbm>>
        %dma_wait3A_67 = tpu.memref_squeeze %dma_wait3A_66 : memref<1x10240x128xf32, #tpu.memory_space<hbm>> -> memref<10240x128xf32, #tpu.memory_space<hbm>>
        %dma_wait3A_68 = arith.constant 0 : i32
        %dma_wait3A_69 = arith.constant 0 : i32
        %dma_wait3A_70 = tpu.memref_slice %dma_wait3A_67[%dma_wait3A_68, %dma_wait3A_69] : memref<10240x128xf32, #tpu.memory_space<hbm>> -> memref<10240x128xf32, #tpu.memory_space<hbm>>
        tpu.wait_indirect_dma semaphore(%arg12 : memref<!tpu.dma_semaphore, #tpu.memory_space<semaphore_mem>>) src(%dma_wait3A_70 : memref<10240x128xf32, #tpu.memory_space<hbm>>) dst(%arg10 : memref<128x128xf32, #tpu.memory_space<vmem>>)
        "tpu.region"() ({
          %run_scoped3A = tpu.sem_alloc : memref<!tpu.dma_semaphore, #tpu.memory_space<semaphore_mem>>
          %dma_start3A_90 = arith.constant 0 : i32
          %dma_start3A_91 = tpu.memref_slice %arg9[%mul3A_49, %dma_start3A_90] : memref<40x128xi32, #tpu.memory_space<vmem>> -> memref<1x128xi32, #tpu.memory_space<vmem>>
          %dma_start3A_92 = tpu.memref_squeeze %dma_start3A_91 : memref<1x128xi32, #tpu.memory_space<vmem>> -> memref<128xi32, #tpu.memory_space<vmem>>
          %dma_start3A_93 = arith.constant 0 : i32
          %dma_start3A_94 = arith.constant 0 : i32
          %dma_start3A_95 = tpu.memref_slice %arg7[%dma_start3A_93, %dma_start3A_94] : memref<10240x128xf32, #tpu.memory_space<vmem_shared>> -> memref<10240x128xf32, #tpu.memory_space<vmem_shared>>
          tpu.enqueue_indirect_dma source(%arg10 : memref<128x128xf32, #tpu.memory_space<vmem>>) target(%dma_start3A_95 : memref<10240x128xf32, #tpu.memory_space<vmem_shared>>) offsets(%dma_start3A_92 : memref<128xi32, #tpu.memory_space<vmem>>) semaphore(%run_scoped3A : memref<!tpu.dma_semaphore, #tpu.memory_space<semaphore_mem>>) {add = true}
          %dma_wait3A_96 = arith.constant 0 : i32
          %dma_wait3A_97 = tpu.memref_slice %arg9[%mul3A_49, %dma_wait3A_96] : memref<40x128xi32, #tpu.memory_space<vmem>> -> memref<1x128xi32, #tpu.memory_space<vmem>>
          %dma_wait3A_98 = tpu.memref_squeeze %dma_wait3A_97 : memref<1x128xi32, #tpu.memory_space<vmem>> -> memref<128xi32, #tpu.memory_space<vmem>>
          %dma_wait3A_99 = arith.constant 0 : i32
          %dma_wait3A_100 = arith.constant 0 : i32
          %dma_wait3A_101 = tpu.memref_slice %arg7[%dma_wait3A_99, %dma_wait3A_100] : memref<10240x128xf32, #tpu.memory_space<vmem_shared>> -> memref<10240x128xf32, #tpu.memory_space<vmem_shared>>
          tpu.wait_indirect_dma semaphore(%run_scoped3A : memref<!tpu.dma_semaphore, #tpu.memory_space<semaphore_mem>>) src(%arg10 : memref<128x128xf32, #tpu.memory_space<vmem>>) dst(%dma_wait3A_101 : memref<10240x128xf32, #tpu.memory_space<vmem_shared>>)
          tpu.yield
        }) : () -> ()
        %add3A_71 = arith.constant 1 : i32
        %add3A_72 = arith.addi %scan3A_46, %add3A_71 : i32
        %lt3A = arith.constant 20 : i32
        %lt3A_73 = arith.cmpi slt, %add3A_72, %lt3A : i32
        %convert_element_type3A = arith.extui %lt3A_73 : i1 to i32
        %cond3A = arith.constant 0 : i32
        %cond3A_74 = arith.cmpi ne, %convert_element_type3A, %cond3A : i32
        scf.if %cond3A_74 {
          %add3A_90 = arith.constant 2 : i32
          %add3A_91 = arith.addi %mul3A_49, %add3A_90 : i32
          %dma_start3A_92 = arith.constant 0 : i32
          %dma_start3A_93 = tpu.memref_slice %arg8[%add3A_91, %dma_start3A_92] : memref<40x128xi32, #tpu.memory_space<vmem>> -> memref<1x128xi32, #tpu.memory_space<vmem>>
          %dma_start3A_94 = tpu.memref_squeeze %dma_start3A_93 : memref<1x128xi32, #tpu.memory_space<vmem>> -> memref<128xi32, #tpu.memory_space<vmem>>
          %dma_start3A_95 = arith.constant 0 : i32
          %dma_start3A_96 = arith.constant 0 : i32
          %dma_start3A_97 = tpu.memref_slice %arg2[%arg0, %dma_start3A_95, %dma_start3A_96] : memref<2x10240x128xf32, #tpu.memory_space<hbm>> -> memref<1x10240x128xf32, #tpu.memory_space<hbm>>
          %dma_start3A_98 = tpu.memref_squeeze %dma_start3A_97 : memref<1x10240x128xf32, #tpu.memory_space<hbm>> -> memref<10240x128xf32, #tpu.memory_space<hbm>>
          %dma_start3A_99 = arith.constant 0 : i32
          %dma_start3A_100 = arith.constant 0 : i32
          %dma_start3A_101 = tpu.memref_slice %dma_start3A_98[%dma_start3A_99, %dma_start3A_100] : memref<10240x128xf32, #tpu.memory_space<hbm>> -> memref<10240x128xf32, #tpu.memory_space<hbm>>
          tpu.enqueue_indirect_dma source(%dma_start3A_101 : memref<10240x128xf32, #tpu.memory_space<hbm>>) target(%arg10 : memref<128x128xf32, #tpu.memory_space<vmem>>) offsets(%dma_start3A_94 : memref<128xi32, #tpu.memory_space<vmem>>) semaphore(%arg12 : memref<!tpu.dma_semaphore, #tpu.memory_space<semaphore_mem>>)
        } else {
        }
        %add3A_75 = arith.constant 1 : i32
        %add3A_76 = arith.addi %mul3A_49, %add3A_75 : i32
        %dma_wait3A_77 = arith.constant 0 : i32
        %dma_wait3A_78 = tpu.memref_slice %arg8[%add3A_76, %dma_wait3A_77] : memref<40x128xi32, #tpu.memory_space<vmem>> -> memref<1x128xi32, #tpu.memory_space<vmem>>
        %dma_wait3A_79 = tpu.memref_squeeze %dma_wait3A_78 : memref<1x128xi32, #tpu.memory_space<vmem>> -> memref<128xi32, #tpu.memory_space<vmem>>
        %dma_wait3A_80 = arith.constant 0 : i32
        %dma_wait3A_81 = arith.constant 0 : i32
        %dma_wait3A_82 = tpu.memref_slice %arg2[%arg0, %dma_wait3A_80, %dma_wait3A_81] : memref<2x10240x128xf32, #tpu.memory_space<hbm>> -> memref<1x10240x128xf32, #tpu.memory_space<hbm>>
        %dma_wait3A_83 = tpu.memref_squeeze %dma_wait3A_82 : memref<1x10240x128xf32, #tpu.memory_space<hbm>> -> memref<10240x128xf32, #tpu.memory_space<hbm>>
        %dma_wait3A_84 = arith.constant 0 : i32
        %dma_wait3A_85 = arith.constant 0 : i32
        %dma_wait3A_86 = tpu.memref_slice %dma_wait3A_83[%dma_wait3A_84, %dma_wait3A_85] : memref<10240x128xf32, #tpu.memory_space<hbm>> -> memref<10240x128xf32, #tpu.memory_space<hbm>>
        tpu.wait_indirect_dma semaphore(%arg13 : memref<!tpu.dma_semaphore, #tpu.memory_space<semaphore_mem>>) src(%dma_wait3A_86 : memref<10240x128xf32, #tpu.memory_space<hbm>>) dst(%arg11 : memref<128x128xf32, #tpu.memory_space<vmem>>)
        %add3A_87 = arith.constant 1 : i32
        %add3A_88 = arith.addi %mul3A_49, %add3A_87 : i32
        "tpu.region"() ({
          %run_scoped3A = tpu.sem_alloc : memref<!tpu.dma_semaphore, #tpu.memory_space<semaphore_mem>>
          %dma_start3A_90 = arith.constant 0 : i32
          %dma_start3A_91 = tpu.memref_slice %arg9[%add3A_88, %dma_start3A_90] : memref<40x128xi32, #tpu.memory_space<vmem>> -> memref<1x128xi32, #tpu.memory_space<vmem>>
          %dma_start3A_92 = tpu.memref_squeeze %dma_start3A_91 : memref<1x128xi32, #tpu.memory_space<vmem>> -> memref<128xi32, #tpu.memory_space<vmem>>
          %dma_start3A_93 = arith.constant 0 : i32
          %dma_start3A_94 = arith.constant 0 : i32
          %dma_start3A_95 = tpu.memref_slice %arg7[%dma_start3A_93, %dma_start3A_94] : memref<10240x128xf32, #tpu.memory_space<vmem_shared>> -> memref<10240x128xf32, #tpu.memory_space<vmem_shared>>
          tpu.enqueue_indirect_dma source(%arg11 : memref<128x128xf32, #tpu.memory_space<vmem>>) target(%dma_start3A_95 : memref<10240x128xf32, #tpu.memory_space<vmem_shared>>) offsets(%dma_start3A_92 : memref<128xi32, #tpu.memory_space<vmem>>) semaphore(%run_scoped3A : memref<!tpu.dma_semaphore, #tpu.memory_space<semaphore_mem>>) {add = true}
          %dma_wait3A_96 = arith.constant 0 : i32
          %dma_wait3A_97 = tpu.memref_slice %arg9[%add3A_88, %dma_wait3A_96] : memref<40x128xi32, #tpu.memory_space<vmem>> -> memref<1x128xi32, #tpu.memory_space<vmem>>
          %dma_wait3A_98 = tpu.memref_squeeze %dma_wait3A_97 : memref<1x128xi32, #tpu.memory_space<vmem>> -> memref<128xi32, #tpu.memory_space<vmem>>
          %dma_wait3A_99 = arith.constant 0 : i32
          %dma_wait3A_100 = arith.constant 0 : i32
          %dma_wait3A_101 = tpu.memref_slice %arg7[%dma_wait3A_99, %dma_wait3A_100] : memref<10240x128xf32, #tpu.memory_space<vmem_shared>> -> memref<10240x128xf32, #tpu.memory_space<vmem_shared>>
          tpu.wait_indirect_dma semaphore(%run_scoped3A : memref<!tpu.dma_semaphore, #tpu.memory_space<semaphore_mem>>) src(%arg11 : memref<128x128xf32, #tpu.memory_space<vmem>>) dst(%dma_wait3A_101 : memref<10240x128xf32, #tpu.memory_space<vmem_shared>>)
          tpu.yield
        }) : () -> ()
        %scan3A_89 = arith.constant 0 : i32
        scf.yield %scan3A_89 : i32
      }
      %scan3A_44 = arith.constant 20 : i32
      %scan3A_45 = arith.constant 0 : i32
      scf.yield %scan3A_45 : i32
    }
    %scan3A_20 = arith.constant 4 : i32
    %barrier3A_21 = arith.constant 0 : index
    tpu.barrier barrier_id(%barrier3A_21)
    "tpu.region"() ({
      %run_scoped3A = tpu.sem_alloc : memref<!tpu.dma_semaphore, #tpu.memory_space<semaphore_mem>>
      %dma_start3A = arith.constant 0 : i32
      %dma_start3A_22 = arith.constant 0 : i32
      %dma_start3A_23 = tpu.memref_slice %arg6[%arg0, %dma_start3A, %dma_start3A_22] : memref<2x10240x128xf32, #tpu.memory_space<hbm>> -> memref<1x10240x128xf32, #tpu.memory_space<hbm>>
      %dma_start3A_24 = tpu.memref_squeeze %dma_start3A_23 : memref<1x10240x128xf32, #tpu.memory_space<hbm>> -> memref<10240x128xf32, #tpu.memory_space<hbm>>
      %dma_start3A_25 = arith.constant 0 : i32
      %dma_start3A_26 = tpu.memref_slice %dma_start3A_24[%mul3A_0, %dma_start3A_25] : memref<10240x128xf32, #tpu.memory_space<hbm>> -> memref<640x128xf32, #tpu.memory_space<hbm>>
      %dma_start3A_27 = arith.constant 0 : i32
      %dma_start3A_28 = tpu.memref_slice %arg7[%mul3A_0, %dma_start3A_27] : memref<10240x128xf32, #tpu.memory_space<vmem_shared>> -> memref<640x128xf32, #tpu.memory_space<vmem_shared>>
      tpu.enqueue_dma source(%dma_start3A_28 : memref<640x128xf32, #tpu.memory_space<vmem_shared>>) target(%dma_start3A_26 : memref<640x128xf32, #tpu.memory_space<hbm>>) target_semaphore(%run_scoped3A : memref<!tpu.dma_semaphore, #tpu.memory_space<semaphore_mem>>)
      %dma_wait3A = arith.constant 0 : i32
      %dma_wait3A_29 = arith.constant 0 : i32
      %dma_wait3A_30 = tpu.memref_slice %arg6[%arg0, %dma_wait3A, %dma_wait3A_29] : memref<2x10240x128xf32, #tpu.memory_space<hbm>> -> memref<1x10240x128xf32, #tpu.memory_space<hbm>>
      %dma_wait3A_31 = tpu.memref_squeeze %dma_wait3A_30 : memref<1x10240x128xf32, #tpu.memory_space<hbm>> -> memref<10240x128xf32, #tpu.memory_space<hbm>>
      %dma_wait3A_32 = arith.constant 0 : i32
      %dma_wait3A_33 = tpu.memref_slice %dma_wait3A_31[%mul3A_0, %dma_wait3A_32] : memref<10240x128xf32, #tpu.memory_space<hbm>> -> memref<640x128xf32, #tpu.memory_space<hbm>>
      %dma_wait3A_34 = arith.constant 0 : i32
      %dma_wait3A_35 = tpu.memref_slice %arg7[%mul3A_0, %dma_wait3A_34] : memref<10240x128xf32, #tpu.memory_space<vmem_shared>> -> memref<640x128xf32, #tpu.memory_space<vmem_shared>>
      tpu.wait_dma2 semaphore(%run_scoped3A : memref<!tpu.dma_semaphore, #tpu.memory_space<semaphore_mem>>) src(%dma_wait3A_35 : memref<640x128xf32, #tpu.memory_space<vmem_shared>>) dst(%dma_wait3A_33 : memref<640x128xf32, #tpu.memory_space<hbm>>)
      tpu.yield
    }) : () -> ()
    return
  }
}

#map = affine_map<(d0, d1) -> (0, 0)>
#map1 = affine_map<(d0, d1) -> (0, 0, 0)>
module attributes {stable_mosaic.version = 14 : i64} {
  func.func @_sc_deg(%arg0: i32, %arg1: i32, %arg2: memref<2560x128xi32, #tpu.memory_space<hbm>>, %arg3: memref<128x128xf32, #tpu.memory_space<hbm>>, %arg4: memref<64x128xf32, #tpu.memory_space<hbm>>, %arg5: memref<2x10240x128xf32, #tpu.memory_space<hbm>>, %arg6: memref<10240x128xf32, #tpu.memory_space<vmem_shared>>, %arg7: memref<80x128xi32, #tpu.memory_space<vmem>>, %arg8: memref<128x128xf32, #tpu.memory_space<vmem>>, %arg9: memref<!tpu.dma_semaphore, #tpu.memory_space<semaphore_mem>>) attributes {dimension_semantics = [#tpu.dimension_semantics<core_parallel>, #tpu.dimension_semantics<subcore_parallel>], iteration_bounds = array<i64: 2, 16>, scalar_prefetch = 0 : i64, scratch_operands = 4 : i64, tpu.core_type = #tpu.core_type<sc_vector_subcore>, window_params = [{transform_indices = #map}, {transform_indices = #map}, {transform_indices = #map}, {transform_indices = #map1}]} {
    %mul3A = arith.constant 640 : i32
    %mul3A_0 = arith.muli %arg1, %mul3A : i32
    "tpu.region"() ({
      %run_scoped3A = tpu.sem_alloc : memref<!tpu.dma_semaphore, #tpu.memory_space<semaphore_mem>>
      tpu.enqueue_dma source(%arg3 : memref<128x128xf32, #tpu.memory_space<hbm>>) target(%arg8 : memref<128x128xf32, #tpu.memory_space<vmem>>) target_semaphore(%run_scoped3A : memref<!tpu.dma_semaphore, #tpu.memory_space<semaphore_mem>>)
      tpu.wait_dma2 semaphore(%run_scoped3A : memref<!tpu.dma_semaphore, #tpu.memory_space<semaphore_mem>>) src(%arg3 : memref<128x128xf32, #tpu.memory_space<hbm>>) dst(%arg8 : memref<128x128xf32, #tpu.memory_space<vmem>>)
      tpu.yield
    }) : () -> ()
    %scan3A = arith.constant 0 : i32
    %scan3A_1 = arith.constant 0 : i32
    %scan3A_2 = arith.constant 10 : i32
    %scan3A_3 = arith.addi %scan3A_1, %scan3A_2 : i32
    %scan3A_4 = arith.constant 1 : i32
    %scan3A_5 = scf.for %scan3A_40 = %scan3A_1 to %scan3A_3 step %scan3A_4 iter_args(%scan3A_41 = %scan3A) -> (i32)  : i32 {
      %mul3A_42 = arith.constant 64 : i32
      %mul3A_43 = arith.muli %scan3A_40, %mul3A_42 : i32
      %add3A_44 = arith.addi %mul3A_0, %mul3A_43 : i32
      %dma_start3A = arith.constant 0 : i32
      %dma_start3A_45 = tpu.memref_slice %arg6[%add3A_44, %dma_start3A] : memref<10240x128xf32, #tpu.memory_space<vmem_shared>> -> memref<64x128xf32, #tpu.memory_space<vmem_shared>>
      tpu.enqueue_dma source(%arg4 : memref<64x128xf32, #tpu.memory_space<hbm>>) target(%dma_start3A_45 : memref<64x128xf32, #tpu.memory_space<vmem_shared>>) target_semaphore(%arg9 : memref<!tpu.dma_semaphore, #tpu.memory_space<semaphore_mem>>)
      %scan3A_46 = arith.constant 0 : i32
      scf.yield %scan3A_46 : i32
    }
    %scan3A_6 = arith.constant 10 : i32
    %scan3A_7 = arith.constant 0 : i32
    %scan3A_8 = arith.constant 0 : i32
    %scan3A_9 = arith.constant 10 : i32
    %scan3A_10 = arith.addi %scan3A_8, %scan3A_9 : i32
    %scan3A_11 = arith.constant 1 : i32
    %scan3A_12 = scf.for %scan3A_40 = %scan3A_8 to %scan3A_10 step %scan3A_11 iter_args(%scan3A_41 = %scan3A_7) -> (i32)  : i32 {
      %dma_wait3A = arith.constant 0 : i32
      %dma_wait3A_42 = tpu.memref_slice %arg6[%mul3A_0, %dma_wait3A] : memref<10240x128xf32, #tpu.memory_space<vmem_shared>> -> memref<64x128xf32, #tpu.memory_space<vmem_shared>>
      tpu.wait_dma2 semaphore(%arg9 : memref<!tpu.dma_semaphore, #tpu.memory_space<semaphore_mem>>) src(%arg4 : memref<64x128xf32, #tpu.memory_space<hbm>>) dst(%dma_wait3A_42 : memref<64x128xf32, #tpu.memory_space<vmem_shared>>)
      %scan3A_43 = arith.constant 0 : i32
      scf.yield %scan3A_43 : i32
    }
    %scan3A_13 = arith.constant 10 : i32
    %barrier3A = arith.constant 0 : index
    tpu.barrier barrier_id(%barrier3A)
    %scan3A_14 = arith.constant 0 : i32
    %scan3A_15 = arith.constant 0 : i32
    %mul3A_16 = arith.constant 160 : i32
    %mul3A_17 = arith.muli %arg1, %mul3A_16 : i32
    %mul3A_18 = arith.constant 80 : i32
    %mul3A_19 = arith.muli %arg0, %mul3A_18 : i32
    %add3A = arith.addi %mul3A_17, %mul3A_19 : i32
    %mul3A_20 = arith.constant 80 : i32
    %mul3A_21 = arith.muli %scan3A_15, %mul3A_20 : i32
    %add3A_22 = arith.addi %add3A, %mul3A_21 : i32
    "tpu.region"() ({
      %run_scoped3A = tpu.sem_alloc : memref<!tpu.dma_semaphore, #tpu.memory_space<semaphore_mem>>
      %dma_start3A = arith.constant 0 : i32
      %dma_start3A_40 = tpu.memref_slice %arg2[%add3A_22, %dma_start3A] : memref<2560x128xi32, #tpu.memory_space<hbm>> -> memref<80x128xi32, #tpu.memory_space<hbm>>
      %dma_start3A_41 = arith.constant 0 : i32
      %dma_start3A_42 = tpu.memref_slice %arg2[%add3A_22, %dma_start3A_41] : memref<2560x128xi32, #tpu.memory_space<hbm>> -> memref<80x128xi32, #tpu.memory_space<hbm>>
      tpu.enqueue_dma source(%dma_start3A_42 : memref<80x128xi32, #tpu.memory_space<hbm>>) target(%arg7 : memref<80x128xi32, #tpu.memory_space<vmem>>) target_semaphore(%run_scoped3A : memref<!tpu.dma_semaphore, #tpu.memory_space<semaphore_mem>>)
      %dma_wait3A = arith.constant 0 : i32
      %dma_wait3A_43 = tpu.memref_slice %arg2[%add3A_22, %dma_wait3A] : memref<2560x128xi32, #tpu.memory_space<hbm>> -> memref<80x128xi32, #tpu.memory_space<hbm>>
      %dma_wait3A_44 = arith.constant 0 : i32
      %dma_wait3A_45 = tpu.memref_slice %arg2[%add3A_22, %dma_wait3A_44] : memref<2560x128xi32, #tpu.memory_space<hbm>> -> memref<80x128xi32, #tpu.memory_space<hbm>>
      tpu.wait_dma2 semaphore(%run_scoped3A : memref<!tpu.dma_semaphore, #tpu.memory_space<semaphore_mem>>) src(%dma_wait3A_45 : memref<80x128xi32, #tpu.memory_space<hbm>>) dst(%arg7 : memref<80x128xi32, #tpu.memory_space<vmem>>)
      tpu.yield
    }) : () -> ()
    %scan3A_23 = arith.constant 0 : i32
    %scan3A_24 = arith.constant 0 : i32
    %scan3A_25 = arith.constant 80 : i32
    %scan3A_26 = arith.addi %scan3A_24, %scan3A_25 : i32
    %scan3A_27 = arith.constant 1 : i32
    %scan3A_28 = scf.for %scan3A_40 = %scan3A_24 to %scan3A_26 step %scan3A_27 iter_args(%scan3A_41 = %scan3A_23) -> (i32)  : i32 {
      %dma_start3A = arith.constant 0 : i32
      %dma_start3A_42 = tpu.memref_slice %arg7[%scan3A_40, %dma_start3A] : memref<80x128xi32, #tpu.memory_space<vmem>> -> memref<1x128xi32, #tpu.memory_space<vmem>>
      %dma_start3A_43 = tpu.memref_squeeze %dma_start3A_42 : memref<1x128xi32, #tpu.memory_space<vmem>> -> memref<128xi32, #tpu.memory_space<vmem>>
      %dma_start3A_44 = arith.constant 0 : i32
      %dma_start3A_45 = arith.constant 0 : i32
      %dma_start3A_46 = tpu.memref_slice %arg6[%dma_start3A_44, %dma_start3A_45] : memref<10240x128xf32, #tpu.memory_space<vmem_shared>> -> memref<10240x128xf32, #tpu.memory_space<vmem_shared>>
      tpu.enqueue_indirect_dma source(%arg8 : memref<128x128xf32, #tpu.memory_space<vmem>>) target(%dma_start3A_46 : memref<10240x128xf32, #tpu.memory_space<vmem_shared>>) offsets(%dma_start3A_43 : memref<128xi32, #tpu.memory_space<vmem>>) semaphore(%arg9 : memref<!tpu.dma_semaphore, #tpu.memory_space<semaphore_mem>>) {add = true}
      %scan3A_47 = arith.constant 0 : i32
      scf.yield %scan3A_47 : i32
    }
    %scan3A_29 = arith.constant 80 : i32
    %scan3A_30 = arith.constant 0 : i32
    %scan3A_31 = arith.constant 0 : i32
    %scan3A_32 = arith.constant 80 : i32
    %scan3A_33 = arith.addi %scan3A_31, %scan3A_32 : i32
    %scan3A_34 = arith.constant 1 : i32
    %scan3A_35 = scf.for %scan3A_40 = %scan3A_31 to %scan3A_33 step %scan3A_34 iter_args(%scan3A_41 = %scan3A_30) -> (i32)  : i32 {
      %dma_wait3A = arith.constant 0 : i32
      %dma_wait3A_42 = arith.constant 0 : i32
      %dma_wait3A_43 = tpu.memref_slice %arg7[%dma_wait3A, %dma_wait3A_42] : memref<80x128xi32, #tpu.memory_space<vmem>> -> memref<1x128xi32, #tpu.memory_space<vmem>>
      %dma_wait3A_44 = tpu.memref_squeeze %dma_wait3A_43 : memref<1x128xi32, #tpu.memory_space<vmem>> -> memref<128xi32, #tpu.memory_space<vmem>>
      %dma_wait3A_45 = arith.constant 0 : i32
      %dma_wait3A_46 = arith.constant 0 : i32
      %dma_wait3A_47 = tpu.memref_slice %arg6[%dma_wait3A_45, %dma_wait3A_46] : memref<10240x128xf32, #tpu.memory_space<vmem_shared>> -> memref<10240x128xf32, #tpu.memory_space<vmem_shared>>
      tpu.wait_indirect_dma semaphore(%arg9 : memref<!tpu.dma_semaphore, #tpu.memory_space<semaphore_mem>>) src(%arg8 : memref<128x128xf32, #tpu.memory_space<vmem>>) dst(%dma_wait3A_47 : memref<10240x128xf32, #tpu.memory_space<vmem_shared>>)
      %scan3A_48 = arith.constant 0 : i32
      scf.yield %scan3A_48 : i32
    }
    %scan3A_36 = arith.constant 80 : i32
    %scan3A_37 = arith.constant 0 : i32
    %scan3A_38 = arith.constant 1 : i32
    %barrier3A_39 = arith.constant 0 : index
    tpu.barrier barrier_id(%barrier3A_39)
    "tpu.region"() ({
      %run_scoped3A = tpu.sem_alloc : memref<!tpu.dma_semaphore, #tpu.memory_space<semaphore_mem>>
      %dma_start3A = arith.constant 0 : i32
      %dma_start3A_40 = arith.constant 0 : i32
      %dma_start3A_41 = tpu.memref_slice %arg5[%arg0, %dma_start3A, %dma_start3A_40] : memref<2x10240x128xf32, #tpu.memory_space<hbm>> -> memref<1x10240x128xf32, #tpu.memory_space<hbm>>
      %dma_start3A_42 = tpu.memref_squeeze %dma_start3A_41 : memref<1x10240x128xf32, #tpu.memory_space<hbm>> -> memref<10240x128xf32, #tpu.memory_space<hbm>>
      %dma_start3A_43 = arith.constant 0 : i32
      %dma_start3A_44 = tpu.memref_slice %dma_start3A_42[%mul3A_0, %dma_start3A_43] : memref<10240x128xf32, #tpu.memory_space<hbm>> -> memref<640x128xf32, #tpu.memory_space<hbm>>
      %dma_start3A_45 = arith.constant 0 : i32
      %dma_start3A_46 = tpu.memref_slice %arg6[%mul3A_0, %dma_start3A_45] : memref<10240x128xf32, #tpu.memory_space<vmem_shared>> -> memref<640x128xf32, #tpu.memory_space<vmem_shared>>
      tpu.enqueue_dma source(%dma_start3A_46 : memref<640x128xf32, #tpu.memory_space<vmem_shared>>) target(%dma_start3A_44 : memref<640x128xf32, #tpu.memory_space<hbm>>) target_semaphore(%run_scoped3A : memref<!tpu.dma_semaphore, #tpu.memory_space<semaphore_mem>>)
      %dma_wait3A = arith.constant 0 : i32
      %dma_wait3A_47 = arith.constant 0 : i32
      %dma_wait3A_48 = tpu.memref_slice %arg5[%arg0, %dma_wait3A, %dma_wait3A_47] : memref<2x10240x128xf32, #tpu.memory_space<hbm>> -> memref<1x10240x128xf32, #tpu.memory_space<hbm>>
      %dma_wait3A_49 = tpu.memref_squeeze %dma_wait3A_48 : memref<1x10240x128xf32, #tpu.memory_space<hbm>> -> memref<10240x128xf32, #tpu.memory_space<hbm>>
      %dma_wait3A_50 = arith.constant 0 : i32
      %dma_wait3A_51 = tpu.memref_slice %dma_wait3A_49[%mul3A_0, %dma_wait3A_50] : memref<10240x128xf32, #tpu.memory_space<hbm>> -> memref<640x128xf32, #tpu.memory_space<hbm>>
      %dma_wait3A_52 = arith.constant 0 : i32
      %dma_wait3A_53 = tpu.memref_slice %arg6[%mul3A_0, %dma_wait3A_52] : memref<10240x128xf32, #tpu.memory_space<vmem_shared>> -> memref<640x128xf32, #tpu.memory_space<vmem_shared>>
      tpu.wait_dma2 semaphore(%run_scoped3A : memref<!tpu.dma_semaphore, #tpu.memory_space<semaphore_mem>>) src(%dma_wait3A_53 : memref<640x128xf32, #tpu.memory_space<vmem_shared>>) dst(%dma_wait3A_51 : memref<640x128xf32, #tpu.memory_space<hbm>>)
      tpu.yield
    }) : () -> ()
    return
  }
}

#map = affine_map<(d0, d1) -> (0, 0, 0)>
#map1 = affine_map<(d0, d1) -> (0, 0)>
module attributes {stable_mosaic.version = 14 : i64} {
  func.func @_sc_agg(%arg0: i32, %arg1: i32, %arg2: memref<2x10240x128xf32, #tpu.memory_space<hbm>>, %arg3: memref<2560x128xi32, #tpu.memory_space<hbm>>, %arg4: memref<2560x128xi32, #tpu.memory_space<hbm>>, %arg5: memref<64x128xf32, #tpu.memory_space<hbm>>, %arg6: memref<2x10240x128xf32, #tpu.memory_space<hbm>>, %arg7: memref<10240x128xf32, #tpu.memory_space<vmem_shared>>, %arg8: memref<40x128xi32, #tpu.memory_space<vmem>>, %arg9: memref<40x128xi32, #tpu.memory_space<vmem>>, %arg10: memref<128x128xf32, #tpu.memory_space<vmem>>, %arg11: memref<128x128xf32, #tpu.memory_space<vmem>>, %arg12: memref<!tpu.dma_semaphore, #tpu.memory_space<semaphore_mem>>, %arg13: memref<!tpu.dma_semaphore, #tpu.memory_space<semaphore_mem>>) attributes {dimension_semantics = [#tpu.dimension_semantics<core_parallel>, #tpu.dimension_semantics<subcore_parallel>], iteration_bounds = array<i64: 2, 16>, scalar_prefetch = 0 : i64, scratch_operands = 7 : i64, tpu.core_type = #tpu.core_type<sc_vector_subcore>, window_params = [{transform_indices = #map}, {transform_indices = #map1}, {transform_indices = #map1}, {transform_indices = #map1}, {transform_indices = #map}]} {
    %mul3A = arith.constant 640 : i32
    %mul3A_0 = arith.muli %arg1, %mul3A : i32
    %scan3A = arith.constant 0 : i32
    %scan3A_1 = arith.constant 0 : i32
    %scan3A_2 = arith.constant 10 : i32
    %scan3A_3 = arith.addi %scan3A_1, %scan3A_2 : i32
    %scan3A_4 = arith.constant 1 : i32
    %scan3A_5 = scf.for %scan3A_22 = %scan3A_1 to %scan3A_3 step %scan3A_4 iter_args(%scan3A_23 = %scan3A) -> (i32)  : i32 {
      %mul3A_24 = arith.constant 64 : i32
      %mul3A_25 = arith.muli %scan3A_22, %mul3A_24 : i32
      %add3A = arith.addi %mul3A_0, %mul3A_25 : i32
      %dma_start3A = arith.constant 0 : i32
      %dma_start3A_26 = tpu.memref_slice %arg7[%add3A, %dma_start3A] : memref<10240x128xf32, #tpu.memory_space<vmem_shared>> -> memref<64x128xf32, #tpu.memory_space<vmem_shared>>
      tpu.enqueue_dma source(%arg5 : memref<64x128xf32, #tpu.memory_space<hbm>>) target(%dma_start3A_26 : memref<64x128xf32, #tpu.memory_space<vmem_shared>>) target_semaphore(%arg12 : memref<!tpu.dma_semaphore, #tpu.memory_space<semaphore_mem>>)
      %scan3A_27 = arith.constant 0 : i32
      scf.yield %scan3A_27 : i32
    }
    %scan3A_6 = arith.constant 10 : i32
    %scan3A_7 = arith.constant 0 : i32
    %scan3A_8 = arith.constant 0 : i32
    %scan3A_9 = arith.constant 10 : i32
    %scan3A_10 = arith.addi %scan3A_8, %scan3A_9 : i32
    %scan3A_11 = arith.constant 1 : i32
    %scan3A_12 = scf.for %scan3A_22 = %scan3A_8 to %scan3A_10 step %scan3A_11 iter_args(%scan3A_23 = %scan3A_7) -> (i32)  : i32 {
      %dma_wait3A = arith.constant 0 : i32
      %dma_wait3A_24 = tpu.memref_slice %arg7[%mul3A_0, %dma_wait3A] : memref<10240x128xf32, #tpu.memory_space<vmem_shared>> -> memref<64x128xf32, #tpu.memory_space<vmem_shared>>
      tpu.wait_dma2 semaphore(%arg12 : memref<!tpu.dma_semaphore, #tpu.memory_space<semaphore_mem>>) src(%arg5 : memref<64x128xf32, #tpu.memory_space<hbm>>) dst(%dma_wait3A_24 : memref<64x128xf32, #tpu.memory_space<vmem_shared>>)
      %scan3A_25 = arith.constant 0 : i32
      scf.yield %scan3A_25 : i32
    }
    %scan3A_13 = arith.constant 10 : i32
    %barrier3A = arith.constant 0 : index
    tpu.barrier barrier_id(%barrier3A)
    %scan3A_14 = arith.constant 0 : i32
    %scan3A_15 = arith.constant 0 : i32
    %scan3A_16 = arith.constant 4 : i32
    %scan3A_17 = arith.addi %scan3A_15, %scan3A_16 : i32
    %scan3A_18 = arith.constant 1 : i32
    %scan3A_19 = scf.for %scan3A_22 = %scan3A_15 to %scan3A_17 step %scan3A_18 iter_args(%scan3A_23 = %scan3A_14) -> (i32)  : i32 {
      %mul3A_24 = arith.constant 160 : i32
      %mul3A_25 = arith.muli %arg1, %mul3A_24 : i32
      %mul3A_26 = arith.constant 40 : i32
      %mul3A_27 = arith.muli %scan3A_22, %mul3A_26 : i32
      %add3A = arith.addi %mul3A_25, %mul3A_27 : i32
      "tpu.region"() ({
        %run_scoped3A = tpu.sem_alloc : memref<!tpu.dma_semaphore, #tpu.memory_space<semaphore_mem>>
        %dma_start3A_46 = arith.constant 0 : i32
        %dma_start3A_47 = tpu.memref_slice %arg3[%add3A, %dma_start3A_46] : memref<2560x128xi32, #tpu.memory_space<hbm>> -> memref<40x128xi32, #tpu.memory_space<hbm>>
        %dma_start3A_48 = arith.constant 0 : i32
        %dma_start3A_49 = tpu.memref_slice %arg3[%add3A, %dma_start3A_48] : memref<2560x128xi32, #tpu.memory_space<hbm>> -> memref<40x128xi32, #tpu.memory_space<hbm>>
        tpu.enqueue_dma source(%dma_start3A_49 : memref<40x128xi32, #tpu.memory_space<hbm>>) target(%arg8 : memref<40x128xi32, #tpu.memory_space<vmem>>) target_semaphore(%run_scoped3A : memref<!tpu.dma_semaphore, #tpu.memory_space<semaphore_mem>>)
        %dma_wait3A = arith.constant 0 : i32
        %dma_wait3A_50 = tpu.memref_slice %arg3[%add3A, %dma_wait3A] : memref<2560x128xi32, #tpu.memory_space<hbm>> -> memref<40x128xi32, #tpu.memory_space<hbm>>
        %dma_wait3A_51 = arith.constant 0 : i32
        %dma_wait3A_52 = tpu.memref_slice %arg3[%add3A, %dma_wait3A_51] : memref<2560x128xi32, #tpu.memory_space<hbm>> -> memref<40x128xi32, #tpu.memory_space<hbm>>
        tpu.wait_dma2 semaphore(%run_scoped3A : memref<!tpu.dma_semaphore, #tpu.memory_space<semaphore_mem>>) src(%dma_wait3A_52 : memref<40x128xi32, #tpu.memory_space<hbm>>) dst(%arg8 : memref<40x128xi32, #tpu.memory_space<vmem>>)
        tpu.yield
      }) : () -> ()
      "tpu.region"() ({
        %run_scoped3A = tpu.sem_alloc : memref<!tpu.dma_semaphore, #tpu.memory_space<semaphore_mem>>
        %dma_start3A_46 = arith.constant 0 : i32
        %dma_start3A_47 = tpu.memref_slice %arg4[%add3A, %dma_start3A_46] : memref<2560x128xi32, #tpu.memory_space<hbm>> -> memref<40x128xi32, #tpu.memory_space<hbm>>
        %dma_start3A_48 = arith.constant 0 : i32
        %dma_start3A_49 = tpu.memref_slice %arg4[%add3A, %dma_start3A_48] : memref<2560x128xi32, #tpu.memory_space<hbm>> -> memref<40x128xi32, #tpu.memory_space<hbm>>
        tpu.enqueue_dma source(%dma_start3A_49 : memref<40x128xi32, #tpu.memory_space<hbm>>) target(%arg9 : memref<40x128xi32, #tpu.memory_space<vmem>>) target_semaphore(%run_scoped3A : memref<!tpu.dma_semaphore, #tpu.memory_space<semaphore_mem>>)
        %dma_wait3A = arith.constant 0 : i32
        %dma_wait3A_50 = tpu.memref_slice %arg4[%add3A, %dma_wait3A] : memref<2560x128xi32, #tpu.memory_space<hbm>> -> memref<40x128xi32, #tpu.memory_space<hbm>>
        %dma_wait3A_51 = arith.constant 0 : i32
        %dma_wait3A_52 = tpu.memref_slice %arg4[%add3A, %dma_wait3A_51] : memref<2560x128xi32, #tpu.memory_space<hbm>> -> memref<40x128xi32, #tpu.memory_space<hbm>>
        tpu.wait_dma2 semaphore(%run_scoped3A : memref<!tpu.dma_semaphore, #tpu.memory_space<semaphore_mem>>) src(%dma_wait3A_52 : memref<40x128xi32, #tpu.memory_space<hbm>>) dst(%arg9 : memref<40x128xi32, #tpu.memory_space<vmem>>)
        tpu.yield
      }) : () -> ()
      %dma_start3A = arith.constant 0 : i32
      %dma_start3A_28 = arith.constant 0 : i32
      %dma_start3A_29 = tpu.memref_slice %arg8[%dma_start3A, %dma_start3A_28] : memref<40x128xi32, #tpu.memory_space<vmem>> -> memref<1x128xi32, #tpu.memory_space<vmem>>
      %dma_start3A_30 = tpu.memref_squeeze %dma_start3A_29 : memref<1x128xi32, #tpu.memory_space<vmem>> -> memref<128xi32, #tpu.memory_space<vmem>>
      %dma_start3A_31 = arith.constant 0 : i32
      %dma_start3A_32 = arith.constant 0 : i32
      %dma_start3A_33 = tpu.memref_slice %arg2[%arg0, %dma_start3A_31, %dma_start3A_32] : memref<2x10240x128xf32, #tpu.memory_space<hbm>> -> memref<1x10240x128xf32, #tpu.memory_space<hbm>>
      %dma_start3A_34 = tpu.memref_squeeze %dma_start3A_33 : memref<1x10240x128xf32, #tpu.memory_space<hbm>> -> memref<10240x128xf32, #tpu.memory_space<hbm>>
      %dma_start3A_35 = arith.constant 0 : i32
      %dma_start3A_36 = arith.constant 0 : i32
      %dma_start3A_37 = tpu.memref_slice %dma_start3A_34[%dma_start3A_35, %dma_start3A_36] : memref<10240x128xf32, #tpu.memory_space<hbm>> -> memref<10240x128xf32, #tpu.memory_space<hbm>>
      tpu.enqueue_indirect_dma source(%dma_start3A_37 : memref<10240x128xf32, #tpu.memory_space<hbm>>) target(%arg10 : memref<128x128xf32, #tpu.memory_space<vmem>>) offsets(%dma_start3A_30 : memref<128xi32, #tpu.memory_space<vmem>>) semaphore(%arg12 : memref<!tpu.dma_semaphore, #tpu.memory_space<semaphore_mem>>)
      %scan3A_38 = arith.constant 0 : i32
      %scan3A_39 = arith.constant 0 : i32
      %scan3A_40 = arith.constant 20 : i32
      %scan3A_41 = arith.addi %scan3A_39, %scan3A_40 : i32
      %scan3A_42 = arith.constant 1 : i32
      %scan3A_43 = scf.for %scan3A_46 = %scan3A_39 to %scan3A_41 step %scan3A_42 iter_args(%scan3A_47 = %scan3A_38) -> (i32)  : i32 {
        %mul3A_48 = arith.constant 2 : i32
        %mul3A_49 = arith.muli %scan3A_46, %mul3A_48 : i32
        %add3A_50 = arith.constant 1 : i32
        %add3A_51 = arith.addi %mul3A_49, %add3A_50 : i32
        %dma_start3A_52 = arith.constant 0 : i32
        %dma_start3A_53 = tpu.memref_slice %arg8[%add3A_51, %dma_start3A_52] : memref<40x128xi32, #tpu.memory_space<vmem>> -> memref<1x128xi32, #tpu.memory_space<vmem>>
        %dma_start3A_54 = tpu.memref_squeeze %dma_start3A_53 : memref<1x128xi32, #tpu.memory_space<vmem>> -> memref<128xi32, #tpu.memory_space<vmem>>
        %dma_start3A_55 = arith.constant 0 : i32
        %dma_start3A_56 = arith.constant 0 : i32
        %dma_start3A_57 = tpu.memref_slice %arg2[%arg0, %dma_start3A_55, %dma_start3A_56] : memref<2x10240x128xf32, #tpu.memory_space<hbm>> -> memref<1x10240x128xf32, #tpu.memory_space<hbm>>
        %dma_start3A_58 = tpu.memref_squeeze %dma_start3A_57 : memref<1x10240x128xf32, #tpu.memory_space<hbm>> -> memref<10240x128xf32, #tpu.memory_space<hbm>>
        %dma_start3A_59 = arith.constant 0 : i32
        %dma_start3A_60 = arith.constant 0 : i32
        %dma_start3A_61 = tpu.memref_slice %dma_start3A_58[%dma_start3A_59, %dma_start3A_60] : memref<10240x128xf32, #tpu.memory_space<hbm>> -> memref<10240x128xf32, #tpu.memory_space<hbm>>
        tpu.enqueue_indirect_dma source(%dma_start3A_61 : memref<10240x128xf32, #tpu.memory_space<hbm>>) target(%arg11 : memref<128x128xf32, #tpu.memory_space<vmem>>) offsets(%dma_start3A_54 : memref<128xi32, #tpu.memory_space<vmem>>) semaphore(%arg13 : memref<!tpu.dma_semaphore, #tpu.memory_space<semaphore_mem>>)
        %dma_wait3A = arith.constant 0 : i32
        %dma_wait3A_62 = tpu.memref_slice %arg8[%mul3A_49, %dma_wait3A] : memref<40x128xi32, #tpu.memory_space<vmem>> -> memref<1x128xi32, #tpu.memory_space<vmem>>
        %dma_wait3A_63 = tpu.memref_squeeze %dma_wait3A_62 : memref<1x128xi32, #tpu.memory_space<vmem>> -> memref<128xi32, #tpu.memory_space<vmem>>
        %dma_wait3A_64 = arith.constant 0 : i32
        %dma_wait3A_65 = arith.constant 0 : i32
        %dma_wait3A_66 = tpu.memref_slice %arg2[%arg0, %dma_wait3A_64, %dma_wait3A_65] : memref<2x10240x128xf32, #tpu.memory_space<hbm>> -> memref<1x10240x128xf32, #tpu.memory_space<hbm>>
        %dma_wait3A_67 = tpu.memref_squeeze %dma_wait3A_66 : memref<1x10240x128xf32, #tpu.memory_space<hbm>> -> memref<10240x128xf32, #tpu.memory_space<hbm>>
        %dma_wait3A_68 = arith.constant 0 : i32
        %dma_wait3A_69 = arith.constant 0 : i32
        %dma_wait3A_70 = tpu.memref_slice %dma_wait3A_67[%dma_wait3A_68, %dma_wait3A_69] : memref<10240x128xf32, #tpu.memory_space<hbm>> -> memref<10240x128xf32, #tpu.memory_space<hbm>>
        tpu.wait_indirect_dma semaphore(%arg12 : memref<!tpu.dma_semaphore, #tpu.memory_space<semaphore_mem>>) src(%dma_wait3A_70 : memref<10240x128xf32, #tpu.memory_space<hbm>>) dst(%arg10 : memref<128x128xf32, #tpu.memory_space<vmem>>)
        "tpu.region"() ({
          %run_scoped3A = tpu.sem_alloc : memref<!tpu.dma_semaphore, #tpu.memory_space<semaphore_mem>>
          %dma_start3A_90 = arith.constant 0 : i32
          %dma_start3A_91 = tpu.memref_slice %arg9[%mul3A_49, %dma_start3A_90] : memref<40x128xi32, #tpu.memory_space<vmem>> -> memref<1x128xi32, #tpu.memory_space<vmem>>
          %dma_start3A_92 = tpu.memref_squeeze %dma_start3A_91 : memref<1x128xi32, #tpu.memory_space<vmem>> -> memref<128xi32, #tpu.memory_space<vmem>>
          %dma_start3A_93 = arith.constant 0 : i32
          %dma_start3A_94 = arith.constant 0 : i32
          %dma_start3A_95 = tpu.memref_slice %arg7[%dma_start3A_93, %dma_start3A_94] : memref<10240x128xf32, #tpu.memory_space<vmem_shared>> -> memref<10240x128xf32, #tpu.memory_space<vmem_shared>>
          tpu.enqueue_indirect_dma source(%arg10 : memref<128x128xf32, #tpu.memory_space<vmem>>) target(%dma_start3A_95 : memref<10240x128xf32, #tpu.memory_space<vmem_shared>>) offsets(%dma_start3A_92 : memref<128xi32, #tpu.memory_space<vmem>>) semaphore(%run_scoped3A : memref<!tpu.dma_semaphore, #tpu.memory_space<semaphore_mem>>) {add = true}
          %dma_wait3A_96 = arith.constant 0 : i32
          %dma_wait3A_97 = tpu.memref_slice %arg9[%mul3A_49, %dma_wait3A_96] : memref<40x128xi32, #tpu.memory_space<vmem>> -> memref<1x128xi32, #tpu.memory_space<vmem>>
          %dma_wait3A_98 = tpu.memref_squeeze %dma_wait3A_97 : memref<1x128xi32, #tpu.memory_space<vmem>> -> memref<128xi32, #tpu.memory_space<vmem>>
          %dma_wait3A_99 = arith.constant 0 : i32
          %dma_wait3A_100 = arith.constant 0 : i32
          %dma_wait3A_101 = tpu.memref_slice %arg7[%dma_wait3A_99, %dma_wait3A_100] : memref<10240x128xf32, #tpu.memory_space<vmem_shared>> -> memref<10240x128xf32, #tpu.memory_space<vmem_shared>>
          tpu.wait_indirect_dma semaphore(%run_scoped3A : memref<!tpu.dma_semaphore, #tpu.memory_space<semaphore_mem>>) src(%arg10 : memref<128x128xf32, #tpu.memory_space<vmem>>) dst(%dma_wait3A_101 : memref<10240x128xf32, #tpu.memory_space<vmem_shared>>)
          tpu.yield
        }) : () -> ()
        %add3A_71 = arith.constant 1 : i32
        %add3A_72 = arith.addi %scan3A_46, %add3A_71 : i32
        %lt3A = arith.constant 20 : i32
        %lt3A_73 = arith.cmpi slt, %add3A_72, %lt3A : i32
        %convert_element_type3A = arith.extui %lt3A_73 : i1 to i32
        %cond3A = arith.constant 0 : i32
        %cond3A_74 = arith.cmpi ne, %convert_element_type3A, %cond3A : i32
        scf.if %cond3A_74 {
          %add3A_90 = arith.constant 2 : i32
          %add3A_91 = arith.addi %mul3A_49, %add3A_90 : i32
          %dma_start3A_92 = arith.constant 0 : i32
          %dma_start3A_93 = tpu.memref_slice %arg8[%add3A_91, %dma_start3A_92] : memref<40x128xi32, #tpu.memory_space<vmem>> -> memref<1x128xi32, #tpu.memory_space<vmem>>
          %dma_start3A_94 = tpu.memref_squeeze %dma_start3A_93 : memref<1x128xi32, #tpu.memory_space<vmem>> -> memref<128xi32, #tpu.memory_space<vmem>>
          %dma_start3A_95 = arith.constant 0 : i32
          %dma_start3A_96 = arith.constant 0 : i32
          %dma_start3A_97 = tpu.memref_slice %arg2[%arg0, %dma_start3A_95, %dma_start3A_96] : memref<2x10240x128xf32, #tpu.memory_space<hbm>> -> memref<1x10240x128xf32, #tpu.memory_space<hbm>>
          %dma_start3A_98 = tpu.memref_squeeze %dma_start3A_97 : memref<1x10240x128xf32, #tpu.memory_space<hbm>> -> memref<10240x128xf32, #tpu.memory_space<hbm>>
          %dma_start3A_99 = arith.constant 0 : i32
          %dma_start3A_100 = arith.constant 0 : i32
          %dma_start3A_101 = tpu.memref_slice %dma_start3A_98[%dma_start3A_99, %dma_start3A_100] : memref<10240x128xf32, #tpu.memory_space<hbm>> -> memref<10240x128xf32, #tpu.memory_space<hbm>>
          tpu.enqueue_indirect_dma source(%dma_start3A_101 : memref<10240x128xf32, #tpu.memory_space<hbm>>) target(%arg10 : memref<128x128xf32, #tpu.memory_space<vmem>>) offsets(%dma_start3A_94 : memref<128xi32, #tpu.memory_space<vmem>>) semaphore(%arg12 : memref<!tpu.dma_semaphore, #tpu.memory_space<semaphore_mem>>)
        } else {
        }
        %add3A_75 = arith.constant 1 : i32
        %add3A_76 = arith.addi %mul3A_49, %add3A_75 : i32
        %dma_wait3A_77 = arith.constant 0 : i32
        %dma_wait3A_78 = tpu.memref_slice %arg8[%add3A_76, %dma_wait3A_77] : memref<40x128xi32, #tpu.memory_space<vmem>> -> memref<1x128xi32, #tpu.memory_space<vmem>>
        %dma_wait3A_79 = tpu.memref_squeeze %dma_wait3A_78 : memref<1x128xi32, #tpu.memory_space<vmem>> -> memref<128xi32, #tpu.memory_space<vmem>>
        %dma_wait3A_80 = arith.constant 0 : i32
        %dma_wait3A_81 = arith.constant 0 : i32
        %dma_wait3A_82 = tpu.memref_slice %arg2[%arg0, %dma_wait3A_80, %dma_wait3A_81] : memref<2x10240x128xf32, #tpu.memory_space<hbm>> -> memref<1x10240x128xf32, #tpu.memory_space<hbm>>
        %dma_wait3A_83 = tpu.memref_squeeze %dma_wait3A_82 : memref<1x10240x128xf32, #tpu.memory_space<hbm>> -> memref<10240x128xf32, #tpu.memory_space<hbm>>
        %dma_wait3A_84 = arith.constant 0 : i32
        %dma_wait3A_85 = arith.constant 0 : i32
        %dma_wait3A_86 = tpu.memref_slice %dma_wait3A_83[%dma_wait3A_84, %dma_wait3A_85] : memref<10240x128xf32, #tpu.memory_space<hbm>> -> memref<10240x128xf32, #tpu.memory_space<hbm>>
        tpu.wait_indirect_dma semaphore(%arg13 : memref<!tpu.dma_semaphore, #tpu.memory_space<semaphore_mem>>) src(%dma_wait3A_86 : memref<10240x128xf32, #tpu.memory_space<hbm>>) dst(%arg11 : memref<128x128xf32, #tpu.memory_space<vmem>>)
        %add3A_87 = arith.constant 1 : i32
        %add3A_88 = arith.addi %mul3A_49, %add3A_87 : i32
        "tpu.region"() ({
          %run_scoped3A = tpu.sem_alloc : memref<!tpu.dma_semaphore, #tpu.memory_space<semaphore_mem>>
          %dma_start3A_90 = arith.constant 0 : i32
          %dma_start3A_91 = tpu.memref_slice %arg9[%add3A_88, %dma_start3A_90] : memref<40x128xi32, #tpu.memory_space<vmem>> -> memref<1x128xi32, #tpu.memory_space<vmem>>
          %dma_start3A_92 = tpu.memref_squeeze %dma_start3A_91 : memref<1x128xi32, #tpu.memory_space<vmem>> -> memref<128xi32, #tpu.memory_space<vmem>>
          %dma_start3A_93 = arith.constant 0 : i32
          %dma_start3A_94 = arith.constant 0 : i32
          %dma_start3A_95 = tpu.memref_slice %arg7[%dma_start3A_93, %dma_start3A_94] : memref<10240x128xf32, #tpu.memory_space<vmem_shared>> -> memref<10240x128xf32, #tpu.memory_space<vmem_shared>>
          tpu.enqueue_indirect_dma source(%arg11 : memref<128x128xf32, #tpu.memory_space<vmem>>) target(%dma_start3A_95 : memref<10240x128xf32, #tpu.memory_space<vmem_shared>>) offsets(%dma_start3A_92 : memref<128xi32, #tpu.memory_space<vmem>>) semaphore(%run_scoped3A : memref<!tpu.dma_semaphore, #tpu.memory_space<semaphore_mem>>) {add = true}
          %dma_wait3A_96 = arith.constant 0 : i32
          %dma_wait3A_97 = tpu.memref_slice %arg9[%add3A_88, %dma_wait3A_96] : memref<40x128xi32, #tpu.memory_space<vmem>> -> memref<1x128xi32, #tpu.memory_space<vmem>>
          %dma_wait3A_98 = tpu.memref_squeeze %dma_wait3A_97 : memref<1x128xi32, #tpu.memory_space<vmem>> -> memref<128xi32, #tpu.memory_space<vmem>>
          %dma_wait3A_99 = arith.constant 0 : i32
          %dma_wait3A_100 = arith.constant 0 : i32
          %dma_wait3A_101 = tpu.memref_slice %arg7[%dma_wait3A_99, %dma_wait3A_100] : memref<10240x128xf32, #tpu.memory_space<vmem_shared>> -> memref<10240x128xf32, #tpu.memory_space<vmem_shared>>
          tpu.wait_indirect_dma semaphore(%run_scoped3A : memref<!tpu.dma_semaphore, #tpu.memory_space<semaphore_mem>>) src(%arg11 : memref<128x128xf32, #tpu.memory_space<vmem>>) dst(%dma_wait3A_101 : memref<10240x128xf32, #tpu.memory_space<vmem_shared>>)
          tpu.yield
        }) : () -> ()
        %scan3A_89 = arith.constant 0 : i32
        scf.yield %scan3A_89 : i32
      }
      %scan3A_44 = arith.constant 20 : i32
      %scan3A_45 = arith.constant 0 : i32
      scf.yield %scan3A_45 : i32
    }
    %scan3A_20 = arith.constant 4 : i32
    %barrier3A_21 = arith.constant 0 : index
    tpu.barrier barrier_id(%barrier3A_21)
    "tpu.region"() ({
      %run_scoped3A = tpu.sem_alloc : memref<!tpu.dma_semaphore, #tpu.memory_space<semaphore_mem>>
      %dma_start3A = arith.constant 0 : i32
      %dma_start3A_22 = arith.constant 0 : i32
      %dma_start3A_23 = tpu.memref_slice %arg6[%arg0, %dma_start3A, %dma_start3A_22] : memref<2x10240x128xf32, #tpu.memory_space<hbm>> -> memref<1x10240x128xf32, #tpu.memory_space<hbm>>
      %dma_start3A_24 = tpu.memref_squeeze %dma_start3A_23 : memref<1x10240x128xf32, #tpu.memory_space<hbm>> -> memref<10240x128xf32, #tpu.memory_space<hbm>>
      %dma_start3A_25 = arith.constant 0 : i32
      %dma_start3A_26 = tpu.memref_slice %dma_start3A_24[%mul3A_0, %dma_start3A_25] : memref<10240x128xf32, #tpu.memory_space<hbm>> -> memref<640x128xf32, #tpu.memory_space<hbm>>
      %dma_start3A_27 = arith.constant 0 : i32
      %dma_start3A_28 = tpu.memref_slice %arg7[%mul3A_0, %dma_start3A_27] : memref<10240x128xf32, #tpu.memory_space<vmem_shared>> -> memref<640x128xf32, #tpu.memory_space<vmem_shared>>
      tpu.enqueue_dma source(%dma_start3A_28 : memref<640x128xf32, #tpu.memory_space<vmem_shared>>) target(%dma_start3A_26 : memref<640x128xf32, #tpu.memory_space<hbm>>) target_semaphore(%run_scoped3A : memref<!tpu.dma_semaphore, #tpu.memory_space<semaphore_mem>>)
      %dma_wait3A = arith.constant 0 : i32
      %dma_wait3A_29 = arith.constant 0 : i32
      %dma_wait3A_30 = tpu.memref_slice %arg6[%arg0, %dma_wait3A, %dma_wait3A_29] : memref<2x10240x128xf32, #tpu.memory_space<hbm>> -> memref<1x10240x128xf32, #tpu.memory_space<hbm>>
      %dma_wait3A_31 = tpu.memref_squeeze %dma_wait3A_30 : memref<1x10240x128xf32, #tpu.memory_space<hbm>> -> memref<10240x128xf32, #tpu.memory_space<hbm>>
      %dma_wait3A_32 = arith.constant 0 : i32
      %dma_wait3A_33 = tpu.memref_slice %dma_wait3A_31[%mul3A_0, %dma_wait3A_32] : memref<10240x128xf32, #tpu.memory_space<hbm>> -> memref<640x128xf32, #tpu.memory_space<hbm>>
      %dma_wait3A_34 = arith.constant 0 : i32
      %dma_wait3A_35 = tpu.memref_slice %arg7[%mul3A_0, %dma_wait3A_34] : memref<10240x128xf32, #tpu.memory_space<vmem_shared>> -> memref<640x128xf32, #tpu.memory_space<vmem_shared>>
      tpu.wait_dma2 semaphore(%run_scoped3A : memref<!tpu.dma_semaphore, #tpu.memory_space<semaphore_mem>>) src(%dma_wait3A_35 : memref<640x128xf32, #tpu.memory_space<vmem_shared>>) dst(%dma_wait3A_33 : memref<640x128xf32, #tpu.memory_space<hbm>>)
      tpu.yield
    }) : () -> ()
    return
  }
}

#map = affine_map<(d0, d1) -> (0, 0, 0)>
#map1 = affine_map<(d0, d1) -> (0, 0)>
module attributes {stable_mosaic.version = 14 : i64} {
  func.func @_sc_agg(%arg0: i32, %arg1: i32, %arg2: memref<2x10240x128xf32, #tpu.memory_space<hbm>>, %arg3: memref<2560x128xi32, #tpu.memory_space<hbm>>, %arg4: memref<2560x128xi32, #tpu.memory_space<hbm>>, %arg5: memref<64x128xf32, #tpu.memory_space<hbm>>, %arg6: memref<2x10240x128xf32, #tpu.memory_space<hbm>>, %arg7: memref<10240x128xf32, #tpu.memory_space<vmem_shared>>, %arg8: memref<40x128xi32, #tpu.memory_space<vmem>>, %arg9: memref<40x128xi32, #tpu.memory_space<vmem>>, %arg10: memref<128x128xf32, #tpu.memory_space<vmem>>, %arg11: memref<128x128xf32, #tpu.memory_space<vmem>>, %arg12: memref<!tpu.dma_semaphore, #tpu.memory_space<semaphore_mem>>, %arg13: memref<!tpu.dma_semaphore, #tpu.memory_space<semaphore_mem>>) attributes {dimension_semantics = [#tpu.dimension_semantics<core_parallel>, #tpu.dimension_semantics<subcore_parallel>], iteration_bounds = array<i64: 2, 16>, scalar_prefetch = 0 : i64, scratch_operands = 7 : i64, tpu.core_type = #tpu.core_type<sc_vector_subcore>, window_params = [{transform_indices = #map}, {transform_indices = #map1}, {transform_indices = #map1}, {transform_indices = #map1}, {transform_indices = #map}]} {
    %mul3A = arith.constant 640 : i32
    %mul3A_0 = arith.muli %arg1, %mul3A : i32
    %scan3A = arith.constant 0 : i32
    %scan3A_1 = arith.constant 0 : i32
    %scan3A_2 = arith.constant 10 : i32
    %scan3A_3 = arith.addi %scan3A_1, %scan3A_2 : i32
    %scan3A_4 = arith.constant 1 : i32
    %scan3A_5 = scf.for %scan3A_22 = %scan3A_1 to %scan3A_3 step %scan3A_4 iter_args(%scan3A_23 = %scan3A) -> (i32)  : i32 {
      %mul3A_24 = arith.constant 64 : i32
      %mul3A_25 = arith.muli %scan3A_22, %mul3A_24 : i32
      %add3A = arith.addi %mul3A_0, %mul3A_25 : i32
      %dma_start3A = arith.constant 0 : i32
      %dma_start3A_26 = tpu.memref_slice %arg7[%add3A, %dma_start3A] : memref<10240x128xf32, #tpu.memory_space<vmem_shared>> -> memref<64x128xf32, #tpu.memory_space<vmem_shared>>
      tpu.enqueue_dma source(%arg5 : memref<64x128xf32, #tpu.memory_space<hbm>>) target(%dma_start3A_26 : memref<64x128xf32, #tpu.memory_space<vmem_shared>>) target_semaphore(%arg12 : memref<!tpu.dma_semaphore, #tpu.memory_space<semaphore_mem>>)
      %scan3A_27 = arith.constant 0 : i32
      scf.yield %scan3A_27 : i32
    }
    %scan3A_6 = arith.constant 10 : i32
    %scan3A_7 = arith.constant 0 : i32
    %scan3A_8 = arith.constant 0 : i32
    %scan3A_9 = arith.constant 10 : i32
    %scan3A_10 = arith.addi %scan3A_8, %scan3A_9 : i32
    %scan3A_11 = arith.constant 1 : i32
    %scan3A_12 = scf.for %scan3A_22 = %scan3A_8 to %scan3A_10 step %scan3A_11 iter_args(%scan3A_23 = %scan3A_7) -> (i32)  : i32 {
      %dma_wait3A = arith.constant 0 : i32
      %dma_wait3A_24 = tpu.memref_slice %arg7[%mul3A_0, %dma_wait3A] : memref<10240x128xf32, #tpu.memory_space<vmem_shared>> -> memref<64x128xf32, #tpu.memory_space<vmem_shared>>
      tpu.wait_dma2 semaphore(%arg12 : memref<!tpu.dma_semaphore, #tpu.memory_space<semaphore_mem>>) src(%arg5 : memref<64x128xf32, #tpu.memory_space<hbm>>) dst(%dma_wait3A_24 : memref<64x128xf32, #tpu.memory_space<vmem_shared>>)
      %scan3A_25 = arith.constant 0 : i32
      scf.yield %scan3A_25 : i32
    }
    %scan3A_13 = arith.constant 10 : i32
    %barrier3A = arith.constant 0 : index
    tpu.barrier barrier_id(%barrier3A)
    %scan3A_14 = arith.constant 0 : i32
    %scan3A_15 = arith.constant 0 : i32
    %scan3A_16 = arith.constant 4 : i32
    %scan3A_17 = arith.addi %scan3A_15, %scan3A_16 : i32
    %scan3A_18 = arith.constant 1 : i32
    %scan3A_19 = scf.for %scan3A_22 = %scan3A_15 to %scan3A_17 step %scan3A_18 iter_args(%scan3A_23 = %scan3A_14) -> (i32)  : i32 {
      %mul3A_24 = arith.constant 160 : i32
      %mul3A_25 = arith.muli %arg1, %mul3A_24 : i32
      %mul3A_26 = arith.constant 40 : i32
      %mul3A_27 = arith.muli %scan3A_22, %mul3A_26 : i32
      %add3A = arith.addi %mul3A_25, %mul3A_27 : i32
      "tpu.region"() ({
        %run_scoped3A = tpu.sem_alloc : memref<!tpu.dma_semaphore, #tpu.memory_space<semaphore_mem>>
        %dma_start3A_46 = arith.constant 0 : i32
        %dma_start3A_47 = tpu.memref_slice %arg3[%add3A, %dma_start3A_46] : memref<2560x128xi32, #tpu.memory_space<hbm>> -> memref<40x128xi32, #tpu.memory_space<hbm>>
        %dma_start3A_48 = arith.constant 0 : i32
        %dma_start3A_49 = tpu.memref_slice %arg3[%add3A, %dma_start3A_48] : memref<2560x128xi32, #tpu.memory_space<hbm>> -> memref<40x128xi32, #tpu.memory_space<hbm>>
        tpu.enqueue_dma source(%dma_start3A_49 : memref<40x128xi32, #tpu.memory_space<hbm>>) target(%arg8 : memref<40x128xi32, #tpu.memory_space<vmem>>) target_semaphore(%run_scoped3A : memref<!tpu.dma_semaphore, #tpu.memory_space<semaphore_mem>>)
        %dma_wait3A = arith.constant 0 : i32
        %dma_wait3A_50 = tpu.memref_slice %arg3[%add3A, %dma_wait3A] : memref<2560x128xi32, #tpu.memory_space<hbm>> -> memref<40x128xi32, #tpu.memory_space<hbm>>
        %dma_wait3A_51 = arith.constant 0 : i32
        %dma_wait3A_52 = tpu.memref_slice %arg3[%add3A, %dma_wait3A_51] : memref<2560x128xi32, #tpu.memory_space<hbm>> -> memref<40x128xi32, #tpu.memory_space<hbm>>
        tpu.wait_dma2 semaphore(%run_scoped3A : memref<!tpu.dma_semaphore, #tpu.memory_space<semaphore_mem>>) src(%dma_wait3A_52 : memref<40x128xi32, #tpu.memory_space<hbm>>) dst(%arg8 : memref<40x128xi32, #tpu.memory_space<vmem>>)
        tpu.yield
      }) : () -> ()
      "tpu.region"() ({
        %run_scoped3A = tpu.sem_alloc : memref<!tpu.dma_semaphore, #tpu.memory_space<semaphore_mem>>
        %dma_start3A_46 = arith.constant 0 : i32
        %dma_start3A_47 = tpu.memref_slice %arg4[%add3A, %dma_start3A_46] : memref<2560x128xi32, #tpu.memory_space<hbm>> -> memref<40x128xi32, #tpu.memory_space<hbm>>
        %dma_start3A_48 = arith.constant 0 : i32
        %dma_start3A_49 = tpu.memref_slice %arg4[%add3A, %dma_start3A_48] : memref<2560x128xi32, #tpu.memory_space<hbm>> -> memref<40x128xi32, #tpu.memory_space<hbm>>
        tpu.enqueue_dma source(%dma_start3A_49 : memref<40x128xi32, #tpu.memory_space<hbm>>) target(%arg9 : memref<40x128xi32, #tpu.memory_space<vmem>>) target_semaphore(%run_scoped3A : memref<!tpu.dma_semaphore, #tpu.memory_space<semaphore_mem>>)
        %dma_wait3A = arith.constant 0 : i32
        %dma_wait3A_50 = tpu.memref_slice %arg4[%add3A, %dma_wait3A] : memref<2560x128xi32, #tpu.memory_space<hbm>> -> memref<40x128xi32, #tpu.memory_space<hbm>>
        %dma_wait3A_51 = arith.constant 0 : i32
        %dma_wait3A_52 = tpu.memref_slice %arg4[%add3A, %dma_wait3A_51] : memref<2560x128xi32, #tpu.memory_space<hbm>> -> memref<40x128xi32, #tpu.memory_space<hbm>>
        tpu.wait_dma2 semaphore(%run_scoped3A : memref<!tpu.dma_semaphore, #tpu.memory_space<semaphore_mem>>) src(%dma_wait3A_52 : memref<40x128xi32, #tpu.memory_space<hbm>>) dst(%arg9 : memref<40x128xi32, #tpu.memory_space<vmem>>)
        tpu.yield
      }) : () -> ()
      %dma_start3A = arith.constant 0 : i32
      %dma_start3A_28 = arith.constant 0 : i32
      %dma_start3A_29 = tpu.memref_slice %arg8[%dma_start3A, %dma_start3A_28] : memref<40x128xi32, #tpu.memory_space<vmem>> -> memref<1x128xi32, #tpu.memory_space<vmem>>
      %dma_start3A_30 = tpu.memref_squeeze %dma_start3A_29 : memref<1x128xi32, #tpu.memory_space<vmem>> -> memref<128xi32, #tpu.memory_space<vmem>>
      %dma_start3A_31 = arith.constant 0 : i32
      %dma_start3A_32 = arith.constant 0 : i32
      %dma_start3A_33 = tpu.memref_slice %arg2[%arg0, %dma_start3A_31, %dma_start3A_32] : memref<2x10240x128xf32, #tpu.memory_space<hbm>> -> memref<1x10240x128xf32, #tpu.memory_space<hbm>>
      %dma_start3A_34 = tpu.memref_squeeze %dma_start3A_33 : memref<1x10240x128xf32, #tpu.memory_space<hbm>> -> memref<10240x128xf32, #tpu.memory_space<hbm>>
      %dma_start3A_35 = arith.constant 0 : i32
      %dma_start3A_36 = arith.constant 0 : i32
      %dma_start3A_37 = tpu.memref_slice %dma_start3A_34[%dma_start3A_35, %dma_start3A_36] : memref<10240x128xf32, #tpu.memory_space<hbm>> -> memref<10240x128xf32, #tpu.memory_space<hbm>>
      tpu.enqueue_indirect_dma source(%dma_start3A_37 : memref<10240x128xf32, #tpu.memory_space<hbm>>) target(%arg10 : memref<128x128xf32, #tpu.memory_space<vmem>>) offsets(%dma_start3A_30 : memref<128xi32, #tpu.memory_space<vmem>>) semaphore(%arg12 : memref<!tpu.dma_semaphore, #tpu.memory_space<semaphore_mem>>)
      %scan3A_38 = arith.constant 0 : i32
      %scan3A_39 = arith.constant 0 : i32
      %scan3A_40 = arith.constant 20 : i32
      %scan3A_41 = arith.addi %scan3A_39, %scan3A_40 : i32
      %scan3A_42 = arith.constant 1 : i32
      %scan3A_43 = scf.for %scan3A_46 = %scan3A_39 to %scan3A_41 step %scan3A_42 iter_args(%scan3A_47 = %scan3A_38) -> (i32)  : i32 {
        %mul3A_48 = arith.constant 2 : i32
        %mul3A_49 = arith.muli %scan3A_46, %mul3A_48 : i32
        %add3A_50 = arith.constant 1 : i32
        %add3A_51 = arith.addi %mul3A_49, %add3A_50 : i32
        %dma_start3A_52 = arith.constant 0 : i32
        %dma_start3A_53 = tpu.memref_slice %arg8[%add3A_51, %dma_start3A_52] : memref<40x128xi32, #tpu.memory_space<vmem>> -> memref<1x128xi32, #tpu.memory_space<vmem>>
        %dma_start3A_54 = tpu.memref_squeeze %dma_start3A_53 : memref<1x128xi32, #tpu.memory_space<vmem>> -> memref<128xi32, #tpu.memory_space<vmem>>
        %dma_start3A_55 = arith.constant 0 : i32
        %dma_start3A_56 = arith.constant 0 : i32
        %dma_start3A_57 = tpu.memref_slice %arg2[%arg0, %dma_start3A_55, %dma_start3A_56] : memref<2x10240x128xf32, #tpu.memory_space<hbm>> -> memref<1x10240x128xf32, #tpu.memory_space<hbm>>
        %dma_start3A_58 = tpu.memref_squeeze %dma_start3A_57 : memref<1x10240x128xf32, #tpu.memory_space<hbm>> -> memref<10240x128xf32, #tpu.memory_space<hbm>>
        %dma_start3A_59 = arith.constant 0 : i32
        %dma_start3A_60 = arith.constant 0 : i32
        %dma_start3A_61 = tpu.memref_slice %dma_start3A_58[%dma_start3A_59, %dma_start3A_60] : memref<10240x128xf32, #tpu.memory_space<hbm>> -> memref<10240x128xf32, #tpu.memory_space<hbm>>
        tpu.enqueue_indirect_dma source(%dma_start3A_61 : memref<10240x128xf32, #tpu.memory_space<hbm>>) target(%arg11 : memref<128x128xf32, #tpu.memory_space<vmem>>) offsets(%dma_start3A_54 : memref<128xi32, #tpu.memory_space<vmem>>) semaphore(%arg13 : memref<!tpu.dma_semaphore, #tpu.memory_space<semaphore_mem>>)
        %dma_wait3A = arith.constant 0 : i32
        %dma_wait3A_62 = tpu.memref_slice %arg8[%mul3A_49, %dma_wait3A] : memref<40x128xi32, #tpu.memory_space<vmem>> -> memref<1x128xi32, #tpu.memory_space<vmem>>
        %dma_wait3A_63 = tpu.memref_squeeze %dma_wait3A_62 : memref<1x128xi32, #tpu.memory_space<vmem>> -> memref<128xi32, #tpu.memory_space<vmem>>
        %dma_wait3A_64 = arith.constant 0 : i32
        %dma_wait3A_65 = arith.constant 0 : i32
        %dma_wait3A_66 = tpu.memref_slice %arg2[%arg0, %dma_wait3A_64, %dma_wait3A_65] : memref<2x10240x128xf32, #tpu.memory_space<hbm>> -> memref<1x10240x128xf32, #tpu.memory_space<hbm>>
        %dma_wait3A_67 = tpu.memref_squeeze %dma_wait3A_66 : memref<1x10240x128xf32, #tpu.memory_space<hbm>> -> memref<10240x128xf32, #tpu.memory_space<hbm>>
        %dma_wait3A_68 = arith.constant 0 : i32
        %dma_wait3A_69 = arith.constant 0 : i32
        %dma_wait3A_70 = tpu.memref_slice %dma_wait3A_67[%dma_wait3A_68, %dma_wait3A_69] : memref<10240x128xf32, #tpu.memory_space<hbm>> -> memref<10240x128xf32, #tpu.memory_space<hbm>>
        tpu.wait_indirect_dma semaphore(%arg12 : memref<!tpu.dma_semaphore, #tpu.memory_space<semaphore_mem>>) src(%dma_wait3A_70 : memref<10240x128xf32, #tpu.memory_space<hbm>>) dst(%arg10 : memref<128x128xf32, #tpu.memory_space<vmem>>)
        "tpu.region"() ({
          %run_scoped3A = tpu.sem_alloc : memref<!tpu.dma_semaphore, #tpu.memory_space<semaphore_mem>>
          %dma_start3A_90 = arith.constant 0 : i32
          %dma_start3A_91 = tpu.memref_slice %arg9[%mul3A_49, %dma_start3A_90] : memref<40x128xi32, #tpu.memory_space<vmem>> -> memref<1x128xi32, #tpu.memory_space<vmem>>
          %dma_start3A_92 = tpu.memref_squeeze %dma_start3A_91 : memref<1x128xi32, #tpu.memory_space<vmem>> -> memref<128xi32, #tpu.memory_space<vmem>>
          %dma_start3A_93 = arith.constant 0 : i32
          %dma_start3A_94 = arith.constant 0 : i32
          %dma_start3A_95 = tpu.memref_slice %arg7[%dma_start3A_93, %dma_start3A_94] : memref<10240x128xf32, #tpu.memory_space<vmem_shared>> -> memref<10240x128xf32, #tpu.memory_space<vmem_shared>>
          tpu.enqueue_indirect_dma source(%arg10 : memref<128x128xf32, #tpu.memory_space<vmem>>) target(%dma_start3A_95 : memref<10240x128xf32, #tpu.memory_space<vmem_shared>>) offsets(%dma_start3A_92 : memref<128xi32, #tpu.memory_space<vmem>>) semaphore(%run_scoped3A : memref<!tpu.dma_semaphore, #tpu.memory_space<semaphore_mem>>) {add = true}
          %dma_wait3A_96 = arith.constant 0 : i32
          %dma_wait3A_97 = tpu.memref_slice %arg9[%mul3A_49, %dma_wait3A_96] : memref<40x128xi32, #tpu.memory_space<vmem>> -> memref<1x128xi32, #tpu.memory_space<vmem>>
          %dma_wait3A_98 = tpu.memref_squeeze %dma_wait3A_97 : memref<1x128xi32, #tpu.memory_space<vmem>> -> memref<128xi32, #tpu.memory_space<vmem>>
          %dma_wait3A_99 = arith.constant 0 : i32
          %dma_wait3A_100 = arith.constant 0 : i32
          %dma_wait3A_101 = tpu.memref_slice %arg7[%dma_wait3A_99, %dma_wait3A_100] : memref<10240x128xf32, #tpu.memory_space<vmem_shared>> -> memref<10240x128xf32, #tpu.memory_space<vmem_shared>>
          tpu.wait_indirect_dma semaphore(%run_scoped3A : memref<!tpu.dma_semaphore, #tpu.memory_space<semaphore_mem>>) src(%arg10 : memref<128x128xf32, #tpu.memory_space<vmem>>) dst(%dma_wait3A_101 : memref<10240x128xf32, #tpu.memory_space<vmem_shared>>)
          tpu.yield
        }) : () -> ()
        %add3A_71 = arith.constant 1 : i32
        %add3A_72 = arith.addi %scan3A_46, %add3A_71 : i32
        %lt3A = arith.constant 20 : i32
        %lt3A_73 = arith.cmpi slt, %add3A_72, %lt3A : i32
        %convert_element_type3A = arith.extui %lt3A_73 : i1 to i32
        %cond3A = arith.constant 0 : i32
        %cond3A_74 = arith.cmpi ne, %convert_element_type3A, %cond3A : i32
        scf.if %cond3A_74 {
          %add3A_90 = arith.constant 2 : i32
          %add3A_91 = arith.addi %mul3A_49, %add3A_90 : i32
          %dma_start3A_92 = arith.constant 0 : i32
          %dma_start3A_93 = tpu.memref_slice %arg8[%add3A_91, %dma_start3A_92] : memref<40x128xi32, #tpu.memory_space<vmem>> -> memref<1x128xi32, #tpu.memory_space<vmem>>
          %dma_start3A_94 = tpu.memref_squeeze %dma_start3A_93 : memref<1x128xi32, #tpu.memory_space<vmem>> -> memref<128xi32, #tpu.memory_space<vmem>>
          %dma_start3A_95 = arith.constant 0 : i32
          %dma_start3A_96 = arith.constant 0 : i32
          %dma_start3A_97 = tpu.memref_slice %arg2[%arg0, %dma_start3A_95, %dma_start3A_96] : memref<2x10240x128xf32, #tpu.memory_space<hbm>> -> memref<1x10240x128xf32, #tpu.memory_space<hbm>>
          %dma_start3A_98 = tpu.memref_squeeze %dma_start3A_97 : memref<1x10240x128xf32, #tpu.memory_space<hbm>> -> memref<10240x128xf32, #tpu.memory_space<hbm>>
          %dma_start3A_99 = arith.constant 0 : i32
          %dma_start3A_100 = arith.constant 0 : i32
          %dma_start3A_101 = tpu.memref_slice %dma_start3A_98[%dma_start3A_99, %dma_start3A_100] : memref<10240x128xf32, #tpu.memory_space<hbm>> -> memref<10240x128xf32, #tpu.memory_space<hbm>>
          tpu.enqueue_indirect_dma source(%dma_start3A_101 : memref<10240x128xf32, #tpu.memory_space<hbm>>) target(%arg10 : memref<128x128xf32, #tpu.memory_space<vmem>>) offsets(%dma_start3A_94 : memref<128xi32, #tpu.memory_space<vmem>>) semaphore(%arg12 : memref<!tpu.dma_semaphore, #tpu.memory_space<semaphore_mem>>)
        } else {
        }
        %add3A_75 = arith.constant 1 : i32
        %add3A_76 = arith.addi %mul3A_49, %add3A_75 : i32
        %dma_wait3A_77 = arith.constant 0 : i32
        %dma_wait3A_78 = tpu.memref_slice %arg8[%add3A_76, %dma_wait3A_77] : memref<40x128xi32, #tpu.memory_space<vmem>> -> memref<1x128xi32, #tpu.memory_space<vmem>>
        %dma_wait3A_79 = tpu.memref_squeeze %dma_wait3A_78 : memref<1x128xi32, #tpu.memory_space<vmem>> -> memref<128xi32, #tpu.memory_space<vmem>>
        %dma_wait3A_80 = arith.constant 0 : i32
        %dma_wait3A_81 = arith.constant 0 : i32
        %dma_wait3A_82 = tpu.memref_slice %arg2[%arg0, %dma_wait3A_80, %dma_wait3A_81] : memref<2x10240x128xf32, #tpu.memory_space<hbm>> -> memref<1x10240x128xf32, #tpu.memory_space<hbm>>
        %dma_wait3A_83 = tpu.memref_squeeze %dma_wait3A_82 : memref<1x10240x128xf32, #tpu.memory_space<hbm>> -> memref<10240x128xf32, #tpu.memory_space<hbm>>
        %dma_wait3A_84 = arith.constant 0 : i32
        %dma_wait3A_85 = arith.constant 0 : i32
        %dma_wait3A_86 = tpu.memref_slice %dma_wait3A_83[%dma_wait3A_84, %dma_wait3A_85] : memref<10240x128xf32, #tpu.memory_space<hbm>> -> memref<10240x128xf32, #tpu.memory_space<hbm>>
        tpu.wait_indirect_dma semaphore(%arg13 : memref<!tpu.dma_semaphore, #tpu.memory_space<semaphore_mem>>) src(%dma_wait3A_86 : memref<10240x128xf32, #tpu.memory_space<hbm>>) dst(%arg11 : memref<128x128xf32, #tpu.memory_space<vmem>>)
        %add3A_87 = arith.constant 1 : i32
        %add3A_88 = arith.addi %mul3A_49, %add3A_87 : i32
        "tpu.region"() ({
          %run_scoped3A = tpu.sem_alloc : memref<!tpu.dma_semaphore, #tpu.memory_space<semaphore_mem>>
          %dma_start3A_90 = arith.constant 0 : i32
          %dma_start3A_91 = tpu.memref_slice %arg9[%add3A_88, %dma_start3A_90] : memref<40x128xi32, #tpu.memory_space<vmem>> -> memref<1x128xi32, #tpu.memory_space<vmem>>
          %dma_start3A_92 = tpu.memref_squeeze %dma_start3A_91 : memref<1x128xi32, #tpu.memory_space<vmem>> -> memref<128xi32, #tpu.memory_space<vmem>>
          %dma_start3A_93 = arith.constant 0 : i32
          %dma_start3A_94 = arith.constant 0 : i32
          %dma_start3A_95 = tpu.memref_slice %arg7[%dma_start3A_93, %dma_start3A_94] : memref<10240x128xf32, #tpu.memory_space<vmem_shared>> -> memref<10240x128xf32, #tpu.memory_space<vmem_shared>>
          tpu.enqueue_indirect_dma source(%arg11 : memref<128x128xf32, #tpu.memory_space<vmem>>) target(%dma_start3A_95 : memref<10240x128xf32, #tpu.memory_space<vmem_shared>>) offsets(%dma_start3A_92 : memref<128xi32, #tpu.memory_space<vmem>>) semaphore(%run_scoped3A : memref<!tpu.dma_semaphore, #tpu.memory_space<semaphore_mem>>) {add = true}
          %dma_wait3A_96 = arith.constant 0 : i32
          %dma_wait3A_97 = tpu.memref_slice %arg9[%add3A_88, %dma_wait3A_96] : memref<40x128xi32, #tpu.memory_space<vmem>> -> memref<1x128xi32, #tpu.memory_space<vmem>>
          %dma_wait3A_98 = tpu.memref_squeeze %dma_wait3A_97 : memref<1x128xi32, #tpu.memory_space<vmem>> -> memref<128xi32, #tpu.memory_space<vmem>>
          %dma_wait3A_99 = arith.constant 0 : i32
          %dma_wait3A_100 = arith.constant 0 : i32
          %dma_wait3A_101 = tpu.memref_slice %arg7[%dma_wait3A_99, %dma_wait3A_100] : memref<10240x128xf32, #tpu.memory_space<vmem_shared>> -> memref<10240x128xf32, #tpu.memory_space<vmem_shared>>
          tpu.wait_indirect_dma semaphore(%run_scoped3A : memref<!tpu.dma_semaphore, #tpu.memory_space<semaphore_mem>>) src(%arg11 : memref<128x128xf32, #tpu.memory_space<vmem>>) dst(%dma_wait3A_101 : memref<10240x128xf32, #tpu.memory_space<vmem_shared>>)
          tpu.yield
        }) : () -> ()
        %scan3A_89 = arith.constant 0 : i32
        scf.yield %scan3A_89 : i32
      }
      %scan3A_44 = arith.constant 20 : i32
      %scan3A_45 = arith.constant 0 : i32
      scf.yield %scan3A_45 : i32
    }
    %scan3A_20 = arith.constant 4 : i32
    %barrier3A_21 = arith.constant 0 : index
    tpu.barrier barrier_id(%barrier3A_21)
    "tpu.region"() ({
      %run_scoped3A = tpu.sem_alloc : memref<!tpu.dma_semaphore, #tpu.memory_space<semaphore_mem>>
      %dma_start3A = arith.constant 0 : i32
      %dma_start3A_22 = arith.constant 0 : i32
      %dma_start3A_23 = tpu.memref_slice %arg6[%arg0, %dma_start3A, %dma_start3A_22] : memref<2x10240x128xf32, #tpu.memory_space<hbm>> -> memref<1x10240x128xf32, #tpu.memory_space<hbm>>
      %dma_start3A_24 = tpu.memref_squeeze %dma_start3A_23 : memref<1x10240x128xf32, #tpu.memory_space<hbm>> -> memref<10240x128xf32, #tpu.memory_space<hbm>>
      %dma_start3A_25 = arith.constant 0 : i32
      %dma_start3A_26 = tpu.memref_slice %dma_start3A_24[%mul3A_0, %dma_start3A_25] : memref<10240x128xf32, #tpu.memory_space<hbm>> -> memref<640x128xf32, #tpu.memory_space<hbm>>
      %dma_start3A_27 = arith.constant 0 : i32
      %dma_start3A_28 = tpu.memref_slice %arg7[%mul3A_0, %dma_start3A_27] : memref<10240x128xf32, #tpu.memory_space<vmem_shared>> -> memref<640x128xf32, #tpu.memory_space<vmem_shared>>
      tpu.enqueue_dma source(%dma_start3A_28 : memref<640x128xf32, #tpu.memory_space<vmem_shared>>) target(%dma_start3A_26 : memref<640x128xf32, #tpu.memory_space<hbm>>) target_semaphore(%run_scoped3A : memref<!tpu.dma_semaphore, #tpu.memory_space<semaphore_mem>>)
      %dma_wait3A = arith.constant 0 : i32
      %dma_wait3A_29 = arith.constant 0 : i32
      %dma_wait3A_30 = tpu.memref_slice %arg6[%arg0, %dma_wait3A, %dma_wait3A_29] : memref<2x10240x128xf32, #tpu.memory_space<hbm>> -> memref<1x10240x128xf32, #tpu.memory_space<hbm>>
      %dma_wait3A_31 = tpu.memref_squeeze %dma_wait3A_30 : memref<1x10240x128xf32, #tpu.memory_space<hbm>> -> memref<10240x128xf32, #tpu.memory_space<hbm>>
      %dma_wait3A_32 = arith.constant 0 : i32
      %dma_wait3A_33 = tpu.memref_slice %dma_wait3A_31[%mul3A_0, %dma_wait3A_32] : memref<10240x128xf32, #tpu.memory_space<hbm>> -> memref<640x128xf32, #tpu.memory_space<hbm>>
      %dma_wait3A_34 = arith.constant 0 : i32
      %dma_wait3A_35 = tpu.memref_slice %arg7[%mul3A_0, %dma_wait3A_34] : memref<10240x128xf32, #tpu.memory_space<vmem_shared>> -> memref<640x128xf32, #tpu.memory_space<vmem_shared>>
      tpu.wait_dma2 semaphore(%run_scoped3A : memref<!tpu.dma_semaphore, #tpu.memory_space<semaphore_mem>>) src(%dma_wait3A_35 : memref<640x128xf32, #tpu.memory_space<vmem_shared>>) dst(%dma_wait3A_33 : memref<640x128xf32, #tpu.memory_space<hbm>>)
      tpu.yield
    }) : () -> ()
    return
  }
}

#map = affine_map<(d0, d1) -> (0, 0, 0)>
#map1 = affine_map<(d0, d1) -> (0, 0)>
module attributes {stable_mosaic.version = 14 : i64} {
  func.func @_sc_agg(%arg0: i32, %arg1: i32, %arg2: memref<2x10240x128xf32, #tpu.memory_space<hbm>>, %arg3: memref<2560x128xi32, #tpu.memory_space<hbm>>, %arg4: memref<2560x128xi32, #tpu.memory_space<hbm>>, %arg5: memref<64x128xf32, #tpu.memory_space<hbm>>, %arg6: memref<2x10240x128xf32, #tpu.memory_space<hbm>>, %arg7: memref<10240x128xf32, #tpu.memory_space<vmem_shared>>, %arg8: memref<40x128xi32, #tpu.memory_space<vmem>>, %arg9: memref<40x128xi32, #tpu.memory_space<vmem>>, %arg10: memref<128x128xf32, #tpu.memory_space<vmem>>, %arg11: memref<128x128xf32, #tpu.memory_space<vmem>>, %arg12: memref<!tpu.dma_semaphore, #tpu.memory_space<semaphore_mem>>, %arg13: memref<!tpu.dma_semaphore, #tpu.memory_space<semaphore_mem>>) attributes {dimension_semantics = [#tpu.dimension_semantics<core_parallel>, #tpu.dimension_semantics<subcore_parallel>], iteration_bounds = array<i64: 2, 16>, scalar_prefetch = 0 : i64, scratch_operands = 7 : i64, tpu.core_type = #tpu.core_type<sc_vector_subcore>, window_params = [{transform_indices = #map}, {transform_indices = #map1}, {transform_indices = #map1}, {transform_indices = #map1}, {transform_indices = #map}]} {
    %mul3A = arith.constant 640 : i32
    %mul3A_0 = arith.muli %arg1, %mul3A : i32
    %scan3A = arith.constant 0 : i32
    %scan3A_1 = arith.constant 0 : i32
    %scan3A_2 = arith.constant 10 : i32
    %scan3A_3 = arith.addi %scan3A_1, %scan3A_2 : i32
    %scan3A_4 = arith.constant 1 : i32
    %scan3A_5 = scf.for %scan3A_22 = %scan3A_1 to %scan3A_3 step %scan3A_4 iter_args(%scan3A_23 = %scan3A) -> (i32)  : i32 {
      %mul3A_24 = arith.constant 64 : i32
      %mul3A_25 = arith.muli %scan3A_22, %mul3A_24 : i32
      %add3A = arith.addi %mul3A_0, %mul3A_25 : i32
      %dma_start3A = arith.constant 0 : i32
      %dma_start3A_26 = tpu.memref_slice %arg7[%add3A, %dma_start3A] : memref<10240x128xf32, #tpu.memory_space<vmem_shared>> -> memref<64x128xf32, #tpu.memory_space<vmem_shared>>
      tpu.enqueue_dma source(%arg5 : memref<64x128xf32, #tpu.memory_space<hbm>>) target(%dma_start3A_26 : memref<64x128xf32, #tpu.memory_space<vmem_shared>>) target_semaphore(%arg12 : memref<!tpu.dma_semaphore, #tpu.memory_space<semaphore_mem>>)
      %scan3A_27 = arith.constant 0 : i32
      scf.yield %scan3A_27 : i32
    }
    %scan3A_6 = arith.constant 10 : i32
    %scan3A_7 = arith.constant 0 : i32
    %scan3A_8 = arith.constant 0 : i32
    %scan3A_9 = arith.constant 10 : i32
    %scan3A_10 = arith.addi %scan3A_8, %scan3A_9 : i32
    %scan3A_11 = arith.constant 1 : i32
    %scan3A_12 = scf.for %scan3A_22 = %scan3A_8 to %scan3A_10 step %scan3A_11 iter_args(%scan3A_23 = %scan3A_7) -> (i32)  : i32 {
      %dma_wait3A = arith.constant 0 : i32
      %dma_wait3A_24 = tpu.memref_slice %arg7[%mul3A_0, %dma_wait3A] : memref<10240x128xf32, #tpu.memory_space<vmem_shared>> -> memref<64x128xf32, #tpu.memory_space<vmem_shared>>
      tpu.wait_dma2 semaphore(%arg12 : memref<!tpu.dma_semaphore, #tpu.memory_space<semaphore_mem>>) src(%arg5 : memref<64x128xf32, #tpu.memory_space<hbm>>) dst(%dma_wait3A_24 : memref<64x128xf32, #tpu.memory_space<vmem_shared>>)
      %scan3A_25 = arith.constant 0 : i32
      scf.yield %scan3A_25 : i32
    }
    %scan3A_13 = arith.constant 10 : i32
    %barrier3A = arith.constant 0 : index
    tpu.barrier barrier_id(%barrier3A)
    %scan3A_14 = arith.constant 0 : i32
    %scan3A_15 = arith.constant 0 : i32
    %scan3A_16 = arith.constant 4 : i32
    %scan3A_17 = arith.addi %scan3A_15, %scan3A_16 : i32
    %scan3A_18 = arith.constant 1 : i32
    %scan3A_19 = scf.for %scan3A_22 = %scan3A_15 to %scan3A_17 step %scan3A_18 iter_args(%scan3A_23 = %scan3A_14) -> (i32)  : i32 {
      %mul3A_24 = arith.constant 160 : i32
      %mul3A_25 = arith.muli %arg1, %mul3A_24 : i32
      %mul3A_26 = arith.constant 40 : i32
      %mul3A_27 = arith.muli %scan3A_22, %mul3A_26 : i32
      %add3A = arith.addi %mul3A_25, %mul3A_27 : i32
      "tpu.region"() ({
        %run_scoped3A = tpu.sem_alloc : memref<!tpu.dma_semaphore, #tpu.memory_space<semaphore_mem>>
        %dma_start3A_46 = arith.constant 0 : i32
        %dma_start3A_47 = tpu.memref_slice %arg3[%add3A, %dma_start3A_46] : memref<2560x128xi32, #tpu.memory_space<hbm>> -> memref<40x128xi32, #tpu.memory_space<hbm>>
        %dma_start3A_48 = arith.constant 0 : i32
        %dma_start3A_49 = tpu.memref_slice %arg3[%add3A, %dma_start3A_48] : memref<2560x128xi32, #tpu.memory_space<hbm>> -> memref<40x128xi32, #tpu.memory_space<hbm>>
        tpu.enqueue_dma source(%dma_start3A_49 : memref<40x128xi32, #tpu.memory_space<hbm>>) target(%arg8 : memref<40x128xi32, #tpu.memory_space<vmem>>) target_semaphore(%run_scoped3A : memref<!tpu.dma_semaphore, #tpu.memory_space<semaphore_mem>>)
        %dma_wait3A = arith.constant 0 : i32
        %dma_wait3A_50 = tpu.memref_slice %arg3[%add3A, %dma_wait3A] : memref<2560x128xi32, #tpu.memory_space<hbm>> -> memref<40x128xi32, #tpu.memory_space<hbm>>
        %dma_wait3A_51 = arith.constant 0 : i32
        %dma_wait3A_52 = tpu.memref_slice %arg3[%add3A, %dma_wait3A_51] : memref<2560x128xi32, #tpu.memory_space<hbm>> -> memref<40x128xi32, #tpu.memory_space<hbm>>
        tpu.wait_dma2 semaphore(%run_scoped3A : memref<!tpu.dma_semaphore, #tpu.memory_space<semaphore_mem>>) src(%dma_wait3A_52 : memref<40x128xi32, #tpu.memory_space<hbm>>) dst(%arg8 : memref<40x128xi32, #tpu.memory_space<vmem>>)
        tpu.yield
      }) : () -> ()
      "tpu.region"() ({
        %run_scoped3A = tpu.sem_alloc : memref<!tpu.dma_semaphore, #tpu.memory_space<semaphore_mem>>
        %dma_start3A_46 = arith.constant 0 : i32
        %dma_start3A_47 = tpu.memref_slice %arg4[%add3A, %dma_start3A_46] : memref<2560x128xi32, #tpu.memory_space<hbm>> -> memref<40x128xi32, #tpu.memory_space<hbm>>
        %dma_start3A_48 = arith.constant 0 : i32
        %dma_start3A_49 = tpu.memref_slice %arg4[%add3A, %dma_start3A_48] : memref<2560x128xi32, #tpu.memory_space<hbm>> -> memref<40x128xi32, #tpu.memory_space<hbm>>
        tpu.enqueue_dma source(%dma_start3A_49 : memref<40x128xi32, #tpu.memory_space<hbm>>) target(%arg9 : memref<40x128xi32, #tpu.memory_space<vmem>>) target_semaphore(%run_scoped3A : memref<!tpu.dma_semaphore, #tpu.memory_space<semaphore_mem>>)
        %dma_wait3A = arith.constant 0 : i32
        %dma_wait3A_50 = tpu.memref_slice %arg4[%add3A, %dma_wait3A] : memref<2560x128xi32, #tpu.memory_space<hbm>> -> memref<40x128xi32, #tpu.memory_space<hbm>>
        %dma_wait3A_51 = arith.constant 0 : i32
        %dma_wait3A_52 = tpu.memref_slice %arg4[%add3A, %dma_wait3A_51] : memref<2560x128xi32, #tpu.memory_space<hbm>> -> memref<40x128xi32, #tpu.memory_space<hbm>>
        tpu.wait_dma2 semaphore(%run_scoped3A : memref<!tpu.dma_semaphore, #tpu.memory_space<semaphore_mem>>) src(%dma_wait3A_52 : memref<40x128xi32, #tpu.memory_space<hbm>>) dst(%arg9 : memref<40x128xi32, #tpu.memory_space<vmem>>)
        tpu.yield
      }) : () -> ()
      %dma_start3A = arith.constant 0 : i32
      %dma_start3A_28 = arith.constant 0 : i32
      %dma_start3A_29 = tpu.memref_slice %arg8[%dma_start3A, %dma_start3A_28] : memref<40x128xi32, #tpu.memory_space<vmem>> -> memref<1x128xi32, #tpu.memory_space<vmem>>
      %dma_start3A_30 = tpu.memref_squeeze %dma_start3A_29 : memref<1x128xi32, #tpu.memory_space<vmem>> -> memref<128xi32, #tpu.memory_space<vmem>>
      %dma_start3A_31 = arith.constant 0 : i32
      %dma_start3A_32 = arith.constant 0 : i32
      %dma_start3A_33 = tpu.memref_slice %arg2[%arg0, %dma_start3A_31, %dma_start3A_32] : memref<2x10240x128xf32, #tpu.memory_space<hbm>> -> memref<1x10240x128xf32, #tpu.memory_space<hbm>>
      %dma_start3A_34 = tpu.memref_squeeze %dma_start3A_33 : memref<1x10240x128xf32, #tpu.memory_space<hbm>> -> memref<10240x128xf32, #tpu.memory_space<hbm>>
      %dma_start3A_35 = arith.constant 0 : i32
      %dma_start3A_36 = arith.constant 0 : i32
      %dma_start3A_37 = tpu.memref_slice %dma_start3A_34[%dma_start3A_35, %dma_start3A_36] : memref<10240x128xf32, #tpu.memory_space<hbm>> -> memref<10240x128xf32, #tpu.memory_space<hbm>>
      tpu.enqueue_indirect_dma source(%dma_start3A_37 : memref<10240x128xf32, #tpu.memory_space<hbm>>) target(%arg10 : memref<128x128xf32, #tpu.memory_space<vmem>>) offsets(%dma_start3A_30 : memref<128xi32, #tpu.memory_space<vmem>>) semaphore(%arg12 : memref<!tpu.dma_semaphore, #tpu.memory_space<semaphore_mem>>)
      %scan3A_38 = arith.constant 0 : i32
      %scan3A_39 = arith.constant 0 : i32
      %scan3A_40 = arith.constant 20 : i32
      %scan3A_41 = arith.addi %scan3A_39, %scan3A_40 : i32
      %scan3A_42 = arith.constant 1 : i32
      %scan3A_43 = scf.for %scan3A_46 = %scan3A_39 to %scan3A_41 step %scan3A_42 iter_args(%scan3A_47 = %scan3A_38) -> (i32)  : i32 {
        %mul3A_48 = arith.constant 2 : i32
        %mul3A_49 = arith.muli %scan3A_46, %mul3A_48 : i32
        %add3A_50 = arith.constant 1 : i32
        %add3A_51 = arith.addi %mul3A_49, %add3A_50 : i32
        %dma_start3A_52 = arith.constant 0 : i32
        %dma_start3A_53 = tpu.memref_slice %arg8[%add3A_51, %dma_start3A_52] : memref<40x128xi32, #tpu.memory_space<vmem>> -> memref<1x128xi32, #tpu.memory_space<vmem>>
        %dma_start3A_54 = tpu.memref_squeeze %dma_start3A_53 : memref<1x128xi32, #tpu.memory_space<vmem>> -> memref<128xi32, #tpu.memory_space<vmem>>
        %dma_start3A_55 = arith.constant 0 : i32
        %dma_start3A_56 = arith.constant 0 : i32
        %dma_start3A_57 = tpu.memref_slice %arg2[%arg0, %dma_start3A_55, %dma_start3A_56] : memref<2x10240x128xf32, #tpu.memory_space<hbm>> -> memref<1x10240x128xf32, #tpu.memory_space<hbm>>
        %dma_start3A_58 = tpu.memref_squeeze %dma_start3A_57 : memref<1x10240x128xf32, #tpu.memory_space<hbm>> -> memref<10240x128xf32, #tpu.memory_space<hbm>>
        %dma_start3A_59 = arith.constant 0 : i32
        %dma_start3A_60 = arith.constant 0 : i32
        %dma_start3A_61 = tpu.memref_slice %dma_start3A_58[%dma_start3A_59, %dma_start3A_60] : memref<10240x128xf32, #tpu.memory_space<hbm>> -> memref<10240x128xf32, #tpu.memory_space<hbm>>
        tpu.enqueue_indirect_dma source(%dma_start3A_61 : memref<10240x128xf32, #tpu.memory_space<hbm>>) target(%arg11 : memref<128x128xf32, #tpu.memory_space<vmem>>) offsets(%dma_start3A_54 : memref<128xi32, #tpu.memory_space<vmem>>) semaphore(%arg13 : memref<!tpu.dma_semaphore, #tpu.memory_space<semaphore_mem>>)
        %dma_wait3A = arith.constant 0 : i32
        %dma_wait3A_62 = tpu.memref_slice %arg8[%mul3A_49, %dma_wait3A] : memref<40x128xi32, #tpu.memory_space<vmem>> -> memref<1x128xi32, #tpu.memory_space<vmem>>
        %dma_wait3A_63 = tpu.memref_squeeze %dma_wait3A_62 : memref<1x128xi32, #tpu.memory_space<vmem>> -> memref<128xi32, #tpu.memory_space<vmem>>
        %dma_wait3A_64 = arith.constant 0 : i32
        %dma_wait3A_65 = arith.constant 0 : i32
        %dma_wait3A_66 = tpu.memref_slice %arg2[%arg0, %dma_wait3A_64, %dma_wait3A_65] : memref<2x10240x128xf32, #tpu.memory_space<hbm>> -> memref<1x10240x128xf32, #tpu.memory_space<hbm>>
        %dma_wait3A_67 = tpu.memref_squeeze %dma_wait3A_66 : memref<1x10240x128xf32, #tpu.memory_space<hbm>> -> memref<10240x128xf32, #tpu.memory_space<hbm>>
        %dma_wait3A_68 = arith.constant 0 : i32
        %dma_wait3A_69 = arith.constant 0 : i32
        %dma_wait3A_70 = tpu.memref_slice %dma_wait3A_67[%dma_wait3A_68, %dma_wait3A_69] : memref<10240x128xf32, #tpu.memory_space<hbm>> -> memref<10240x128xf32, #tpu.memory_space<hbm>>
        tpu.wait_indirect_dma semaphore(%arg12 : memref<!tpu.dma_semaphore, #tpu.memory_space<semaphore_mem>>) src(%dma_wait3A_70 : memref<10240x128xf32, #tpu.memory_space<hbm>>) dst(%arg10 : memref<128x128xf32, #tpu.memory_space<vmem>>)
        "tpu.region"() ({
          %run_scoped3A = tpu.sem_alloc : memref<!tpu.dma_semaphore, #tpu.memory_space<semaphore_mem>>
          %dma_start3A_90 = arith.constant 0 : i32
          %dma_start3A_91 = tpu.memref_slice %arg9[%mul3A_49, %dma_start3A_90] : memref<40x128xi32, #tpu.memory_space<vmem>> -> memref<1x128xi32, #tpu.memory_space<vmem>>
          %dma_start3A_92 = tpu.memref_squeeze %dma_start3A_91 : memref<1x128xi32, #tpu.memory_space<vmem>> -> memref<128xi32, #tpu.memory_space<vmem>>
          %dma_start3A_93 = arith.constant 0 : i32
          %dma_start3A_94 = arith.constant 0 : i32
          %dma_start3A_95 = tpu.memref_slice %arg7[%dma_start3A_93, %dma_start3A_94] : memref<10240x128xf32, #tpu.memory_space<vmem_shared>> -> memref<10240x128xf32, #tpu.memory_space<vmem_shared>>
          tpu.enqueue_indirect_dma source(%arg10 : memref<128x128xf32, #tpu.memory_space<vmem>>) target(%dma_start3A_95 : memref<10240x128xf32, #tpu.memory_space<vmem_shared>>) offsets(%dma_start3A_92 : memref<128xi32, #tpu.memory_space<vmem>>) semaphore(%run_scoped3A : memref<!tpu.dma_semaphore, #tpu.memory_space<semaphore_mem>>) {add = true}
          %dma_wait3A_96 = arith.constant 0 : i32
          %dma_wait3A_97 = tpu.memref_slice %arg9[%mul3A_49, %dma_wait3A_96] : memref<40x128xi32, #tpu.memory_space<vmem>> -> memref<1x128xi32, #tpu.memory_space<vmem>>
          %dma_wait3A_98 = tpu.memref_squeeze %dma_wait3A_97 : memref<1x128xi32, #tpu.memory_space<vmem>> -> memref<128xi32, #tpu.memory_space<vmem>>
          %dma_wait3A_99 = arith.constant 0 : i32
          %dma_wait3A_100 = arith.constant 0 : i32
          %dma_wait3A_101 = tpu.memref_slice %arg7[%dma_wait3A_99, %dma_wait3A_100] : memref<10240x128xf32, #tpu.memory_space<vmem_shared>> -> memref<10240x128xf32, #tpu.memory_space<vmem_shared>>
          tpu.wait_indirect_dma semaphore(%run_scoped3A : memref<!tpu.dma_semaphore, #tpu.memory_space<semaphore_mem>>) src(%arg10 : memref<128x128xf32, #tpu.memory_space<vmem>>) dst(%dma_wait3A_101 : memref<10240x128xf32, #tpu.memory_space<vmem_shared>>)
          tpu.yield
        }) : () -> ()
        %add3A_71 = arith.constant 1 : i32
        %add3A_72 = arith.addi %scan3A_46, %add3A_71 : i32
        %lt3A = arith.constant 20 : i32
        %lt3A_73 = arith.cmpi slt, %add3A_72, %lt3A : i32
        %convert_element_type3A = arith.extui %lt3A_73 : i1 to i32
        %cond3A = arith.constant 0 : i32
        %cond3A_74 = arith.cmpi ne, %convert_element_type3A, %cond3A : i32
        scf.if %cond3A_74 {
          %add3A_90 = arith.constant 2 : i32
          %add3A_91 = arith.addi %mul3A_49, %add3A_90 : i32
          %dma_start3A_92 = arith.constant 0 : i32
          %dma_start3A_93 = tpu.memref_slice %arg8[%add3A_91, %dma_start3A_92] : memref<40x128xi32, #tpu.memory_space<vmem>> -> memref<1x128xi32, #tpu.memory_space<vmem>>
          %dma_start3A_94 = tpu.memref_squeeze %dma_start3A_93 : memref<1x128xi32, #tpu.memory_space<vmem>> -> memref<128xi32, #tpu.memory_space<vmem>>
          %dma_start3A_95 = arith.constant 0 : i32
          %dma_start3A_96 = arith.constant 0 : i32
          %dma_start3A_97 = tpu.memref_slice %arg2[%arg0, %dma_start3A_95, %dma_start3A_96] : memref<2x10240x128xf32, #tpu.memory_space<hbm>> -> memref<1x10240x128xf32, #tpu.memory_space<hbm>>
          %dma_start3A_98 = tpu.memref_squeeze %dma_start3A_97 : memref<1x10240x128xf32, #tpu.memory_space<hbm>> -> memref<10240x128xf32, #tpu.memory_space<hbm>>
          %dma_start3A_99 = arith.constant 0 : i32
          %dma_start3A_100 = arith.constant 0 : i32
          %dma_start3A_101 = tpu.memref_slice %dma_start3A_98[%dma_start3A_99, %dma_start3A_100] : memref<10240x128xf32, #tpu.memory_space<hbm>> -> memref<10240x128xf32, #tpu.memory_space<hbm>>
          tpu.enqueue_indirect_dma source(%dma_start3A_101 : memref<10240x128xf32, #tpu.memory_space<hbm>>) target(%arg10 : memref<128x128xf32, #tpu.memory_space<vmem>>) offsets(%dma_start3A_94 : memref<128xi32, #tpu.memory_space<vmem>>) semaphore(%arg12 : memref<!tpu.dma_semaphore, #tpu.memory_space<semaphore_mem>>)
        } else {
        }
        %add3A_75 = arith.constant 1 : i32
        %add3A_76 = arith.addi %mul3A_49, %add3A_75 : i32
        %dma_wait3A_77 = arith.constant 0 : i32
        %dma_wait3A_78 = tpu.memref_slice %arg8[%add3A_76, %dma_wait3A_77] : memref<40x128xi32, #tpu.memory_space<vmem>> -> memref<1x128xi32, #tpu.memory_space<vmem>>
        %dma_wait3A_79 = tpu.memref_squeeze %dma_wait3A_78 : memref<1x128xi32, #tpu.memory_space<vmem>> -> memref<128xi32, #tpu.memory_space<vmem>>
        %dma_wait3A_80 = arith.constant 0 : i32
        %dma_wait3A_81 = arith.constant 0 : i32
        %dma_wait3A_82 = tpu.memref_slice %arg2[%arg0, %dma_wait3A_80, %dma_wait3A_81] : memref<2x10240x128xf32, #tpu.memory_space<hbm>> -> memref<1x10240x128xf32, #tpu.memory_space<hbm>>
        %dma_wait3A_83 = tpu.memref_squeeze %dma_wait3A_82 : memref<1x10240x128xf32, #tpu.memory_space<hbm>> -> memref<10240x128xf32, #tpu.memory_space<hbm>>
        %dma_wait3A_84 = arith.constant 0 : i32
        %dma_wait3A_85 = arith.constant 0 : i32
        %dma_wait3A_86 = tpu.memref_slice %dma_wait3A_83[%dma_wait3A_84, %dma_wait3A_85] : memref<10240x128xf32, #tpu.memory_space<hbm>> -> memref<10240x128xf32, #tpu.memory_space<hbm>>
        tpu.wait_indirect_dma semaphore(%arg13 : memref<!tpu.dma_semaphore, #tpu.memory_space<semaphore_mem>>) src(%dma_wait3A_86 : memref<10240x128xf32, #tpu.memory_space<hbm>>) dst(%arg11 : memref<128x128xf32, #tpu.memory_space<vmem>>)
        %add3A_87 = arith.constant 1 : i32
        %add3A_88 = arith.addi %mul3A_49, %add3A_87 : i32
        "tpu.region"() ({
          %run_scoped3A = tpu.sem_alloc : memref<!tpu.dma_semaphore, #tpu.memory_space<semaphore_mem>>
          %dma_start3A_90 = arith.constant 0 : i32
          %dma_start3A_91 = tpu.memref_slice %arg9[%add3A_88, %dma_start3A_90] : memref<40x128xi32, #tpu.memory_space<vmem>> -> memref<1x128xi32, #tpu.memory_space<vmem>>
          %dma_start3A_92 = tpu.memref_squeeze %dma_start3A_91 : memref<1x128xi32, #tpu.memory_space<vmem>> -> memref<128xi32, #tpu.memory_space<vmem>>
          %dma_start3A_93 = arith.constant 0 : i32
          %dma_start3A_94 = arith.constant 0 : i32
          %dma_start3A_95 = tpu.memref_slice %arg7[%dma_start3A_93, %dma_start3A_94] : memref<10240x128xf32, #tpu.memory_space<vmem_shared>> -> memref<10240x128xf32, #tpu.memory_space<vmem_shared>>
          tpu.enqueue_indirect_dma source(%arg11 : memref<128x128xf32, #tpu.memory_space<vmem>>) target(%dma_start3A_95 : memref<10240x128xf32, #tpu.memory_space<vmem_shared>>) offsets(%dma_start3A_92 : memref<128xi32, #tpu.memory_space<vmem>>) semaphore(%run_scoped3A : memref<!tpu.dma_semaphore, #tpu.memory_space<semaphore_mem>>) {add = true}
          %dma_wait3A_96 = arith.constant 0 : i32
          %dma_wait3A_97 = tpu.memref_slice %arg9[%add3A_88, %dma_wait3A_96] : memref<40x128xi32, #tpu.memory_space<vmem>> -> memref<1x128xi32, #tpu.memory_space<vmem>>
          %dma_wait3A_98 = tpu.memref_squeeze %dma_wait3A_97 : memref<1x128xi32, #tpu.memory_space<vmem>> -> memref<128xi32, #tpu.memory_space<vmem>>
          %dma_wait3A_99 = arith.constant 0 : i32
          %dma_wait3A_100 = arith.constant 0 : i32
          %dma_wait3A_101 = tpu.memref_slice %arg7[%dma_wait3A_99, %dma_wait3A_100] : memref<10240x128xf32, #tpu.memory_space<vmem_shared>> -> memref<10240x128xf32, #tpu.memory_space<vmem_shared>>
          tpu.wait_indirect_dma semaphore(%run_scoped3A : memref<!tpu.dma_semaphore, #tpu.memory_space<semaphore_mem>>) src(%arg11 : memref<128x128xf32, #tpu.memory_space<vmem>>) dst(%dma_wait3A_101 : memref<10240x128xf32, #tpu.memory_space<vmem_shared>>)
          tpu.yield
        }) : () -> ()
        %scan3A_89 = arith.constant 0 : i32
        scf.yield %scan3A_89 : i32
      }
      %scan3A_44 = arith.constant 20 : i32
      %scan3A_45 = arith.constant 0 : i32
      scf.yield %scan3A_45 : i32
    }
    %scan3A_20 = arith.constant 4 : i32
    %barrier3A_21 = arith.constant 0 : index
    tpu.barrier barrier_id(%barrier3A_21)
    "tpu.region"() ({
      %run_scoped3A = tpu.sem_alloc : memref<!tpu.dma_semaphore, #tpu.memory_space<semaphore_mem>>
      %dma_start3A = arith.constant 0 : i32
      %dma_start3A_22 = arith.constant 0 : i32
      %dma_start3A_23 = tpu.memref_slice %arg6[%arg0, %dma_start3A, %dma_start3A_22] : memref<2x10240x128xf32, #tpu.memory_space<hbm>> -> memref<1x10240x128xf32, #tpu.memory_space<hbm>>
      %dma_start3A_24 = tpu.memref_squeeze %dma_start3A_23 : memref<1x10240x128xf32, #tpu.memory_space<hbm>> -> memref<10240x128xf32, #tpu.memory_space<hbm>>
      %dma_start3A_25 = arith.constant 0 : i32
      %dma_start3A_26 = tpu.memref_slice %dma_start3A_24[%mul3A_0, %dma_start3A_25] : memref<10240x128xf32, #tpu.memory_space<hbm>> -> memref<640x128xf32, #tpu.memory_space<hbm>>
      %dma_start3A_27 = arith.constant 0 : i32
      %dma_start3A_28 = tpu.memref_slice %arg7[%mul3A_0, %dma_start3A_27] : memref<10240x128xf32, #tpu.memory_space<vmem_shared>> -> memref<640x128xf32, #tpu.memory_space<vmem_shared>>
      tpu.enqueue_dma source(%dma_start3A_28 : memref<640x128xf32, #tpu.memory_space<vmem_shared>>) target(%dma_start3A_26 : memref<640x128xf32, #tpu.memory_space<hbm>>) target_semaphore(%run_scoped3A : memref<!tpu.dma_semaphore, #tpu.memory_space<semaphore_mem>>)
      %dma_wait3A = arith.constant 0 : i32
      %dma_wait3A_29 = arith.constant 0 : i32
      %dma_wait3A_30 = tpu.memref_slice %arg6[%arg0, %dma_wait3A, %dma_wait3A_29] : memref<2x10240x128xf32, #tpu.memory_space<hbm>> -> memref<1x10240x128xf32, #tpu.memory_space<hbm>>
      %dma_wait3A_31 = tpu.memref_squeeze %dma_wait3A_30 : memref<1x10240x128xf32, #tpu.memory_space<hbm>> -> memref<10240x128xf32, #tpu.memory_space<hbm>>
      %dma_wait3A_32 = arith.constant 0 : i32
      %dma_wait3A_33 = tpu.memref_slice %dma_wait3A_31[%mul3A_0, %dma_wait3A_32] : memref<10240x128xf32, #tpu.memory_space<hbm>> -> memref<640x128xf32, #tpu.memory_space<hbm>>
      %dma_wait3A_34 = arith.constant 0 : i32
      %dma_wait3A_35 = tpu.memref_slice %arg7[%mul3A_0, %dma_wait3A_34] : memref<10240x128xf32, #tpu.memory_space<vmem_shared>> -> memref<640x128xf32, #tpu.memory_space<vmem_shared>>
      tpu.wait_dma2 semaphore(%run_scoped3A : memref<!tpu.dma_semaphore, #tpu.memory_space<semaphore_mem>>) src(%dma_wait3A_35 : memref<640x128xf32, #tpu.memory_space<vmem_shared>>) dst(%dma_wait3A_33 : memref<640x128xf32, #tpu.memory_space<hbm>>)
      tpu.yield
    }) : () -> ()
    return
  }
}

#map = affine_map<(d0, d1) -> (0, 0, 0)>
#map1 = affine_map<(d0, d1) -> (0, 0)>
module attributes {stable_mosaic.version = 14 : i64} {
  func.func @_sc_agg(%arg0: i32, %arg1: i32, %arg2: memref<2x10240x128xf32, #tpu.memory_space<hbm>>, %arg3: memref<2560x128xi32, #tpu.memory_space<hbm>>, %arg4: memref<2560x128xi32, #tpu.memory_space<hbm>>, %arg5: memref<64x128xf32, #tpu.memory_space<hbm>>, %arg6: memref<2x10240x128xf32, #tpu.memory_space<hbm>>, %arg7: memref<10240x128xf32, #tpu.memory_space<vmem_shared>>, %arg8: memref<40x128xi32, #tpu.memory_space<vmem>>, %arg9: memref<40x128xi32, #tpu.memory_space<vmem>>, %arg10: memref<128x128xf32, #tpu.memory_space<vmem>>, %arg11: memref<128x128xf32, #tpu.memory_space<vmem>>, %arg12: memref<!tpu.dma_semaphore, #tpu.memory_space<semaphore_mem>>, %arg13: memref<!tpu.dma_semaphore, #tpu.memory_space<semaphore_mem>>) attributes {dimension_semantics = [#tpu.dimension_semantics<core_parallel>, #tpu.dimension_semantics<subcore_parallel>], iteration_bounds = array<i64: 2, 16>, scalar_prefetch = 0 : i64, scratch_operands = 7 : i64, tpu.core_type = #tpu.core_type<sc_vector_subcore>, window_params = [{transform_indices = #map}, {transform_indices = #map1}, {transform_indices = #map1}, {transform_indices = #map1}, {transform_indices = #map}]} {
    %mul3A = arith.constant 640 : i32
    %mul3A_0 = arith.muli %arg1, %mul3A : i32
    %scan3A = arith.constant 0 : i32
    %scan3A_1 = arith.constant 0 : i32
    %scan3A_2 = arith.constant 10 : i32
    %scan3A_3 = arith.addi %scan3A_1, %scan3A_2 : i32
    %scan3A_4 = arith.constant 1 : i32
    %scan3A_5 = scf.for %scan3A_22 = %scan3A_1 to %scan3A_3 step %scan3A_4 iter_args(%scan3A_23 = %scan3A) -> (i32)  : i32 {
      %mul3A_24 = arith.constant 64 : i32
      %mul3A_25 = arith.muli %scan3A_22, %mul3A_24 : i32
      %add3A = arith.addi %mul3A_0, %mul3A_25 : i32
      %dma_start3A = arith.constant 0 : i32
      %dma_start3A_26 = tpu.memref_slice %arg7[%add3A, %dma_start3A] : memref<10240x128xf32, #tpu.memory_space<vmem_shared>> -> memref<64x128xf32, #tpu.memory_space<vmem_shared>>
      tpu.enqueue_dma source(%arg5 : memref<64x128xf32, #tpu.memory_space<hbm>>) target(%dma_start3A_26 : memref<64x128xf32, #tpu.memory_space<vmem_shared>>) target_semaphore(%arg12 : memref<!tpu.dma_semaphore, #tpu.memory_space<semaphore_mem>>)
      %scan3A_27 = arith.constant 0 : i32
      scf.yield %scan3A_27 : i32
    }
    %scan3A_6 = arith.constant 10 : i32
    %scan3A_7 = arith.constant 0 : i32
    %scan3A_8 = arith.constant 0 : i32
    %scan3A_9 = arith.constant 10 : i32
    %scan3A_10 = arith.addi %scan3A_8, %scan3A_9 : i32
    %scan3A_11 = arith.constant 1 : i32
    %scan3A_12 = scf.for %scan3A_22 = %scan3A_8 to %scan3A_10 step %scan3A_11 iter_args(%scan3A_23 = %scan3A_7) -> (i32)  : i32 {
      %dma_wait3A = arith.constant 0 : i32
      %dma_wait3A_24 = tpu.memref_slice %arg7[%mul3A_0, %dma_wait3A] : memref<10240x128xf32, #tpu.memory_space<vmem_shared>> -> memref<64x128xf32, #tpu.memory_space<vmem_shared>>
      tpu.wait_dma2 semaphore(%arg12 : memref<!tpu.dma_semaphore, #tpu.memory_space<semaphore_mem>>) src(%arg5 : memref<64x128xf32, #tpu.memory_space<hbm>>) dst(%dma_wait3A_24 : memref<64x128xf32, #tpu.memory_space<vmem_shared>>)
      %scan3A_25 = arith.constant 0 : i32
      scf.yield %scan3A_25 : i32
    }
    %scan3A_13 = arith.constant 10 : i32
    %barrier3A = arith.constant 0 : index
    tpu.barrier barrier_id(%barrier3A)
    %scan3A_14 = arith.constant 0 : i32
    %scan3A_15 = arith.constant 0 : i32
    %scan3A_16 = arith.constant 4 : i32
    %scan3A_17 = arith.addi %scan3A_15, %scan3A_16 : i32
    %scan3A_18 = arith.constant 1 : i32
    %scan3A_19 = scf.for %scan3A_22 = %scan3A_15 to %scan3A_17 step %scan3A_18 iter_args(%scan3A_23 = %scan3A_14) -> (i32)  : i32 {
      %mul3A_24 = arith.constant 160 : i32
      %mul3A_25 = arith.muli %arg1, %mul3A_24 : i32
      %mul3A_26 = arith.constant 40 : i32
      %mul3A_27 = arith.muli %scan3A_22, %mul3A_26 : i32
      %add3A = arith.addi %mul3A_25, %mul3A_27 : i32
      "tpu.region"() ({
        %run_scoped3A = tpu.sem_alloc : memref<!tpu.dma_semaphore, #tpu.memory_space<semaphore_mem>>
        %dma_start3A_46 = arith.constant 0 : i32
        %dma_start3A_47 = tpu.memref_slice %arg3[%add3A, %dma_start3A_46] : memref<2560x128xi32, #tpu.memory_space<hbm>> -> memref<40x128xi32, #tpu.memory_space<hbm>>
        %dma_start3A_48 = arith.constant 0 : i32
        %dma_start3A_49 = tpu.memref_slice %arg3[%add3A, %dma_start3A_48] : memref<2560x128xi32, #tpu.memory_space<hbm>> -> memref<40x128xi32, #tpu.memory_space<hbm>>
        tpu.enqueue_dma source(%dma_start3A_49 : memref<40x128xi32, #tpu.memory_space<hbm>>) target(%arg8 : memref<40x128xi32, #tpu.memory_space<vmem>>) target_semaphore(%run_scoped3A : memref<!tpu.dma_semaphore, #tpu.memory_space<semaphore_mem>>)
        %dma_wait3A = arith.constant 0 : i32
        %dma_wait3A_50 = tpu.memref_slice %arg3[%add3A, %dma_wait3A] : memref<2560x128xi32, #tpu.memory_space<hbm>> -> memref<40x128xi32, #tpu.memory_space<hbm>>
        %dma_wait3A_51 = arith.constant 0 : i32
        %dma_wait3A_52 = tpu.memref_slice %arg3[%add3A, %dma_wait3A_51] : memref<2560x128xi32, #tpu.memory_space<hbm>> -> memref<40x128xi32, #tpu.memory_space<hbm>>
        tpu.wait_dma2 semaphore(%run_scoped3A : memref<!tpu.dma_semaphore, #tpu.memory_space<semaphore_mem>>) src(%dma_wait3A_52 : memref<40x128xi32, #tpu.memory_space<hbm>>) dst(%arg8 : memref<40x128xi32, #tpu.memory_space<vmem>>)
        tpu.yield
      }) : () -> ()
      "tpu.region"() ({
        %run_scoped3A = tpu.sem_alloc : memref<!tpu.dma_semaphore, #tpu.memory_space<semaphore_mem>>
        %dma_start3A_46 = arith.constant 0 : i32
        %dma_start3A_47 = tpu.memref_slice %arg4[%add3A, %dma_start3A_46] : memref<2560x128xi32, #tpu.memory_space<hbm>> -> memref<40x128xi32, #tpu.memory_space<hbm>>
        %dma_start3A_48 = arith.constant 0 : i32
        %dma_start3A_49 = tpu.memref_slice %arg4[%add3A, %dma_start3A_48] : memref<2560x128xi32, #tpu.memory_space<hbm>> -> memref<40x128xi32, #tpu.memory_space<hbm>>
        tpu.enqueue_dma source(%dma_start3A_49 : memref<40x128xi32, #tpu.memory_space<hbm>>) target(%arg9 : memref<40x128xi32, #tpu.memory_space<vmem>>) target_semaphore(%run_scoped3A : memref<!tpu.dma_semaphore, #tpu.memory_space<semaphore_mem>>)
        %dma_wait3A = arith.constant 0 : i32
        %dma_wait3A_50 = tpu.memref_slice %arg4[%add3A, %dma_wait3A] : memref<2560x128xi32, #tpu.memory_space<hbm>> -> memref<40x128xi32, #tpu.memory_space<hbm>>
        %dma_wait3A_51 = arith.constant 0 : i32
        %dma_wait3A_52 = tpu.memref_slice %arg4[%add3A, %dma_wait3A_51] : memref<2560x128xi32, #tpu.memory_space<hbm>> -> memref<40x128xi32, #tpu.memory_space<hbm>>
        tpu.wait_dma2 semaphore(%run_scoped3A : memref<!tpu.dma_semaphore, #tpu.memory_space<semaphore_mem>>) src(%dma_wait3A_52 : memref<40x128xi32, #tpu.memory_space<hbm>>) dst(%arg9 : memref<40x128xi32, #tpu.memory_space<vmem>>)
        tpu.yield
      }) : () -> ()
      %dma_start3A = arith.constant 0 : i32
      %dma_start3A_28 = arith.constant 0 : i32
      %dma_start3A_29 = tpu.memref_slice %arg8[%dma_start3A, %dma_start3A_28] : memref<40x128xi32, #tpu.memory_space<vmem>> -> memref<1x128xi32, #tpu.memory_space<vmem>>
      %dma_start3A_30 = tpu.memref_squeeze %dma_start3A_29 : memref<1x128xi32, #tpu.memory_space<vmem>> -> memref<128xi32, #tpu.memory_space<vmem>>
      %dma_start3A_31 = arith.constant 0 : i32
      %dma_start3A_32 = arith.constant 0 : i32
      %dma_start3A_33 = tpu.memref_slice %arg2[%arg0, %dma_start3A_31, %dma_start3A_32] : memref<2x10240x128xf32, #tpu.memory_space<hbm>> -> memref<1x10240x128xf32, #tpu.memory_space<hbm>>
      %dma_start3A_34 = tpu.memref_squeeze %dma_start3A_33 : memref<1x10240x128xf32, #tpu.memory_space<hbm>> -> memref<10240x128xf32, #tpu.memory_space<hbm>>
      %dma_start3A_35 = arith.constant 0 : i32
      %dma_start3A_36 = arith.constant 0 : i32
      %dma_start3A_37 = tpu.memref_slice %dma_start3A_34[%dma_start3A_35, %dma_start3A_36] : memref<10240x128xf32, #tpu.memory_space<hbm>> -> memref<10240x128xf32, #tpu.memory_space<hbm>>
      tpu.enqueue_indirect_dma source(%dma_start3A_37 : memref<10240x128xf32, #tpu.memory_space<hbm>>) target(%arg10 : memref<128x128xf32, #tpu.memory_space<vmem>>) offsets(%dma_start3A_30 : memref<128xi32, #tpu.memory_space<vmem>>) semaphore(%arg12 : memref<!tpu.dma_semaphore, #tpu.memory_space<semaphore_mem>>)
      %scan3A_38 = arith.constant 0 : i32
      %scan3A_39 = arith.constant 0 : i32
      %scan3A_40 = arith.constant 20 : i32
      %scan3A_41 = arith.addi %scan3A_39, %scan3A_40 : i32
      %scan3A_42 = arith.constant 1 : i32
      %scan3A_43 = scf.for %scan3A_46 = %scan3A_39 to %scan3A_41 step %scan3A_42 iter_args(%scan3A_47 = %scan3A_38) -> (i32)  : i32 {
        %mul3A_48 = arith.constant 2 : i32
        %mul3A_49 = arith.muli %scan3A_46, %mul3A_48 : i32
        %add3A_50 = arith.constant 1 : i32
        %add3A_51 = arith.addi %mul3A_49, %add3A_50 : i32
        %dma_start3A_52 = arith.constant 0 : i32
        %dma_start3A_53 = tpu.memref_slice %arg8[%add3A_51, %dma_start3A_52] : memref<40x128xi32, #tpu.memory_space<vmem>> -> memref<1x128xi32, #tpu.memory_space<vmem>>
        %dma_start3A_54 = tpu.memref_squeeze %dma_start3A_53 : memref<1x128xi32, #tpu.memory_space<vmem>> -> memref<128xi32, #tpu.memory_space<vmem>>
        %dma_start3A_55 = arith.constant 0 : i32
        %dma_start3A_56 = arith.constant 0 : i32
        %dma_start3A_57 = tpu.memref_slice %arg2[%arg0, %dma_start3A_55, %dma_start3A_56] : memref<2x10240x128xf32, #tpu.memory_space<hbm>> -> memref<1x10240x128xf32, #tpu.memory_space<hbm>>
        %dma_start3A_58 = tpu.memref_squeeze %dma_start3A_57 : memref<1x10240x128xf32, #tpu.memory_space<hbm>> -> memref<10240x128xf32, #tpu.memory_space<hbm>>
        %dma_start3A_59 = arith.constant 0 : i32
        %dma_start3A_60 = arith.constant 0 : i32
        %dma_start3A_61 = tpu.memref_slice %dma_start3A_58[%dma_start3A_59, %dma_start3A_60] : memref<10240x128xf32, #tpu.memory_space<hbm>> -> memref<10240x128xf32, #tpu.memory_space<hbm>>
        tpu.enqueue_indirect_dma source(%dma_start3A_61 : memref<10240x128xf32, #tpu.memory_space<hbm>>) target(%arg11 : memref<128x128xf32, #tpu.memory_space<vmem>>) offsets(%dma_start3A_54 : memref<128xi32, #tpu.memory_space<vmem>>) semaphore(%arg13 : memref<!tpu.dma_semaphore, #tpu.memory_space<semaphore_mem>>)
        %dma_wait3A = arith.constant 0 : i32
        %dma_wait3A_62 = tpu.memref_slice %arg8[%mul3A_49, %dma_wait3A] : memref<40x128xi32, #tpu.memory_space<vmem>> -> memref<1x128xi32, #tpu.memory_space<vmem>>
        %dma_wait3A_63 = tpu.memref_squeeze %dma_wait3A_62 : memref<1x128xi32, #tpu.memory_space<vmem>> -> memref<128xi32, #tpu.memory_space<vmem>>
        %dma_wait3A_64 = arith.constant 0 : i32
        %dma_wait3A_65 = arith.constant 0 : i32
        %dma_wait3A_66 = tpu.memref_slice %arg2[%arg0, %dma_wait3A_64, %dma_wait3A_65] : memref<2x10240x128xf32, #tpu.memory_space<hbm>> -> memref<1x10240x128xf32, #tpu.memory_space<hbm>>
        %dma_wait3A_67 = tpu.memref_squeeze %dma_wait3A_66 : memref<1x10240x128xf32, #tpu.memory_space<hbm>> -> memref<10240x128xf32, #tpu.memory_space<hbm>>
        %dma_wait3A_68 = arith.constant 0 : i32
        %dma_wait3A_69 = arith.constant 0 : i32
        %dma_wait3A_70 = tpu.memref_slice %dma_wait3A_67[%dma_wait3A_68, %dma_wait3A_69] : memref<10240x128xf32, #tpu.memory_space<hbm>> -> memref<10240x128xf32, #tpu.memory_space<hbm>>
        tpu.wait_indirect_dma semaphore(%arg12 : memref<!tpu.dma_semaphore, #tpu.memory_space<semaphore_mem>>) src(%dma_wait3A_70 : memref<10240x128xf32, #tpu.memory_space<hbm>>) dst(%arg10 : memref<128x128xf32, #tpu.memory_space<vmem>>)
        "tpu.region"() ({
          %run_scoped3A = tpu.sem_alloc : memref<!tpu.dma_semaphore, #tpu.memory_space<semaphore_mem>>
          %dma_start3A_90 = arith.constant 0 : i32
          %dma_start3A_91 = tpu.memref_slice %arg9[%mul3A_49, %dma_start3A_90] : memref<40x128xi32, #tpu.memory_space<vmem>> -> memref<1x128xi32, #tpu.memory_space<vmem>>
          %dma_start3A_92 = tpu.memref_squeeze %dma_start3A_91 : memref<1x128xi32, #tpu.memory_space<vmem>> -> memref<128xi32, #tpu.memory_space<vmem>>
          %dma_start3A_93 = arith.constant 0 : i32
          %dma_start3A_94 = arith.constant 0 : i32
          %dma_start3A_95 = tpu.memref_slice %arg7[%dma_start3A_93, %dma_start3A_94] : memref<10240x128xf32, #tpu.memory_space<vmem_shared>> -> memref<10240x128xf32, #tpu.memory_space<vmem_shared>>
          tpu.enqueue_indirect_dma source(%arg10 : memref<128x128xf32, #tpu.memory_space<vmem>>) target(%dma_start3A_95 : memref<10240x128xf32, #tpu.memory_space<vmem_shared>>) offsets(%dma_start3A_92 : memref<128xi32, #tpu.memory_space<vmem>>) semaphore(%run_scoped3A : memref<!tpu.dma_semaphore, #tpu.memory_space<semaphore_mem>>) {add = true}
          %dma_wait3A_96 = arith.constant 0 : i32
          %dma_wait3A_97 = tpu.memref_slice %arg9[%mul3A_49, %dma_wait3A_96] : memref<40x128xi32, #tpu.memory_space<vmem>> -> memref<1x128xi32, #tpu.memory_space<vmem>>
          %dma_wait3A_98 = tpu.memref_squeeze %dma_wait3A_97 : memref<1x128xi32, #tpu.memory_space<vmem>> -> memref<128xi32, #tpu.memory_space<vmem>>
          %dma_wait3A_99 = arith.constant 0 : i32
          %dma_wait3A_100 = arith.constant 0 : i32
          %dma_wait3A_101 = tpu.memref_slice %arg7[%dma_wait3A_99, %dma_wait3A_100] : memref<10240x128xf32, #tpu.memory_space<vmem_shared>> -> memref<10240x128xf32, #tpu.memory_space<vmem_shared>>
          tpu.wait_indirect_dma semaphore(%run_scoped3A : memref<!tpu.dma_semaphore, #tpu.memory_space<semaphore_mem>>) src(%arg10 : memref<128x128xf32, #tpu.memory_space<vmem>>) dst(%dma_wait3A_101 : memref<10240x128xf32, #tpu.memory_space<vmem_shared>>)
          tpu.yield
        }) : () -> ()
        %add3A_71 = arith.constant 1 : i32
        %add3A_72 = arith.addi %scan3A_46, %add3A_71 : i32
        %lt3A = arith.constant 20 : i32
        %lt3A_73 = arith.cmpi slt, %add3A_72, %lt3A : i32
        %convert_element_type3A = arith.extui %lt3A_73 : i1 to i32
        %cond3A = arith.constant 0 : i32
        %cond3A_74 = arith.cmpi ne, %convert_element_type3A, %cond3A : i32
        scf.if %cond3A_74 {
          %add3A_90 = arith.constant 2 : i32
          %add3A_91 = arith.addi %mul3A_49, %add3A_90 : i32
          %dma_start3A_92 = arith.constant 0 : i32
          %dma_start3A_93 = tpu.memref_slice %arg8[%add3A_91, %dma_start3A_92] : memref<40x128xi32, #tpu.memory_space<vmem>> -> memref<1x128xi32, #tpu.memory_space<vmem>>
          %dma_start3A_94 = tpu.memref_squeeze %dma_start3A_93 : memref<1x128xi32, #tpu.memory_space<vmem>> -> memref<128xi32, #tpu.memory_space<vmem>>
          %dma_start3A_95 = arith.constant 0 : i32
          %dma_start3A_96 = arith.constant 0 : i32
          %dma_start3A_97 = tpu.memref_slice %arg2[%arg0, %dma_start3A_95, %dma_start3A_96] : memref<2x10240x128xf32, #tpu.memory_space<hbm>> -> memref<1x10240x128xf32, #tpu.memory_space<hbm>>
          %dma_start3A_98 = tpu.memref_squeeze %dma_start3A_97 : memref<1x10240x128xf32, #tpu.memory_space<hbm>> -> memref<10240x128xf32, #tpu.memory_space<hbm>>
          %dma_start3A_99 = arith.constant 0 : i32
          %dma_start3A_100 = arith.constant 0 : i32
          %dma_start3A_101 = tpu.memref_slice %dma_start3A_98[%dma_start3A_99, %dma_start3A_100] : memref<10240x128xf32, #tpu.memory_space<hbm>> -> memref<10240x128xf32, #tpu.memory_space<hbm>>
          tpu.enqueue_indirect_dma source(%dma_start3A_101 : memref<10240x128xf32, #tpu.memory_space<hbm>>) target(%arg10 : memref<128x128xf32, #tpu.memory_space<vmem>>) offsets(%dma_start3A_94 : memref<128xi32, #tpu.memory_space<vmem>>) semaphore(%arg12 : memref<!tpu.dma_semaphore, #tpu.memory_space<semaphore_mem>>)
        } else {
        }
        %add3A_75 = arith.constant 1 : i32
        %add3A_76 = arith.addi %mul3A_49, %add3A_75 : i32
        %dma_wait3A_77 = arith.constant 0 : i32
        %dma_wait3A_78 = tpu.memref_slice %arg8[%add3A_76, %dma_wait3A_77] : memref<40x128xi32, #tpu.memory_space<vmem>> -> memref<1x128xi32, #tpu.memory_space<vmem>>
        %dma_wait3A_79 = tpu.memref_squeeze %dma_wait3A_78 : memref<1x128xi32, #tpu.memory_space<vmem>> -> memref<128xi32, #tpu.memory_space<vmem>>
        %dma_wait3A_80 = arith.constant 0 : i32
        %dma_wait3A_81 = arith.constant 0 : i32
        %dma_wait3A_82 = tpu.memref_slice %arg2[%arg0, %dma_wait3A_80, %dma_wait3A_81] : memref<2x10240x128xf32, #tpu.memory_space<hbm>> -> memref<1x10240x128xf32, #tpu.memory_space<hbm>>
        %dma_wait3A_83 = tpu.memref_squeeze %dma_wait3A_82 : memref<1x10240x128xf32, #tpu.memory_space<hbm>> -> memref<10240x128xf32, #tpu.memory_space<hbm>>
        %dma_wait3A_84 = arith.constant 0 : i32
        %dma_wait3A_85 = arith.constant 0 : i32
        %dma_wait3A_86 = tpu.memref_slice %dma_wait3A_83[%dma_wait3A_84, %dma_wait3A_85] : memref<10240x128xf32, #tpu.memory_space<hbm>> -> memref<10240x128xf32, #tpu.memory_space<hbm>>
        tpu.wait_indirect_dma semaphore(%arg13 : memref<!tpu.dma_semaphore, #tpu.memory_space<semaphore_mem>>) src(%dma_wait3A_86 : memref<10240x128xf32, #tpu.memory_space<hbm>>) dst(%arg11 : memref<128x128xf32, #tpu.memory_space<vmem>>)
        %add3A_87 = arith.constant 1 : i32
        %add3A_88 = arith.addi %mul3A_49, %add3A_87 : i32
        "tpu.region"() ({
          %run_scoped3A = tpu.sem_alloc : memref<!tpu.dma_semaphore, #tpu.memory_space<semaphore_mem>>
          %dma_start3A_90 = arith.constant 0 : i32
          %dma_start3A_91 = tpu.memref_slice %arg9[%add3A_88, %dma_start3A_90] : memref<40x128xi32, #tpu.memory_space<vmem>> -> memref<1x128xi32, #tpu.memory_space<vmem>>
          %dma_start3A_92 = tpu.memref_squeeze %dma_start3A_91 : memref<1x128xi32, #tpu.memory_space<vmem>> -> memref<128xi32, #tpu.memory_space<vmem>>
          %dma_start3A_93 = arith.constant 0 : i32
          %dma_start3A_94 = arith.constant 0 : i32
          %dma_start3A_95 = tpu.memref_slice %arg7[%dma_start3A_93, %dma_start3A_94] : memref<10240x128xf32, #tpu.memory_space<vmem_shared>> -> memref<10240x128xf32, #tpu.memory_space<vmem_shared>>
          tpu.enqueue_indirect_dma source(%arg11 : memref<128x128xf32, #tpu.memory_space<vmem>>) target(%dma_start3A_95 : memref<10240x128xf32, #tpu.memory_space<vmem_shared>>) offsets(%dma_start3A_92 : memref<128xi32, #tpu.memory_space<vmem>>) semaphore(%run_scoped3A : memref<!tpu.dma_semaphore, #tpu.memory_space<semaphore_mem>>) {add = true}
          %dma_wait3A_96 = arith.constant 0 : i32
          %dma_wait3A_97 = tpu.memref_slice %arg9[%add3A_88, %dma_wait3A_96] : memref<40x128xi32, #tpu.memory_space<vmem>> -> memref<1x128xi32, #tpu.memory_space<vmem>>
          %dma_wait3A_98 = tpu.memref_squeeze %dma_wait3A_97 : memref<1x128xi32, #tpu.memory_space<vmem>> -> memref<128xi32, #tpu.memory_space<vmem>>
          %dma_wait3A_99 = arith.constant 0 : i32
          %dma_wait3A_100 = arith.constant 0 : i32
          %dma_wait3A_101 = tpu.memref_slice %arg7[%dma_wait3A_99, %dma_wait3A_100] : memref<10240x128xf32, #tpu.memory_space<vmem_shared>> -> memref<10240x128xf32, #tpu.memory_space<vmem_shared>>
          tpu.wait_indirect_dma semaphore(%run_scoped3A : memref<!tpu.dma_semaphore, #tpu.memory_space<semaphore_mem>>) src(%arg11 : memref<128x128xf32, #tpu.memory_space<vmem>>) dst(%dma_wait3A_101 : memref<10240x128xf32, #tpu.memory_space<vmem_shared>>)
          tpu.yield
        }) : () -> ()
        %scan3A_89 = arith.constant 0 : i32
        scf.yield %scan3A_89 : i32
      }
      %scan3A_44 = arith.constant 20 : i32
      %scan3A_45 = arith.constant 0 : i32
      scf.yield %scan3A_45 : i32
    }
    %scan3A_20 = arith.constant 4 : i32
    %barrier3A_21 = arith.constant 0 : index
    tpu.barrier barrier_id(%barrier3A_21)
    "tpu.region"() ({
      %run_scoped3A = tpu.sem_alloc : memref<!tpu.dma_semaphore, #tpu.memory_space<semaphore_mem>>
      %dma_start3A = arith.constant 0 : i32
      %dma_start3A_22 = arith.constant 0 : i32
      %dma_start3A_23 = tpu.memref_slice %arg6[%arg0, %dma_start3A, %dma_start3A_22] : memref<2x10240x128xf32, #tpu.memory_space<hbm>> -> memref<1x10240x128xf32, #tpu.memory_space<hbm>>
      %dma_start3A_24 = tpu.memref_squeeze %dma_start3A_23 : memref<1x10240x128xf32, #tpu.memory_space<hbm>> -> memref<10240x128xf32, #tpu.memory_space<hbm>>
      %dma_start3A_25 = arith.constant 0 : i32
      %dma_start3A_26 = tpu.memref_slice %dma_start3A_24[%mul3A_0, %dma_start3A_25] : memref<10240x128xf32, #tpu.memory_space<hbm>> -> memref<640x128xf32, #tpu.memory_space<hbm>>
      %dma_start3A_27 = arith.constant 0 : i32
      %dma_start3A_28 = tpu.memref_slice %arg7[%mul3A_0, %dma_start3A_27] : memref<10240x128xf32, #tpu.memory_space<vmem_shared>> -> memref<640x128xf32, #tpu.memory_space<vmem_shared>>
      tpu.enqueue_dma source(%dma_start3A_28 : memref<640x128xf32, #tpu.memory_space<vmem_shared>>) target(%dma_start3A_26 : memref<640x128xf32, #tpu.memory_space<hbm>>) target_semaphore(%run_scoped3A : memref<!tpu.dma_semaphore, #tpu.memory_space<semaphore_mem>>)
      %dma_wait3A = arith.constant 0 : i32
      %dma_wait3A_29 = arith.constant 0 : i32
      %dma_wait3A_30 = tpu.memref_slice %arg6[%arg0, %dma_wait3A, %dma_wait3A_29] : memref<2x10240x128xf32, #tpu.memory_space<hbm>> -> memref<1x10240x128xf32, #tpu.memory_space<hbm>>
      %dma_wait3A_31 = tpu.memref_squeeze %dma_wait3A_30 : memref<1x10240x128xf32, #tpu.memory_space<hbm>> -> memref<10240x128xf32, #tpu.memory_space<hbm>>
      %dma_wait3A_32 = arith.constant 0 : i32
      %dma_wait3A_33 = tpu.memref_slice %dma_wait3A_31[%mul3A_0, %dma_wait3A_32] : memref<10240x128xf32, #tpu.memory_space<hbm>> -> memref<640x128xf32, #tpu.memory_space<hbm>>
      %dma_wait3A_34 = arith.constant 0 : i32
      %dma_wait3A_35 = tpu.memref_slice %arg7[%mul3A_0, %dma_wait3A_34] : memref<10240x128xf32, #tpu.memory_space<vmem_shared>> -> memref<640x128xf32, #tpu.memory_space<vmem_shared>>
      tpu.wait_dma2 semaphore(%run_scoped3A : memref<!tpu.dma_semaphore, #tpu.memory_space<semaphore_mem>>) src(%dma_wait3A_35 : memref<640x128xf32, #tpu.memory_space<vmem_shared>>) dst(%dma_wait3A_33 : memref<640x128xf32, #tpu.memory_space<hbm>>)
      tpu.yield
    }) : () -> ()
    return
  }
}

#map = affine_map<(d0, d1) -> (0, 0, 0)>
#map1 = affine_map<(d0, d1) -> (0, 0)>
module attributes {stable_mosaic.version = 14 : i64} {
  func.func @_sc_agg(%arg0: i32, %arg1: i32, %arg2: memref<2x10240x128xf32, #tpu.memory_space<hbm>>, %arg3: memref<2560x128xi32, #tpu.memory_space<hbm>>, %arg4: memref<2560x128xi32, #tpu.memory_space<hbm>>, %arg5: memref<64x128xf32, #tpu.memory_space<hbm>>, %arg6: memref<2x10240x128xf32, #tpu.memory_space<hbm>>, %arg7: memref<10240x128xf32, #tpu.memory_space<vmem_shared>>, %arg8: memref<40x128xi32, #tpu.memory_space<vmem>>, %arg9: memref<40x128xi32, #tpu.memory_space<vmem>>, %arg10: memref<128x128xf32, #tpu.memory_space<vmem>>, %arg11: memref<128x128xf32, #tpu.memory_space<vmem>>, %arg12: memref<!tpu.dma_semaphore, #tpu.memory_space<semaphore_mem>>, %arg13: memref<!tpu.dma_semaphore, #tpu.memory_space<semaphore_mem>>) attributes {dimension_semantics = [#tpu.dimension_semantics<core_parallel>, #tpu.dimension_semantics<subcore_parallel>], iteration_bounds = array<i64: 2, 16>, scalar_prefetch = 0 : i64, scratch_operands = 7 : i64, tpu.core_type = #tpu.core_type<sc_vector_subcore>, window_params = [{transform_indices = #map}, {transform_indices = #map1}, {transform_indices = #map1}, {transform_indices = #map1}, {transform_indices = #map}]} {
    %mul3A = arith.constant 640 : i32
    %mul3A_0 = arith.muli %arg1, %mul3A : i32
    %scan3A = arith.constant 0 : i32
    %scan3A_1 = arith.constant 0 : i32
    %scan3A_2 = arith.constant 10 : i32
    %scan3A_3 = arith.addi %scan3A_1, %scan3A_2 : i32
    %scan3A_4 = arith.constant 1 : i32
    %scan3A_5 = scf.for %scan3A_22 = %scan3A_1 to %scan3A_3 step %scan3A_4 iter_args(%scan3A_23 = %scan3A) -> (i32)  : i32 {
      %mul3A_24 = arith.constant 64 : i32
      %mul3A_25 = arith.muli %scan3A_22, %mul3A_24 : i32
      %add3A = arith.addi %mul3A_0, %mul3A_25 : i32
      %dma_start3A = arith.constant 0 : i32
      %dma_start3A_26 = tpu.memref_slice %arg7[%add3A, %dma_start3A] : memref<10240x128xf32, #tpu.memory_space<vmem_shared>> -> memref<64x128xf32, #tpu.memory_space<vmem_shared>>
      tpu.enqueue_dma source(%arg5 : memref<64x128xf32, #tpu.memory_space<hbm>>) target(%dma_start3A_26 : memref<64x128xf32, #tpu.memory_space<vmem_shared>>) target_semaphore(%arg12 : memref<!tpu.dma_semaphore, #tpu.memory_space<semaphore_mem>>)
      %scan3A_27 = arith.constant 0 : i32
      scf.yield %scan3A_27 : i32
    }
    %scan3A_6 = arith.constant 10 : i32
    %scan3A_7 = arith.constant 0 : i32
    %scan3A_8 = arith.constant 0 : i32
    %scan3A_9 = arith.constant 10 : i32
    %scan3A_10 = arith.addi %scan3A_8, %scan3A_9 : i32
    %scan3A_11 = arith.constant 1 : i32
    %scan3A_12 = scf.for %scan3A_22 = %scan3A_8 to %scan3A_10 step %scan3A_11 iter_args(%scan3A_23 = %scan3A_7) -> (i32)  : i32 {
      %dma_wait3A = arith.constant 0 : i32
      %dma_wait3A_24 = tpu.memref_slice %arg7[%mul3A_0, %dma_wait3A] : memref<10240x128xf32, #tpu.memory_space<vmem_shared>> -> memref<64x128xf32, #tpu.memory_space<vmem_shared>>
      tpu.wait_dma2 semaphore(%arg12 : memref<!tpu.dma_semaphore, #tpu.memory_space<semaphore_mem>>) src(%arg5 : memref<64x128xf32, #tpu.memory_space<hbm>>) dst(%dma_wait3A_24 : memref<64x128xf32, #tpu.memory_space<vmem_shared>>)
      %scan3A_25 = arith.constant 0 : i32
      scf.yield %scan3A_25 : i32
    }
    %scan3A_13 = arith.constant 10 : i32
    %barrier3A = arith.constant 0 : index
    tpu.barrier barrier_id(%barrier3A)
    %scan3A_14 = arith.constant 0 : i32
    %scan3A_15 = arith.constant 0 : i32
    %scan3A_16 = arith.constant 4 : i32
    %scan3A_17 = arith.addi %scan3A_15, %scan3A_16 : i32
    %scan3A_18 = arith.constant 1 : i32
    %scan3A_19 = scf.for %scan3A_22 = %scan3A_15 to %scan3A_17 step %scan3A_18 iter_args(%scan3A_23 = %scan3A_14) -> (i32)  : i32 {
      %mul3A_24 = arith.constant 160 : i32
      %mul3A_25 = arith.muli %arg1, %mul3A_24 : i32
      %mul3A_26 = arith.constant 40 : i32
      %mul3A_27 = arith.muli %scan3A_22, %mul3A_26 : i32
      %add3A = arith.addi %mul3A_25, %mul3A_27 : i32
      "tpu.region"() ({
        %run_scoped3A = tpu.sem_alloc : memref<!tpu.dma_semaphore, #tpu.memory_space<semaphore_mem>>
        %dma_start3A_46 = arith.constant 0 : i32
        %dma_start3A_47 = tpu.memref_slice %arg3[%add3A, %dma_start3A_46] : memref<2560x128xi32, #tpu.memory_space<hbm>> -> memref<40x128xi32, #tpu.memory_space<hbm>>
        %dma_start3A_48 = arith.constant 0 : i32
        %dma_start3A_49 = tpu.memref_slice %arg3[%add3A, %dma_start3A_48] : memref<2560x128xi32, #tpu.memory_space<hbm>> -> memref<40x128xi32, #tpu.memory_space<hbm>>
        tpu.enqueue_dma source(%dma_start3A_49 : memref<40x128xi32, #tpu.memory_space<hbm>>) target(%arg8 : memref<40x128xi32, #tpu.memory_space<vmem>>) target_semaphore(%run_scoped3A : memref<!tpu.dma_semaphore, #tpu.memory_space<semaphore_mem>>)
        %dma_wait3A = arith.constant 0 : i32
        %dma_wait3A_50 = tpu.memref_slice %arg3[%add3A, %dma_wait3A] : memref<2560x128xi32, #tpu.memory_space<hbm>> -> memref<40x128xi32, #tpu.memory_space<hbm>>
        %dma_wait3A_51 = arith.constant 0 : i32
        %dma_wait3A_52 = tpu.memref_slice %arg3[%add3A, %dma_wait3A_51] : memref<2560x128xi32, #tpu.memory_space<hbm>> -> memref<40x128xi32, #tpu.memory_space<hbm>>
        tpu.wait_dma2 semaphore(%run_scoped3A : memref<!tpu.dma_semaphore, #tpu.memory_space<semaphore_mem>>) src(%dma_wait3A_52 : memref<40x128xi32, #tpu.memory_space<hbm>>) dst(%arg8 : memref<40x128xi32, #tpu.memory_space<vmem>>)
        tpu.yield
      }) : () -> ()
      "tpu.region"() ({
        %run_scoped3A = tpu.sem_alloc : memref<!tpu.dma_semaphore, #tpu.memory_space<semaphore_mem>>
        %dma_start3A_46 = arith.constant 0 : i32
        %dma_start3A_47 = tpu.memref_slice %arg4[%add3A, %dma_start3A_46] : memref<2560x128xi32, #tpu.memory_space<hbm>> -> memref<40x128xi32, #tpu.memory_space<hbm>>
        %dma_start3A_48 = arith.constant 0 : i32
        %dma_start3A_49 = tpu.memref_slice %arg4[%add3A, %dma_start3A_48] : memref<2560x128xi32, #tpu.memory_space<hbm>> -> memref<40x128xi32, #tpu.memory_space<hbm>>
        tpu.enqueue_dma source(%dma_start3A_49 : memref<40x128xi32, #tpu.memory_space<hbm>>) target(%arg9 : memref<40x128xi32, #tpu.memory_space<vmem>>) target_semaphore(%run_scoped3A : memref<!tpu.dma_semaphore, #tpu.memory_space<semaphore_mem>>)
        %dma_wait3A = arith.constant 0 : i32
        %dma_wait3A_50 = tpu.memref_slice %arg4[%add3A, %dma_wait3A] : memref<2560x128xi32, #tpu.memory_space<hbm>> -> memref<40x128xi32, #tpu.memory_space<hbm>>
        %dma_wait3A_51 = arith.constant 0 : i32
        %dma_wait3A_52 = tpu.memref_slice %arg4[%add3A, %dma_wait3A_51] : memref<2560x128xi32, #tpu.memory_space<hbm>> -> memref<40x128xi32, #tpu.memory_space<hbm>>
        tpu.wait_dma2 semaphore(%run_scoped3A : memref<!tpu.dma_semaphore, #tpu.memory_space<semaphore_mem>>) src(%dma_wait3A_52 : memref<40x128xi32, #tpu.memory_space<hbm>>) dst(%arg9 : memref<40x128xi32, #tpu.memory_space<vmem>>)
        tpu.yield
      }) : () -> ()
      %dma_start3A = arith.constant 0 : i32
      %dma_start3A_28 = arith.constant 0 : i32
      %dma_start3A_29 = tpu.memref_slice %arg8[%dma_start3A, %dma_start3A_28] : memref<40x128xi32, #tpu.memory_space<vmem>> -> memref<1x128xi32, #tpu.memory_space<vmem>>
      %dma_start3A_30 = tpu.memref_squeeze %dma_start3A_29 : memref<1x128xi32, #tpu.memory_space<vmem>> -> memref<128xi32, #tpu.memory_space<vmem>>
      %dma_start3A_31 = arith.constant 0 : i32
      %dma_start3A_32 = arith.constant 0 : i32
      %dma_start3A_33 = tpu.memref_slice %arg2[%arg0, %dma_start3A_31, %dma_start3A_32] : memref<2x10240x128xf32, #tpu.memory_space<hbm>> -> memref<1x10240x128xf32, #tpu.memory_space<hbm>>
      %dma_start3A_34 = tpu.memref_squeeze %dma_start3A_33 : memref<1x10240x128xf32, #tpu.memory_space<hbm>> -> memref<10240x128xf32, #tpu.memory_space<hbm>>
      %dma_start3A_35 = arith.constant 0 : i32
      %dma_start3A_36 = arith.constant 0 : i32
      %dma_start3A_37 = tpu.memref_slice %dma_start3A_34[%dma_start3A_35, %dma_start3A_36] : memref<10240x128xf32, #tpu.memory_space<hbm>> -> memref<10240x128xf32, #tpu.memory_space<hbm>>
      tpu.enqueue_indirect_dma source(%dma_start3A_37 : memref<10240x128xf32, #tpu.memory_space<hbm>>) target(%arg10 : memref<128x128xf32, #tpu.memory_space<vmem>>) offsets(%dma_start3A_30 : memref<128xi32, #tpu.memory_space<vmem>>) semaphore(%arg12 : memref<!tpu.dma_semaphore, #tpu.memory_space<semaphore_mem>>)
      %scan3A_38 = arith.constant 0 : i32
      %scan3A_39 = arith.constant 0 : i32
      %scan3A_40 = arith.constant 20 : i32
      %scan3A_41 = arith.addi %scan3A_39, %scan3A_40 : i32
      %scan3A_42 = arith.constant 1 : i32
      %scan3A_43 = scf.for %scan3A_46 = %scan3A_39 to %scan3A_41 step %scan3A_42 iter_args(%scan3A_47 = %scan3A_38) -> (i32)  : i32 {
        %mul3A_48 = arith.constant 2 : i32
        %mul3A_49 = arith.muli %scan3A_46, %mul3A_48 : i32
        %add3A_50 = arith.constant 1 : i32
        %add3A_51 = arith.addi %mul3A_49, %add3A_50 : i32
        %dma_start3A_52 = arith.constant 0 : i32
        %dma_start3A_53 = tpu.memref_slice %arg8[%add3A_51, %dma_start3A_52] : memref<40x128xi32, #tpu.memory_space<vmem>> -> memref<1x128xi32, #tpu.memory_space<vmem>>
        %dma_start3A_54 = tpu.memref_squeeze %dma_start3A_53 : memref<1x128xi32, #tpu.memory_space<vmem>> -> memref<128xi32, #tpu.memory_space<vmem>>
        %dma_start3A_55 = arith.constant 0 : i32
        %dma_start3A_56 = arith.constant 0 : i32
        %dma_start3A_57 = tpu.memref_slice %arg2[%arg0, %dma_start3A_55, %dma_start3A_56] : memref<2x10240x128xf32, #tpu.memory_space<hbm>> -> memref<1x10240x128xf32, #tpu.memory_space<hbm>>
        %dma_start3A_58 = tpu.memref_squeeze %dma_start3A_57 : memref<1x10240x128xf32, #tpu.memory_space<hbm>> -> memref<10240x128xf32, #tpu.memory_space<hbm>>
        %dma_start3A_59 = arith.constant 0 : i32
        %dma_start3A_60 = arith.constant 0 : i32
        %dma_start3A_61 = tpu.memref_slice %dma_start3A_58[%dma_start3A_59, %dma_start3A_60] : memref<10240x128xf32, #tpu.memory_space<hbm>> -> memref<10240x128xf32, #tpu.memory_space<hbm>>
        tpu.enqueue_indirect_dma source(%dma_start3A_61 : memref<10240x128xf32, #tpu.memory_space<hbm>>) target(%arg11 : memref<128x128xf32, #tpu.memory_space<vmem>>) offsets(%dma_start3A_54 : memref<128xi32, #tpu.memory_space<vmem>>) semaphore(%arg13 : memref<!tpu.dma_semaphore, #tpu.memory_space<semaphore_mem>>)
        %dma_wait3A = arith.constant 0 : i32
        %dma_wait3A_62 = tpu.memref_slice %arg8[%mul3A_49, %dma_wait3A] : memref<40x128xi32, #tpu.memory_space<vmem>> -> memref<1x128xi32, #tpu.memory_space<vmem>>
        %dma_wait3A_63 = tpu.memref_squeeze %dma_wait3A_62 : memref<1x128xi32, #tpu.memory_space<vmem>> -> memref<128xi32, #tpu.memory_space<vmem>>
        %dma_wait3A_64 = arith.constant 0 : i32
        %dma_wait3A_65 = arith.constant 0 : i32
        %dma_wait3A_66 = tpu.memref_slice %arg2[%arg0, %dma_wait3A_64, %dma_wait3A_65] : memref<2x10240x128xf32, #tpu.memory_space<hbm>> -> memref<1x10240x128xf32, #tpu.memory_space<hbm>>
        %dma_wait3A_67 = tpu.memref_squeeze %dma_wait3A_66 : memref<1x10240x128xf32, #tpu.memory_space<hbm>> -> memref<10240x128xf32, #tpu.memory_space<hbm>>
        %dma_wait3A_68 = arith.constant 0 : i32
        %dma_wait3A_69 = arith.constant 0 : i32
        %dma_wait3A_70 = tpu.memref_slice %dma_wait3A_67[%dma_wait3A_68, %dma_wait3A_69] : memref<10240x128xf32, #tpu.memory_space<hbm>> -> memref<10240x128xf32, #tpu.memory_space<hbm>>
        tpu.wait_indirect_dma semaphore(%arg12 : memref<!tpu.dma_semaphore, #tpu.memory_space<semaphore_mem>>) src(%dma_wait3A_70 : memref<10240x128xf32, #tpu.memory_space<hbm>>) dst(%arg10 : memref<128x128xf32, #tpu.memory_space<vmem>>)
        "tpu.region"() ({
          %run_scoped3A = tpu.sem_alloc : memref<!tpu.dma_semaphore, #tpu.memory_space<semaphore_mem>>
          %dma_start3A_90 = arith.constant 0 : i32
          %dma_start3A_91 = tpu.memref_slice %arg9[%mul3A_49, %dma_start3A_90] : memref<40x128xi32, #tpu.memory_space<vmem>> -> memref<1x128xi32, #tpu.memory_space<vmem>>
          %dma_start3A_92 = tpu.memref_squeeze %dma_start3A_91 : memref<1x128xi32, #tpu.memory_space<vmem>> -> memref<128xi32, #tpu.memory_space<vmem>>
          %dma_start3A_93 = arith.constant 0 : i32
          %dma_start3A_94 = arith.constant 0 : i32
          %dma_start3A_95 = tpu.memref_slice %arg7[%dma_start3A_93, %dma_start3A_94] : memref<10240x128xf32, #tpu.memory_space<vmem_shared>> -> memref<10240x128xf32, #tpu.memory_space<vmem_shared>>
          tpu.enqueue_indirect_dma source(%arg10 : memref<128x128xf32, #tpu.memory_space<vmem>>) target(%dma_start3A_95 : memref<10240x128xf32, #tpu.memory_space<vmem_shared>>) offsets(%dma_start3A_92 : memref<128xi32, #tpu.memory_space<vmem>>) semaphore(%run_scoped3A : memref<!tpu.dma_semaphore, #tpu.memory_space<semaphore_mem>>) {add = true}
          %dma_wait3A_96 = arith.constant 0 : i32
          %dma_wait3A_97 = tpu.memref_slice %arg9[%mul3A_49, %dma_wait3A_96] : memref<40x128xi32, #tpu.memory_space<vmem>> -> memref<1x128xi32, #tpu.memory_space<vmem>>
          %dma_wait3A_98 = tpu.memref_squeeze %dma_wait3A_97 : memref<1x128xi32, #tpu.memory_space<vmem>> -> memref<128xi32, #tpu.memory_space<vmem>>
          %dma_wait3A_99 = arith.constant 0 : i32
          %dma_wait3A_100 = arith.constant 0 : i32
          %dma_wait3A_101 = tpu.memref_slice %arg7[%dma_wait3A_99, %dma_wait3A_100] : memref<10240x128xf32, #tpu.memory_space<vmem_shared>> -> memref<10240x128xf32, #tpu.memory_space<vmem_shared>>
          tpu.wait_indirect_dma semaphore(%run_scoped3A : memref<!tpu.dma_semaphore, #tpu.memory_space<semaphore_mem>>) src(%arg10 : memref<128x128xf32, #tpu.memory_space<vmem>>) dst(%dma_wait3A_101 : memref<10240x128xf32, #tpu.memory_space<vmem_shared>>)
          tpu.yield
        }) : () -> ()
        %add3A_71 = arith.constant 1 : i32
        %add3A_72 = arith.addi %scan3A_46, %add3A_71 : i32
        %lt3A = arith.constant 20 : i32
        %lt3A_73 = arith.cmpi slt, %add3A_72, %lt3A : i32
        %convert_element_type3A = arith.extui %lt3A_73 : i1 to i32
        %cond3A = arith.constant 0 : i32
        %cond3A_74 = arith.cmpi ne, %convert_element_type3A, %cond3A : i32
        scf.if %cond3A_74 {
          %add3A_90 = arith.constant 2 : i32
          %add3A_91 = arith.addi %mul3A_49, %add3A_90 : i32
          %dma_start3A_92 = arith.constant 0 : i32
          %dma_start3A_93 = tpu.memref_slice %arg8[%add3A_91, %dma_start3A_92] : memref<40x128xi32, #tpu.memory_space<vmem>> -> memref<1x128xi32, #tpu.memory_space<vmem>>
          %dma_start3A_94 = tpu.memref_squeeze %dma_start3A_93 : memref<1x128xi32, #tpu.memory_space<vmem>> -> memref<128xi32, #tpu.memory_space<vmem>>
          %dma_start3A_95 = arith.constant 0 : i32
          %dma_start3A_96 = arith.constant 0 : i32
          %dma_start3A_97 = tpu.memref_slice %arg2[%arg0, %dma_start3A_95, %dma_start3A_96] : memref<2x10240x128xf32, #tpu.memory_space<hbm>> -> memref<1x10240x128xf32, #tpu.memory_space<hbm>>
          %dma_start3A_98 = tpu.memref_squeeze %dma_start3A_97 : memref<1x10240x128xf32, #tpu.memory_space<hbm>> -> memref<10240x128xf32, #tpu.memory_space<hbm>>
          %dma_start3A_99 = arith.constant 0 : i32
          %dma_start3A_100 = arith.constant 0 : i32
          %dma_start3A_101 = tpu.memref_slice %dma_start3A_98[%dma_start3A_99, %dma_start3A_100] : memref<10240x128xf32, #tpu.memory_space<hbm>> -> memref<10240x128xf32, #tpu.memory_space<hbm>>
          tpu.enqueue_indirect_dma source(%dma_start3A_101 : memref<10240x128xf32, #tpu.memory_space<hbm>>) target(%arg10 : memref<128x128xf32, #tpu.memory_space<vmem>>) offsets(%dma_start3A_94 : memref<128xi32, #tpu.memory_space<vmem>>) semaphore(%arg12 : memref<!tpu.dma_semaphore, #tpu.memory_space<semaphore_mem>>)
        } else {
        }
        %add3A_75 = arith.constant 1 : i32
        %add3A_76 = arith.addi %mul3A_49, %add3A_75 : i32
        %dma_wait3A_77 = arith.constant 0 : i32
        %dma_wait3A_78 = tpu.memref_slice %arg8[%add3A_76, %dma_wait3A_77] : memref<40x128xi32, #tpu.memory_space<vmem>> -> memref<1x128xi32, #tpu.memory_space<vmem>>
        %dma_wait3A_79 = tpu.memref_squeeze %dma_wait3A_78 : memref<1x128xi32, #tpu.memory_space<vmem>> -> memref<128xi32, #tpu.memory_space<vmem>>
        %dma_wait3A_80 = arith.constant 0 : i32
        %dma_wait3A_81 = arith.constant 0 : i32
        %dma_wait3A_82 = tpu.memref_slice %arg2[%arg0, %dma_wait3A_80, %dma_wait3A_81] : memref<2x10240x128xf32, #tpu.memory_space<hbm>> -> memref<1x10240x128xf32, #tpu.memory_space<hbm>>
        %dma_wait3A_83 = tpu.memref_squeeze %dma_wait3A_82 : memref<1x10240x128xf32, #tpu.memory_space<hbm>> -> memref<10240x128xf32, #tpu.memory_space<hbm>>
        %dma_wait3A_84 = arith.constant 0 : i32
        %dma_wait3A_85 = arith.constant 0 : i32
        %dma_wait3A_86 = tpu.memref_slice %dma_wait3A_83[%dma_wait3A_84, %dma_wait3A_85] : memref<10240x128xf32, #tpu.memory_space<hbm>> -> memref<10240x128xf32, #tpu.memory_space<hbm>>
        tpu.wait_indirect_dma semaphore(%arg13 : memref<!tpu.dma_semaphore, #tpu.memory_space<semaphore_mem>>) src(%dma_wait3A_86 : memref<10240x128xf32, #tpu.memory_space<hbm>>) dst(%arg11 : memref<128x128xf32, #tpu.memory_space<vmem>>)
        %add3A_87 = arith.constant 1 : i32
        %add3A_88 = arith.addi %mul3A_49, %add3A_87 : i32
        "tpu.region"() ({
          %run_scoped3A = tpu.sem_alloc : memref<!tpu.dma_semaphore, #tpu.memory_space<semaphore_mem>>
          %dma_start3A_90 = arith.constant 0 : i32
          %dma_start3A_91 = tpu.memref_slice %arg9[%add3A_88, %dma_start3A_90] : memref<40x128xi32, #tpu.memory_space<vmem>> -> memref<1x128xi32, #tpu.memory_space<vmem>>
          %dma_start3A_92 = tpu.memref_squeeze %dma_start3A_91 : memref<1x128xi32, #tpu.memory_space<vmem>> -> memref<128xi32, #tpu.memory_space<vmem>>
          %dma_start3A_93 = arith.constant 0 : i32
          %dma_start3A_94 = arith.constant 0 : i32
          %dma_start3A_95 = tpu.memref_slice %arg7[%dma_start3A_93, %dma_start3A_94] : memref<10240x128xf32, #tpu.memory_space<vmem_shared>> -> memref<10240x128xf32, #tpu.memory_space<vmem_shared>>
          tpu.enqueue_indirect_dma source(%arg11 : memref<128x128xf32, #tpu.memory_space<vmem>>) target(%dma_start3A_95 : memref<10240x128xf32, #tpu.memory_space<vmem_shared>>) offsets(%dma_start3A_92 : memref<128xi32, #tpu.memory_space<vmem>>) semaphore(%run_scoped3A : memref<!tpu.dma_semaphore, #tpu.memory_space<semaphore_mem>>) {add = true}
          %dma_wait3A_96 = arith.constant 0 : i32
          %dma_wait3A_97 = tpu.memref_slice %arg9[%add3A_88, %dma_wait3A_96] : memref<40x128xi32, #tpu.memory_space<vmem>> -> memref<1x128xi32, #tpu.memory_space<vmem>>
          %dma_wait3A_98 = tpu.memref_squeeze %dma_wait3A_97 : memref<1x128xi32, #tpu.memory_space<vmem>> -> memref<128xi32, #tpu.memory_space<vmem>>
          %dma_wait3A_99 = arith.constant 0 : i32
          %dma_wait3A_100 = arith.constant 0 : i32
          %dma_wait3A_101 = tpu.memref_slice %arg7[%dma_wait3A_99, %dma_wait3A_100] : memref<10240x128xf32, #tpu.memory_space<vmem_shared>> -> memref<10240x128xf32, #tpu.memory_space<vmem_shared>>
          tpu.wait_indirect_dma semaphore(%run_scoped3A : memref<!tpu.dma_semaphore, #tpu.memory_space<semaphore_mem>>) src(%arg11 : memref<128x128xf32, #tpu.memory_space<vmem>>) dst(%dma_wait3A_101 : memref<10240x128xf32, #tpu.memory_space<vmem_shared>>)
          tpu.yield
        }) : () -> ()
        %scan3A_89 = arith.constant 0 : i32
        scf.yield %scan3A_89 : i32
      }
      %scan3A_44 = arith.constant 20 : i32
      %scan3A_45 = arith.constant 0 : i32
      scf.yield %scan3A_45 : i32
    }
    %scan3A_20 = arith.constant 4 : i32
    %barrier3A_21 = arith.constant 0 : index
    tpu.barrier barrier_id(%barrier3A_21)
    "tpu.region"() ({
      %run_scoped3A = tpu.sem_alloc : memref<!tpu.dma_semaphore, #tpu.memory_space<semaphore_mem>>
      %dma_start3A = arith.constant 0 : i32
      %dma_start3A_22 = arith.constant 0 : i32
      %dma_start3A_23 = tpu.memref_slice %arg6[%arg0, %dma_start3A, %dma_start3A_22] : memref<2x10240x128xf32, #tpu.memory_space<hbm>> -> memref<1x10240x128xf32, #tpu.memory_space<hbm>>
      %dma_start3A_24 = tpu.memref_squeeze %dma_start3A_23 : memref<1x10240x128xf32, #tpu.memory_space<hbm>> -> memref<10240x128xf32, #tpu.memory_space<hbm>>
      %dma_start3A_25 = arith.constant 0 : i32
      %dma_start3A_26 = tpu.memref_slice %dma_start3A_24[%mul3A_0, %dma_start3A_25] : memref<10240x128xf32, #tpu.memory_space<hbm>> -> memref<640x128xf32, #tpu.memory_space<hbm>>
      %dma_start3A_27 = arith.constant 0 : i32
      %dma_start3A_28 = tpu.memref_slice %arg7[%mul3A_0, %dma_start3A_27] : memref<10240x128xf32, #tpu.memory_space<vmem_shared>> -> memref<640x128xf32, #tpu.memory_space<vmem_shared>>
      tpu.enqueue_dma source(%dma_start3A_28 : memref<640x128xf32, #tpu.memory_space<vmem_shared>>) target(%dma_start3A_26 : memref<640x128xf32, #tpu.memory_space<hbm>>) target_semaphore(%run_scoped3A : memref<!tpu.dma_semaphore, #tpu.memory_space<semaphore_mem>>)
      %dma_wait3A = arith.constant 0 : i32
      %dma_wait3A_29 = arith.constant 0 : i32
      %dma_wait3A_30 = tpu.memref_slice %arg6[%arg0, %dma_wait3A, %dma_wait3A_29] : memref<2x10240x128xf32, #tpu.memory_space<hbm>> -> memref<1x10240x128xf32, #tpu.memory_space<hbm>>
      %dma_wait3A_31 = tpu.memref_squeeze %dma_wait3A_30 : memref<1x10240x128xf32, #tpu.memory_space<hbm>> -> memref<10240x128xf32, #tpu.memory_space<hbm>>
      %dma_wait3A_32 = arith.constant 0 : i32
      %dma_wait3A_33 = tpu.memref_slice %dma_wait3A_31[%mul3A_0, %dma_wait3A_32] : memref<10240x128xf32, #tpu.memory_space<hbm>> -> memref<640x128xf32, #tpu.memory_space<hbm>>
      %dma_wait3A_34 = arith.constant 0 : i32
      %dma_wait3A_35 = tpu.memref_slice %arg7[%mul3A_0, %dma_wait3A_34] : memref<10240x128xf32, #tpu.memory_space<vmem_shared>> -> memref<640x128xf32, #tpu.memory_space<vmem_shared>>
      tpu.wait_dma2 semaphore(%run_scoped3A : memref<!tpu.dma_semaphore, #tpu.memory_space<semaphore_mem>>) src(%dma_wait3A_35 : memref<640x128xf32, #tpu.memory_space<vmem_shared>>) dst(%dma_wait3A_33 : memref<640x128xf32, #tpu.memory_space<hbm>>)
      tpu.yield
    }) : () -> ()
    return
  }
}

module attributes {stable_mosaic.version = 14 : i64} {
  func.func @_tcmid_body(%arg0: i32, %arg1: memref<2x256x128xf32, #tpu.memory_space<vmem>>, %arg2: memref<2x256x128xf32, #tpu.memory_space<vmem>>, %arg3: memref<256x8xf32, #tpu.memory_space<vmem>>, %arg4: memref<1x256xf32, #tpu.memory_space<vmem>>, %arg5: memref<256x256xf32, #tpu.memory_space<vmem>>, %arg6: memref<2x256x128xf32, #tpu.memory_space<vmem>>) attributes {dimension_semantics = [#tpu.dimension_semantics<arbitrary>], iteration_bounds = array<i64: 40>, scalar_prefetch = 0 : i64, scratch_operands = 0 : i64, tpu.core_type = #tpu.core_type<tc>, window_params = [{transform_indices = @transform_0, window_bounds = array<i64: 2, 256, 128>}, {transform_indices = @transform_1, window_bounds = array<i64: 2, 256, 128>}, {transform_indices = @transform_2, window_bounds = array<i64: 256, 8>}, {pipeline_mode = #tpu.pipeline_mode<synchronous>, transform_indices = @transform_3, window_bounds = array<i64: 1, 256>}, {pipeline_mode = #tpu.pipeline_mode<synchronous>, transform_indices = @transform_4, window_bounds = array<i64: 256, 256>}, {transform_indices = @transform_5, window_bounds = array<i64: 2, 256, 128>}]} {
    %get3A = arith.constant 0 : index
    %get3A_0 = arith.constant 0 : index
    %get3A_1 = vector.load %arg3[%get3A, %get3A_0] : memref<256x8xf32, #tpu.memory_space<vmem>>, vector<256x8xf32>
    %slice3A = vector.extract_strided_slice %get3A_1 {offsets = [0, 0], sizes = [256, 1], strides = [1, 1]} : vector<256x8xf32> to vector<256x1xf32>
    %get3A_2 = arith.constant 0 : index
    %get3A_3 = arith.constant 0 : index
    %get3A_4 = vector.load %arg4[%get3A_2, %get3A_3] : memref<1x256xf32, #tpu.memory_space<vmem>>, vector<1x256xf32>
    %get3A_5 = arith.constant 0 : index
    %get3A_6 = arith.constant 0 : index
    %get3A_7 = arith.constant 0 : index
    %get3A_8 = vector.load %arg1[%get3A_5, %get3A_6, %get3A_7] : memref<2x256x128xf32, #tpu.memory_space<vmem>>, vector<1x256x128xf32>
    %get3A_9 = vector.shape_cast %get3A_8 : vector<1x256x128xf32> to vector<256x128xf32>
    %get3A_10 = arith.constant 0 : index
    %get3A_11 = arith.constant 0 : index
    %get3A_12 = arith.constant 0 : index
    %get3A_13 = vector.load %arg2[%get3A_10, %get3A_11, %get3A_12] : memref<2x256x128xf32, #tpu.memory_space<vmem>>, vector<1x256x128xf32>
    %get3A_14 = vector.shape_cast %get3A_13 : vector<1x256x128xf32> to vector<256x128xf32>
    %add3A = arith.addf %get3A_9, %get3A_14 : vector<256x128xf32>
    %mul3A = vector.broadcast %slice3A : vector<256x1xf32> to vector<256x128xf32>
    %mul3A_15 = arith.mulf %add3A, %mul3A : vector<256x128xf32>
    %slice3A_16 = vector.extract_strided_slice %get3A_4 {offsets = [0, 0], sizes = [1, 128], strides = [1, 1]} : vector<1x256xf32> to vector<1x128xf32>
    %add3A_17 = vector.broadcast %slice3A_16 : vector<1x128xf32> to vector<256x128xf32>
    %add3A_18 = arith.addf %mul3A_15, %add3A_17 : vector<256x128xf32>
    %get3A_19 = arith.constant 1 : index
    %get3A_20 = arith.constant 0 : index
    %get3A_21 = arith.constant 0 : index
    %get3A_22 = vector.load %arg1[%get3A_19, %get3A_20, %get3A_21] : memref<2x256x128xf32, #tpu.memory_space<vmem>>, vector<1x256x128xf32>
    %get3A_23 = vector.shape_cast %get3A_22 : vector<1x256x128xf32> to vector<256x128xf32>
    %get3A_24 = arith.constant 1 : index
    %get3A_25 = arith.constant 0 : index
    %get3A_26 = arith.constant 0 : index
    %get3A_27 = vector.load %arg2[%get3A_24, %get3A_25, %get3A_26] : memref<2x256x128xf32, #tpu.memory_space<vmem>>, vector<1x256x128xf32>
    %get3A_28 = vector.shape_cast %get3A_27 : vector<1x256x128xf32> to vector<256x128xf32>
    %add3A_29 = arith.addf %get3A_23, %get3A_28 : vector<256x128xf32>
    %mul3A_30 = vector.broadcast %slice3A : vector<256x1xf32> to vector<256x128xf32>
    %mul3A_31 = arith.mulf %add3A_29, %mul3A_30 : vector<256x128xf32>
    %slice3A_32 = vector.extract_strided_slice %get3A_4 {offsets = [0, 128], sizes = [1, 128], strides = [1, 1]} : vector<1x256xf32> to vector<1x128xf32>
    %add3A_33 = vector.broadcast %slice3A_32 : vector<1x128xf32> to vector<256x128xf32>
    %add3A_34 = arith.addf %mul3A_31, %add3A_33 : vector<256x128xf32>
    %max3A = arith.constant 0.000000e+00 : f32
    %max3A_35 = vector.broadcast %max3A : f32 to vector<256x128xf32>
    %max3A_36 = arith.maximumf %add3A_18, %max3A_35 : vector<256x128xf32>
    %max3A_37 = arith.constant 0.000000e+00 : f32
    %max3A_38 = vector.broadcast %max3A_37 : f32 to vector<256x128xf32>
    %max3A_39 = arith.maximumf %add3A_34, %max3A_38 : vector<256x128xf32>
    %get3A_40 = arith.constant 0 : index
    %get3A_41 = arith.constant 0 : index
    %get3A_42 = vector.load %arg5[%get3A_40, %get3A_41] : memref<256x256xf32, #tpu.memory_space<vmem>>, vector<256x256xf32>
    %slice3A_43 = vector.extract_strided_slice %get3A_42 {offsets = [0, 0], sizes = [128, 256], strides = [1, 1]} : vector<256x256xf32> to vector<128x256xf32>
    %dot_general3A = arith.constant dense<0.000000e+00> : vector<256x256xf32>
    %dot_general3A_44 = tpu.matmul %max3A_36, %slice3A_43, %dot_general3A {dimension_numbers = #tpu.dot_dimension_numbers<[1], [0], [0], [1], [0, 0, 1, 1], [], []>, transpose_lhs_hint = false} : vector<256x128xf32>, vector<128x256xf32>, vector<256x256xf32> -> vector<256x256xf32>
    %slice3A_45 = vector.extract_strided_slice %get3A_42 {offsets = [128, 0], sizes = [128, 256], strides = [1, 1]} : vector<256x256xf32> to vector<128x256xf32>
    %dot_general3A_46 = arith.constant dense<0.000000e+00> : vector<256x256xf32>
    %dot_general3A_47 = tpu.matmul %max3A_39, %slice3A_45, %dot_general3A_46 {dimension_numbers = #tpu.dot_dimension_numbers<[1], [0], [0], [1], [0, 0, 1, 1], [], []>, transpose_lhs_hint = false} : vector<256x128xf32>, vector<128x256xf32>, vector<256x256xf32> -> vector<256x256xf32>
    %add3A_48 = arith.addf %dot_general3A_44, %dot_general3A_47 : vector<256x256xf32>
    %mul3A_49 = vector.broadcast %slice3A : vector<256x1xf32> to vector<256x256xf32>
    %mul3A_50 = arith.mulf %add3A_48, %mul3A_49 : vector<256x256xf32>
    %slice3A_51 = vector.extract_strided_slice %mul3A_50 {offsets = [0, 0], sizes = [256, 128], strides = [1, 1]} : vector<256x256xf32> to vector<256x128xf32>
    %swap3A = arith.constant 0 : index
    %swap3A_52 = arith.constant 0 : index
    %swap3A_53 = arith.constant 0 : index
    %swap3A_54 = vector.load %arg6[%swap3A, %swap3A_52, %swap3A_53] : memref<2x256x128xf32, #tpu.memory_space<vmem>>, vector<1x256x128xf32>
    %swap3A_55 = vector.shape_cast %swap3A_54 : vector<1x256x128xf32> to vector<256x128xf32>
    %swap3A_56 = vector.shape_cast %slice3A_51 : vector<256x128xf32> to vector<1x256x128xf32>
    tpu.vector_store %arg6[%swap3A, %swap3A_52, %swap3A_53], %swap3A_56 {strides = array<i32>} : memref<2x256x128xf32, #tpu.memory_space<vmem>>, vector<1x256x128xf32>,
    %slice3A_57 = vector.extract_strided_slice %mul3A_50 {offsets = [0, 128], sizes = [256, 128], strides = [1, 1]} : vector<256x256xf32> to vector<256x128xf32>
    %swap3A_58 = arith.constant 1 : index
    %swap3A_59 = arith.constant 0 : index
    %swap3A_60 = arith.constant 0 : index
    %swap3A_61 = vector.load %arg6[%swap3A_58, %swap3A_59, %swap3A_60] : memref<2x256x128xf32, #tpu.memory_space<vmem>>, vector<1x256x128xf32>
    %swap3A_62 = vector.shape_cast %swap3A_61 : vector<1x256x128xf32> to vector<256x128xf32>
    %swap3A_63 = vector.shape_cast %slice3A_57 : vector<256x128xf32> to vector<1x256x128xf32>
    tpu.vector_store %arg6[%swap3A_58, %swap3A_59, %swap3A_60], %swap3A_63 {strides = array<i32>} : memref<2x256x128xf32, #tpu.memory_space<vmem>>, vector<1x256x128xf32>,
    return
  }
  func.func @transform_0(%arg0: i32) -> (i32, i32, i32) {
    %c0_i32 = arith.constant 0 : i32
    %c0_i32_0 = arith.constant 0 : i32
    %c0_i32_1 = arith.constant 0 : i32
    return %c0_i32, %arg0, %c0_i32_0 : i32, i32, i32
  }
  func.func @transform_1(%arg0: i32) -> (i32, i32, i32) {
    %c0_i32 = arith.constant 0 : i32
    %c0_i32_0 = arith.constant 0 : i32
    %c0_i32_1 = arith.constant 0 : i32
    return %c0_i32, %arg0, %c0_i32_0 : i32, i32, i32
  }
  func.func @transform_2(%arg0: i32) -> (i32, i32) {
    %c0_i32 = arith.constant 0 : i32
    %c0_i32_0 = arith.constant 0 : i32
    return %arg0, %c0_i32 : i32, i32
  }
  func.func @transform_3(%arg0: i32) -> (i32, i32) {
    %c0_i32 = arith.constant 0 : i32
    %c0_i32_0 = arith.constant 0 : i32
    %c0_i32_1 = arith.constant 0 : i32
    return %c0_i32, %c0_i32_0 : i32, i32
  }
  func.func @transform_4(%arg0: i32) -> (i32, i32) {
    %c0_i32 = arith.constant 0 : i32
    %c0_i32_0 = arith.constant 0 : i32
    %c0_i32_1 = arith.constant 0 : i32
    return %c0_i32, %c0_i32_0 : i32, i32
  }
  func.func @transform_5(%arg0: i32) -> (i32, i32, i32) {
    %c0_i32 = arith.constant 0 : i32
    %c0_i32_0 = arith.constant 0 : i32
    %c0_i32_1 = arith.constant 0 : i32
    return %c0_i32, %arg0, %c0_i32_0 : i32, i32, i32
  }
}

module attributes {stable_mosaic.version = 14 : i64} {
  func.func @_tcfin_body(%arg0: i32, %arg1: memref<2x256x128xf32, #tpu.memory_space<vmem>>, %arg2: memref<2x256x128xf32, #tpu.memory_space<vmem>>, %arg3: memref<256x8xf32, #tpu.memory_space<vmem>>, %arg4: memref<1x256xf32, #tpu.memory_space<vmem>>, %arg5: memref<256x256xf32, #tpu.memory_space<vmem>>) attributes {dimension_semantics = [#tpu.dimension_semantics<arbitrary>], iteration_bounds = array<i64: 40>, scalar_prefetch = 0 : i64, scratch_operands = 0 : i64, tpu.core_type = #tpu.core_type<tc>, window_params = [{transform_indices = @transform_0, window_bounds = array<i64: 2, 256, 128>}, {transform_indices = @transform_1, window_bounds = array<i64: 2, 256, 128>}, {transform_indices = @transform_2, window_bounds = array<i64: 256, 8>}, {pipeline_mode = #tpu.pipeline_mode<synchronous>, transform_indices = @transform_3, window_bounds = array<i64: 1, 256>}, {transform_indices = @transform_4, window_bounds = array<i64: 256, 256>}]} {
    %get3A = arith.constant 0 : index
    %get3A_0 = arith.constant 0 : index
    %get3A_1 = vector.load %arg3[%get3A, %get3A_0] : memref<256x8xf32, #tpu.memory_space<vmem>>, vector<256x8xf32>
    %slice3A = vector.extract_strided_slice %get3A_1 {offsets = [0, 0], sizes = [256, 1], strides = [1, 1]} : vector<256x8xf32> to vector<256x1xf32>
    %get3A_2 = arith.constant 0 : index
    %get3A_3 = arith.constant 0 : index
    %get3A_4 = vector.load %arg4[%get3A_2, %get3A_3] : memref<1x256xf32, #tpu.memory_space<vmem>>, vector<1x256xf32>
    %get3A_5 = arith.constant 0 : index
    %get3A_6 = arith.constant 0 : index
    %get3A_7 = arith.constant 0 : index
    %get3A_8 = vector.load %arg1[%get3A_5, %get3A_6, %get3A_7] : memref<2x256x128xf32, #tpu.memory_space<vmem>>, vector<1x256x128xf32>
    %get3A_9 = vector.shape_cast %get3A_8 : vector<1x256x128xf32> to vector<256x128xf32>
    %get3A_10 = arith.constant 0 : index
    %get3A_11 = arith.constant 0 : index
    %get3A_12 = arith.constant 0 : index
    %get3A_13 = vector.load %arg2[%get3A_10, %get3A_11, %get3A_12] : memref<2x256x128xf32, #tpu.memory_space<vmem>>, vector<1x256x128xf32>
    %get3A_14 = vector.shape_cast %get3A_13 : vector<1x256x128xf32> to vector<256x128xf32>
    %add3A = arith.addf %get3A_9, %get3A_14 : vector<256x128xf32>
    %mul3A = vector.broadcast %slice3A : vector<256x1xf32> to vector<256x128xf32>
    %mul3A_15 = arith.mulf %add3A, %mul3A : vector<256x128xf32>
    %slice3A_16 = vector.extract_strided_slice %get3A_4 {offsets = [0, 0], sizes = [1, 128], strides = [1, 1]} : vector<1x256xf32> to vector<1x128xf32>
    %add3A_17 = vector.broadcast %slice3A_16 : vector<1x128xf32> to vector<256x128xf32>
    %add3A_18 = arith.addf %mul3A_15, %add3A_17 : vector<256x128xf32>
    %get3A_19 = arith.constant 1 : index
    %get3A_20 = arith.constant 0 : index
    %get3A_21 = arith.constant 0 : index
    %get3A_22 = vector.load %arg1[%get3A_19, %get3A_20, %get3A_21] : memref<2x256x128xf32, #tpu.memory_space<vmem>>, vector<1x256x128xf32>
    %get3A_23 = vector.shape_cast %get3A_22 : vector<1x256x128xf32> to vector<256x128xf32>
    %get3A_24 = arith.constant 1 : index
    %get3A_25 = arith.constant 0 : index
    %get3A_26 = arith.constant 0 : index
    %get3A_27 = vector.load %arg2[%get3A_24, %get3A_25, %get3A_26] : memref<2x256x128xf32, #tpu.memory_space<vmem>>, vector<1x256x128xf32>
    %get3A_28 = vector.shape_cast %get3A_27 : vector<1x256x128xf32> to vector<256x128xf32>
    %add3A_29 = arith.addf %get3A_23, %get3A_28 : vector<256x128xf32>
    %mul3A_30 = vector.broadcast %slice3A : vector<256x1xf32> to vector<256x128xf32>
    %mul3A_31 = arith.mulf %add3A_29, %mul3A_30 : vector<256x128xf32>
    %slice3A_32 = vector.extract_strided_slice %get3A_4 {offsets = [0, 128], sizes = [1, 128], strides = [1, 1]} : vector<1x256xf32> to vector<1x128xf32>
    %add3A_33 = vector.broadcast %slice3A_32 : vector<1x128xf32> to vector<256x128xf32>
    %add3A_34 = arith.addf %mul3A_31, %add3A_33 : vector<256x128xf32>
    %mul3A_35 = arith.mulf %add3A_18, %add3A_18 : vector<256x128xf32>
    %reduce_sum3A = arith.constant dense<0.000000e+00> : vector<256xf32>
    %reduce_sum3A_36 = vector.multi_reduction <add>, %mul3A_35, %reduce_sum3A [1] : vector<256x128xf32> to vector<256xf32>
    %broadcast_in_dim3A = vector.shape_cast %reduce_sum3A_36 : vector<256xf32> to vector<256x1xf32>
    %mul3A_37 = arith.mulf %add3A_34, %add3A_34 : vector<256x128xf32>
    %reduce_sum3A_38 = arith.constant dense<0.000000e+00> : vector<256xf32>
    %reduce_sum3A_39 = vector.multi_reduction <add>, %mul3A_37, %reduce_sum3A_38 [1] : vector<256x128xf32> to vector<256xf32>
    %broadcast_in_dim3A_40 = vector.shape_cast %reduce_sum3A_39 : vector<256xf32> to vector<256x1xf32>
    %add3A_41 = arith.addf %broadcast_in_dim3A, %broadcast_in_dim3A_40 : vector<256x1xf32>
    %sqrt3A = math.sqrt %add3A_41 : vector<256x1xf32>
    %max3A = arith.constant 9.99999996E-13 : f32
    %max3A_42 = vector.broadcast %max3A : f32 to vector<256x1xf32>
    %max3A_43 = arith.maximumf %sqrt3A, %max3A_42 : vector<256x1xf32>
    %div3A = arith.constant 1.000000e+00 : f32
    %div3A_44 = vector.broadcast %div3A : f32 to vector<256x1xf32>
    %div3A_45 = arith.divf %div3A_44, %max3A_43 : vector<256x1xf32>
    %mul3A_46 = vector.broadcast %div3A_45 : vector<256x1xf32> to vector<256x128xf32>
    %mul3A_47 = arith.mulf %add3A_18, %mul3A_46 : vector<256x128xf32>
    %mul3A_48 = vector.broadcast %div3A_45 : vector<256x1xf32> to vector<256x128xf32>
    %mul3A_49 = arith.mulf %add3A_34, %mul3A_48 : vector<256x128xf32>
    %concatenate3A = tpu.concatenate %mul3A_47, %mul3A_49 in 1 : vector<256x128xf32>, vector<256x128xf32> -> vector<256x256xf32>
    %swap3A = arith.constant 0 : index
    %swap3A_50 = arith.constant 0 : index
    %swap3A_51 = vector.load %arg5[%swap3A, %swap3A_50] : memref<256x256xf32, #tpu.memory_space<vmem>>, vector<256x256xf32>
    tpu.vector_store %arg5[%swap3A, %swap3A_50], %concatenate3A {strides = array<i32>} : memref<256x256xf32, #tpu.memory_space<vmem>>, vector<256x256xf32>,
    return
  }
  func.func @transform_0(%arg0: i32) -> (i32, i32, i32) {
    %c0_i32 = arith.constant 0 : i32
    %c0_i32_0 = arith.constant 0 : i32
    %c0_i32_1 = arith.constant 0 : i32
    return %c0_i32, %arg0, %c0_i32_0 : i32, i32, i32
  }
  func.func @transform_1(%arg0: i32) -> (i32, i32, i32) {
    %c0_i32 = arith.constant 0 : i32
    %c0_i32_0 = arith.constant 0 : i32
    %c0_i32_1 = arith.constant 0 : i32
    return %c0_i32, %arg0, %c0_i32_0 : i32, i32, i32
  }
  func.func @transform_2(%arg0: i32) -> (i32, i32) {
    %c0_i32 = arith.constant 0 : i32
    %c0_i32_0 = arith.constant 0 : i32
    return %arg0, %c0_i32 : i32, i32
  }
  func.func @transform_3(%arg0: i32) -> (i32, i32) {
    %c0_i32 = arith.constant 0 : i32
    %c0_i32_0 = arith.constant 0 : i32
    %c0_i32_1 = arith.constant 0 : i32
    return %c0_i32, %c0_i32_0 : i32, i32
  }
  func.func @transform_4(%arg0: i32) -> (i32, i32) {
    %c0_i32 = arith.constant 0 : i32
    %c0_i32_0 = arith.constant 0 : i32
    return %arg0, %c0_i32 : i32, i32
  }
}

module attributes {stable_mosaic.version = 14 : i64} {
  func.func @_tc1_body(%arg0: i32, %arg1: memref<256x128xf32, #tpu.memory_space<vmem>>, %arg2: memref<128x256xf32, #tpu.memory_space<vmem>>, %arg3: memref<2x256x128xf32, #tpu.memory_space<vmem>>, %arg4: memref<2x256x128xf32, #tpu.memory_space<vmem>>, %arg5: memref<256x8xf32, #tpu.memory_space<vmem>>) attributes {dimension_semantics = [#tpu.dimension_semantics<arbitrary>], iteration_bounds = array<i64: 40>, scalar_prefetch = 0 : i64, scratch_operands = 0 : i64, tpu.core_type = #tpu.core_type<tc>, window_params = [{transform_indices = @transform_0, window_bounds = array<i64: 256, 128>}, {pipeline_mode = #tpu.pipeline_mode<synchronous>, transform_indices = @transform_1, window_bounds = array<i64: 128, 256>}, {transform_indices = @transform_2, window_bounds = array<i64: 2, 256, 128>}, {transform_indices = @transform_3, window_bounds = array<i64: 2, 256, 128>}, {transform_indices = @transform_4, window_bounds = array<i64: 256, 8>}]} {
    %get3A = arith.constant 0 : index
    %get3A_0 = arith.constant 0 : index
    %get3A_1 = arith.constant 0 : index
    %get3A_2 = vector.load %arg3[%get3A, %get3A_0, %get3A_1] : memref<2x256x128xf32, #tpu.memory_space<vmem>>, vector<1x256x128xf32>
    %get3A_3 = vector.shape_cast %get3A_2 : vector<1x256x128xf32> to vector<256x128xf32>
    %slice3A = vector.extract_strided_slice %get3A_3 {offsets = [0, 0], sizes = [256, 1], strides = [1, 1]} : vector<256x128xf32> to vector<256x1xf32>
    %get3A_4 = arith.constant 1 : index
    %get3A_5 = arith.constant 0 : index
    %get3A_6 = arith.constant 0 : index
    %get3A_7 = vector.load %arg3[%get3A_4, %get3A_5, %get3A_6] : memref<2x256x128xf32, #tpu.memory_space<vmem>>, vector<1x256x128xf32>
    %get3A_8 = vector.shape_cast %get3A_7 : vector<1x256x128xf32> to vector<256x128xf32>
    %slice3A_9 = vector.extract_strided_slice %get3A_8 {offsets = [0, 0], sizes = [256, 1], strides = [1, 1]} : vector<256x128xf32> to vector<256x1xf32>
    %add3A = arith.addf %slice3A, %slice3A_9 : vector<256x1xf32>
    %add3A_10 = arith.constant 1.000000e+00 : f32
    %add3A_11 = vector.broadcast %add3A_10 : f32 to vector<256x1xf32>
    %add3A_12 = arith.addf %add3A, %add3A_11 : vector<256x1xf32>
    %rsqrt3A = math.rsqrt %add3A_12 : vector<256x1xf32>
    %broadcast_in_dim3A = vector.shape_cast %rsqrt3A : vector<256x1xf32> to vector<256x1xf32>
    %broadcast_in_dim3A_13 = vector.broadcast %broadcast_in_dim3A : vector<256x1xf32> to vector<256x8xf32>
    %swap3A = arith.constant 0 : index
    %swap3A_14 = arith.constant 0 : index
    %swap3A_15 = vector.load %arg5[%swap3A, %swap3A_14] : memref<256x8xf32, #tpu.memory_space<vmem>>, vector<256x8xf32>
    tpu.vector_store %arg5[%swap3A, %swap3A_14], %broadcast_in_dim3A_13 {strides = array<i32>} : memref<256x8xf32, #tpu.memory_space<vmem>>, vector<256x8xf32>,
    %get3A_16 = arith.constant 0 : index
    %get3A_17 = arith.constant 0 : index
    %get3A_18 = vector.load %arg1[%get3A_16, %get3A_17] : memref<256x128xf32, #tpu.memory_space<vmem>>, vector<256x128xf32>
    %get3A_19 = arith.constant 0 : index
    %get3A_20 = arith.constant 0 : index
    %get3A_21 = vector.load %arg2[%get3A_19, %get3A_20] : memref<128x256xf32, #tpu.memory_space<vmem>>, vector<128x256xf32>
    %dot_general3A = arith.constant dense<0.000000e+00> : vector<256x256xf32>
    %dot_general3A_22 = tpu.matmul %get3A_18, %get3A_21, %dot_general3A {dimension_numbers = #tpu.dot_dimension_numbers<[1], [0], [0], [1], [0, 0, 1, 1], [], []>, transpose_lhs_hint = false} : vector<256x128xf32>, vector<128x256xf32>, vector<256x256xf32> -> vector<256x256xf32>
    %mul3A = vector.broadcast %rsqrt3A : vector<256x1xf32> to vector<256x256xf32>
    %mul3A_23 = arith.mulf %dot_general3A_22, %mul3A : vector<256x256xf32>
    %slice3A_24 = vector.extract_strided_slice %mul3A_23 {offsets = [0, 0], sizes = [256, 128], strides = [1, 1]} : vector<256x256xf32> to vector<256x128xf32>
    %swap3A_25 = arith.constant 0 : index
    %swap3A_26 = arith.constant 0 : index
    %swap3A_27 = arith.constant 0 : index
    %swap3A_28 = vector.load %arg4[%swap3A_25, %swap3A_26, %swap3A_27] : memref<2x256x128xf32, #tpu.memory_space<vmem>>, vector<1x256x128xf32>
    %swap3A_29 = vector.shape_cast %swap3A_28 : vector<1x256x128xf32> to vector<256x128xf32>
    %swap3A_30 = vector.shape_cast %slice3A_24 : vector<256x128xf32> to vector<1x256x128xf32>
    tpu.vector_store %arg4[%swap3A_25, %swap3A_26, %swap3A_27], %swap3A_30 {strides = array<i32>} : memref<2x256x128xf32, #tpu.memory_space<vmem>>, vector<1x256x128xf32>,
    %slice3A_31 = vector.extract_strided_slice %mul3A_23 {offsets = [0, 128], sizes = [256, 128], strides = [1, 1]} : vector<256x256xf32> to vector<256x128xf32>
    %swap3A_32 = arith.constant 1 : index
    %swap3A_33 = arith.constant 0 : index
    %swap3A_34 = arith.constant 0 : index
    %swap3A_35 = vector.load %arg4[%swap3A_32, %swap3A_33, %swap3A_34] : memref<2x256x128xf32, #tpu.memory_space<vmem>>, vector<1x256x128xf32>
    %swap3A_36 = vector.shape_cast %swap3A_35 : vector<1x256x128xf32> to vector<256x128xf32>
    %swap3A_37 = vector.shape_cast %slice3A_31 : vector<256x128xf32> to vector<1x256x128xf32>
    tpu.vector_store %arg4[%swap3A_32, %swap3A_33, %swap3A_34], %swap3A_37 {strides = array<i32>} : memref<2x256x128xf32, #tpu.memory_space<vmem>>, vector<1x256x128xf32>,
    return
  }
  func.func @transform_0(%arg0: i32) -> (i32, i32) {
    %c0_i32 = arith.constant 0 : i32
    %c0_i32_0 = arith.constant 0 : i32
    return %arg0, %c0_i32 : i32, i32
  }
  func.func @transform_1(%arg0: i32) -> (i32, i32) {
    %c0_i32 = arith.constant 0 : i32
    %c0_i32_0 = arith.constant 0 : i32
    %c0_i32_1 = arith.constant 0 : i32
    return %c0_i32, %c0_i32_0 : i32, i32
  }
  func.func @transform_2(%arg0: i32) -> (i32, i32, i32) {
    %c0_i32 = arith.constant 0 : i32
    %c0_i32_0 = arith.constant 0 : i32
    %c0_i32_1 = arith.constant 0 : i32
    return %c0_i32, %arg0, %c0_i32_0 : i32, i32, i32
  }
  func.func @transform_3(%arg0: i32) -> (i32, i32, i32) {
    %c0_i32 = arith.constant 0 : i32
    %c0_i32_0 = arith.constant 0 : i32
    %c0_i32_1 = arith.constant 0 : i32
    return %c0_i32, %arg0, %c0_i32_0 : i32, i32, i32
  }
  func.func @transform_4(%arg0: i32) -> (i32, i32) {
    %c0_i32 = arith.constant 0 : i32
    %c0_i32_0 = arith.constant 0 : i32
    return %arg0, %c0_i32 : i32, i32
  }
}

</mosaic_0001>

<sc_bundles>
// kernel: kernel.16.cloned.1.call-start
scs
__scs_entry_jumppad:
0x0: {  	(pc) =	sbr.rel $0x88, $3  }
0x1: {  	(tag) =	ssettag $0x0;
	lr =	simm.s32 $0x1  }
0x2: {  	[smem:$0x3F93] =	sst lr;
	_ =	strace $0xD0000000  }
0x3: {  	_ = 	snop  }
0x4: {  	_ = 	snop  }
0x5: {  	_ = 	snop  }
0x6: {  	_ = 	snop  }
0x7: {  	_ = 	snop  }
__scs_overlays_trampoline_lowered:
0x8: {  	[smem:$0x3FA2] =	sst s0  }
0x9: {  	[smem:$0x3FA3] =	sst s1  }
0xa: {  	[smem:$0x3FA4] =	sst s2  }
0xb: {  	[smem:$0x3FA5] =	sst s3  }
0xc: {  	[smem:$0x3FA6] =	sst s4  }
0xd: {  	[smem:$0x3FA7] =	sst s5  }
0xe: {  	[smem:$0x3FA8] =	sst s6  }
0xf: {  	[smem:$0x3FA9] =	sst s7  }
0x10: {  	[smem:$0x3FAA] =	sst s8  }
0x11: {  	[smem:$0x3FAB] =	sst s9;
	s0 =	simm.s32 @!p0 $0x0  }
0x12: {  	s1 =	sld [smem:$0x3F91];
	s0 =	simm.s32 @p0 $0x1  }
0x13: {  	[smem:$0x3FAC] =	sst s0;
	s0 =	simm.s32 @!p1 $0x0  }
0x14: {  	s2 =	sld [smem:$0x3F90];
	s0 =	simm.s32 @p1 $0x1  }
0x15: {  	[smem:$0x3FAD] =	sst s0;
	s0 =	simm.s32 @!p2 $0x0  }
0x16: {  	s3 =	sld [smem:$0x3FDB];
	s0 =	simm.s32 @p2 $0x1  }
0x17: {  	s4 =	simm.s32 $0x1BF5;
	[smem:$0x3FAF] =	sst s0  }
0x18: {  	s0 =	sld [smem:$0x3F92];
	_ =	swait.ge [sflag:s4], $0x0  }
0x19: {  	s7 =	sld [smem:$0x3F93]  }
0x1a: {  	s8 =	sadd.s32 $0xFFFFE003, lr  }
0x1b: {  	s9 =	sadd.s32 $0xFFFFFEF7, lr;
	s5 =	simm.s32 $0xFFFFFFFF;
	p2 =	slt.u32 s8, $0xFFFFF086  }
0x1c: {  	p1 =	slt.u32 s9, $0xF7A;
	s5 =	simm.s32 @!p2 $0x0  }
0x1d: {  	s5 =	simm.s32 @p1 $0x1;
	p0 =	seq.s32 s7, s2  }
0x1e: {  	s7 =	smul.u32 @!p0 $0xF7A, s2;
	p2 =	seq.s32 @!p0 s5, $0x0  }
0x1f: {  	s9 =	smul.u32 $0xF7A, s1;
	s8 =	simm.s32 @!p0 $0x1BF5;
	p2 =	por !p2, p0  }
0x20: {  	[sflag:s8] =	ssyncset.s32 @!p0 $0xFFFFF086;
	s6 =	sadd.s32 @!p0 s3, s7;
	s7 =	simm.s32 @!p0 $0x108  }
0x21: {  	s3 =	sadd.s32 s3, s9;
	s6 =	sadd.s32 @!p0 $0x88, s6;
	s7 =	simm.s32 @p2 $0x1082  }
0x22: {  	[simem:s7], [sflag:s8] =	dma.local @!p0 [hbm:s6], $0xF7A  }
0x23: {  	s9 =	sor.u32 $0xD0000000, s2;
	s6 =	simm.s32 $0x108;
	_ =	swait.ge @!p0 [sflag:s8], $0x0  }
0x24: {  	s3 =	sadd.s32 $0x88, s3;
	s6 =	simm.s32 @!p1 $0x1082;
	[sflag:s4] =	ssyncset.s32 $0xFFFFF086  }
0x25: {  	[simem:s6], [sflag:s4] =	dma.local [hbm:s3], $0xF7A  }
0x26: {  	[smem:$0x3F93] =	sst s1;
	(tag) =	ssettag s2;
	_ =	strace s9  }
0x27: {  	s1 =	sld [smem:$0x3FA3]  }
0x28: {  	s2 =	sld [smem:$0x3FA4]  }
0x29: {  	s4 =	sld [smem:$0x3FA6]  }
0x2a: {  	p0 =	seq.s32 s5, $0x0;
	s5 =	sld [smem:$0x3FA7]  }
0x2b: {  	s6 =	sld [smem:$0x3FA8]  }
0x2c: {  	s7 =	sld [smem:$0x3FA9]  }
0x2d: {  	s3 =	simm.s32 $0x108;
	s8 =	sld [smem:$0x3FAA]  }
0x2e: {  	s3 =	simm.s32 @!p0 $0x1082;
	s9 =	sld [smem:$0x3FAB]  }
0x2f: {  	lr =	sadd.s32 s0, s3;
	s0 =	sld [smem:$0x3FA2]  }
0x30: {  	s3 =	sld [smem:$0x3FA5]  }
0x31: {  	[smem:$0x3FAE] =	sst s10  }
0x32: {  	s10 =	sld [smem:$0x3FAC];
	_ =	sdelay $0x3  }
0x33: {  	p0 =	seq.s32 s10, $0x1;
	s10 =	sld [smem:$0x3FAE];
	_ =	sdelay $0x3  }
0x34: {  	[smem:$0x3FAE] =	sst s10  }
0x35: {  	s10 =	sld [smem:$0x3FAD];
	_ =	sdelay $0x3  }
0x36: {  	p1 =	seq.s32 s10, $0x1;
	s10 =	sld [smem:$0x3FAE];
	_ =	sdelay $0x3  }
0x37: {  	[smem:$0x3FAE] =	sst s10  }
0x38: {  	s10 =	sld [smem:$0x3FAF]  }
0x39: {  	_ = 	snop;
	(pc) =	sbr.ind lr, $3  }
0x3a: {  	_ = 	snop  }
0x3b: {  	_ = 	snop  }
0x3c: {  	p2 =	seq.s32 s10, $0x1;
	s10 =	sld [smem:$0x3FAE]  }
0x3d: {  	_ =	shalt  }
0x3e: {  	_ =	shalt  }
0x3f: {  	_ =	shalt  }
0x40: {  	_ =	shalt  }
0x41: {  	_ =	shalt  }
0x42: {  	_ =	shalt  }
0x43: {  	_ =	shalt  }
0x44: {  	_ =	shalt  }
0x45: {  	_ =	shalt  }
0x46: {  	_ =	shalt  }
0x47: {  	_ =	shalt  }
0x48: {  	_ =	shalt  }
0x49: {  	_ =	shalt  }
0x4a: {  	_ =	shalt  }
0x4b: {  	_ =	shalt  }
0x4c: {  	_ =	shalt  }
0x4d: {  	_ =	shalt  }
0x4e: {  	_ =	shalt  }
0x4f: {  	_ =	shalt  }
0x50: {  	_ =	shalt  }
0x51: {  	_ =	shalt  }
0x52: {  	_ =	shalt  }
0x53: {  	_ =	shalt  }
0x54: {  	_ =	shalt  }
0x55: {  	_ =	shalt  }
0x56: {  	_ =	shalt  }
0x57: {  	_ =	shalt  }
0x58: {  	_ =	shalt  }
0x59: {  	_ =	shalt  }
0x5a: {  	_ =	shalt  }
0x5b: {  	_ =	shalt  }
0x5c: {  	_ =	shalt  }
0x5d: {  	_ =	shalt  }
0x5e: {  	_ =	shalt  }
0x5f: {  	_ =	shalt  }
0x60: {  	_ =	shalt  }
0x61: {  	_ =	shalt  }
0x62: {  	_ =	shalt  }
0x63: {  	_ =	shalt  }
0x64: {  	_ =	shalt  }
0x65: {  	_ =	shalt  }
0x66: {  	_ =	shalt  }
0x67: {  	_ =	shalt  }
0x68: {  	_ =	shalt  }
0x69: {  	_ =	shalt  }
0x6a: {  	_ =	shalt  }
0x6b: {  	_ =	shalt  }
0x6c: {  	_ =	shalt  }
0x6d: {  	_ =	shalt  }
0x6e: {  	_ =	shalt  }
0x6f: {  	_ =	shalt  }
0x70: {  	_ =	shalt  }
0x71: {  	_ =	shalt  }
0x72: {  	_ =	shalt  }
0x73: {  	_ =	shalt  }
0x74: {  	_ =	shalt  }
0x75: {  	_ =	shalt  }
0x76: {  	_ =	shalt  }
0x77: {  	_ =	shalt  }
0x78: {  	_ =	shalt  }
0x79: {  	_ =	shalt  }
0x7a: {  	_ =	shalt  }
0x7b: {  	_ =	shalt  }
0x7c: {  	_ =	shalt  }
0x7d: {  	_ =	shalt  }
0x7e: {  	_ =	shalt  }
0x7f: {  	_ =	shalt  }
0x80: {  	_ =	shalt  }
0x81: {  	_ =	shalt  }
0x82: {  	_ =	shalt  }
0x83: {  	_ =	shalt  }
0x84: {  	_ =	shalt  }
0x85: {  	_ =	shalt  }
0x86: {  	_ =	shalt  }
0x87: {  	_ =	shalt  }
.Lfunc_end0:
.L_simem_size_0:
called_computation_lowered:
.L_overlay_start_0:
0x88: {  	s2 =	sld [smem:$0x3FD9]  }
0x89: {  	s3 =	sld [smem:$0x3FFE];
	_ =	sdelay $0x1  }
0x8a: {  	s1 =	srdreg.scid  }
0x8b: {  	s0 =	sand.u32 $0x1, s1  }
0x8c: {  	s17 =	sshll.u32 s0, $0xA;
	s2 =	sadd.s32 s3, s2  }
0x8d: {  	s2 =	sadd.s32 s2, s17  }
0x8e: {  	[smem:$0x3FBA] =	sst s2  }
0x8f: {  	_ = 	snop  }
0x90: {  	s2 =	sld [smem:$0x3FD0];
	(tm) =	ssettm $0x1  }
0x91: {  	s18 =	sld [smem:$0x3FFB];
	_ =	sdelay $0x3  }
0x92: {  	_ =	strace s18  }
0x93: {  	s3 =	sld [smem:$0x3FFC];
	_ =	sdelay $0x3  }
0x94: {  	_ =	strace s3  }
0x95: {  	s3 =	sld [smem:$0x3FFD];
	_ =	sdelay $0x3  }
0x96: {  	_ =	strace s3  }
0x97: {  	_ =	strace $0x8FFFFFFF  }
0x98: {  	s19 =	sld [smem:$0x3FDB];
	_ =	sdelay $0x1  }
0x99: {  	s4 =	simm.s32 $_scs_section_size  }
0x9a: {  	s5 =	simm.s32 $_size__tile_overlayer_lowered;
	s6 =	simm.s32 $_tile_overlayer_lowered  }
0x9b: {  	s22 =	simm.s32 $0x1BFF;
	s21 =	sshll.u32 s6, $0x1;
	s3 =	sadd.s32 s4, s19  }
0x9c: {  	s7 =	simm.s32 $0x0;
	s20 =	sshll.u32 s5, $0x1;
	s5 =	sadd.s32 s21, s3  }
0x9d: {  	[timem:s7], [sflag:s22] =	dma.local [hbm:s5], s20  }
0x9e: {  	_ =	swait.ge [sflag:s22], s20  }
0x9f: {  	s4 =	ssub.s32 $0x0, s20;
	[sflag:s22] =	ssyncset.done $0x0  }
0xa0: {  	[sflag:s22] =	ssyncadd.s32 s4;
	_ =	sdelay $0x1  }
0xa1: {  	s23 =	simm.s32 $0x1B8B  }
0xa2: {  	_ =	swait.ge [sflag:s23], $0x1  }
0xa3: {  	[sflag:s23] =	ssyncset.done $0x0  }
0xa4: {  	s25 =	simm.s32 $0x1B8E;
	s24 =	sld [smem:$0x3FFE];
	[sflag:s23] =	ssyncadd.s32 $0xFFFFFFFF  }
0xa5: {  	s26 =	simm.s32 $execute0_lowered;
	[smem:$0x3FD2] =	sst s25  }
0xa6: {  	s5 =	sshll.u32 s26, $0x1;
	_ =	strace $0x80000046;
	[dreg:$0x1] =	wrdreg $0xFFFFFFFF  }
0xa7: {  	s28 =	simm.s32 $_size_execute0_lowered;
	s3 =	sadd.s32 s3, s5;
	[dreg:$0x0] =	wrdreg $0x0  }
0xa8: {  	s5 =	sshll.u32 s28, $0x1;
	[dreg:$0x2] =	wrdreg s3  }
0xa9: {  	[dreg:$0x3] =	wrdreg s5  }
0xaa: {  	[dreg:$0x4] =	wrdreg $0xC0  }
0xab: {  	_ =	task [dreg:s7], $0x5FFFF  }
0xac: {  	[dreg:$0x1] =	wrdreg $0xFFFFFFFF  }
0xad: {  	[dreg:$0x0] =	wrdreg $0x60  }
0xae: {  	[dreg:$0x2] =	wrdreg s2  }
0xaf: {  	[dreg:$0x3] =	wrdreg s24  }
0xb0: {  	[dreg:$0x4] =	wrdreg $0x0  }
0xb1: {  	[dreg:$0x5] =	wrdreg $0x9  }
0xb2: {  	_ =	task.clear_ibuf [dreg:s7], $0x6FFFF;
	_ =	strace $0x90000046  }
0xb3: {  	s29 =	simm.s32 $0x9;
	_ =	strace $0x80000048  }
0xb4: {  	_ =	swait.ge [sflag:s29], $0x1  }
0xb5: {  	[sflag:s29] =	ssyncadd.s32 $0xFFFFFFFF  }
0xb6: {  	_ =	strace $0x90000048  }
0xb7: {  	_ =	sfence  }
0xb8: {  	s30 =	sld [smem:$0x0];
	_ =	sdelay $0x2  }
0xb9: {  	s31 =	sshll.u32 s1, $0xD;
	s1 =	sshrl.u32 s1, $0x2  }
0xba: {  	s3 =	sand.u32 $0x4000, s31;
	s1 =	sadd.s32 s1, s30  }
0xbb: {  	s0 =	sor.u32 s3, s0;
	s1 =	sshll.u32 s1, $0x11  }
0xbc: {  	s0 =	sor.u32 s1, s0  }
0xbd: {  	s0 =	sadd.s32 $0x8F2B, s0  }
0xbe: {  	[sflag:s0] =	ssyncadd.remote.s32 $0x1  }
0xbf: {  	_ =	sfence.sel $0xFFFF  }
0xc0: {  	[dreg:$0x0] =	wrdreg $0xFFFFFFFF;
	(pc) =	sbr.abs _section_cstart, $3  }
0xc1: {  	[dreg:$0x1] =	wrdreg $0xFFFFFFFF  }
0xc2: {  	_ =	task.clear_ibuf [dreg:s7], $0x2FFFF;
	_ =	strace $0x9FFFFFFF  }
0xc3: {  	(tm) =	ssettm $0x7FFFFFFF  }
tec
execute0_lowered:
.L_overlay_start_1:
0x0: {  	(tag) =	ssettag $0x1  }
0x1: {  	s6 =	rddreg [dreg:$0x0]  }
0x2: {  	s7 =	rddreg [dreg:$0x1]  }
0x3: {  	s1 =	rddreg [dreg:$0x2];
	s2 =	srdreg.scid  }
0x4: {  	s0 =	rddreg [dreg:$0x3];
	s8 =	sand.u32 $0x1, s2  }
0x5: {  	s2 =	stileid.u32;
	s9 =	smul.u32 $0x28000, s8  }
0x6: {  	s3 =	simm.s32 $0x0;
	s22 =	simm.s32 $0x14000;
	s10 =	smul.u32 $0x50000, s2  }
0x7: {  	s26 =	simm.s32 $0x0;
	[smem:$0x7FF] =	sst s3;
	s11 =	smul.u32 $0xA00, s2  }
0x8: {  	s4 =	sadd.s32 $0xE800, s7;
	s12 =	ssub.s32 $0x2, s8;
	s8 =	smul.u32 $0x500, s8  }
0x9: {  	s5 =	sadd.s32 $0xE400, s7;
	_ =	strace $0x80000047;
	s24 =	smul.u32 $0x2800, s2  }
0xa: {  	s25 =	sshll.u32 s2, $0x6;
	s30 =	sshrl.u32 s12, $0x1;
	s7 =	sadd.s32 s9, s7  }
0xb: {  	s10 =	sshrl.u32 s10, $0x2;
	s9 =	ssub.s32 s12, s30;
	s8 =	sadd.s32 s8, s11  }
0xc: {  	s31 =	sadd.s32 s10, s1;
	s6 =	sadd.s32 s6, s8;
	s23 =	sadd.s32 $0xF000, s7  }
0xd: {  	s7 =	smax.u32 s9, $0x1;
	s8 =	simm.s32 $0x16800;
	s9 =	simm.s32 $0x2  }
0xe: {  	s10 =	sor.u32 $0x1C01, s25;
	s25 =	sor.u32 $0x1C02, s25;
	s13 =	sadd.s32 $0x2000, s31  }
0xf: {  	s14 =	sadd.s32 $0x4000, s31;
	s15 =	sadd.s32 $0x6000, s31;
	s16 =	sadd.s32 $0x8000, s31  }
0x10: {  	s17 =	sadd.s32 $0xA000, s31;
	s18 =	sadd.s32 $0xC000, s31;
	s19 =	sadd.s32 $0xE000, s31  }
0x11: {  	s20 =	sadd.s32 $0x10000, s31;
	s21 =	sadd.s32 $0x12000, s31;
	s11 =	sshrl.u32 s31, $0x3  }
0x12: {  	s23 =	sadd.s32 s24, s23;
	s24 =	simm.s32 $0x80;
	s12 =	sshrl.u32 s13, $0x3  }
0x13: {  	s13 =	sshrl.u32 s14, $0x3;
	s14 =	sshrl.u32 s15, $0x3;
	s15 =	sshrl.u32 s16, $0x3  }
0x14: {  	s16 =	sshrl.u32 s17, $0x3;
	s17 =	sshrl.u32 s18, $0x3;
	s18 =	sshrl.u32 s19, $0x3  }
0x15: {  	s19 =	sshrl.u32 s20, $0x3;
	s20 =	sshrl.u32 s21, $0x3;
	s21 =	simm.s32 $0x1  }
.LBB2_1:
0x16: {  	[tilespmem:s8], [sflag:$0x2] =	stream.linear.gather [hbm4b:s4+s3], $0x4000, $0x38;
	[tilespmem:$0x1A800] =	vst v63  }
0x17: {  	_ =	swait.ge [sflag:s9], $0x4000  }
0x18: {  	[sflag:s9] =	ssyncset.done $0x0  }
0x19: {  	[sflag:s9] =	ssyncadd.s32 $0xFFFFC000  }
0x1a: {  	[spmem:s11], [sflag:s10] =	dma.local [hbm:s5], $0x400  }
0x1b: {  	[spmem:s12], [sflag:s10] =	dma.local [hbm:s5], $0x400  }
0x1c: {  	[spmem:s13], [sflag:s10] =	dma.local [hbm:s5], $0x400  }
0x1d: {  	[spmem:s14], [sflag:s10] =	dma.local [hbm:s5], $0x400  }
0x1e: {  	[spmem:s15], [sflag:s10] =	dma.local [hbm:s5], $0x400  }
0x1f: {  	[spmem:s16], [sflag:s10] =	dma.local [hbm:s5], $0x400  }
0x20: {  	[spmem:s17], [sflag:s10] =	dma.local [hbm:s5], $0x400  }
0x21: {  	[spmem:s18], [sflag:s10] =	dma.local [hbm:s5], $0x400  }
0x22: {  	[spmem:s19], [sflag:s10] =	dma.local [hbm:s5], $0x400  }
0x23: {  	[spmem:s20], [sflag:s10] =	dma.local [hbm:s5], $0x400  }
0x24: {  	_ =	swait.ge [sflag:s21], $0x400  }
0x25: {  	[sflag:s21] =	ssyncset.done $0x0  }
0x26: {  	[sflag:s21] =	ssyncadd.s32 $0xFFFFFC00  }
0x27: {  	_ =	swait.ge [sflag:s21], $0x400  }
0x28: {  	[sflag:s21] =	ssyncset.done $0x0  }
0x29: {  	[sflag:s21] =	ssyncadd.s32 $0xFFFFFC00  }
0x2a: {  	_ =	swait.ge [sflag:s21], $0x400  }
0x2b: {  	[sflag:s21] =	ssyncset.done $0x0  }
0x2c: {  	[sflag:s21] =	ssyncadd.s32 $0xFFFFFC00  }
0x2d: {  	_ =	swait.ge [sflag:s21], $0x400  }
0x2e: {  	[sflag:s21] =	ssyncset.done $0x0  }
0x2f: {  	[sflag:s21] =	ssyncadd.s32 $0xFFFFFC00  }
0x30: {  	_ =	swait.ge [sflag:s21], $0x400  }
0x31: {  	[sflag:s21] =	ssyncset.done $0x0  }
0x32: {  	[sflag:s21] =	ssyncadd.s32 $0xFFFFFC00  }
0x33: {  	_ =	swait.ge [sflag:s21], $0x400  }
0x34: {  	[sflag:s21] =	ssyncset.done $0x0  }
0x35: {  	[sflag:s21] =	ssyncadd.s32 $0xFFFFFC00  }
0x36: {  	_ =	swait.ge [sflag:s21], $0x400  }
0x37: {  	[sflag:s21] =	ssyncset.done $0x0  }
0x38: {  	[sflag:s21] =	ssyncadd.s32 $0xFFFFFC00  }
0x39: {  	_ =	swait.ge [sflag:s21], $0x400  }
0x3a: {  	[sflag:s21] =	ssyncset.done $0x0  }
0x3b: {  	[sflag:s21] =	ssyncadd.s32 $0xFFFFFC00  }
0x3c: {  	_ =	swait.ge [sflag:s21], $0x400  }
0x3d: {  	[sflag:s21] =	ssyncset.done $0x0  }
0x3e: {  	[sflag:s21] =	ssyncadd.s32 $0xFFFFFC00  }
0x3f: {  	_ =	swait.ge [sflag:s21], $0x400  }
0x40: {  	[sflag:s21] =	ssyncset.done $0x0  }
0x41: {  	[sflag:s21] =	ssyncadd.s32 $0xFFFFFC00  }
0x42: {  	[bflag:$0x0] =	sbarrier.arrive $0xFFFF  }
0x43: {  	[tilespmem:s22], [sflag:$0x2] =	stream.linear.gather [hbm4b:s6+s3], $0x2800, $0x38;
	[tilespmem:$0x1A800] =	vst v63  }
0x44: {  	_ =	swait.ge [sflag:s9], $0x2800  }
0x45: {  	[sflag:s9] =	ssyncset.done $0x0  }
0x46: {  	s28 =	simm.s32 $0x0;
	[sflag:s9] =	ssyncadd.s32 $0xFFFFD800  }
.LBB2_2:
0x47: {  	p0 =	sne.s32 s28, $0x9E00  }
.Ltmp0:
0x48: {  	_ = 	snop;
	(pc) =	sbr.rel @p0 .LBB2_2-.Ltmp0, $4  }
0x49: {  	_ = 	snop  }
0x4a: {  	s29 =	sshra.s32 s28, $0x2  }
0x4b: {  	s28 =	sadd.s32 $0x200, s28;
	s29 =	sadd.s32 $0x14000, s29  }
0x4c: {  	[spmem:s1] =	stream.indirect.scatter.add.f32 [tilespmem:s8], [sflag:$0x1], $0x80, s29, s24, $0xb8;
	[tilespmem:$0x1A800] =	vst v63  }
0x4d: {  	_ =	swait.ge [sflag:s21], $0x4000  }
0x4e: {  	s28 =	simm.s32 $0x4F;
	[sflag:s21] =	ssyncset.done $0x0  }
.LBB2_4:
0x4f: {  	p0 =	sne.s32 s28, $0x1;
	s28 =	sadd.s32 $0xFFFFFFFF, s28;
	[sflag:s21] =	ssyncadd.s32 $0xFFFFC000  }
.Ltmp1:
0x50: {  	(pc) =	sbr.rel @p0 .LBB2_4-.Ltmp1, $3  }
0x51: {  	_ =	sdelay $0x1  }
0x52: {  	_ =	swait.ge [sflag:s21], $0x4000  }
0x53: {  	[sflag:s21] =	ssyncset.done $0x0  }
0x54: {  	s26 =	sadd.s32 $0x1, s26  }
0x55: {  	[sflag:s21] =	ssyncadd.s32 $0xFFFFC000;
	p0 =	sne.s32 s26, s7  }
.Ltmp2:
0x56: {  	[bflag:$0x0] =	sbarrier.arrive $0xFFFF;
	(pc) =	sbr.rel @p0 .LBB2_1-.Ltmp2, $4  }
0x57: {  	[hbm:s23], [sflag:s25] =	dma.local [spmem:s11], $0x2800  }
0x58: {  	_ =	swait.ge [sflag:s9], $0x2800  }
0x59: {  	[sflag:s9] =	ssyncset.done $0x0  }
0x5a: {  	[sflag:s9] =	ssyncadd.s32 $0xFFFFD800  }
0x5b: {  	_ =	sfence.sel $0x180000  }
0x5c: {  	[bflag:$0x0] =	sbarrier.arrive $0xFFFF  }
0x5d: {  	p0 =	sne.s32 s2, $0x0;
	_ =	strace $0x90000047  }
0x5e: {  	s0 =	sadd.s32 @!p0 $0x100000, s0;
	[bflag:$0x2] =	sbarrier.arrive $0xFFFF  }
0x5f: {  	[sflag:s0] =	ssyncadd.tile.s32 @!p0 $0x1;
	_ =	shalt  }
.Lfunc_end2:
_tile_overlayer_lowered:
.L_overlay_start_2:
0x60: {  	(tag) =	ssettag $0x2  }
0x61: {  	s0 =	rddreg [dreg:$0x0];
	s2 =	stileid.u32  }
0x62: {  	s1 =	rddreg [dreg:$0x1];
	p0 =	sne.s32 s2, $0x0  }
0x63: {  	s3 =	rddreg [dreg:$0x2];
	[bflag:$0x3] =	sbarrier.arrive $0xFFFF;
	s2 =	simm.s32 @!p0 $0x1C02  }
0x64: {  	[timem:s3], [sflag:s2] =	dma.local @!p0 [hbm:s0], s1  }
0x65: {  	s0 =	simm.s32 @!p0 $0x2  }
0x66: {  	_ =	swait.ge @!p0 [sflag:s0], s1  }
0x67: {  	s1 =	ssub.s32 @!p0 $0x0, s1;
	[sflag:s0] =	ssyncset.done @!p0 $0x0  }
0x68: {  	[sflag:s0] =	ssyncadd.s32 @!p0 s1  }
0x69: {  	[bflag:$0x3] =	sbarrier.arrive $0xFFFF  }
0x6a: {  	_ =	shalt  }

// kernel: kernel.19.cloned.1.call-start
scs
__scs_entry_jumppad:
0x0: {  	(pc) =	sbr.rel $0x88, $3  }
0x1: {  	(tag) =	ssettag $0x0;
	lr =	simm.s32 $0x1  }
0x2: {  	[smem:$0x3F93] =	sst lr;
	_ =	strace $0xD0000000  }
0x3: {  	_ = 	snop  }
0x4: {  	_ = 	snop  }
0x5: {  	_ = 	snop  }
0x6: {  	_ = 	snop  }
0x7: {  	_ = 	snop  }
__scs_overlays_trampoline_lowered:
0x8: {  	[smem:$0x3FA2] =	sst s0  }
0x9: {  	[smem:$0x3FA3] =	sst s1  }
0xa: {  	[smem:$0x3FA4] =	sst s2  }
0xb: {  	[smem:$0x3FA5] =	sst s3  }
0xc: {  	[smem:$0x3FA6] =	sst s4  }
0xd: {  	[smem:$0x3FA7] =	sst s5  }
0xe: {  	[smem:$0x3FA8] =	sst s6  }
0xf: {  	[smem:$0x3FA9] =	sst s7  }
0x10: {  	[smem:$0x3FAA] =	sst s8  }
0x11: {  	[smem:$0x3FAB] =	sst s9;
	s0 =	simm.s32 @!p0 $0x0  }
0x12: {  	s1 =	sld [smem:$0x3F91];
	s0 =	simm.s32 @p0 $0x1  }
0x13: {  	[smem:$0x3FAC] =	sst s0;
	s0 =	simm.s32 @!p1 $0x0  }
0x14: {  	s2 =	sld [smem:$0x3F90];
	s0 =	simm.s32 @p1 $0x1  }
0x15: {  	[smem:$0x3FAD] =	sst s0;
	s0 =	simm.s32 @!p2 $0x0  }
0x16: {  	s3 =	sld [smem:$0x3FDB];
	s0 =	simm.s32 @p2 $0x1  }
0x17: {  	s4 =	simm.s32 $0x1BF5;
	[smem:$0x3FAF] =	sst s0  }
0x18: {  	s0 =	sld [smem:$0x3F92];
	_ =	swait.ge [sflag:s4], $0x0  }
0x19: {  	s7 =	sld [smem:$0x3F93]  }
0x1a: {  	s8 =	sadd.s32 $0xFFFFE003, lr  }
0x1b: {  	s9 =	sadd.s32 $0xFFFFFEF7, lr;
	s5 =	simm.s32 $0xFFFFFFFF;
	p2 =	slt.u32 s8, $0xFFFFF086  }
0x1c: {  	p1 =	slt.u32 s9, $0xF7A;
	s5 =	simm.s32 @!p2 $0x0  }
0x1d: {  	s5 =	simm.s32 @p1 $0x1;
	p0 =	seq.s32 s7, s2  }
0x1e: {  	s7 =	smul.u32 @!p0 $0xF7A, s2;
	p2 =	seq.s32 @!p0 s5, $0x0  }
0x1f: {  	s9 =	smul.u32 $0xF7A, s1;
	s8 =	simm.s32 @!p0 $0x1BF5;
	p2 =	por !p2, p0  }
0x20: {  	[sflag:s8] =	ssyncset.s32 @!p0 $0xFFFFF086;
	s6 =	sadd.s32 @!p0 s3, s7;
	s7 =	simm.s32 @!p0 $0x108  }
0x21: {  	s3 =	sadd.s32 s3, s9;
	s6 =	sadd.s32 @!p0 $0x88, s6;
	s7 =	simm.s32 @p2 $0x1082  }
0x22: {  	[simem:s7], [sflag:s8] =	dma.local @!p0 [hbm:s6], $0xF7A  }
0x23: {  	s9 =	sor.u32 $0xD0000000, s2;
	s6 =	simm.s32 $0x108;
	_ =	swait.ge @!p0 [sflag:s8], $0x0  }
0x24: {  	s3 =	sadd.s32 $0x88, s3;
	s6 =	simm.s32 @!p1 $0x1082;
	[sflag:s4] =	ssyncset.s32 $0xFFFFF086  }
0x25: {  	[simem:s6], [sflag:s4] =	dma.local [hbm:s3], $0xF7A  }
0x26: {  	[smem:$0x3F93] =	sst s1;
	(tag) =	ssettag s2;
	_ =	strace s9  }
0x27: {  	s1 =	sld [smem:$0x3FA3]  }
0x28: {  	s2 =	sld [smem:$0x3FA4]  }
0x29: {  	s4 =	sld [smem:$0x3FA6]  }
0x2a: {  	p0 =	seq.s32 s5, $0x0;
	s5 =	sld [smem:$0x3FA7]  }
0x2b: {  	s6 =	sld [smem:$0x3FA8]  }
0x2c: {  	s7 =	sld [smem:$0x3FA9]  }
0x2d: {  	s3 =	simm.s32 $0x108;
	s8 =	sld [smem:$0x3FAA]  }
0x2e: {  	s3 =	simm.s32 @!p0 $0x1082;
	s9 =	sld [smem:$0x3FAB]  }
0x2f: {  	lr =	sadd.s32 s0, s3;
	s0 =	sld [smem:$0x3FA2]  }
0x30: {  	s3 =	sld [smem:$0x3FA5]  }
0x31: {  	[smem:$0x3FAE] =	sst s10  }
0x32: {  	s10 =	sld [smem:$0x3FAC];
	_ =	sdelay $0x3  }
0x33: {  	p0 =	seq.s32 s10, $0x1;
	s10 =	sld [smem:$0x3FAE];
	_ =	sdelay $0x3  }
0x34: {  	[smem:$0x3FAE] =	sst s10  }
0x35: {  	s10 =	sld [smem:$0x3FAD];
	_ =	sdelay $0x3  }
0x36: {  	p1 =	seq.s32 s10, $0x1;
	s10 =	sld [smem:$0x3FAE];
	_ =	sdelay $0x3  }
0x37: {  	[smem:$0x3FAE] =	sst s10  }
0x38: {  	s10 =	sld [smem:$0x3FAF]  }
0x39: {  	_ = 	snop;
	(pc) =	sbr.ind lr, $3  }
0x3a: {  	_ = 	snop  }
0x3b: {  	_ = 	snop  }
0x3c: {  	p2 =	seq.s32 s10, $0x1;
	s10 =	sld [smem:$0x3FAE]  }
0x3d: {  	_ =	shalt  }
0x3e: {  	_ =	shalt  }
0x3f: {  	_ =	shalt  }
0x40: {  	_ =	shalt  }
0x41: {  	_ =	shalt  }
0x42: {  	_ =	shalt  }
0x43: {  	_ =	shalt  }
0x44: {  	_ =	shalt  }
0x45: {  	_ =	shalt  }
0x46: {  	_ =	shalt  }
0x47: {  	_ =	shalt  }
0x48: {  	_ =	shalt  }
0x49: {  	_ =	shalt  }
0x4a: {  	_ =	shalt  }
0x4b: {  	_ =	shalt  }
0x4c: {  	_ =	shalt  }
0x4d: {  	_ =	shalt  }
0x4e: {  	_ =	shalt  }
0x4f: {  	_ =	shalt  }
0x50: {  	_ =	shalt  }
0x51: {  	_ =	shalt  }
0x52: {  	_ =	shalt  }
0x53: {  	_ =	shalt  }
0x54: {  	_ =	shalt  }
0x55: {  	_ =	shalt  }
0x56: {  	_ =	shalt  }
0x57: {  	_ =	shalt  }
0x58: {  	_ =	shalt  }
0x59: {  	_ =	shalt  }
0x5a: {  	_ =	shalt  }
0x5b: {  	_ =	shalt  }
0x5c: {  	_ =	shalt  }
0x5d: {  	_ =	shalt  }
0x5e: {  	_ =	shalt  }
0x5f: {  	_ =	shalt  }
0x60: {  	_ =	shalt  }
0x61: {  	_ =	shalt  }
0x62: {  	_ =	shalt  }
0x63: {  	_ =	shalt  }
0x64: {  	_ =	shalt  }
0x65: {  	_ =	shalt  }
0x66: {  	_ =	shalt  }
0x67: {  	_ =	shalt  }
0x68: {  	_ =	shalt  }
0x69: {  	_ =	shalt  }
0x6a: {  	_ =	shalt  }
0x6b: {  	_ =	shalt  }
0x6c: {  	_ =	shalt  }
0x6d: {  	_ =	shalt  }
0x6e: {  	_ =	shalt  }
0x6f: {  	_ =	shalt  }
0x70: {  	_ =	shalt  }
0x71: {  	_ =	shalt  }
0x72: {  	_ =	shalt  }
0x73: {  	_ =	shalt  }
0x74: {  	_ =	shalt  }
0x75: {  	_ =	shalt  }
0x76: {  	_ =	shalt  }
0x77: {  	_ =	shalt  }
0x78: {  	_ =	shalt  }
0x79: {  	_ =	shalt  }
0x7a: {  	_ =	shalt  }
0x7b: {  	_ =	shalt  }
0x7c: {  	_ =	shalt  }
0x7d: {  	_ =	shalt  }
0x7e: {  	_ =	shalt  }
0x7f: {  	_ =	shalt  }
0x80: {  	_ =	shalt  }
0x81: {  	_ =	shalt  }
0x82: {  	_ =	shalt  }
0x83: {  	_ =	shalt  }
0x84: {  	_ =	shalt  }
0x85: {  	_ =	shalt  }
0x86: {  	_ =	shalt  }
0x87: {  	_ =	shalt  }
.Lfunc_end0:
.L_simem_size_0:
called_computation.1_lowered:
.L_overlay_start_0:
0x88: {  	s2 =	sld [smem:$0x3FD9]  }
0x89: {  	s3 =	sld [smem:$0x3FFE];
	_ =	sdelay $0x1  }
0x8a: {  	s1 =	srdreg.scid  }
0x8b: {  	s0 =	sand.u32 $0x1, s1  }
0x8c: {  	s17 =	sshll.u32 s0, $0xA;
	s2 =	sadd.s32 s3, s2  }
0x8d: {  	s2 =	sadd.s32 s2, s17  }
0x8e: {  	[smem:$0x3FBA] =	sst s2  }
0x8f: {  	_ = 	snop  }
0x90: {  	s2 =	sld [smem:$0x3FD0];
	(tm) =	ssettm $0x1  }
0x91: {  	s18 =	sld [smem:$0x3FFB];
	_ =	sdelay $0x3  }
0x92: {  	_ =	strace s18  }
0x93: {  	s3 =	sld [smem:$0x3FFC];
	_ =	sdelay $0x3  }
0x94: {  	_ =	strace s3  }
0x95: {  	s3 =	sld [smem:$0x3FFD];
	_ =	sdelay $0x3  }
0x96: {  	_ =	strace s3  }
0x97: {  	_ =	strace $0x8FFFFFFF  }
0x98: {  	s19 =	sld [smem:$0x3FDB];
	_ =	sdelay $0x1  }
0x99: {  	s4 =	simm.s32 $_scs_section_size  }
0x9a: {  	s5 =	simm.s32 $_size__tile_overlayer_lowered;
	s6 =	simm.s32 $_tile_overlayer_lowered  }
0x9b: {  	s22 =	simm.s32 $0x1BFF;
	s21 =	sshll.u32 s6, $0x1;
	s3 =	sadd.s32 s4, s19  }
0x9c: {  	s7 =	simm.s32 $0x0;
	s20 =	sshll.u32 s5, $0x1;
	s5 =	sadd.s32 s21, s3  }
0x9d: {  	[timem:s7], [sflag:s22] =	dma.local [hbm:s5], s20  }
0x9e: {  	_ =	swait.ge [sflag:s22], s20  }
0x9f: {  	s4 =	ssub.s32 $0x0, s20;
	[sflag:s22] =	ssyncset.done $0x0  }
0xa0: {  	[sflag:s22] =	ssyncadd.s32 s4;
	_ =	sdelay $0x1  }
0xa1: {  	s23 =	simm.s32 $0x1B8B  }
0xa2: {  	_ =	swait.ge [sflag:s23], $0x1  }
0xa3: {  	[sflag:s23] =	ssyncset.done $0x0  }
0xa4: {  	s25 =	simm.s32 $0x1B8E;
	s24 =	sld [smem:$0x3FFE];
	[sflag:s23] =	ssyncadd.s32 $0xFFFFFFFF  }
0xa5: {  	s26 =	simm.s32 $execute0_lowered;
	[smem:$0x3FD2] =	sst s25  }
0xa6: {  	s5 =	sshll.u32 s26, $0x1;
	_ =	strace $0x80000049;
	[dreg:$0x1] =	wrdreg $0xFFFFFFFF  }
0xa7: {  	s28 =	simm.s32 $_size_execute0_lowered;
	s3 =	sadd.s32 s3, s5;
	[dreg:$0x0] =	wrdreg $0x0  }
0xa8: {  	s5 =	sshll.u32 s28, $0x1;
	[dreg:$0x2] =	wrdreg s3  }
0xa9: {  	[dreg:$0x3] =	wrdreg s5  }
0xaa: {  	[dreg:$0x4] =	wrdreg $0xC0  }
0xab: {  	_ =	task [dreg:s7], $0x5FFFF  }
0xac: {  	[dreg:$0x1] =	wrdreg $0xFFFFFFFF  }
0xad: {  	[dreg:$0x0] =	wrdreg $0x60  }
0xae: {  	[dreg:$0x2] =	wrdreg s24  }
0xaf: {  	[dreg:$0x3] =	wrdreg s2  }
0xb0: {  	[dreg:$0x4] =	wrdreg $0x0  }
0xb1: {  	[dreg:$0x5] =	wrdreg $0x9  }
0xb2: {  	_ =	task.clear_ibuf [dreg:s7], $0x6FFFF;
	_ =	strace $0x90000049  }
0xb3: {  	s29 =	simm.s32 $0x9;
	_ =	strace $0x8000004B  }
0xb4: {  	_ =	swait.ge [sflag:s29], $0x1  }
0xb5: {  	[sflag:s29] =	ssyncadd.s32 $0xFFFFFFFF  }
0xb6: {  	_ =	strace $0x9000004B  }
0xb7: {  	_ =	sfence  }
0xb8: {  	s30 =	sld [smem:$0x0];
	_ =	sdelay $0x2  }
0xb9: {  	s31 =	sshll.u32 s1, $0xD;
	s1 =	sshrl.u32 s1, $0x2  }
0xba: {  	s3 =	sand.u32 $0x4000, s31;
	s1 =	sadd.s32 s1, s30  }
0xbb: {  	s0 =	sor.u32 s3, s0;
	s1 =	sshll.u32 s1, $0x11  }
0xbc: {  	s0 =	sor.u32 s1, s0  }
0xbd: {  	s0 =	sadd.s32 $0x8F2B, s0  }
0xbe: {  	[sflag:s0] =	ssyncadd.remote.s32 $0x1  }
0xbf: {  	_ =	sfence.sel $0xFFFF  }
0xc0: {  	[dreg:$0x0] =	wrdreg $0xFFFFFFFF;
	(pc) =	sbr.abs _section_cstart, $3  }
0xc1: {  	[dreg:$0x1] =	wrdreg $0xFFFFFFFF  }
0xc2: {  	_ =	task.clear_ibuf [dreg:s7], $0x2FFFF;
	_ =	strace $0x9FFFFFFF  }
0xc3: {  	(tm) =	ssettm $0x7FFFFFFF  }
tec
execute0_lowered:
.L_overlay_start_1:
0x0: {  	(tag) =	ssettag $0x1  }
0x1: {  	s0 =	rddreg [dreg:$0x0]  }
0x2: {  	s1 =	rddreg [dreg:$0x1]  }
0x3: {  	s2 =	rddreg [dreg:$0x2];
	s3 =	simm.s32 $0x0  }
0x4: {  	s4 =	srdreg.scid;
	s11 =	stileid.u32;
	s28 =	simm.s32 $0x80  }
0x5: {  	s29 =	simm.s32 $0x16800;
	s30 =	simm.s32 $0x1A800;
	s31 =	simm.s32 $0x2  }
0x6: {  	[smem:$0x7FF] =	sst s3;
	s4 =	sand.u32 $0x1, s4;
	s5 =	sadd.s32 $0x4400, s0  }
0x7: {  	s8 =	smul.u32 $0x50000, s11;
	s6 =	sadd.s32 $0xE400, s0;
	s9 =	sshll.u32 s11, $0x6  }
0x8: {  	s7 =	smul.u32 $0x28000, s4;
	_ =	strace $0x8000004A;
	s4 =	ssub.s32 $0x2, s4  }
0x9: {  	[dreg:$0x4] =	wrdreg s9;
	s14 =	sshrl.u32 s4, $0x1;
	s8 =	sshrl.u32 s8, $0x2  }
0xa: {  	s15 =	sadd.s32 s8, s2;
	s8 =	sor.u32 $0x1C01, s9;
	s9 =	smul.u32 $0xA0, s11  }
0xb: {  	s0 =	sadd.s32 s7, s0;
	s4 =	ssub.s32 s4, s14;
	s11 =	smul.u32 $0x2800, s11  }
0xc: {  	s7 =	simm.s32 $0x16780;
	s10 =	sadd.s32 $0xE800, s0;
	s0 =	sadd.s32 $0x5E800, s0  }
0xd: {  	s4 =	smax.u32 s4, $0x1;
	s22 =	sadd.s32 $0x2000, s15;
	s13 =	sadd.s32 $0x4000, s15  }
0xe: {  	s14 =	sadd.s32 $0x6000, s15;
	s16 =	sadd.s32 $0x8000, s15;
	s17 =	sadd.s32 $0xA000, s15  }
0xf: {  	s18 =	sadd.s32 $0xC000, s15;
	s19 =	sadd.s32 $0xE000, s15;
	s20 =	sadd.s32 $0x10000, s15  }
0x10: {  	s21 =	sadd.s32 $0x12000, s15;
	[dreg:$0x5] =	wrdreg s4;
	s4 =	sshrl.u32 s22, $0x3  }
0x11: {  	s12 =	sshrl.u32 s15, $0x3;
	s23 =	sshrl.u32 s13, $0x3;
	[dreg:$0x6] =	wrdreg s4  }
0x12: {  	s24 =	sshrl.u32 s14, $0x3;
	s25 =	sshrl.u32 s16, $0x3;
	[dreg:$0x7] =	wrdreg s23  }
0x13: {  	s26 =	sshrl.u32 s17, $0x3;
	s18 =	sshrl.u32 s18, $0x3;
	[dreg:$0x8] =	wrdreg s24  }
0x14: {  	s19 =	sshrl.u32 s19, $0x3;
	s20 =	sshrl.u32 s20, $0x3;
	[dreg:$0x9] =	wrdreg s25  }
0x15: {  	s21 =	sshrl.u32 s21, $0x3;
	s22 =	simm.s32 $0x1;
	[dreg:$0xa] =	wrdreg s26  }
0x16: {  	s23 =	simm.s32 $0x14000;
	s24 =	sadd.s32 s11, s0;
	s25 =	simm.s32 $0x3  }
0x17: {  	s26 =	simm.s32 $0x15400;
	s0 =	simm.s32 $0x15380;
	s4 =	simm.s32 $0x16700  }
.LBB2_1:
0x18: {  	[spmem:s12], [sflag:s8] =	dma.local [hbm:s6], $0x400  }
0x19: {  	s11 =	rddreg [dreg:$0x6]  }
0x1a: {  	[spmem:s11], [sflag:s8] =	dma.local [hbm:s6], $0x400  }
0x1b: {  	s11 =	rddreg [dreg:$0x7]  }
0x1c: {  	[spmem:s11], [sflag:s8] =	dma.local [hbm:s6], $0x400  }
0x1d: {  	s11 =	rddreg [dreg:$0x8]  }
0x1e: {  	[spmem:s11], [sflag:s8] =	dma.local [hbm:s6], $0x400  }
0x1f: {  	s11 =	rddreg [dreg:$0x9]  }
0x20: {  	[spmem:s11], [sflag:s8] =	dma.local [hbm:s6], $0x400  }
0x21: {  	s11 =	rddreg [dreg:$0xa]  }
0x22: {  	[spmem:s11], [sflag:s8] =	dma.local [hbm:s6], $0x400  }
0x23: {  	[spmem:s18], [sflag:s8] =	dma.local [hbm:s6], $0x400  }
0x24: {  	[spmem:s19], [sflag:s8] =	dma.local [hbm:s6], $0x400  }
0x25: {  	[spmem:s20], [sflag:s8] =	dma.local [hbm:s6], $0x400  }
0x26: {  	[spmem:s21], [sflag:s8] =	dma.local [hbm:s6], $0x400  }
0x27: {  	_ =	swait.ge [sflag:s22], $0x400  }
0x28: {  	[sflag:s22] =	ssyncset.done $0x0  }
0x29: {  	[sflag:s22] =	ssyncadd.s32 $0xFFFFFC00  }
0x2a: {  	_ =	swait.ge [sflag:s22], $0x400  }
0x2b: {  	[sflag:s22] =	ssyncset.done $0x0  }
0x2c: {  	[sflag:s22] =	ssyncadd.s32 $0xFFFFFC00  }
0x2d: {  	_ =	swait.ge [sflag:s22], $0x400  }
0x2e: {  	[sflag:s22] =	ssyncset.done $0x0  }
0x2f: {  	[sflag:s22] =	ssyncadd.s32 $0xFFFFFC00  }
0x30: {  	_ =	swait.ge [sflag:s22], $0x400  }
0x31: {  	[sflag:s22] =	ssyncset.done $0x0  }
0x32: {  	[sflag:s22] =	ssyncadd.s32 $0xFFFFFC00  }
0x33: {  	_ =	swait.ge [sflag:s22], $0x400  }
0x34: {  	[sflag:s22] =	ssyncset.done $0x0  }
0x35: {  	[sflag:s22] =	ssyncadd.s32 $0xFFFFFC00  }
0x36: {  	_ =	swait.ge [sflag:s22], $0x400  }
0x37: {  	[sflag:s22] =	ssyncset.done $0x0  }
0x38: {  	[sflag:s22] =	ssyncadd.s32 $0xFFFFFC00  }
0x39: {  	_ =	swait.ge [sflag:s22], $0x400  }
0x3a: {  	[sflag:s22] =	ssyncset.done $0x0  }
0x3b: {  	[sflag:s22] =	ssyncadd.s32 $0xFFFFFC00  }
0x3c: {  	_ =	swait.ge [sflag:s22], $0x400  }
0x3d: {  	[sflag:s22] =	ssyncset.done $0x0  }
0x3e: {  	[sflag:s22] =	ssyncadd.s32 $0xFFFFFC00  }
0x3f: {  	_ =	swait.ge [sflag:s22], $0x400  }
0x40: {  	[sflag:s22] =	ssyncset.done $0x0  }
0x41: {  	[sflag:s22] =	ssyncadd.s32 $0xFFFFFC00  }
0x42: {  	_ =	swait.ge [sflag:s22], $0x400  }
0x43: {  	[sflag:s22] =	ssyncset.done $0x0  }
0x44: {  	[sflag:s22] =	ssyncadd.s32 $0xFFFFFC00  }
0x45: {  	s11 =	simm.s32 $0x0;
	[bflag:$0x0] =	sbarrier.arrive $0xFFFF  }
.LBB2_2:
0x46: {  	s13 =	smul.u32 $0x28, s11;
	_ =	sdelay $0x1  }
0x47: {  	s13 =	sadd.s32 s9, s13  }
0x48: {  	s13 =	sshll.u32 s13, $0x4  }
0x49: {  	s15 =	simm.s32 $0x0;
	s14 =	sadd.s32 s5, s13  }
0x4a: {  	[tilespmem:s23], [sflag:$0x3] =	stream.linear.gather [hbm4b:s14+s15], $0x1400, $0x38;
	[tilespmem:$0x1E800] =	vst v63  }
0x4b: {  	_ =	swait.ge [sflag:s25], $0x1400  }
0x4c: {  	[sflag:s25] =	ssyncset.done $0x0  }
0x4d: {  	s13 =	sadd.s32 s1, s13;
	[sflag:s25] =	ssyncadd.s32 $0xFFFFEC00  }
0x4e: {  	[tilespmem:s26], [sflag:$0x3] =	stream.linear.gather [hbm4b:s13+s15], $0x1400, $0x38;
	[tilespmem:$0x1E800] =	vst v63  }
0x4f: {  	_ =	swait.ge [sflag:s25], $0x1400  }
0x50: {  	[sflag:s25] =	ssyncset.done $0x0  }
0x51: {  	[sflag:s25] =	ssyncadd.s32 $0xFFFFEC00  }
0x52: {  	[tilespmem:s29], [sflag:$0x1] =	stream.indirect.gather [hbm4b:s10+s28], $0x80, s23, s28, $0xb8;
	[tilespmem:$0x1E800] =	vst v63  }
0x53: {  	s14 =	simm.s32 $0x14080  }
0x54: {  	[tilespmem:s30], [sflag:$0x2] =	stream.indirect.gather [hbm4b:s10+s28], $0x80, s14, s28, $0xb8;
	[tilespmem:$0x1E800] =	vst v63  }
0x55: {  	_ =	swait.ge [sflag:s22], $0x4000  }
0x56: {  	[sflag:s22] =	ssyncset.done $0x0  }
0x57: {  	s15 =	simm.s32 $0x15400;
	[sflag:s22] =	ssyncadd.s32 $0xFFFFC000  }
0x58: {  	[spmem:s2] =	stream.indirect.scatter.add.f32 [tilespmem:s29], [sflag:$0x3], $0x80, s15, s28, $0xb8;
	[tilespmem:$0x1E800] =	vst v63  }
0x59: {  	_ =	swait.ge [sflag:s25], $0x4000  }
0x5a: {  	[sflag:s25] =	ssyncset.done $0x0  }
0x5b: {  	s16 =	simm.s32 $0x14100;
	[sflag:s25] =	ssyncadd.s32 $0xFFFFC000  }
0x5c: {  	[tilespmem:s29], [sflag:$0x1] =	stream.indirect.gather [hbm4b:s10+s28], $0x80, s16, s28, $0xb8;
	[tilespmem:$0x1E800] =	vst v63  }
0x5d: {  	_ =	swait.ge [sflag:s31], $0x4000  }
0x5e: {  	[sflag:s31] =	ssyncset.done $0x0  }
0x5f: {  	s17 =	simm.s32 $0x15480;
	[sflag:s31] =	ssyncadd.s32 $0xFFFFC000  }
0x60: {  	[spmem:s2] =	stream.indirect.scatter.add.f32 [tilespmem:s30], [sflag:$0x3], $0x80, s17, s28, $0xb8;
	[tilespmem:$0x1E800] =	vst v63  }
0x61: {  	_ =	swait.ge [sflag:s25], $0x4000  }
0x62: {  	s13 =	simm.s32 $0x100;
	s14 =	simm.s32 $0x800;
	[sflag:s25] =	ssyncset.done $0x0  }
.LBB2_3:
0x63: {  	s15 =	sadd.s32 $0x14080, s13  }
0x64: {  	[sflag:s25] =	ssyncadd.s32 $0xFFFFC000;
	s16 =	smov.u32 s14;
	s17 =	sadd.s32 $0x400, s14  }
0x65: {  	[tilespmem:s30], [sflag:$0x2] =	stream.indirect.gather [hbm4b:s10+s28], $0x80, s15, s28, $0xb8;
	[tilespmem:$0x1E800] =	vst v63  }
0x66: {  	p0 =	sne.s32 s14, $0x4800;
	_ =	swait.ge [sflag:s22], $0x4000  }
0x67: {  	[sflag:s22] =	ssyncset.done $0x0  }
0x68: {  	s14 =	sadd.s32 $0x15400, s13;
	[sflag:s22] =	ssyncadd.s32 $0xFFFFC000  }
0x69: {  	[spmem:s2] =	stream.indirect.scatter.add.f32 [tilespmem:s29], [sflag:$0x3], $0x80, s14, s28, $0xb8;
	[tilespmem:$0x1E800] =	vst v63  }
0x6a: {  	_ =	swait.ge [sflag:s25], $0x4000  }
0x6b: {  	[sflag:s25] =	ssyncset.done $0x0  }
0x6c: {  	s14 =	sadd.s32 $0x14100, s13;
	[sflag:s25] =	ssyncadd.s32 $0xFFFFC000  }
0x6d: {  	[tilespmem:s29], [sflag:$0x1] =	stream.indirect.gather [hbm4b:s10+s28], $0x80, s14, s28, $0xb8;
	[tilespmem:$0x1E800] =	vst v63  }
0x6e: {  	_ =	swait.ge [sflag:s31], $0x4000  }
.Ltmp0:
0x6f: {  	[sflag:s31] =	ssyncset.done $0x0;
	(pc) =	sbr.rel @p0 .LBB2_3-.Ltmp0, $4  }
0x70: {  	s13 =	sadd.s32 $0x15480, s13;
	[sflag:s31] =	ssyncadd.s32 $0xFFFFC000  }
0x71: {  	[spmem:s2] =	stream.indirect.scatter.add.f32 [tilespmem:s30], [sflag:$0x3], $0x80, s13, s28, $0xb8;
	[tilespmem:$0x1E800] =	vst v63  }
0x72: {  	_ =	swait.ge [sflag:s25], $0x4000  }
0x73: {  	s14 =	smov.u32 s17;
	s13 =	sshra.s32 s16, $0x2;
	[sflag:s25] =	ssyncset.done $0x0  }
0x74: {  	s14 =	sadd.s32 $0x14080, s13;
	[sflag:s25] =	ssyncadd.s32 $0xFFFFC000  }
0x75: {  	[tilespmem:s30], [sflag:$0x2] =	stream.indirect.gather [hbm4b:s10+s28], $0x80, s14, s28, $0xb8;
	[tilespmem:$0x1E800] =	vst v63  }
0x76: {  	_ =	swait.ge [sflag:s22], $0x4000  }
0x77: {  	[sflag:s22] =	ssyncset.done $0x0  }
0x78: {  	s15 =	sadd.s32 $0x15400, s13;
	[sflag:s22] =	ssyncadd.s32 $0xFFFFC000  }
0x79: {  	[spmem:s2] =	stream.indirect.scatter.add.f32 [tilespmem:s29], [sflag:$0x3], $0x80, s15, s28, $0xb8;
	[tilespmem:$0x1E800] =	vst v63  }
0x7a: {  	_ =	swait.ge [sflag:s25], $0x4000  }
0x7b: {  	[sflag:s25] =	ssyncset.done $0x0  }
0x7c: {  	s16 =	sadd.s32 $0x14100, s13;
	[sflag:s25] =	ssyncadd.s32 $0xFFFFC000  }
0x7d: {  	[tilespmem:s29], [sflag:$0x1] =	stream.indirect.gather [hbm4b:s10+s28], $0x80, s16, s28, $0xb8;
	[tilespmem:$0x1E800] =	vst v63  }
0x7e: {  	_ =	swait.ge [sflag:s31], $0x4000  }
0x7f: {  	[sflag:s31] =	ssyncset.done $0x0  }
0x80: {  	s17 =	sadd.s32 $0x15480, s13;
	[sflag:s31] =	ssyncadd.s32 $0xFFFFC000  }
0x81: {  	[spmem:s2] =	stream.indirect.scatter.add.f32 [tilespmem:s30], [sflag:$0x3], $0x80, s17, s28, $0xb8;
	[tilespmem:$0x1E800] =	vst v63  }
0x82: {  	_ =	swait.ge [sflag:s25], $0x4000  }
0x83: {  	[sflag:s25] =	ssyncset.done $0x0  }
0x84: {  	[sflag:s25] =	ssyncadd.s32 $0xFFFFC000  }
0x85: {  	[tilespmem:s30], [sflag:$0x2] =	stream.indirect.gather [hbm4b:s10+s28], $0x80, s0, s28, $0xb8;
	[tilespmem:$0x1E800] =	vst v63  }
0x86: {  	_ =	swait.ge [sflag:s22], $0x4000  }
0x87: {  	[sflag:s22] =	ssyncset.done $0x0  }
0x88: {  	[sflag:s22] =	ssyncadd.s32 $0xFFFFC000  }
0x89: {  	[spmem:s2] =	stream.indirect.scatter.add.f32 [tilespmem:s29], [sflag:$0x3], $0x80, s4, s28, $0xb8;
	[tilespmem:$0x1E800] =	vst v63  }
0x8a: {  	_ =	swait.ge [sflag:s25], $0x4000  }
0x8b: {  	[sflag:s25] =	ssyncset.done $0x0  }
0x8c: {  	[sflag:s25] =	ssyncadd.s32 $0xFFFFC000  }
0x8d: {  	s11 =	sadd.s32 $0x1, s11;
	_ =	swait.ge [sflag:s31], $0x4000  }
0x8e: {  	p0 =	sne.s32 s11, $0x4;
	[sflag:s31] =	ssyncset.done $0x0  }
.Ltmp1:
0x8f: {  	[sflag:s31] =	ssyncadd.s32 $0xFFFFC000;
	(pc) =	sbr.rel @p0 .LBB2_2-.Ltmp1, $4  }
0x90: {  	[spmem:s2] =	stream.indirect.scatter.add.f32 [tilespmem:s30], [sflag:$0x3], $0x80, s7, s28, $0xb8;
	[tilespmem:$0x1E800] =	vst v63  }
0x91: {  	_ =	swait.ge [sflag:s25], $0x4000  }
0x92: {  	[sflag:s25] =	ssyncset.done $0x0  }
0x93: {  	[sflag:s25] =	ssyncadd.s32 $0xFFFFC000  }
0x94: {  	[bflag:$0x0] =	sbarrier.arrive $0xFFFF  }
0x95: {  	s11 =	rddreg [dreg:$0x4]  }
0x96: {  	s11 =	sor.u32 $0x1C03, s11  }
0x97: {  	[hbm:s24], [sflag:s11] =	dma.local [spmem:s12], $0x2800  }
0x98: {  	_ =	swait.ge [sflag:s25], $0x2800  }
0x99: {  	s3 =	sadd.s32 $0x1, s3;
	s17 =	rddreg [dreg:$0x5]  }
0x9a: {  	p0 =	sne.s32 s3, s17  }
.Ltmp2:
0x9b: {  	_ = 	snop;
	(pc) =	sbr.rel @p0 .LBB2_1-.Ltmp2, $3  }
0x9c: {  	_ =	sdelay $0x1  }
0x9d: {  	[sflag:s25] =	ssyncset.done $0x0  }
0x9e: {  	[sflag:s25] =	ssyncadd.s32 $0xFFFFD800  }
0x9f: {  	_ =	sfence.sel $0x180000  }
0xa0: {  	[bflag:$0x0] =	sbarrier.arrive $0xFFFF  }
0xa1: {  	_ =	strace $0x9000004A  }
0xa2: {  	s0 =	stileid.u32;
	[bflag:$0x2] =	sbarrier.arrive $0xFFFF  }
0xa3: {  	p0 =	sne.s32 s0, $0x0;
	s0 =	rddreg [dreg:$0x3]  }
0xa4: {  	s0 =	sadd.s32 @!p0 $0x100000, s0  }
0xa5: {  	[sflag:s0] =	ssyncadd.tile.s32 @!p0 $0x1;
	_ =	shalt  }
.Lfunc_end2:
_tile_overlayer_lowered:
.L_overlay_start_2:
0xa6: {  	(tag) =	ssettag $0x2  }
0xa7: {  	s0 =	rddreg [dreg:$0x0];
	s2 =	stileid.u32  }
0xa8: {  	s1 =	rddreg [dreg:$0x1];
	p0 =	sne.s32 s2, $0x0  }
0xa9: {  	s3 =	rddreg [dreg:$0x2];
	[bflag:$0x3] =	sbarrier.arrive $0xFFFF;
	s2 =	simm.s32 @!p0 $0x1C03  }
0xaa: {  	[timem:s3], [sflag:s2] =	dma.local @!p0 [hbm:s0], s1  }
0xab: {  	s0 =	simm.s32 @!p0 $0x3  }
0xac: {  	_ =	swait.ge @!p0 [sflag:s0], s1  }
0xad: {  	s1 =	ssub.s32 @!p0 $0x0, s1;
	[sflag:s0] =	ssyncset.done @!p0 $0x0  }
0xae: {  	[sflag:s0] =	ssyncadd.s32 @!p0 s1  }
0xaf: {  	[bflag:$0x3] =	sbarrier.arrive $0xFFFF  }
0xb0: {  	_ =	shalt  }

// kernel: kernel.22.cloned.1.call-start
scs
__scs_entry_jumppad:
0x0: {  	(pc) =	sbr.rel $0x88, $3  }
0x1: {  	(tag) =	ssettag $0x0;
	lr =	simm.s32 $0x1  }
0x2: {  	[smem:$0x3F93] =	sst lr;
	_ =	strace $0xD0000000  }
0x3: {  	_ = 	snop  }
0x4: {  	_ = 	snop  }
0x5: {  	_ = 	snop  }
0x6: {  	_ = 	snop  }
0x7: {  	_ = 	snop  }
__scs_overlays_trampoline_lowered:
0x8: {  	[smem:$0x3FA2] =	sst s0  }
0x9: {  	[smem:$0x3FA3] =	sst s1  }
0xa: {  	[smem:$0x3FA4] =	sst s2  }
0xb: {  	[smem:$0x3FA5] =	sst s3  }
0xc: {  	[smem:$0x3FA6] =	sst s4  }
0xd: {  	[smem:$0x3FA7] =	sst s5  }
0xe: {  	[smem:$0x3FA8] =	sst s6  }
0xf: {  	[smem:$0x3FA9] =	sst s7  }
0x10: {  	[smem:$0x3FAA] =	sst s8  }
0x11: {  	[smem:$0x3FAB] =	sst s9;
	s0 =	simm.s32 @!p0 $0x0  }
0x12: {  	s1 =	sld [smem:$0x3F91];
	s0 =	simm.s32 @p0 $0x1  }
0x13: {  	[smem:$0x3FAC] =	sst s0;
	s0 =	simm.s32 @!p1 $0x0  }
0x14: {  	s2 =	sld [smem:$0x3F90];
	s0 =	simm.s32 @p1 $0x1  }
0x15: {  	[smem:$0x3FAD] =	sst s0;
	s0 =	simm.s32 @!p2 $0x0  }
0x16: {  	s3 =	sld [smem:$0x3FDB];
	s0 =	simm.s32 @p2 $0x1  }
0x17: {  	s4 =	simm.s32 $0x1BF5;
	[smem:$0x3FAF] =	sst s0  }
0x18: {  	s0 =	sld [smem:$0x3F92];
	_ =	swait.ge [sflag:s4], $0x0  }
0x19: {  	s7 =	sld [smem:$0x3F93]  }
0x1a: {  	s8 =	sadd.s32 $0xFFFFE003, lr  }
0x1b: {  	s9 =	sadd.s32 $0xFFFFFEF7, lr;
	s5 =	simm.s32 $0xFFFFFFFF;
	p2 =	slt.u32 s8, $0xFFFFF086  }
0x1c: {  	p1 =	slt.u32 s9, $0xF7A;
	s5 =	simm.s32 @!p2 $0x0  }
0x1d: {  	s5 =	simm.s32 @p1 $0x1;
	p0 =	seq.s32 s7, s2  }
0x1e: {  	s7 =	smul.u32 @!p0 $0xF7A, s2;
	p2 =	seq.s32 @!p0 s5, $0x0  }
0x1f: {  	s9 =	smul.u32 $0xF7A, s1;
	s8 =	simm.s32 @!p0 $0x1BF5;
	p2 =	por !p2, p0  }
0x20: {  	[sflag:s8] =	ssyncset.s32 @!p0 $0xFFFFF086;
	s6 =	sadd.s32 @!p0 s3, s7;
	s7 =	simm.s32 @!p0 $0x108  }
0x21: {  	s3 =	sadd.s32 s3, s9;
	s6 =	sadd.s32 @!p0 $0x88, s6;
	s7 =	simm.s32 @p2 $0x1082  }
0x22: {  	[simem:s7], [sflag:s8] =	dma.local @!p0 [hbm:s6], $0xF7A  }
0x23: {  	s9 =	sor.u32 $0xD0000000, s2;
	s6 =	simm.s32 $0x108;
	_ =	swait.ge @!p0 [sflag:s8], $0x0  }
0x24: {  	s3 =	sadd.s32 $0x88, s3;
	s6 =	simm.s32 @!p1 $0x1082;
	[sflag:s4] =	ssyncset.s32 $0xFFFFF086  }
0x25: {  	[simem:s6], [sflag:s4] =	dma.local [hbm:s3], $0xF7A  }
0x26: {  	[smem:$0x3F93] =	sst s1;
	(tag) =	ssettag s2;
	_ =	strace s9  }
0x27: {  	s1 =	sld [smem:$0x3FA3]  }
0x28: {  	s2 =	sld [smem:$0x3FA4]  }
0x29: {  	s4 =	sld [smem:$0x3FA6]  }
0x2a: {  	p0 =	seq.s32 s5, $0x0;
	s5 =	sld [smem:$0x3FA7]  }
0x2b: {  	s6 =	sld [smem:$0x3FA8]  }
0x2c: {  	s7 =	sld [smem:$0x3FA9]  }
0x2d: {  	s3 =	simm.s32 $0x108;
	s8 =	sld [smem:$0x3FAA]  }
0x2e: {  	s3 =	simm.s32 @!p0 $0x1082;
	s9 =	sld [smem:$0x3FAB]  }
0x2f: {  	lr =	sadd.s32 s0, s3;
	s0 =	sld [smem:$0x3FA2]  }
0x30: {  	s3 =	sld [smem:$0x3FA5]  }
0x31: {  	[smem:$0x3FAE] =	sst s10  }
0x32: {  	s10 =	sld [smem:$0x3FAC];
	_ =	sdelay $0x3  }
0x33: {  	p0 =	seq.s32 s10, $0x1;
	s10 =	sld [smem:$0x3FAE];
	_ =	sdelay $0x3  }
0x34: {  	[smem:$0x3FAE] =	sst s10  }
0x35: {  	s10 =	sld [smem:$0x3FAD];
	_ =	sdelay $0x3  }
0x36: {  	p1 =	seq.s32 s10, $0x1;
	s10 =	sld [smem:$0x3FAE];
	_ =	sdelay $0x3  }
0x37: {  	[smem:$0x3FAE] =	sst s10  }
0x38: {  	s10 =	sld [smem:$0x3FAF]  }
0x39: {  	_ = 	snop;
	(pc) =	sbr.ind lr, $3  }
0x3a: {  	_ = 	snop  }
0x3b: {  	_ = 	snop  }
0x3c: {  	p2 =	seq.s32 s10, $0x1;
	s10 =	sld [smem:$0x3FAE]  }
0x3d: {  	_ =	shalt  }
0x3e: {  	_ =	shalt  }
0x3f: {  	_ =	shalt  }
0x40: {  	_ =	shalt  }
0x41: {  	_ =	shalt  }
0x42: {  	_ =	shalt  }
0x43: {  	_ =	shalt  }
0x44: {  	_ =	shalt  }
0x45: {  	_ =	shalt  }
0x46: {  	_ =	shalt  }
0x47: {  	_ =	shalt  }
0x48: {  	_ =	shalt  }
0x49: {  	_ =	shalt  }
0x4a: {  	_ =	shalt  }
0x4b: {  	_ =	shalt  }
0x4c: {  	_ =	shalt  }
0x4d: {  	_ =	shalt  }
0x4e: {  	_ =	shalt  }
0x4f: {  	_ =	shalt  }
0x50: {  	_ =	shalt  }
0x51: {  	_ =	shalt  }
0x52: {  	_ =	shalt  }
0x53: {  	_ =	shalt  }
0x54: {  	_ =	shalt  }
0x55: {  	_ =	shalt  }
0x56: {  	_ =	shalt  }
0x57: {  	_ =	shalt  }
0x58: {  	_ =	shalt  }
0x59: {  	_ =	shalt  }
0x5a: {  	_ =	shalt  }
0x5b: {  	_ =	shalt  }
0x5c: {  	_ =	shalt  }
0x5d: {  	_ =	shalt  }
0x5e: {  	_ =	shalt  }
0x5f: {  	_ =	shalt  }
0x60: {  	_ =	shalt  }
0x61: {  	_ =	shalt  }
0x62: {  	_ =	shalt  }
0x63: {  	_ =	shalt  }
0x64: {  	_ =	shalt  }
0x65: {  	_ =	shalt  }
0x66: {  	_ =	shalt  }
0x67: {  	_ =	shalt  }
0x68: {  	_ =	shalt  }
0x69: {  	_ =	shalt  }
0x6a: {  	_ =	shalt  }
0x6b: {  	_ =	shalt  }
0x6c: {  	_ =	shalt  }
0x6d: {  	_ =	shalt  }
0x6e: {  	_ =	shalt  }
0x6f: {  	_ =	shalt  }
0x70: {  	_ =	shalt  }
0x71: {  	_ =	shalt  }
0x72: {  	_ =	shalt  }
0x73: {  	_ =	shalt  }
0x74: {  	_ =	shalt  }
0x75: {  	_ =	shalt  }
0x76: {  	_ =	shalt  }
0x77: {  	_ =	shalt  }
0x78: {  	_ =	shalt  }
0x79: {  	_ =	shalt  }
0x7a: {  	_ =	shalt  }
0x7b: {  	_ =	shalt  }
0x7c: {  	_ =	shalt  }
0x7d: {  	_ =	shalt  }
0x7e: {  	_ =	shalt  }
0x7f: {  	_ =	shalt  }
0x80: {  	_ =	shalt  }
0x81: {  	_ =	shalt  }
0x82: {  	_ =	shalt  }
0x83: {  	_ =	shalt  }
0x84: {  	_ =	shalt  }
0x85: {  	_ =	shalt  }
0x86: {  	_ =	shalt  }
0x87: {  	_ =	shalt  }
.Lfunc_end0:
.L_simem_size_0:
called_computation.2_lowered:
.L_overlay_start_0:
0x88: {  	s2 =	sld [smem:$0x3FD9]  }
0x89: {  	s3 =	sld [smem:$0x3FFE];
	_ =	sdelay $0x1  }
0x8a: {  	s1 =	srdreg.scid  }
0x8b: {  	s0 =	sand.u32 $0x1, s1  }
0x8c: {  	s17 =	sshll.u32 s0, $0xA;
	s2 =	sadd.s32 s3, s2  }
0x8d: {  	s2 =	sadd.s32 s2, s17  }
0x8e: {  	[smem:$0x3FBA] =	sst s2  }
0x8f: {  	_ = 	snop  }
0x90: {  	s2 =	sld [smem:$0x3FD0];
	(tm) =	ssettm $0x1  }
0x91: {  	s18 =	sld [smem:$0x3FFB];
	_ =	sdelay $0x3  }
0x92: {  	_ =	strace s18  }
0x93: {  	s3 =	sld [smem:$0x3FFC];
	_ =	sdelay $0x3  }
0x94: {  	_ =	strace s3  }
0x95: {  	s3 =	sld [smem:$0x3FFD];
	_ =	sdelay $0x3  }
0x96: {  	_ =	strace s3  }
0x97: {  	_ =	strace $0x8FFFFFFF  }
0x98: {  	s19 =	sld [smem:$0x3FDB];
	_ =	sdelay $0x1  }
0x99: {  	s4 =	simm.s32 $_scs_section_size  }
0x9a: {  	s5 =	simm.s32 $_size__tile_overlayer_lowered;
	s6 =	simm.s32 $_tile_overlayer_lowered  }
0x9b: {  	s22 =	simm.s32 $0x1BFF;
	s21 =	sshll.u32 s6, $0x1;
	s3 =	sadd.s32 s4, s19  }
0x9c: {  	s7 =	simm.s32 $0x0;
	s20 =	sshll.u32 s5, $0x1;
	s5 =	sadd.s32 s21, s3  }
0x9d: {  	[timem:s7], [sflag:s22] =	dma.local [hbm:s5], s20  }
0x9e: {  	_ =	swait.ge [sflag:s22], s20  }
0x9f: {  	s4 =	ssub.s32 $0x0, s20;
	[sflag:s22] =	ssyncset.done $0x0  }
0xa0: {  	[sflag:s22] =	ssyncadd.s32 s4;
	_ =	sdelay $0x1  }
0xa1: {  	s23 =	simm.s32 $0x1B8B  }
0xa2: {  	_ =	swait.ge [sflag:s23], $0x1  }
0xa3: {  	[sflag:s23] =	ssyncset.done $0x0  }
0xa4: {  	s25 =	simm.s32 $0x1B8E;
	s24 =	sld [smem:$0x3FFE];
	[sflag:s23] =	ssyncadd.s32 $0xFFFFFFFF  }
0xa5: {  	s26 =	simm.s32 $execute0_lowered;
	[smem:$0x3FD2] =	sst s25  }
0xa6: {  	s5 =	sshll.u32 s26, $0x1;
	_ =	strace $0x8000004C;
	[dreg:$0x1] =	wrdreg $0xFFFFFFFF  }
0xa7: {  	s28 =	simm.s32 $_size_execute0_lowered;
	s3 =	sadd.s32 s3, s5;
	[dreg:$0x0] =	wrdreg $0x0  }
0xa8: {  	s5 =	sshll.u32 s28, $0x1;
	[dreg:$0x2] =	wrdreg s3  }
0xa9: {  	[dreg:$0x3] =	wrdreg s5  }
0xaa: {  	[dreg:$0x4] =	wrdreg $0xC0  }
0xab: {  	_ =	task [dreg:s7], $0x5FFFF  }
0xac: {  	[dreg:$0x1] =	wrdreg $0xFFFFFFFF  }
0xad: {  	[dreg:$0x0] =	wrdreg $0x60  }
0xae: {  	[dreg:$0x2] =	wrdreg s24  }
0xaf: {  	[dreg:$0x3] =	wrdreg s2  }
0xb0: {  	[dreg:$0x4] =	wrdreg $0x0  }
0xb1: {  	[dreg:$0x5] =	wrdreg $0x9  }
0xb2: {  	_ =	task.clear_ibuf [dreg:s7], $0x6FFFF;
	_ =	strace $0x9000004C  }
0xb3: {  	s29 =	simm.s32 $0x9;
	_ =	strace $0x8000004E  }
0xb4: {  	_ =	swait.ge [sflag:s29], $0x1  }
0xb5: {  	[sflag:s29] =	ssyncadd.s32 $0xFFFFFFFF  }
0xb6: {  	_ =	strace $0x9000004E  }
0xb7: {  	_ =	sfence  }
0xb8: {  	s30 =	sld [smem:$0x0];
	_ =	sdelay $0x2  }
0xb9: {  	s31 =	sshll.u32 s1, $0xD;
	s1 =	sshrl.u32 s1, $0x2  }
0xba: {  	s3 =	sand.u32 $0x4000, s31;
	s1 =	sadd.s32 s1, s30  }
0xbb: {  	s0 =	sor.u32 s3, s0;
	s1 =	sshll.u32 s1, $0x11  }
0xbc: {  	s0 =	sor.u32 s1, s0  }
0xbd: {  	s0 =	sadd.s32 $0x8F2B, s0  }
0xbe: {  	[sflag:s0] =	ssyncadd.remote.s32 $0x1  }
0xbf: {  	_ =	sfence.sel $0xFFFF  }
0xc0: {  	[dreg:$0x0] =	wrdreg $0xFFFFFFFF;
	(pc) =	sbr.abs _section_cstart, $3  }
0xc1: {  	[dreg:$0x1] =	wrdreg $0xFFFFFFFF  }
0xc2: {  	_ =	task.clear_ibuf [dreg:s7], $0x2FFFF;
	_ =	strace $0x9FFFFFFF  }
0xc3: {  	(tm) =	ssettm $0x7FFFFFFF  }
tec
execute0_lowered:
.L_overlay_start_1:
0x0: {  	(tag) =	ssettag $0x1  }
0x1: {  	s0 =	rddreg [dreg:$0x0]  }
0x2: {  	s1 =	rddreg [dreg:$0x1]  }
0x3: {  	s2 =	rddreg [dreg:$0x2];
	s3 =	simm.s32 $0x0  }
0x4: {  	s4 =	srdreg.scid;
	s11 =	stileid.u32;
	s28 =	simm.s32 $0x80  }
0x5: {  	s29 =	simm.s32 $0x16800;
	s30 =	simm.s32 $0x1A800;
	s31 =	simm.s32 $0x2  }
0x6: {  	[smem:$0x7FF] =	sst s3;
	s4 =	sand.u32 $0x1, s4;
	s5 =	sadd.s32 $0x4400, s0  }
0x7: {  	s8 =	smul.u32 $0x50000, s11;
	s6 =	sadd.s32 $0xE400, s0;
	s9 =	sshll.u32 s11, $0x6  }
0x8: {  	s7 =	smul.u32 $0x28000, s4;
	_ =	strace $0x8000004D;
	s4 =	ssub.s32 $0x2, s4  }
0x9: {  	[dreg:$0x4] =	wrdreg s9;
	s14 =	sshrl.u32 s4, $0x1;
	s8 =	sshrl.u32 s8, $0x2  }
0xa: {  	s15 =	sadd.s32 s8, s2;
	s8 =	sor.u32 $0x1C01, s9;
	s9 =	smul.u32 $0xA0, s11  }
0xb: {  	s0 =	sadd.s32 s7, s0;
	s4 =	ssub.s32 s4, s14;
	s11 =	smul.u32 $0x2800, s11  }
0xc: {  	s7 =	simm.s32 $0x16780;
	s10 =	sadd.s32 $0xE800, s0;
	s0 =	sadd.s32 $0x5E800, s0  }
0xd: {  	s4 =	smax.u32 s4, $0x1;
	s22 =	sadd.s32 $0x2000, s15;
	s13 =	sadd.s32 $0x4000, s15  }
0xe: {  	s14 =	sadd.s32 $0x6000, s15;
	s16 =	sadd.s32 $0x8000, s15;
	s17 =	sadd.s32 $0xA000, s15  }
0xf: {  	s18 =	sadd.s32 $0xC000, s15;
	s19 =	sadd.s32 $0xE000, s15;
	s20 =	sadd.s32 $0x10000, s15  }
0x10: {  	s21 =	sadd.s32 $0x12000, s15;
	[dreg:$0x5] =	wrdreg s4;
	s4 =	sshrl.u32 s22, $0x3  }
0x11: {  	s12 =	sshrl.u32 s15, $0x3;
	s23 =	sshrl.u32 s13, $0x3;
	[dreg:$0x6] =	wrdreg s4  }
0x12: {  	s24 =	sshrl.u32 s14, $0x3;
	s25 =	sshrl.u32 s16, $0x3;
	[dreg:$0x7] =	wrdreg s23  }
0x13: {  	s26 =	sshrl.u32 s17, $0x3;
	s18 =	sshrl.u32 s18, $0x3;
	[dreg:$0x8] =	wrdreg s24  }
0x14: {  	s19 =	sshrl.u32 s19, $0x3;
	s20 =	sshrl.u32 s20, $0x3;
	[dreg:$0x9] =	wrdreg s25  }
0x15: {  	s21 =	sshrl.u32 s21, $0x3;
	s22 =	simm.s32 $0x1;
	[dreg:$0xa] =	wrdreg s26  }
0x16: {  	s23 =	simm.s32 $0x14000;
	s24 =	sadd.s32 s11, s0;
	s25 =	simm.s32 $0x3  }
0x17: {  	s26 =	simm.s32 $0x15400;
	s0 =	simm.s32 $0x15380;
	s4 =	simm.s32 $0x16700  }
.LBB2_1:
0x18: {  	[spmem:s12], [sflag:s8] =	dma.local [hbm:s6], $0x400  }
0x19: {  	s11 =	rddreg [dreg:$0x6]  }
0x1a: {  	[spmem:s11], [sflag:s8] =	dma.local [hbm:s6], $0x400  }
0x1b: {  	s11 =	rddreg [dreg:$0x7]  }
0x1c: {  	[spmem:s11], [sflag:s8] =	dma.local [hbm:s6], $0x400  }
0x1d: {  	s11 =	rddreg [dreg:$0x8]  }
0x1e: {  	[spmem:s11], [sflag:s8] =	dma.local [hbm:s6], $0x400  }
0x1f: {  	s11 =	rddreg [dreg:$0x9]  }
0x20: {  	[spmem:s11], [sflag:s8] =	dma.local [hbm:s6], $0x400  }
0x21: {  	s11 =	rddreg [dreg:$0xa]  }
0x22: {  	[spmem:s11], [sflag:s8] =	dma.local [hbm:s6], $0x400  }
0x23: {  	[spmem:s18], [sflag:s8] =	dma.local [hbm:s6], $0x400  }
0x24: {  	[spmem:s19], [sflag:s8] =	dma.local [hbm:s6], $0x400  }
0x25: {  	[spmem:s20], [sflag:s8] =	dma.local [hbm:s6], $0x400  }
0x26: {  	[spmem:s21], [sflag:s8] =	dma.local [hbm:s6], $0x400  }
0x27: {  	_ =	swait.ge [sflag:s22], $0x400  }
0x28: {  	[sflag:s22] =	ssyncset.done $0x0  }
0x29: {  	[sflag:s22] =	ssyncadd.s32 $0xFFFFFC00  }
0x2a: {  	_ =	swait.ge [sflag:s22], $0x400  }
0x2b: {  	[sflag:s22] =	ssyncset.done $0x0  }
0x2c: {  	[sflag:s22] =	ssyncadd.s32 $0xFFFFFC00  }
0x2d: {  	_ =	swait.ge [sflag:s22], $0x400  }
0x2e: {  	[sflag:s22] =	ssyncset.done $0x0  }
0x2f: {  	[sflag:s22] =	ssyncadd.s32 $0xFFFFFC00  }
0x30: {  	_ =	swait.ge [sflag:s22], $0x400  }
0x31: {  	[sflag:s22] =	ssyncset.done $0x0  }
0x32: {  	[sflag:s22] =	ssyncadd.s32 $0xFFFFFC00  }
0x33: {  	_ =	swait.ge [sflag:s22], $0x400  }
0x34: {  	[sflag:s22] =	ssyncset.done $0x0  }
0x35: {  	[sflag:s22] =	ssyncadd.s32 $0xFFFFFC00  }
0x36: {  	_ =	swait.ge [sflag:s22], $0x400  }
0x37: {  	[sflag:s22] =	ssyncset.done $0x0  }
0x38: {  	[sflag:s22] =	ssyncadd.s32 $0xFFFFFC00  }
0x39: {  	_ =	swait.ge [sflag:s22], $0x400  }
0x3a: {  	[sflag:s22] =	ssyncset.done $0x0  }
0x3b: {  	[sflag:s22] =	ssyncadd.s32 $0xFFFFFC00  }
0x3c: {  	_ =	swait.ge [sflag:s22], $0x400  }
0x3d: {  	[sflag:s22] =	ssyncset.done $0x0  }
0x3e: {  	[sflag:s22] =	ssyncadd.s32 $0xFFFFFC00  }
0x3f: {  	_ =	swait.ge [sflag:s22], $0x400  }
0x40: {  	[sflag:s22] =	ssyncset.done $0x0  }
0x41: {  	[sflag:s22] =	ssyncadd.s32 $0xFFFFFC00  }
0x42: {  	_ =	swait.ge [sflag:s22], $0x400  }
0x43: {  	[sflag:s22] =	ssyncset.done $0x0  }
0x44: {  	[sflag:s22] =	ssyncadd.s32 $0xFFFFFC00  }
0x45: {  	s11 =	simm.s32 $0x0;
	[bflag:$0x0] =	sbarrier.arrive $0xFFFF  }
.LBB2_2:
0x46: {  	s13 =	smul.u32 $0x28, s11;
	_ =	sdelay $0x1  }
0x47: {  	s13 =	sadd.s32 s9, s13  }
0x48: {  	s13 =	sshll.u32 s13, $0x4  }
0x49: {  	s15 =	simm.s32 $0x0;
	s14 =	sadd.s32 s5, s13  }
0x4a: {  	[tilespmem:s23], [sflag:$0x3] =	stream.linear.gather [hbm4b:s14+s15], $0x1400, $0x38;
	[tilespmem:$0x1E800] =	vst v63  }
0x4b: {  	_ =	swait.ge [sflag:s25], $0x1400  }
0x4c: {  	[sflag:s25] =	ssyncset.done $0x0  }
0x4d: {  	s13 =	sadd.s32 s1, s13;
	[sflag:s25] =	ssyncadd.s32 $0xFFFFEC00  }
0x4e: {  	[tilespmem:s26], [sflag:$0x3] =	stream.linear.gather [hbm4b:s13+s15], $0x1400, $0x38;
	[tilespmem:$0x1E800] =	vst v63  }
0x4f: {  	_ =	swait.ge [sflag:s25], $0x1400  }
0x50: {  	[sflag:s25] =	ssyncset.done $0x0  }
0x51: {  	[sflag:s25] =	ssyncadd.s32 $0xFFFFEC00  }
0x52: {  	[tilespmem:s29], [sflag:$0x1] =	stream.indirect.gather [hbm4b:s10+s28], $0x80, s23, s28, $0xb8;
	[tilespmem:$0x1E800] =	vst v63  }
0x53: {  	s14 =	simm.s32 $0x14080  }
0x54: {  	[tilespmem:s30], [sflag:$0x2] =	stream.indirect.gather [hbm4b:s10+s28], $0x80, s14, s28, $0xb8;
	[tilespmem:$0x1E800] =	vst v63  }
0x55: {  	_ =	swait.ge [sflag:s22], $0x4000  }
0x56: {  	[sflag:s22] =	ssyncset.done $0x0  }
0x57: {  	s15 =	simm.s32 $0x15400;
	[sflag:s22] =	ssyncadd.s32 $0xFFFFC000  }
0x58: {  	[spmem:s2] =	stream.indirect.scatter.add.f32 [tilespmem:s29], [sflag:$0x3], $0x80, s15, s28, $0xb8;
	[tilespmem:$0x1E800] =	vst v63  }
0x59: {  	_ =	swait.ge [sflag:s25], $0x4000  }
0x5a: {  	[sflag:s25] =	ssyncset.done $0x0  }
0x5b: {  	s16 =	simm.s32 $0x14100;
	[sflag:s25] =	ssyncadd.s32 $0xFFFFC000  }
0x5c: {  	[tilespmem:s29], [sflag:$0x1] =	stream.indirect.gather [hbm4b:s10+s28], $0x80, s16, s28, $0xb8;
	[tilespmem:$0x1E800] =	vst v63  }
0x5d: {  	_ =	swait.ge [sflag:s31], $0x4000  }
0x5e: {  	[sflag:s31] =	ssyncset.done $0x0  }
0x5f: {  	s17 =	simm.s32 $0x15480;
	[sflag:s31] =	ssyncadd.s32 $0xFFFFC000  }
0x60: {  	[spmem:s2] =	stream.indirect.scatter.add.f32 [tilespmem:s30], [sflag:$0x3], $0x80, s17, s28, $0xb8;
	[tilespmem:$0x1E800] =	vst v63  }
0x61: {  	_ =	swait.ge [sflag:s25], $0x4000  }
0x62: {  	s13 =	simm.s32 $0x100;
	s14 =	simm.s32 $0x800;
	[sflag:s25] =	ssyncset.done $0x0  }
.LBB2_3:
0x63: {  	s15 =	sadd.s32 $0x14080, s13  }
0x64: {  	[sflag:s25] =	ssyncadd.s32 $0xFFFFC000;
	s16 =	smov.u32 s14;
	s17 =	sadd.s32 $0x400, s14  }
0x65: {  	[tilespmem:s30], [sflag:$0x2] =	stream.indirect.gather [hbm4b:s10+s28], $0x80, s15, s28, $0xb8;
	[tilespmem:$0x1E800] =	vst v63  }
0x66: {  	p0 =	sne.s32 s14, $0x4800;
	_ =	swait.ge [sflag:s22], $0x4000  }
0x67: {  	[sflag:s22] =	ssyncset.done $0x0  }
0x68: {  	s14 =	sadd.s32 $0x15400, s13;
	[sflag:s22] =	ssyncadd.s32 $0xFFFFC000  }
0x69: {  	[spmem:s2] =	stream.indirect.scatter.add.f32 [tilespmem:s29], [sflag:$0x3], $0x80, s14, s28, $0xb8;
	[tilespmem:$0x1E800] =	vst v63  }
0x6a: {  	_ =	swait.ge [sflag:s25], $0x4000  }
0x6b: {  	[sflag:s25] =	ssyncset.done $0x0  }
0x6c: {  	s14 =	sadd.s32 $0x14100, s13;
	[sflag:s25] =	ssyncadd.s32 $0xFFFFC000  }
0x6d: {  	[tilespmem:s29], [sflag:$0x1] =	stream.indirect.gather [hbm4b:s10+s28], $0x80, s14, s28, $0xb8;
	[tilespmem:$0x1E800] =	vst v63  }
0x6e: {  	_ =	swait.ge [sflag:s31], $0x4000  }
.Ltmp0:
0x6f: {  	[sflag:s31] =	ssyncset.done $0x0;
	(pc) =	sbr.rel @p0 .LBB2_3-.Ltmp0, $4  }
0x70: {  	s13 =	sadd.s32 $0x15480, s13;
	[sflag:s31] =	ssyncadd.s32 $0xFFFFC000  }
0x71: {  	[spmem:s2] =	stream.indirect.scatter.add.f32 [tilespmem:s30], [sflag:$0x3], $0x80, s13, s28, $0xb8;
	[tilespmem:$0x1E800] =	vst v63  }
0x72: {  	_ =	swait.ge [sflag:s25], $0x4000  }
0x73: {  	s14 =	smov.u32 s17;
	s13 =	sshra.s32 s16, $0x2;
	[sflag:s25] =	ssyncset.done $0x0  }
0x74: {  	s14 =	sadd.s32 $0x14080, s13;
	[sflag:s25] =	ssyncadd.s32 $0xFFFFC000  }
0x75: {  	[tilespmem:s30], [sflag:$0x2] =	stream.indirect.gather [hbm4b:s10+s28], $0x80, s14, s28, $0xb8;
	[tilespmem:$0x1E800] =	vst v63  }
0x76: {  	_ =	swait.ge [sflag:s22], $0x4000  }
0x77: {  	[sflag:s22] =	ssyncset.done $0x0  }
0x78: {  	s15 =	sadd.s32 $0x15400, s13;
	[sflag:s22] =	ssyncadd.s32 $0xFFFFC000  }
0x79: {  	[spmem:s2] =	stream.indirect.scatter.add.f32 [tilespmem:s29], [sflag:$0x3], $0x80, s15, s28, $0xb8;
	[tilespmem:$0x1E800] =	vst v63  }
0x7a: {  	_ =	swait.ge [sflag:s25], $0x4000  }
0x7b: {  	[sflag:s25] =	ssyncset.done $0x0  }
0x7c: {  	s16 =	sadd.s32 $0x14100, s13;
	[sflag:s25] =	ssyncadd.s32 $0xFFFFC000  }
0x7d: {  	[tilespmem:s29], [sflag:$0x1] =	stream.indirect.gather [hbm4b:s10+s28], $0x80, s16, s28, $0xb8;
	[tilespmem:$0x1E800] =	vst v63  }
0x7e: {  	_ =	swait.ge [sflag:s31], $0x4000  }
0x7f: {  	[sflag:s31] =	ssyncset.done $0x0  }
0x80: {  	s17 =	sadd.s32 $0x15480, s13;
	[sflag:s31] =	ssyncadd.s32 $0xFFFFC000  }
0x81: {  	[spmem:s2] =	stream.indirect.scatter.add.f32 [tilespmem:s30], [sflag:$0x3], $0x80, s17, s28, $0xb8;
	[tilespmem:$0x1E800] =	vst v63  }
0x82: {  	_ =	swait.ge [sflag:s25], $0x4000  }
0x83: {  	[sflag:s25] =	ssyncset.done $0x0  }
0x84: {  	[sflag:s25] =	ssyncadd.s32 $0xFFFFC000  }
0x85: {  	[tilespmem:s30], [sflag:$0x2] =	stream.indirect.gather [hbm4b:s10+s28], $0x80, s0, s28, $0xb8;
	[tilespmem:$0x1E800] =	vst v63  }
0x86: {  	_ =	swait.ge [sflag:s22], $0x4000  }
0x87: {  	[sflag:s22] =	ssyncset.done $0x0  }
0x88: {  	[sflag:s22] =	ssyncadd.s32 $0xFFFFC000  }
0x89: {  	[spmem:s2] =	stream.indirect.scatter.add.f32 [tilespmem:s29], [sflag:$0x3], $0x80, s4, s28, $0xb8;
	[tilespmem:$0x1E800] =	vst v63  }
0x8a: {  	_ =	swait.ge [sflag:s25], $0x4000  }
0x8b: {  	[sflag:s25] =	ssyncset.done $0x0  }
0x8c: {  	[sflag:s25] =	ssyncadd.s32 $0xFFFFC000  }
0x8d: {  	s11 =	sadd.s32 $0x1, s11;
	_ =	swait.ge [sflag:s31], $0x4000  }
0x8e: {  	p0 =	sne.s32 s11, $0x4;
	[sflag:s31] =	ssyncset.done $0x0  }
.Ltmp1:
0x8f: {  	[sflag:s31] =	ssyncadd.s32 $0xFFFFC000;
	(pc) =	sbr.rel @p0 .LBB2_2-.Ltmp1, $4  }
0x90: {  	[spmem:s2] =	stream.indirect.scatter.add.f32 [tilespmem:s30], [sflag:$0x3], $0x80, s7, s28, $0xb8;
	[tilespmem:$0x1E800] =	vst v63  }
0x91: {  	_ =	swait.ge [sflag:s25], $0x4000  }
0x92: {  	[sflag:s25] =	ssyncset.done $0x0  }
0x93: {  	[sflag:s25] =	ssyncadd.s32 $0xFFFFC000  }
0x94: {  	[bflag:$0x0] =	sbarrier.arrive $0xFFFF  }
0x95: {  	s11 =	rddreg [dreg:$0x4]  }
0x96: {  	s11 =	sor.u32 $0x1C03, s11  }
0x97: {  	[hbm:s24], [sflag:s11] =	dma.local [spmem:s12], $0x2800  }
0x98: {  	_ =	swait.ge [sflag:s25], $0x2800  }
0x99: {  	s3 =	sadd.s32 $0x1, s3;
	s17 =	rddreg [dreg:$0x5]  }
0x9a: {  	p0 =	sne.s32 s3, s17  }
.Ltmp2:
0x9b: {  	_ = 	snop;
	(pc) =	sbr.rel @p0 .LBB2_1-.Ltmp2, $3  }
0x9c: {  	_ =	sdelay $0x1  }
0x9d: {  	[sflag:s25] =	ssyncset.done $0x0  }
0x9e: {  	[sflag:s25] =	ssyncadd.s32 $0xFFFFD800  }
0x9f: {  	_ =	sfence.sel $0x180000  }
0xa0: {  	[bflag:$0x0] =	sbarrier.arrive $0xFFFF  }
0xa1: {  	_ =	strace $0x9000004D  }
0xa2: {  	s0 =	stileid.u32;
	[bflag:$0x2] =	sbarrier.arrive $0xFFFF  }
0xa3: {  	p0 =	sne.s32 s0, $0x0;
	s0 =	rddreg [dreg:$0x3]  }
0xa4: {  	s0 =	sadd.s32 @!p0 $0x100000, s0  }
0xa5: {  	[sflag:s0] =	ssyncadd.tile.s32 @!p0 $0x1;
	_ =	shalt  }
.Lfunc_end2:
_tile_overlayer_lowered:
.L_overlay_start_2:
0xa6: {  	(tag) =	ssettag $0x2  }
0xa7: {  	s0 =	rddreg [dreg:$0x0];
	s2 =	stileid.u32  }
0xa8: {  	s1 =	rddreg [dreg:$0x1];
	p0 =	sne.s32 s2, $0x0  }
0xa9: {  	s3 =	rddreg [dreg:$0x2];
	[bflag:$0x3] =	sbarrier.arrive $0xFFFF;
	s2 =	simm.s32 @!p0 $0x1C03  }
0xaa: {  	[timem:s3], [sflag:s2] =	dma.local @!p0 [hbm:s0], s1  }
0xab: {  	s0 =	simm.s32 @!p0 $0x3  }
0xac: {  	_ =	swait.ge @!p0 [sflag:s0], s1  }
0xad: {  	s1 =	ssub.s32 @!p0 $0x0, s1;
	[sflag:s0] =	ssyncset.done @!p0 $0x0  }
0xae: {  	[sflag:s0] =	ssyncadd.s32 @!p0 s1  }
0xaf: {  	[bflag:$0x3] =	sbarrier.arrive $0xFFFF  }
0xb0: {  	_ =	shalt  }

// kernel: kernel.25.cloned.1.call-start
scs
__scs_entry_jumppad:
0x0: {  	(pc) =	sbr.rel $0x88, $3  }
0x1: {  	(tag) =	ssettag $0x0;
	lr =	simm.s32 $0x1  }
0x2: {  	[smem:$0x3F93] =	sst lr;
	_ =	strace $0xD0000000  }
0x3: {  	_ = 	snop  }
0x4: {  	_ = 	snop  }
0x5: {  	_ = 	snop  }
0x6: {  	_ = 	snop  }
0x7: {  	_ = 	snop  }
__scs_overlays_trampoline_lowered:
0x8: {  	[smem:$0x3FA2] =	sst s0  }
0x9: {  	[smem:$0x3FA3] =	sst s1  }
0xa: {  	[smem:$0x3FA4] =	sst s2  }
0xb: {  	[smem:$0x3FA5] =	sst s3  }
0xc: {  	[smem:$0x3FA6] =	sst s4  }
0xd: {  	[smem:$0x3FA7] =	sst s5  }
0xe: {  	[smem:$0x3FA8] =	sst s6  }
0xf: {  	[smem:$0x3FA9] =	sst s7  }
0x10: {  	[smem:$0x3FAA] =	sst s8  }
0x11: {  	[smem:$0x3FAB] =	sst s9;
	s0 =	simm.s32 @!p0 $0x0  }
0x12: {  	s1 =	sld [smem:$0x3F91];
	s0 =	simm.s32 @p0 $0x1  }
0x13: {  	[smem:$0x3FAC] =	sst s0;
	s0 =	simm.s32 @!p1 $0x0  }
0x14: {  	s2 =	sld [smem:$0x3F90];
	s0 =	simm.s32 @p1 $0x1  }
0x15: {  	[smem:$0x3FAD] =	sst s0;
	s0 =	simm.s32 @!p2 $0x0  }
0x16: {  	s3 =	sld [smem:$0x3FDB];
	s0 =	simm.s32 @p2 $0x1  }
0x17: {  	s4 =	simm.s32 $0x1BF5;
	[smem:$0x3FAF] =	sst s0  }
0x18: {  	s0 =	sld [smem:$0x3F92];
	_ =	swait.ge [sflag:s4], $0x0  }
0x19: {  	s7 =	sld [smem:$0x3F93]  }
0x1a: {  	s8 =	sadd.s32 $0xFFFFE003, lr  }
0x1b: {  	s9 =	sadd.s32 $0xFFFFFEF7, lr;
	s5 =	simm.s32 $0xFFFFFFFF;
	p2 =	slt.u32 s8, $0xFFFFF086  }
0x1c: {  	p1 =	slt.u32 s9, $0xF7A;
	s5 =	simm.s32 @!p2 $0x0  }
0x1d: {  	s5 =	simm.s32 @p1 $0x1;
	p0 =	seq.s32 s7, s2  }
0x1e: {  	s7 =	smul.u32 @!p0 $0xF7A, s2;
	p2 =	seq.s32 @!p0 s5, $0x0  }
0x1f: {  	s9 =	smul.u32 $0xF7A, s1;
	s8 =	simm.s32 @!p0 $0x1BF5;
	p2 =	por !p2, p0  }
0x20: {  	[sflag:s8] =	ssyncset.s32 @!p0 $0xFFFFF086;
	s6 =	sadd.s32 @!p0 s3, s7;
	s7 =	simm.s32 @!p0 $0x108  }
0x21: {  	s3 =	sadd.s32 s3, s9;
	s6 =	sadd.s32 @!p0 $0x88, s6;
	s7 =	simm.s32 @p2 $0x1082  }
0x22: {  	[simem:s7], [sflag:s8] =	dma.local @!p0 [hbm:s6], $0xF7A  }
0x23: {  	s9 =	sor.u32 $0xD0000000, s2;
	s6 =	simm.s32 $0x108;
	_ =	swait.ge @!p0 [sflag:s8], $0x0  }
0x24: {  	s3 =	sadd.s32 $0x88, s3;
	s6 =	simm.s32 @!p1 $0x1082;
	[sflag:s4] =	ssyncset.s32 $0xFFFFF086  }
0x25: {  	[simem:s6], [sflag:s4] =	dma.local [hbm:s3], $0xF7A  }
0x26: {  	[smem:$0x3F93] =	sst s1;
	(tag) =	ssettag s2;
	_ =	strace s9  }
0x27: {  	s1 =	sld [smem:$0x3FA3]  }
0x28: {  	s2 =	sld [smem:$0x3FA4]  }
0x29: {  	s4 =	sld [smem:$0x3FA6]  }
0x2a: {  	p0 =	seq.s32 s5, $0x0;
	s5 =	sld [smem:$0x3FA7]  }
0x2b: {  	s6 =	sld [smem:$0x3FA8]  }
0x2c: {  	s7 =	sld [smem:$0x3FA9]  }
0x2d: {  	s3 =	simm.s32 $0x108;
	s8 =	sld [smem:$0x3FAA]  }
0x2e: {  	s3 =	simm.s32 @!p0 $0x1082;
	s9 =	sld [smem:$0x3FAB]  }
0x2f: {  	lr =	sadd.s32 s0, s3;
	s0 =	sld [smem:$0x3FA2]  }
0x30: {  	s3 =	sld [smem:$0x3FA5]  }
0x31: {  	[smem:$0x3FAE] =	sst s10  }
0x32: {  	s10 =	sld [smem:$0x3FAC];
	_ =	sdelay $0x3  }
0x33: {  	p0 =	seq.s32 s10, $0x1;
	s10 =	sld [smem:$0x3FAE];
	_ =	sdelay $0x3  }
0x34: {  	[smem:$0x3FAE] =	sst s10  }
0x35: {  	s10 =	sld [smem:$0x3FAD];
	_ =	sdelay $0x3  }
0x36: {  	p1 =	seq.s32 s10, $0x1;
	s10 =	sld [smem:$0x3FAE];
	_ =	sdelay $0x3  }
0x37: {  	[smem:$0x3FAE] =	sst s10  }
0x38: {  	s10 =	sld [smem:$0x3FAF]  }
0x39: {  	_ = 	snop;
	(pc) =	sbr.ind lr, $3  }
0x3a: {  	_ = 	snop  }
0x3b: {  	_ = 	snop  }
0x3c: {  	p2 =	seq.s32 s10, $0x1;
	s10 =	sld [smem:$0x3FAE]  }
0x3d: {  	_ =	shalt  }
0x3e: {  	_ =	shalt  }
0x3f: {  	_ =	shalt  }
0x40: {  	_ =	shalt  }
0x41: {  	_ =	shalt  }
0x42: {  	_ =	shalt  }
0x43: {  	_ =	shalt  }
0x44: {  	_ =	shalt  }
0x45: {  	_ =	shalt  }
0x46: {  	_ =	shalt  }
0x47: {  	_ =	shalt  }
0x48: {  	_ =	shalt  }
0x49: {  	_ =	shalt  }
0x4a: {  	_ =	shalt  }
0x4b: {  	_ =	shalt  }
0x4c: {  	_ =	shalt  }
0x4d: {  	_ =	shalt  }
0x4e: {  	_ =	shalt  }
0x4f: {  	_ =	shalt  }
0x50: {  	_ =	shalt  }
0x51: {  	_ =	shalt  }
0x52: {  	_ =	shalt  }
0x53: {  	_ =	shalt  }
0x54: {  	_ =	shalt  }
0x55: {  	_ =	shalt  }
0x56: {  	_ =	shalt  }
0x57: {  	_ =	shalt  }
0x58: {  	_ =	shalt  }
0x59: {  	_ =	shalt  }
0x5a: {  	_ =	shalt  }
0x5b: {  	_ =	shalt  }
0x5c: {  	_ =	shalt  }
0x5d: {  	_ =	shalt  }
0x5e: {  	_ =	shalt  }
0x5f: {  	_ =	shalt  }
0x60: {  	_ =	shalt  }
0x61: {  	_ =	shalt  }
0x62: {  	_ =	shalt  }
0x63: {  	_ =	shalt  }
0x64: {  	_ =	shalt  }
0x65: {  	_ =	shalt  }
0x66: {  	_ =	shalt  }
0x67: {  	_ =	shalt  }
0x68: {  	_ =	shalt  }
0x69: {  	_ =	shalt  }
0x6a: {  	_ =	shalt  }
0x6b: {  	_ =	shalt  }
0x6c: {  	_ =	shalt  }
0x6d: {  	_ =	shalt  }
0x6e: {  	_ =	shalt  }
0x6f: {  	_ =	shalt  }
0x70: {  	_ =	shalt  }
0x71: {  	_ =	shalt  }
0x72: {  	_ =	shalt  }
0x73: {  	_ =	shalt  }
0x74: {  	_ =	shalt  }
0x75: {  	_ =	shalt  }
0x76: {  	_ =	shalt  }
0x77: {  	_ =	shalt  }
0x78: {  	_ =	shalt  }
0x79: {  	_ =	shalt  }
0x7a: {  	_ =	shalt  }
0x7b: {  	_ =	shalt  }
0x7c: {  	_ =	shalt  }
0x7d: {  	_ =	shalt  }
0x7e: {  	_ =	shalt  }
0x7f: {  	_ =	shalt  }
0x80: {  	_ =	shalt  }
0x81: {  	_ =	shalt  }
0x82: {  	_ =	shalt  }
0x83: {  	_ =	shalt  }
0x84: {  	_ =	shalt  }
0x85: {  	_ =	shalt  }
0x86: {  	_ =	shalt  }
0x87: {  	_ =	shalt  }
.Lfunc_end0:
.L_simem_size_0:
called_computation.3_lowered:
.L_overlay_start_0:
0x88: {  	s2 =	sld [smem:$0x3FD9]  }
0x89: {  	s3 =	sld [smem:$0x3FFE];
	_ =	sdelay $0x1  }
0x8a: {  	s1 =	srdreg.scid  }
0x8b: {  	s0 =	sand.u32 $0x1, s1  }
0x8c: {  	s17 =	sshll.u32 s0, $0xA;
	s2 =	sadd.s32 s3, s2  }
0x8d: {  	s2 =	sadd.s32 s2, s17  }
0x8e: {  	[smem:$0x3FBA] =	sst s2  }
0x8f: {  	_ = 	snop  }
0x90: {  	s2 =	sld [smem:$0x3FD0];
	(tm) =	ssettm $0x1  }
0x91: {  	s18 =	sld [smem:$0x3FFB];
	_ =	sdelay $0x3  }
0x92: {  	_ =	strace s18  }
0x93: {  	s3 =	sld [smem:$0x3FFC];
	_ =	sdelay $0x3  }
0x94: {  	_ =	strace s3  }
0x95: {  	s3 =	sld [smem:$0x3FFD];
	_ =	sdelay $0x3  }
0x96: {  	_ =	strace s3  }
0x97: {  	_ =	strace $0x8FFFFFFF  }
0x98: {  	s19 =	sld [smem:$0x3FDB];
	_ =	sdelay $0x1  }
0x99: {  	s4 =	simm.s32 $_scs_section_size  }
0x9a: {  	s5 =	simm.s32 $_size__tile_overlayer_lowered;
	s6 =	simm.s32 $_tile_overlayer_lowered  }
0x9b: {  	s22 =	simm.s32 $0x1BFF;
	s21 =	sshll.u32 s6, $0x1;
	s3 =	sadd.s32 s4, s19  }
0x9c: {  	s7 =	simm.s32 $0x0;
	s20 =	sshll.u32 s5, $0x1;
	s5 =	sadd.s32 s21, s3  }
0x9d: {  	[timem:s7], [sflag:s22] =	dma.local [hbm:s5], s20  }
0x9e: {  	_ =	swait.ge [sflag:s22], s20  }
0x9f: {  	s4 =	ssub.s32 $0x0, s20;
	[sflag:s22] =	ssyncset.done $0x0  }
0xa0: {  	[sflag:s22] =	ssyncadd.s32 s4;
	_ =	sdelay $0x1  }
0xa1: {  	s23 =	simm.s32 $0x1B8B  }
0xa2: {  	_ =	swait.ge [sflag:s23], $0x1  }
0xa3: {  	[sflag:s23] =	ssyncset.done $0x0  }
0xa4: {  	s25 =	simm.s32 $0x1B8E;
	s24 =	sld [smem:$0x3FFE];
	[sflag:s23] =	ssyncadd.s32 $0xFFFFFFFF  }
0xa5: {  	s26 =	simm.s32 $execute0_lowered;
	[smem:$0x3FD2] =	sst s25  }
0xa6: {  	s5 =	sshll.u32 s26, $0x1;
	_ =	strace $0x8000004F;
	[dreg:$0x1] =	wrdreg $0xFFFFFFFF  }
0xa7: {  	s28 =	simm.s32 $_size_execute0_lowered;
	s3 =	sadd.s32 s3, s5;
	[dreg:$0x0] =	wrdreg $0x0  }
0xa8: {  	s5 =	sshll.u32 s28, $0x1;
	[dreg:$0x2] =	wrdreg s3  }
0xa9: {  	[dreg:$0x3] =	wrdreg s5  }
0xaa: {  	[dreg:$0x4] =	wrdreg $0xC0  }
0xab: {  	_ =	task [dreg:s7], $0x5FFFF  }
0xac: {  	[dreg:$0x1] =	wrdreg $0xFFFFFFFF  }
0xad: {  	[dreg:$0x0] =	wrdreg $0x60  }
0xae: {  	[dreg:$0x2] =	wrdreg s24  }
0xaf: {  	[dreg:$0x3] =	wrdreg s2  }
0xb0: {  	[dreg:$0x4] =	wrdreg $0x0  }
0xb1: {  	[dreg:$0x5] =	wrdreg $0x9  }
0xb2: {  	_ =	task.clear_ibuf [dreg:s7], $0x6FFFF;
	_ =	strace $0x9000004F  }
0xb3: {  	s29 =	simm.s32 $0x9;
	_ =	strace $0x80000051  }
0xb4: {  	_ =	swait.ge [sflag:s29], $0x1  }
0xb5: {  	[sflag:s29] =	ssyncadd.s32 $0xFFFFFFFF  }
0xb6: {  	_ =	strace $0x90000051  }
0xb7: {  	_ =	sfence  }
0xb8: {  	s30 =	sld [smem:$0x0];
	_ =	sdelay $0x2  }
0xb9: {  	s31 =	sshll.u32 s1, $0xD;
	s1 =	sshrl.u32 s1, $0x2  }
0xba: {  	s3 =	sand.u32 $0x4000, s31;
	s1 =	sadd.s32 s1, s30  }
0xbb: {  	s0 =	sor.u32 s3, s0;
	s1 =	sshll.u32 s1, $0x11  }
0xbc: {  	s0 =	sor.u32 s1, s0  }
0xbd: {  	s0 =	sadd.s32 $0x8F2B, s0  }
0xbe: {  	[sflag:s0] =	ssyncadd.remote.s32 $0x1  }
0xbf: {  	_ =	sfence.sel $0xFFFF  }
0xc0: {  	[dreg:$0x0] =	wrdreg $0xFFFFFFFF;
	(pc) =	sbr.abs _section_cstart, $3  }
0xc1: {  	[dreg:$0x1] =	wrdreg $0xFFFFFFFF  }
0xc2: {  	_ =	task.clear_ibuf [dreg:s7], $0x2FFFF;
	_ =	strace $0x9FFFFFFF  }
0xc3: {  	(tm) =	ssettm $0x7FFFFFFF  }
tec
execute0_lowered:
.L_overlay_start_1:
0x0: {  	(tag) =	ssettag $0x1  }
0x1: {  	s0 =	rddreg [dreg:$0x0]  }
0x2: {  	s1 =	rddreg [dreg:$0x1]  }
0x3: {  	s2 =	rddreg [dreg:$0x2];
	s3 =	simm.s32 $0x0  }
0x4: {  	s4 =	srdreg.scid;
	s11 =	stileid.u32;
	s28 =	simm.s32 $0x80  }
0x5: {  	s29 =	simm.s32 $0x16800;
	s30 =	simm.s32 $0x1A800;
	s31 =	simm.s32 $0x2  }
0x6: {  	[smem:$0x7FF] =	sst s3;
	s4 =	sand.u32 $0x1, s4;
	s5 =	sadd.s32 $0x4400, s0  }
0x7: {  	s8 =	smul.u32 $0x50000, s11;
	s6 =	sadd.s32 $0xE400, s0;
	s9 =	sshll.u32 s11, $0x6  }
0x8: {  	s7 =	smul.u32 $0x28000, s4;
	_ =	strace $0x80000050;
	s4 =	ssub.s32 $0x2, s4  }
0x9: {  	[dreg:$0x4] =	wrdreg s9;
	s14 =	sshrl.u32 s4, $0x1;
	s8 =	sshrl.u32 s8, $0x2  }
0xa: {  	s15 =	sadd.s32 s8, s2;
	s8 =	sor.u32 $0x1C01, s9;
	s9 =	smul.u32 $0xA0, s11  }
0xb: {  	s0 =	sadd.s32 s7, s0;
	s4 =	ssub.s32 s4, s14;
	s11 =	smul.u32 $0x2800, s11  }
0xc: {  	s7 =	simm.s32 $0x16780;
	s10 =	sadd.s32 $0xE800, s0;
	s0 =	sadd.s32 $0x5E800, s0  }
0xd: {  	s4 =	smax.u32 s4, $0x1;
	s22 =	sadd.s32 $0x2000, s15;
	s13 =	sadd.s32 $0x4000, s15  }
0xe: {  	s14 =	sadd.s32 $0x6000, s15;
	s16 =	sadd.s32 $0x8000, s15;
	s17 =	sadd.s32 $0xA000, s15  }
0xf: {  	s18 =	sadd.s32 $0xC000, s15;
	s19 =	sadd.s32 $0xE000, s15;
	s20 =	sadd.s32 $0x10000, s15  }
0x10: {  	s21 =	sadd.s32 $0x12000, s15;
	[dreg:$0x5] =	wrdreg s4;
	s4 =	sshrl.u32 s22, $0x3  }
0x11: {  	s12 =	sshrl.u32 s15, $0x3;
	s23 =	sshrl.u32 s13, $0x3;
	[dreg:$0x6] =	wrdreg s4  }
0x12: {  	s24 =	sshrl.u32 s14, $0x3;
	s25 =	sshrl.u32 s16, $0x3;
	[dreg:$0x7] =	wrdreg s23  }
0x13: {  	s26 =	sshrl.u32 s17, $0x3;
	s18 =	sshrl.u32 s18, $0x3;
	[dreg:$0x8] =	wrdreg s24  }
0x14: {  	s19 =	sshrl.u32 s19, $0x3;
	s20 =	sshrl.u32 s20, $0x3;
	[dreg:$0x9] =	wrdreg s25  }
0x15: {  	s21 =	sshrl.u32 s21, $0x3;
	s22 =	simm.s32 $0x1;
	[dreg:$0xa] =	wrdreg s26  }
0x16: {  	s23 =	simm.s32 $0x14000;
	s24 =	sadd.s32 s11, s0;
	s25 =	simm.s32 $0x3  }
0x17: {  	s26 =	simm.s32 $0x15400;
	s0 =	simm.s32 $0x15380;
	s4 =	simm.s32 $0x16700  }
.LBB2_1:
0x18: {  	[spmem:s12], [sflag:s8] =	dma.local [hbm:s6], $0x400  }
0x19: {  	s11 =	rddreg [dreg:$0x6]  }
0x1a: {  	[spmem:s11], [sflag:s8] =	dma.local [hbm:s6], $0x400  }
0x1b: {  	s11 =	rddreg [dreg:$0x7]  }
0x1c: {  	[spmem:s11], [sflag:s8] =	dma.local [hbm:s6], $0x400  }
0x1d: {  	s11 =	rddreg [dreg:$0x8]  }
0x1e: {  	[spmem:s11], [sflag:s8] =	dma.local [hbm:s6], $0x400  }
0x1f: {  	s11 =	rddreg [dreg:$0x9]  }
0x20: {  	[spmem:s11], [sflag:s8] =	dma.local [hbm:s6], $0x400  }
0x21: {  	s11 =	rddreg [dreg:$0xa]  }
0x22: {  	[spmem:s11], [sflag:s8] =	dma.local [hbm:s6], $0x400  }
0x23: {  	[spmem:s18], [sflag:s8] =	dma.local [hbm:s6], $0x400  }
0x24: {  	[spmem:s19], [sflag:s8] =	dma.local [hbm:s6], $0x400  }
0x25: {  	[spmem:s20], [sflag:s8] =	dma.local [hbm:s6], $0x400  }
0x26: {  	[spmem:s21], [sflag:s8] =	dma.local [hbm:s6], $0x400  }
0x27: {  	_ =	swait.ge [sflag:s22], $0x400  }
0x28: {  	[sflag:s22] =	ssyncset.done $0x0  }
0x29: {  	[sflag:s22] =	ssyncadd.s32 $0xFFFFFC00  }
0x2a: {  	_ =	swait.ge [sflag:s22], $0x400  }
0x2b: {  	[sflag:s22] =	ssyncset.done $0x0  }
0x2c: {  	[sflag:s22] =	ssyncadd.s32 $0xFFFFFC00  }
0x2d: {  	_ =	swait.ge [sflag:s22], $0x400  }
0x2e: {  	[sflag:s22] =	ssyncset.done $0x0  }
0x2f: {  	[sflag:s22] =	ssyncadd.s32 $0xFFFFFC00  }
0x30: {  	_ =	swait.ge [sflag:s22], $0x400  }
0x31: {  	[sflag:s22] =	ssyncset.done $0x0  }
0x32: {  	[sflag:s22] =	ssyncadd.s32 $0xFFFFFC00  }
0x33: {  	_ =	swait.ge [sflag:s22], $0x400  }
0x34: {  	[sflag:s22] =	ssyncset.done $0x0  }
0x35: {  	[sflag:s22] =	ssyncadd.s32 $0xFFFFFC00  }
0x36: {  	_ =	swait.ge [sflag:s22], $0x400  }
0x37: {  	[sflag:s22] =	ssyncset.done $0x0  }
0x38: {  	[sflag:s22] =	ssyncadd.s32 $0xFFFFFC00  }
0x39: {  	_ =	swait.ge [sflag:s22], $0x400  }
0x3a: {  	[sflag:s22] =	ssyncset.done $0x0  }
0x3b: {  	[sflag:s22] =	ssyncadd.s32 $0xFFFFFC00  }
0x3c: {  	_ =	swait.ge [sflag:s22], $0x400  }
0x3d: {  	[sflag:s22] =	ssyncset.done $0x0  }
0x3e: {  	[sflag:s22] =	ssyncadd.s32 $0xFFFFFC00  }
0x3f: {  	_ =	swait.ge [sflag:s22], $0x400  }
0x40: {  	[sflag:s22] =	ssyncset.done $0x0  }
0x41: {  	[sflag:s22] =	ssyncadd.s32 $0xFFFFFC00  }
0x42: {  	_ =	swait.ge [sflag:s22], $0x400  }
0x43: {  	[sflag:s22] =	ssyncset.done $0x0  }
0x44: {  	[sflag:s22] =	ssyncadd.s32 $0xFFFFFC00  }
0x45: {  	s11 =	simm.s32 $0x0;
	[bflag:$0x0] =	sbarrier.arrive $0xFFFF  }
.LBB2_2:
0x46: {  	s13 =	smul.u32 $0x28, s11;
	_ =	sdelay $0x1  }
0x47: {  	s13 =	sadd.s32 s9, s13  }
0x48: {  	s13 =	sshll.u32 s13, $0x4  }
0x49: {  	s15 =	simm.s32 $0x0;
	s14 =	sadd.s32 s5, s13  }
0x4a: {  	[tilespmem:s23], [sflag:$0x3] =	stream.linear.gather [hbm4b:s14+s15], $0x1400, $0x38;
	[tilespmem:$0x1E800] =	vst v63  }
0x4b: {  	_ =	swait.ge [sflag:s25], $0x1400  }
0x4c: {  	[sflag:s25] =	ssyncset.done $0x0  }
0x4d: {  	s13 =	sadd.s32 s1, s13;
	[sflag:s25] =	ssyncadd.s32 $0xFFFFEC00  }
0x4e: {  	[tilespmem:s26], [sflag:$0x3] =	stream.linear.gather [hbm4b:s13+s15], $0x1400, $0x38;
	[tilespmem:$0x1E800] =	vst v63  }
0x4f: {  	_ =	swait.ge [sflag:s25], $0x1400  }
0x50: {  	[sflag:s25] =	ssyncset.done $0x0  }
0x51: {  	[sflag:s25] =	ssyncadd.s32 $0xFFFFEC00  }
0x52: {  	[tilespmem:s29], [sflag:$0x1] =	stream.indirect.gather [hbm4b:s10+s28], $0x80, s23, s28, $0xb8;
	[tilespmem:$0x1E800] =	vst v63  }
0x53: {  	s14 =	simm.s32 $0x14080  }
0x54: {  	[tilespmem:s30], [sflag:$0x2] =	stream.indirect.gather [hbm4b:s10+s28], $0x80, s14, s28, $0xb8;
	[tilespmem:$0x1E800] =	vst v63  }
0x55: {  	_ =	swait.ge [sflag:s22], $0x4000  }
0x56: {  	[sflag:s22] =	ssyncset.done $0x0  }
0x57: {  	s15 =	simm.s32 $0x15400;
	[sflag:s22] =	ssyncadd.s32 $0xFFFFC000  }
0x58: {  	[spmem:s2] =	stream.indirect.scatter.add.f32 [tilespmem:s29], [sflag:$0x3], $0x80, s15, s28, $0xb8;
	[tilespmem:$0x1E800] =	vst v63  }
0x59: {  	_ =	swait.ge [sflag:s25], $0x4000  }
0x5a: {  	[sflag:s25] =	ssyncset.done $0x0  }
0x5b: {  	s16 =	simm.s32 $0x14100;
	[sflag:s25] =	ssyncadd.s32 $0xFFFFC000  }
0x5c: {  	[tilespmem:s29], [sflag:$0x1] =	stream.indirect.gather [hbm4b:s10+s28], $0x80, s16, s28, $0xb8;
	[tilespmem:$0x1E800] =	vst v63  }
0x5d: {  	_ =	swait.ge [sflag:s31], $0x4000  }
0x5e: {  	[sflag:s31] =	ssyncset.done $0x0  }
0x5f: {  	s17 =	simm.s32 $0x15480;
	[sflag:s31] =	ssyncadd.s32 $0xFFFFC000  }
0x60: {  	[spmem:s2] =	stream.indirect.scatter.add.f32 [tilespmem:s30], [sflag:$0x3], $0x80, s17, s28, $0xb8;
	[tilespmem:$0x1E800] =	vst v63  }
0x61: {  	_ =	swait.ge [sflag:s25], $0x4000  }
0x62: {  	s13 =	simm.s32 $0x100;
	s14 =	simm.s32 $0x800;
	[sflag:s25] =	ssyncset.done $0x0  }
.LBB2_3:
0x63: {  	s15 =	sadd.s32 $0x14080, s13  }
0x64: {  	[sflag:s25] =	ssyncadd.s32 $0xFFFFC000;
	s16 =	smov.u32 s14;
	s17 =	sadd.s32 $0x400, s14  }
0x65: {  	[tilespmem:s30], [sflag:$0x2] =	stream.indirect.gather [hbm4b:s10+s28], $0x80, s15, s28, $0xb8;
	[tilespmem:$0x1E800] =	vst v63  }
0x66: {  	p0 =	sne.s32 s14, $0x4800;
	_ =	swait.ge [sflag:s22], $0x4000  }
0x67: {  	[sflag:s22] =	ssyncset.done $0x0  }
0x68: {  	s14 =	sadd.s32 $0x15400, s13;
	[sflag:s22] =	ssyncadd.s32 $0xFFFFC000  }
0x69: {  	[spmem:s2] =	stream.indirect.scatter.add.f32 [tilespmem:s29], [sflag:$0x3], $0x80, s14, s28, $0xb8;
	[tilespmem:$0x1E800] =	vst v63  }
0x6a: {  	_ =	swait.ge [sflag:s25], $0x4000  }
0x6b: {  	[sflag:s25] =	ssyncset.done $0x0  }
0x6c: {  	s14 =	sadd.s32 $0x14100, s13;
	[sflag:s25] =	ssyncadd.s32 $0xFFFFC000  }
0x6d: {  	[tilespmem:s29], [sflag:$0x1] =	stream.indirect.gather [hbm4b:s10+s28], $0x80, s14, s28, $0xb8;
	[tilespmem:$0x1E800] =	vst v63  }
0x6e: {  	_ =	swait.ge [sflag:s31], $0x4000  }
.Ltmp0:
0x6f: {  	[sflag:s31] =	ssyncset.done $0x0;
	(pc) =	sbr.rel @p0 .LBB2_3-.Ltmp0, $4  }
0x70: {  	s13 =	sadd.s32 $0x15480, s13;
	[sflag:s31] =	ssyncadd.s32 $0xFFFFC000  }
0x71: {  	[spmem:s2] =	stream.indirect.scatter.add.f32 [tilespmem:s30], [sflag:$0x3], $0x80, s13, s28, $0xb8;
	[tilespmem:$0x1E800] =	vst v63  }
0x72: {  	_ =	swait.ge [sflag:s25], $0x4000  }
0x73: {  	s14 =	smov.u32 s17;
	s13 =	sshra.s32 s16, $0x2;
	[sflag:s25] =	ssyncset.done $0x0  }
0x74: {  	s14 =	sadd.s32 $0x14080, s13;
	[sflag:s25] =	ssyncadd.s32 $0xFFFFC000  }
0x75: {  	[tilespmem:s30], [sflag:$0x2] =	stream.indirect.gather [hbm4b:s10+s28], $0x80, s14, s28, $0xb8;
	[tilespmem:$0x1E800] =	vst v63  }
0x76: {  	_ =	swait.ge [sflag:s22], $0x4000  }
0x77: {  	[sflag:s22] =	ssyncset.done $0x0  }
0x78: {  	s15 =	sadd.s32 $0x15400, s13;
	[sflag:s22] =	ssyncadd.s32 $0xFFFFC000  }
0x79: {  	[spmem:s2] =	stream.indirect.scatter.add.f32 [tilespmem:s29], [sflag:$0x3], $0x80, s15, s28, $0xb8;
	[tilespmem:$0x1E800] =	vst v63  }
0x7a: {  	_ =	swait.ge [sflag:s25], $0x4000  }
0x7b: {  	[sflag:s25] =	ssyncset.done $0x0  }
0x7c: {  	s16 =	sadd.s32 $0x14100, s13;
	[sflag:s25] =	ssyncadd.s32 $0xFFFFC000  }
0x7d: {  	[tilespmem:s29], [sflag:$0x1] =	stream.indirect.gather [hbm4b:s10+s28], $0x80, s16, s28, $0xb8;
	[tilespmem:$0x1E800] =	vst v63  }
0x7e: {  	_ =	swait.ge [sflag:s31], $0x4000  }
0x7f: {  	[sflag:s31] =	ssyncset.done $0x0  }
0x80: {  	s17 =	sadd.s32 $0x15480, s13;
	[sflag:s31] =	ssyncadd.s32 $0xFFFFC000  }
0x81: {  	[spmem:s2] =	stream.indirect.scatter.add.f32 [tilespmem:s30], [sflag:$0x3], $0x80, s17, s28, $0xb8;
	[tilespmem:$0x1E800] =	vst v63  }
0x82: {  	_ =	swait.ge [sflag:s25], $0x4000  }
0x83: {  	[sflag:s25] =	ssyncset.done $0x0  }
0x84: {  	[sflag:s25] =	ssyncadd.s32 $0xFFFFC000  }
0x85: {  	[tilespmem:s30], [sflag:$0x2] =	stream.indirect.gather [hbm4b:s10+s28], $0x80, s0, s28, $0xb8;
	[tilespmem:$0x1E800] =	vst v63  }
0x86: {  	_ =	swait.ge [sflag:s22], $0x4000  }
0x87: {  	[sflag:s22] =	ssyncset.done $0x0  }
0x88: {  	[sflag:s22] =	ssyncadd.s32 $0xFFFFC000  }
0x89: {  	[spmem:s2] =	stream.indirect.scatter.add.f32 [tilespmem:s29], [sflag:$0x3], $0x80, s4, s28, $0xb8;
	[tilespmem:$0x1E800] =	vst v63  }
0x8a: {  	_ =	swait.ge [sflag:s25], $0x4000  }
0x8b: {  	[sflag:s25] =	ssyncset.done $0x0  }
0x8c: {  	[sflag:s25] =	ssyncadd.s32 $0xFFFFC000  }
0x8d: {  	s11 =	sadd.s32 $0x1, s11;
	_ =	swait.ge [sflag:s31], $0x4000  }
0x8e: {  	p0 =	sne.s32 s11, $0x4;
	[sflag:s31] =	ssyncset.done $0x0  }
.Ltmp1:
0x8f: {  	[sflag:s31] =	ssyncadd.s32 $0xFFFFC000;
	(pc) =	sbr.rel @p0 .LBB2_2-.Ltmp1, $4  }
0x90: {  	[spmem:s2] =	stream.indirect.scatter.add.f32 [tilespmem:s30], [sflag:$0x3], $0x80, s7, s28, $0xb8;
	[tilespmem:$0x1E800] =	vst v63  }
0x91: {  	_ =	swait.ge [sflag:s25], $0x4000  }
0x92: {  	[sflag:s25] =	ssyncset.done $0x0  }
0x93: {  	[sflag:s25] =	ssyncadd.s32 $0xFFFFC000  }
0x94: {  	[bflag:$0x0] =	sbarrier.arrive $0xFFFF  }
0x95: {  	s11 =	rddreg [dreg:$0x4]  }
0x96: {  	s11 =	sor.u32 $0x1C03, s11  }
0x97: {  	[hbm:s24], [sflag:s11] =	dma.local [spmem:s12], $0x2800  }
0x98: {  	_ =	swait.ge [sflag:s25], $0x2800  }
0x99: {  	s3 =	sadd.s32 $0x1, s3;
	s17 =	rddreg [dreg:$0x5]  }
0x9a: {  	p0 =	sne.s32 s3, s17  }
.Ltmp2:
0x9b: {  	_ = 	snop;
	(pc) =	sbr.rel @p0 .LBB2_1-.Ltmp2, $3  }
0x9c: {  	_ =	sdelay $0x1  }
0x9d: {  	[sflag:s25] =	ssyncset.done $0x0  }
0x9e: {  	[sflag:s25] =	ssyncadd.s32 $0xFFFFD800  }
0x9f: {  	_ =	sfence.sel $0x180000  }
0xa0: {  	[bflag:$0x0] =	sbarrier.arrive $0xFFFF  }
0xa1: {  	_ =	strace $0x90000050  }
0xa2: {  	s0 =	stileid.u32;
	[bflag:$0x2] =	sbarrier.arrive $0xFFFF  }
0xa3: {  	p0 =	sne.s32 s0, $0x0;
	s0 =	rddreg [dreg:$0x3]  }
0xa4: {  	s0 =	sadd.s32 @!p0 $0x100000, s0  }
0xa5: {  	[sflag:s0] =	ssyncadd.tile.s32 @!p0 $0x1;
	_ =	shalt  }
.Lfunc_end2:
_tile_overlayer_lowered:
.L_overlay_start_2:
0xa6: {  	(tag) =	ssettag $0x2  }
0xa7: {  	s0 =	rddreg [dreg:$0x0];
	s2 =	stileid.u32  }
0xa8: {  	s1 =	rddreg [dreg:$0x1];
	p0 =	sne.s32 s2, $0x0  }
0xa9: {  	s3 =	rddreg [dreg:$0x2];
	[bflag:$0x3] =	sbarrier.arrive $0xFFFF;
	s2 =	simm.s32 @!p0 $0x1C03  }
0xaa: {  	[timem:s3], [sflag:s2] =	dma.local @!p0 [hbm:s0], s1  }
0xab: {  	s0 =	simm.s32 @!p0 $0x3  }
0xac: {  	_ =	swait.ge @!p0 [sflag:s0], s1  }
0xad: {  	s1 =	ssub.s32 @!p0 $0x0, s1;
	[sflag:s0] =	ssyncset.done @!p0 $0x0  }
0xae: {  	[sflag:s0] =	ssyncadd.s32 @!p0 s1  }
0xaf: {  	[bflag:$0x3] =	sbarrier.arrive $0xFFFF  }
0xb0: {  	_ =	shalt  }

// kernel: kernel.28.cloned.1.call-start
scs
__scs_entry_jumppad:
0x0: {  	(pc) =	sbr.rel $0x88, $3  }
0x1: {  	(tag) =	ssettag $0x0;
	lr =	simm.s32 $0x1  }
0x2: {  	[smem:$0x3F93] =	sst lr;
	_ =	strace $0xD0000000  }
0x3: {  	_ = 	snop  }
0x4: {  	_ = 	snop  }
0x5: {  	_ = 	snop  }
0x6: {  	_ = 	snop  }
0x7: {  	_ = 	snop  }
__scs_overlays_trampoline_lowered:
0x8: {  	[smem:$0x3FA2] =	sst s0  }
0x9: {  	[smem:$0x3FA3] =	sst s1  }
0xa: {  	[smem:$0x3FA4] =	sst s2  }
0xb: {  	[smem:$0x3FA5] =	sst s3  }
0xc: {  	[smem:$0x3FA6] =	sst s4  }
0xd: {  	[smem:$0x3FA7] =	sst s5  }
0xe: {  	[smem:$0x3FA8] =	sst s6  }
0xf: {  	[smem:$0x3FA9] =	sst s7  }
0x10: {  	[smem:$0x3FAA] =	sst s8  }
0x11: {  	[smem:$0x3FAB] =	sst s9;
	s0 =	simm.s32 @!p0 $0x0  }
0x12: {  	s1 =	sld [smem:$0x3F91];
	s0 =	simm.s32 @p0 $0x1  }
0x13: {  	[smem:$0x3FAC] =	sst s0;
	s0 =	simm.s32 @!p1 $0x0  }
0x14: {  	s2 =	sld [smem:$0x3F90];
	s0 =	simm.s32 @p1 $0x1  }
0x15: {  	[smem:$0x3FAD] =	sst s0;
	s0 =	simm.s32 @!p2 $0x0  }
0x16: {  	s3 =	sld [smem:$0x3FDB];
	s0 =	simm.s32 @p2 $0x1  }
0x17: {  	s4 =	simm.s32 $0x1BF5;
	[smem:$0x3FAF] =	sst s0  }
0x18: {  	s0 =	sld [smem:$0x3F92];
	_ =	swait.ge [sflag:s4], $0x0  }
0x19: {  	s7 =	sld [smem:$0x3F93]  }
0x1a: {  	s8 =	sadd.s32 $0xFFFFE003, lr  }
0x1b: {  	s9 =	sadd.s32 $0xFFFFFEF7, lr;
	s5 =	simm.s32 $0xFFFFFFFF;
	p2 =	slt.u32 s8, $0xFFFFF086  }
0x1c: {  	p1 =	slt.u32 s9, $0xF7A;
	s5 =	simm.s32 @!p2 $0x0  }
0x1d: {  	s5 =	simm.s32 @p1 $0x1;
	p0 =	seq.s32 s7, s2  }
0x1e: {  	s7 =	smul.u32 @!p0 $0xF7A, s2;
	p2 =	seq.s32 @!p0 s5, $0x0  }
0x1f: {  	s9 =	smul.u32 $0xF7A, s1;
	s8 =	simm.s32 @!p0 $0x1BF5;
	p2 =	por !p2, p0  }
0x20: {  	[sflag:s8] =	ssyncset.s32 @!p0 $0xFFFFF086;
	s6 =	sadd.s32 @!p0 s3, s7;
	s7 =	simm.s32 @!p0 $0x108  }
0x21: {  	s3 =	sadd.s32 s3, s9;
	s6 =	sadd.s32 @!p0 $0x88, s6;
	s7 =	simm.s32 @p2 $0x1082  }
0x22: {  	[simem:s7], [sflag:s8] =	dma.local @!p0 [hbm:s6], $0xF7A  }
0x23: {  	s9 =	sor.u32 $0xD0000000, s2;
	s6 =	simm.s32 $0x108;
	_ =	swait.ge @!p0 [sflag:s8], $0x0  }
0x24: {  	s3 =	sadd.s32 $0x88, s3;
	s6 =	simm.s32 @!p1 $0x1082;
	[sflag:s4] =	ssyncset.s32 $0xFFFFF086  }
0x25: {  	[simem:s6], [sflag:s4] =	dma.local [hbm:s3], $0xF7A  }
0x26: {  	[smem:$0x3F93] =	sst s1;
	(tag) =	ssettag s2;
	_ =	strace s9  }
0x27: {  	s1 =	sld [smem:$0x3FA3]  }
0x28: {  	s2 =	sld [smem:$0x3FA4]  }
0x29: {  	s4 =	sld [smem:$0x3FA6]  }
0x2a: {  	p0 =	seq.s32 s5, $0x0;
	s5 =	sld [smem:$0x3FA7]  }
0x2b: {  	s6 =	sld [smem:$0x3FA8]  }
0x2c: {  	s7 =	sld [smem:$0x3FA9]  }
0x2d: {  	s3 =	simm.s32 $0x108;
	s8 =	sld [smem:$0x3FAA]  }
0x2e: {  	s3 =	simm.s32 @!p0 $0x1082;
	s9 =	sld [smem:$0x3FAB]  }
0x2f: {  	lr =	sadd.s32 s0, s3;
	s0 =	sld [smem:$0x3FA2]  }
0x30: {  	s3 =	sld [smem:$0x3FA5]  }
0x31: {  	[smem:$0x3FAE] =	sst s10  }
0x32: {  	s10 =	sld [smem:$0x3FAC];
	_ =	sdelay $0x3  }
0x33: {  	p0 =	seq.s32 s10, $0x1;
	s10 =	sld [smem:$0x3FAE];
	_ =	sdelay $0x3  }
0x34: {  	[smem:$0x3FAE] =	sst s10  }
0x35: {  	s10 =	sld [smem:$0x3FAD];
	_ =	sdelay $0x3  }
0x36: {  	p1 =	seq.s32 s10, $0x1;
	s10 =	sld [smem:$0x3FAE];
	_ =	sdelay $0x3  }
0x37: {  	[smem:$0x3FAE] =	sst s10  }
0x38: {  	s10 =	sld [smem:$0x3FAF]  }
0x39: {  	_ = 	snop;
	(pc) =	sbr.ind lr, $3  }
0x3a: {  	_ = 	snop  }
0x3b: {  	_ = 	snop  }
0x3c: {  	p2 =	seq.s32 s10, $0x1;
	s10 =	sld [smem:$0x3FAE]  }
0x3d: {  	_ =	shalt  }
0x3e: {  	_ =	shalt  }
0x3f: {  	_ =	shalt  }
0x40: {  	_ =	shalt  }
0x41: {  	_ =	shalt  }
0x42: {  	_ =	shalt  }
0x43: {  	_ =	shalt  }
0x44: {  	_ =	shalt  }
0x45: {  	_ =	shalt  }
0x46: {  	_ =	shalt  }
0x47: {  	_ =	shalt  }
0x48: {  	_ =	shalt  }
0x49: {  	_ =	shalt  }
0x4a: {  	_ =	shalt  }
0x4b: {  	_ =	shalt  }
0x4c: {  	_ =	shalt  }
0x4d: {  	_ =	shalt  }
0x4e: {  	_ =	shalt  }
0x4f: {  	_ =	shalt  }
0x50: {  	_ =	shalt  }
0x51: {  	_ =	shalt  }
0x52: {  	_ =	shalt  }
0x53: {  	_ =	shalt  }
0x54: {  	_ =	shalt  }
0x55: {  	_ =	shalt  }
0x56: {  	_ =	shalt  }
0x57: {  	_ =	shalt  }
0x58: {  	_ =	shalt  }
0x59: {  	_ =	shalt  }
0x5a: {  	_ =	shalt  }
0x5b: {  	_ =	shalt  }
0x5c: {  	_ =	shalt  }
0x5d: {  	_ =	shalt  }
0x5e: {  	_ =	shalt  }
0x5f: {  	_ =	shalt  }
0x60: {  	_ =	shalt  }
0x61: {  	_ =	shalt  }
0x62: {  	_ =	shalt  }
0x63: {  	_ =	shalt  }
0x64: {  	_ =	shalt  }
0x65: {  	_ =	shalt  }
0x66: {  	_ =	shalt  }
0x67: {  	_ =	shalt  }
0x68: {  	_ =	shalt  }
0x69: {  	_ =	shalt  }
0x6a: {  	_ =	shalt  }
0x6b: {  	_ =	shalt  }
0x6c: {  	_ =	shalt  }
0x6d: {  	_ =	shalt  }
0x6e: {  	_ =	shalt  }
0x6f: {  	_ =	shalt  }
0x70: {  	_ =	shalt  }
0x71: {  	_ =	shalt  }
0x72: {  	_ =	shalt  }
0x73: {  	_ =	shalt  }
0x74: {  	_ =	shalt  }
0x75: {  	_ =	shalt  }
0x76: {  	_ =	shalt  }
0x77: {  	_ =	shalt  }
0x78: {  	_ =	shalt  }
0x79: {  	_ =	shalt  }
0x7a: {  	_ =	shalt  }
0x7b: {  	_ =	shalt  }
0x7c: {  	_ =	shalt  }
0x7d: {  	_ =	shalt  }
0x7e: {  	_ =	shalt  }
0x7f: {  	_ =	shalt  }
0x80: {  	_ =	shalt  }
0x81: {  	_ =	shalt  }
0x82: {  	_ =	shalt  }
0x83: {  	_ =	shalt  }
0x84: {  	_ =	shalt  }
0x85: {  	_ =	shalt  }
0x86: {  	_ =	shalt  }
0x87: {  	_ =	shalt  }
.Lfunc_end0:
.L_simem_size_0:
called_computation.4_lowered:
.L_overlay_start_0:
0x88: {  	s2 =	sld [smem:$0x3FD9]  }
0x89: {  	s3 =	sld [smem:$0x3FFE];
	_ =	sdelay $0x1  }
0x8a: {  	s1 =	srdreg.scid  }
0x8b: {  	s0 =	sand.u32 $0x1, s1  }
0x8c: {  	s17 =	sshll.u32 s0, $0xA;
	s2 =	sadd.s32 s3, s2  }
0x8d: {  	s2 =	sadd.s32 s2, s17  }
0x8e: {  	[smem:$0x3FBA] =	sst s2  }
0x8f: {  	_ = 	snop  }
0x90: {  	s2 =	sld [smem:$0x3FD0];
	(tm) =	ssettm $0x1  }
0x91: {  	s18 =	sld [smem:$0x3FFB];
	_ =	sdelay $0x3  }
0x92: {  	_ =	strace s18  }
0x93: {  	s3 =	sld [smem:$0x3FFC];
	_ =	sdelay $0x3  }
0x94: {  	_ =	strace s3  }
0x95: {  	s3 =	sld [smem:$0x3FFD];
	_ =	sdelay $0x3  }
0x96: {  	_ =	strace s3  }
0x97: {  	_ =	strace $0x8FFFFFFF  }
0x98: {  	s19 =	sld [smem:$0x3FDB];
	_ =	sdelay $0x1  }
0x99: {  	s4 =	simm.s32 $_scs_section_size  }
0x9a: {  	s5 =	simm.s32 $_size__tile_overlayer_lowered;
	s6 =	simm.s32 $_tile_overlayer_lowered  }
0x9b: {  	s22 =	simm.s32 $0x1BFF;
	s21 =	sshll.u32 s6, $0x1;
	s3 =	sadd.s32 s4, s19  }
0x9c: {  	s7 =	simm.s32 $0x0;
	s20 =	sshll.u32 s5, $0x1;
	s5 =	sadd.s32 s21, s3  }
0x9d: {  	[timem:s7], [sflag:s22] =	dma.local [hbm:s5], s20  }
0x9e: {  	_ =	swait.ge [sflag:s22], s20  }
0x9f: {  	s4 =	ssub.s32 $0x0, s20;
	[sflag:s22] =	ssyncset.done $0x0  }
0xa0: {  	[sflag:s22] =	ssyncadd.s32 s4;
	_ =	sdelay $0x1  }
0xa1: {  	s23 =	simm.s32 $0x1B8B  }
0xa2: {  	_ =	swait.ge [sflag:s23], $0x1  }
0xa3: {  	[sflag:s23] =	ssyncset.done $0x0  }
0xa4: {  	s25 =	simm.s32 $0x1B8E;
	s24 =	sld [smem:$0x3FFE];
	[sflag:s23] =	ssyncadd.s32 $0xFFFFFFFF  }
0xa5: {  	s26 =	simm.s32 $execute0_lowered;
	[smem:$0x3FD2] =	sst s25  }
0xa6: {  	s5 =	sshll.u32 s26, $0x1;
	_ =	strace $0x80000052;
	[dreg:$0x1] =	wrdreg $0xFFFFFFFF  }
0xa7: {  	s28 =	simm.s32 $_size_execute0_lowered;
	s3 =	sadd.s32 s3, s5;
	[dreg:$0x0] =	wrdreg $0x0  }
0xa8: {  	s5 =	sshll.u32 s28, $0x1;
	[dreg:$0x2] =	wrdreg s3  }
0xa9: {  	[dreg:$0x3] =	wrdreg s5  }
0xaa: {  	[dreg:$0x4] =	wrdreg $0xC0  }
0xab: {  	_ =	task [dreg:s7], $0x5FFFF  }
0xac: {  	[dreg:$0x1] =	wrdreg $0xFFFFFFFF  }
0xad: {  	[dreg:$0x0] =	wrdreg $0x60  }
0xae: {  	[dreg:$0x2] =	wrdreg s24  }
0xaf: {  	[dreg:$0x3] =	wrdreg s2  }
0xb0: {  	[dreg:$0x4] =	wrdreg $0x0  }
0xb1: {  	[dreg:$0x5] =	wrdreg $0x9  }
0xb2: {  	_ =	task.clear_ibuf [dreg:s7], $0x6FFFF;
	_ =	strace $0x90000052  }
0xb3: {  	s29 =	simm.s32 $0x9;
	_ =	strace $0x80000054  }
0xb4: {  	_ =	swait.ge [sflag:s29], $0x1  }
0xb5: {  	[sflag:s29] =	ssyncadd.s32 $0xFFFFFFFF  }
0xb6: {  	_ =	strace $0x90000054  }
0xb7: {  	_ =	sfence  }
0xb8: {  	s30 =	sld [smem:$0x0];
	_ =	sdelay $0x2  }
0xb9: {  	s31 =	sshll.u32 s1, $0xD;
	s1 =	sshrl.u32 s1, $0x2  }
0xba: {  	s3 =	sand.u32 $0x4000, s31;
	s1 =	sadd.s32 s1, s30  }
0xbb: {  	s0 =	sor.u32 s3, s0;
	s1 =	sshll.u32 s1, $0x11  }
0xbc: {  	s0 =	sor.u32 s1, s0  }
0xbd: {  	s0 =	sadd.s32 $0x8F2B, s0  }
0xbe: {  	[sflag:s0] =	ssyncadd.remote.s32 $0x1  }
0xbf: {  	_ =	sfence.sel $0xFFFF  }
0xc0: {  	[dreg:$0x0] =	wrdreg $0xFFFFFFFF;
	(pc) =	sbr.abs _section_cstart, $3  }
0xc1: {  	[dreg:$0x1] =	wrdreg $0xFFFFFFFF  }
0xc2: {  	_ =	task.clear_ibuf [dreg:s7], $0x2FFFF;
	_ =	strace $0x9FFFFFFF  }
0xc3: {  	(tm) =	ssettm $0x7FFFFFFF  }
tec
execute0_lowered:
.L_overlay_start_1:
0x0: {  	(tag) =	ssettag $0x1  }
0x1: {  	s0 =	rddreg [dreg:$0x0]  }
0x2: {  	s1 =	rddreg [dreg:$0x1]  }
0x3: {  	s2 =	rddreg [dreg:$0x2];
	s3 =	simm.s32 $0x0  }
0x4: {  	s4 =	srdreg.scid;
	s11 =	stileid.u32;
	s28 =	simm.s32 $0x80  }
0x5: {  	s29 =	simm.s32 $0x16800;
	s30 =	simm.s32 $0x1A800;
	s31 =	simm.s32 $0x2  }
0x6: {  	[smem:$0x7FF] =	sst s3;
	s4 =	sand.u32 $0x1, s4;
	s5 =	sadd.s32 $0x4400, s0  }
0x7: {  	s8 =	smul.u32 $0x50000, s11;
	s6 =	sadd.s32 $0xE400, s0;
	s9 =	sshll.u32 s11, $0x6  }
0x8: {  	s7 =	smul.u32 $0x28000, s4;
	_ =	strace $0x80000053;
	s4 =	ssub.s32 $0x2, s4  }
0x9: {  	[dreg:$0x4] =	wrdreg s9;
	s14 =	sshrl.u32 s4, $0x1;
	s8 =	sshrl.u32 s8, $0x2  }
0xa: {  	s15 =	sadd.s32 s8, s2;
	s8 =	sor.u32 $0x1C01, s9;
	s9 =	smul.u32 $0xA0, s11  }
0xb: {  	s0 =	sadd.s32 s7, s0;
	s4 =	ssub.s32 s4, s14;
	s11 =	smul.u32 $0x2800, s11  }
0xc: {  	s7 =	simm.s32 $0x16780;
	s10 =	sadd.s32 $0xE800, s0;
	s0 =	sadd.s32 $0x5E800, s0  }
0xd: {  	s4 =	smax.u32 s4, $0x1;
	s22 =	sadd.s32 $0x2000, s15;
	s13 =	sadd.s32 $0x4000, s15  }
0xe: {  	s14 =	sadd.s32 $0x6000, s15;
	s16 =	sadd.s32 $0x8000, s15;
	s17 =	sadd.s32 $0xA000, s15  }
0xf: {  	s18 =	sadd.s32 $0xC000, s15;
	s19 =	sadd.s32 $0xE000, s15;
	s20 =	sadd.s32 $0x10000, s15  }
0x10: {  	s21 =	sadd.s32 $0x12000, s15;
	[dreg:$0x5] =	wrdreg s4;
	s4 =	sshrl.u32 s22, $0x3  }
0x11: {  	s12 =	sshrl.u32 s15, $0x3;
	s23 =	sshrl.u32 s13, $0x3;
	[dreg:$0x6] =	wrdreg s4  }
0x12: {  	s24 =	sshrl.u32 s14, $0x3;
	s25 =	sshrl.u32 s16, $0x3;
	[dreg:$0x7] =	wrdreg s23  }
0x13: {  	s26 =	sshrl.u32 s17, $0x3;
	s18 =	sshrl.u32 s18, $0x3;
	[dreg:$0x8] =	wrdreg s24  }
0x14: {  	s19 =	sshrl.u32 s19, $0x3;
	s20 =	sshrl.u32 s20, $0x3;
	[dreg:$0x9] =	wrdreg s25  }
0x15: {  	s21 =	sshrl.u32 s21, $0x3;
	s22 =	simm.s32 $0x1;
	[dreg:$0xa] =	wrdreg s26  }
0x16: {  	s23 =	simm.s32 $0x14000;
	s24 =	sadd.s32 s11, s0;
	s25 =	simm.s32 $0x3  }
0x17: {  	s26 =	simm.s32 $0x15400;
	s0 =	simm.s32 $0x15380;
	s4 =	simm.s32 $0x16700  }
.LBB2_1:
0x18: {  	[spmem:s12], [sflag:s8] =	dma.local [hbm:s6], $0x400  }
0x19: {  	s11 =	rddreg [dreg:$0x6]  }
0x1a: {  	[spmem:s11], [sflag:s8] =	dma.local [hbm:s6], $0x400  }
0x1b: {  	s11 =	rddreg [dreg:$0x7]  }
0x1c: {  	[spmem:s11], [sflag:s8] =	dma.local [hbm:s6], $0x400  }
0x1d: {  	s11 =	rddreg [dreg:$0x8]  }
0x1e: {  	[spmem:s11], [sflag:s8] =	dma.local [hbm:s6], $0x400  }
0x1f: {  	s11 =	rddreg [dreg:$0x9]  }
0x20: {  	[spmem:s11], [sflag:s8] =	dma.local [hbm:s6], $0x400  }
0x21: {  	s11 =	rddreg [dreg:$0xa]  }
0x22: {  	[spmem:s11], [sflag:s8] =	dma.local [hbm:s6], $0x400  }
0x23: {  	[spmem:s18], [sflag:s8] =	dma.local [hbm:s6], $0x400  }
0x24: {  	[spmem:s19], [sflag:s8] =	dma.local [hbm:s6], $0x400  }
0x25: {  	[spmem:s20], [sflag:s8] =	dma.local [hbm:s6], $0x400  }
0x26: {  	[spmem:s21], [sflag:s8] =	dma.local [hbm:s6], $0x400  }
0x27: {  	_ =	swait.ge [sflag:s22], $0x400  }
0x28: {  	[sflag:s22] =	ssyncset.done $0x0  }
0x29: {  	[sflag:s22] =	ssyncadd.s32 $0xFFFFFC00  }
0x2a: {  	_ =	swait.ge [sflag:s22], $0x400  }
0x2b: {  	[sflag:s22] =	ssyncset.done $0x0  }
0x2c: {  	[sflag:s22] =	ssyncadd.s32 $0xFFFFFC00  }
0x2d: {  	_ =	swait.ge [sflag:s22], $0x400  }
0x2e: {  	[sflag:s22] =	ssyncset.done $0x0  }
0x2f: {  	[sflag:s22] =	ssyncadd.s32 $0xFFFFFC00  }
0x30: {  	_ =	swait.ge [sflag:s22], $0x400  }
0x31: {  	[sflag:s22] =	ssyncset.done $0x0  }
0x32: {  	[sflag:s22] =	ssyncadd.s32 $0xFFFFFC00  }
0x33: {  	_ =	swait.ge [sflag:s22], $0x400  }
0x34: {  	[sflag:s22] =	ssyncset.done $0x0  }
0x35: {  	[sflag:s22] =	ssyncadd.s32 $0xFFFFFC00  }
0x36: {  	_ =	swait.ge [sflag:s22], $0x400  }
0x37: {  	[sflag:s22] =	ssyncset.done $0x0  }
0x38: {  	[sflag:s22] =	ssyncadd.s32 $0xFFFFFC00  }
0x39: {  	_ =	swait.ge [sflag:s22], $0x400  }
0x3a: {  	[sflag:s22] =	ssyncset.done $0x0  }
0x3b: {  	[sflag:s22] =	ssyncadd.s32 $0xFFFFFC00  }
0x3c: {  	_ =	swait.ge [sflag:s22], $0x400  }
0x3d: {  	[sflag:s22] =	ssyncset.done $0x0  }
0x3e: {  	[sflag:s22] =	ssyncadd.s32 $0xFFFFFC00  }
0x3f: {  	_ =	swait.ge [sflag:s22], $0x400  }
0x40: {  	[sflag:s22] =	ssyncset.done $0x0  }
0x41: {  	[sflag:s22] =	ssyncadd.s32 $0xFFFFFC00  }
0x42: {  	_ =	swait.ge [sflag:s22], $0x400  }
0x43: {  	[sflag:s22] =	ssyncset.done $0x0  }
0x44: {  	[sflag:s22] =	ssyncadd.s32 $0xFFFFFC00  }
0x45: {  	s11 =	simm.s32 $0x0;
	[bflag:$0x0] =	sbarrier.arrive $0xFFFF  }
.LBB2_2:
0x46: {  	s13 =	smul.u32 $0x28, s11;
	_ =	sdelay $0x1  }
0x47: {  	s13 =	sadd.s32 s9, s13  }
0x48: {  	s13 =	sshll.u32 s13, $0x4  }
0x49: {  	s15 =	simm.s32 $0x0;
	s14 =	sadd.s32 s5, s13  }
0x4a: {  	[tilespmem:s23], [sflag:$0x3] =	stream.linear.gather [hbm4b:s14+s15], $0x1400, $0x38;
	[tilespmem:$0x1E800] =	vst v63  }
0x4b: {  	_ =	swait.ge [sflag:s25], $0x1400  }
0x4c: {  	[sflag:s25] =	ssyncset.done $0x0  }
0x4d: {  	s13 =	sadd.s32 s1, s13;
	[sflag:s25] =	ssyncadd.s32 $0xFFFFEC00  }
0x4e: {  	[tilespmem:s26], [sflag:$0x3] =	stream.linear.gather [hbm4b:s13+s15], $0x1400, $0x38;
	[tilespmem:$0x1E800] =	vst v63  }
0x4f: {  	_ =	swait.ge [sflag:s25], $0x1400  }
0x50: {  	[sflag:s25] =	ssyncset.done $0x0  }
0x51: {  	[sflag:s25] =	ssyncadd.s32 $0xFFFFEC00  }
0x52: {  	[tilespmem:s29], [sflag:$0x1] =	stream.indirect.gather [hbm4b:s10+s28], $0x80, s23, s28, $0xb8;
	[tilespmem:$0x1E800] =	vst v63  }
0x53: {  	s14 =	simm.s32 $0x14080  }
0x54: {  	[tilespmem:s30], [sflag:$0x2] =	stream.indirect.gather [hbm4b:s10+s28], $0x80, s14, s28, $0xb8;
	[tilespmem:$0x1E800] =	vst v63  }
0x55: {  	_ =	swait.ge [sflag:s22], $0x4000  }
0x56: {  	[sflag:s22] =	ssyncset.done $0x0  }
0x57: {  	s15 =	simm.s32 $0x15400;
	[sflag:s22] =	ssyncadd.s32 $0xFFFFC000  }
0x58: {  	[spmem:s2] =	stream.indirect.scatter.add.f32 [tilespmem:s29], [sflag:$0x3], $0x80, s15, s28, $0xb8;
	[tilespmem:$0x1E800] =	vst v63  }
0x59: {  	_ =	swait.ge [sflag:s25], $0x4000  }
0x5a: {  	[sflag:s25] =	ssyncset.done $0x0  }
0x5b: {  	s16 =	simm.s32 $0x14100;
	[sflag:s25] =	ssyncadd.s32 $0xFFFFC000  }
0x5c: {  	[tilespmem:s29], [sflag:$0x1] =	stream.indirect.gather [hbm4b:s10+s28], $0x80, s16, s28, $0xb8;
	[tilespmem:$0x1E800] =	vst v63  }
0x5d: {  	_ =	swait.ge [sflag:s31], $0x4000  }
0x5e: {  	[sflag:s31] =	ssyncset.done $0x0  }
0x5f: {  	s17 =	simm.s32 $0x15480;
	[sflag:s31] =	ssyncadd.s32 $0xFFFFC000  }
0x60: {  	[spmem:s2] =	stream.indirect.scatter.add.f32 [tilespmem:s30], [sflag:$0x3], $0x80, s17, s28, $0xb8;
	[tilespmem:$0x1E800] =	vst v63  }
0x61: {  	_ =	swait.ge [sflag:s25], $0x4000  }
0x62: {  	s13 =	simm.s32 $0x100;
	s14 =	simm.s32 $0x800;
	[sflag:s25] =	ssyncset.done $0x0  }
.LBB2_3:
0x63: {  	s15 =	sadd.s32 $0x14080, s13  }
0x64: {  	[sflag:s25] =	ssyncadd.s32 $0xFFFFC000;
	s16 =	smov.u32 s14;
	s17 =	sadd.s32 $0x400, s14  }
0x65: {  	[tilespmem:s30], [sflag:$0x2] =	stream.indirect.gather [hbm4b:s10+s28], $0x80, s15, s28, $0xb8;
	[tilespmem:$0x1E800] =	vst v63  }
0x66: {  	p0 =	sne.s32 s14, $0x4800;
	_ =	swait.ge [sflag:s22], $0x4000  }
0x67: {  	[sflag:s22] =	ssyncset.done $0x0  }
0x68: {  	s14 =	sadd.s32 $0x15400, s13;
	[sflag:s22] =	ssyncadd.s32 $0xFFFFC000  }
0x69: {  	[spmem:s2] =	stream.indirect.scatter.add.f32 [tilespmem:s29], [sflag:$0x3], $0x80, s14, s28, $0xb8;
	[tilespmem:$0x1E800] =	vst v63  }
0x6a: {  	_ =	swait.ge [sflag:s25], $0x4000  }
0x6b: {  	[sflag:s25] =	ssyncset.done $0x0  }
0x6c: {  	s14 =	sadd.s32 $0x14100, s13;
	[sflag:s25] =	ssyncadd.s32 $0xFFFFC000  }
0x6d: {  	[tilespmem:s29], [sflag:$0x1] =	stream.indirect.gather [hbm4b:s10+s28], $0x80, s14, s28, $0xb8;
	[tilespmem:$0x1E800] =	vst v63  }
0x6e: {  	_ =	swait.ge [sflag:s31], $0x4000  }
.Ltmp0:
0x6f: {  	[sflag:s31] =	ssyncset.done $0x0;
	(pc) =	sbr.rel @p0 .LBB2_3-.Ltmp0, $4  }
0x70: {  	s13 =	sadd.s32 $0x15480, s13;
	[sflag:s31] =	ssyncadd.s32 $0xFFFFC000  }
0x71: {  	[spmem:s2] =	stream.indirect.scatter.add.f32 [tilespmem:s30], [sflag:$0x3], $0x80, s13, s28, $0xb8;
	[tilespmem:$0x1E800] =	vst v63  }
0x72: {  	_ =	swait.ge [sflag:s25], $0x4000  }
0x73: {  	s14 =	smov.u32 s17;
	s13 =	sshra.s32 s16, $0x2;
	[sflag:s25] =	ssyncset.done $0x0  }
0x74: {  	s14 =	sadd.s32 $0x14080, s13;
	[sflag:s25] =	ssyncadd.s32 $0xFFFFC000  }
0x75: {  	[tilespmem:s30], [sflag:$0x2] =	stream.indirect.gather [hbm4b:s10+s28], $0x80, s14, s28, $0xb8;
	[tilespmem:$0x1E800] =	vst v63  }
0x76: {  	_ =	swait.ge [sflag:s22], $0x4000  }
0x77: {  	[sflag:s22] =	ssyncset.done $0x0  }
0x78: {  	s15 =	sadd.s32 $0x15400, s13;
	[sflag:s22] =	ssyncadd.s32 $0xFFFFC000  }
0x79: {  	[spmem:s2] =	stream.indirect.scatter.add.f32 [tilespmem:s29], [sflag:$0x3], $0x80, s15, s28, $0xb8;
	[tilespmem:$0x1E800] =	vst v63  }
0x7a: {  	_ =	swait.ge [sflag:s25], $0x4000  }
0x7b: {  	[sflag:s25] =	ssyncset.done $0x0  }
0x7c: {  	s16 =	sadd.s32 $0x14100, s13;
	[sflag:s25] =	ssyncadd.s32 $0xFFFFC000  }
0x7d: {  	[tilespmem:s29], [sflag:$0x1] =	stream.indirect.gather [hbm4b:s10+s28], $0x80, s16, s28, $0xb8;
	[tilespmem:$0x1E800] =	vst v63  }
0x7e: {  	_ =	swait.ge [sflag:s31], $0x4000  }
0x7f: {  	[sflag:s31] =	ssyncset.done $0x0  }
0x80: {  	s17 =	sadd.s32 $0x15480, s13;
	[sflag:s31] =	ssyncadd.s32 $0xFFFFC000  }
0x81: {  	[spmem:s2] =	stream.indirect.scatter.add.f32 [tilespmem:s30], [sflag:$0x3], $0x80, s17, s28, $0xb8;
	[tilespmem:$0x1E800] =	vst v63  }
0x82: {  	_ =	swait.ge [sflag:s25], $0x4000  }
0x83: {  	[sflag:s25] =	ssyncset.done $0x0  }
0x84: {  	[sflag:s25] =	ssyncadd.s32 $0xFFFFC000  }
0x85: {  	[tilespmem:s30], [sflag:$0x2] =	stream.indirect.gather [hbm4b:s10+s28], $0x80, s0, s28, $0xb8;
	[tilespmem:$0x1E800] =	vst v63  }
0x86: {  	_ =	swait.ge [sflag:s22], $0x4000  }
0x87: {  	[sflag:s22] =	ssyncset.done $0x0  }
0x88: {  	[sflag:s22] =	ssyncadd.s32 $0xFFFFC000  }
0x89: {  	[spmem:s2] =	stream.indirect.scatter.add.f32 [tilespmem:s29], [sflag:$0x3], $0x80, s4, s28, $0xb8;
	[tilespmem:$0x1E800] =	vst v63  }
0x8a: {  	_ =	swait.ge [sflag:s25], $0x4000  }
0x8b: {  	[sflag:s25] =	ssyncset.done $0x0  }
0x8c: {  	[sflag:s25] =	ssyncadd.s32 $0xFFFFC000  }
0x8d: {  	s11 =	sadd.s32 $0x1, s11;
	_ =	swait.ge [sflag:s31], $0x4000  }
0x8e: {  	p0 =	sne.s32 s11, $0x4;
	[sflag:s31] =	ssyncset.done $0x0  }
.Ltmp1:
0x8f: {  	[sflag:s31] =	ssyncadd.s32 $0xFFFFC000;
	(pc) =	sbr.rel @p0 .LBB2_2-.Ltmp1, $4  }
0x90: {  	[spmem:s2] =	stream.indirect.scatter.add.f32 [tilespmem:s30], [sflag:$0x3], $0x80, s7, s28, $0xb8;
	[tilespmem:$0x1E800] =	vst v63  }
0x91: {  	_ =	swait.ge [sflag:s25], $0x4000  }
0x92: {  	[sflag:s25] =	ssyncset.done $0x0  }
0x93: {  	[sflag:s25] =	ssyncadd.s32 $0xFFFFC000  }
0x94: {  	[bflag:$0x0] =	sbarrier.arrive $0xFFFF  }
0x95: {  	s11 =	rddreg [dreg:$0x4]  }
0x96: {  	s11 =	sor.u32 $0x1C03, s11  }
0x97: {  	[hbm:s24], [sflag:s11] =	dma.local [spmem:s12], $0x2800  }
0x98: {  	_ =	swait.ge [sflag:s25], $0x2800  }
0x99: {  	s3 =	sadd.s32 $0x1, s3;
	s17 =	rddreg [dreg:$0x5]  }
0x9a: {  	p0 =	sne.s32 s3, s17  }
.Ltmp2:
0x9b: {  	_ = 	snop;
	(pc) =	sbr.rel @p0 .LBB2_1-.Ltmp2, $3  }
0x9c: {  	_ =	sdelay $0x1  }
0x9d: {  	[sflag:s25] =	ssyncset.done $0x0  }
0x9e: {  	[sflag:s25] =	ssyncadd.s32 $0xFFFFD800  }
0x9f: {  	_ =	sfence.sel $0x180000  }
0xa0: {  	[bflag:$0x0] =	sbarrier.arrive $0xFFFF  }
0xa1: {  	_ =	strace $0x90000053  }
0xa2: {  	s0 =	stileid.u32;
	[bflag:$0x2] =	sbarrier.arrive $0xFFFF  }
0xa3: {  	p0 =	sne.s32 s0, $0x0;
	s0 =	rddreg [dreg:$0x3]  }
0xa4: {  	s0 =	sadd.s32 @!p0 $0x100000, s0  }
0xa5: {  	[sflag:s0] =	ssyncadd.tile.s32 @!p0 $0x1;
	_ =	shalt  }
.Lfunc_end2:
_tile_overlayer_lowered:
.L_overlay_start_2:
0xa6: {  	(tag) =	ssettag $0x2  }
0xa7: {  	s0 =	rddreg [dreg:$0x0];
	s2 =	stileid.u32  }
0xa8: {  	s1 =	rddreg [dreg:$0x1];
	p0 =	sne.s32 s2, $0x0  }
0xa9: {  	s3 =	rddreg [dreg:$0x2];
	[bflag:$0x3] =	sbarrier.arrive $0xFFFF;
	s2 =	simm.s32 @!p0 $0x1C03  }
0xaa: {  	[timem:s3], [sflag:s2] =	dma.local @!p0 [hbm:s0], s1  }
0xab: {  	s0 =	simm.s32 @!p0 $0x3  }
0xac: {  	_ =	swait.ge @!p0 [sflag:s0], s1  }
0xad: {  	s1 =	ssub.s32 @!p0 $0x0, s1;
	[sflag:s0] =	ssyncset.done @!p0 $0x0  }
0xae: {  	[sflag:s0] =	ssyncadd.s32 @!p0 s1  }
0xaf: {  	[bflag:$0x3] =	sbarrier.arrive $0xFFFF  }
0xb0: {  	_ =	shalt  }

// kernel: kernel.31.cloned.1.call-start
scs
__scs_entry_jumppad:
0x0: {  	(pc) =	sbr.rel $0x88, $3  }
0x1: {  	(tag) =	ssettag $0x0;
	lr =	simm.s32 $0x1  }
0x2: {  	[smem:$0x3F93] =	sst lr;
	_ =	strace $0xD0000000  }
0x3: {  	_ = 	snop  }
0x4: {  	_ = 	snop  }
0x5: {  	_ = 	snop  }
0x6: {  	_ = 	snop  }
0x7: {  	_ = 	snop  }
__scs_overlays_trampoline_lowered:
0x8: {  	[smem:$0x3FA2] =	sst s0  }
0x9: {  	[smem:$0x3FA3] =	sst s1  }
0xa: {  	[smem:$0x3FA4] =	sst s2  }
0xb: {  	[smem:$0x3FA5] =	sst s3  }
0xc: {  	[smem:$0x3FA6] =	sst s4  }
0xd: {  	[smem:$0x3FA7] =	sst s5  }
0xe: {  	[smem:$0x3FA8] =	sst s6  }
0xf: {  	[smem:$0x3FA9] =	sst s7  }
0x10: {  	[smem:$0x3FAA] =	sst s8  }
0x11: {  	[smem:$0x3FAB] =	sst s9;
	s0 =	simm.s32 @!p0 $0x0  }
0x12: {  	s1 =	sld [smem:$0x3F91];
	s0 =	simm.s32 @p0 $0x1  }
0x13: {  	[smem:$0x3FAC] =	sst s0;
	s0 =	simm.s32 @!p1 $0x0  }
0x14: {  	s2 =	sld [smem:$0x3F90];
	s0 =	simm.s32 @p1 $0x1  }
0x15: {  	[smem:$0x3FAD] =	sst s0;
	s0 =	simm.s32 @!p2 $0x0  }
0x16: {  	s3 =	sld [smem:$0x3FDB];
	s0 =	simm.s32 @p2 $0x1  }
0x17: {  	s4 =	simm.s32 $0x1BF5;
	[smem:$0x3FAF] =	sst s0  }
0x18: {  	s0 =	sld [smem:$0x3F92];
	_ =	swait.ge [sflag:s4], $0x0  }
0x19: {  	s7 =	sld [smem:$0x3F93]  }
0x1a: {  	s8 =	sadd.s32 $0xFFFFE003, lr  }
0x1b: {  	s9 =	sadd.s32 $0xFFFFFEF7, lr;
	s5 =	simm.s32 $0xFFFFFFFF;
	p2 =	slt.u32 s8, $0xFFFFF086  }
0x1c: {  	p1 =	slt.u32 s9, $0xF7A;
	s5 =	simm.s32 @!p2 $0x0  }
0x1d: {  	s5 =	simm.s32 @p1 $0x1;
	p0 =	seq.s32 s7, s2  }
0x1e: {  	s7 =	smul.u32 @!p0 $0xF7A, s2;
	p2 =	seq.s32 @!p0 s5, $0x0  }
0x1f: {  	s9 =	smul.u32 $0xF7A, s1;
	s8 =	simm.s32 @!p0 $0x1BF5;
	p2 =	por !p2, p0  }
0x20: {  	[sflag:s8] =	ssyncset.s32 @!p0 $0xFFFFF086;
	s6 =	sadd.s32 @!p0 s3, s7;
	s7 =	simm.s32 @!p0 $0x108  }
0x21: {  	s3 =	sadd.s32 s3, s9;
	s6 =	sadd.s32 @!p0 $0x88, s6;
	s7 =	simm.s32 @p2 $0x1082  }
0x22: {  	[simem:s7], [sflag:s8] =	dma.local @!p0 [hbm:s6], $0xF7A  }
0x23: {  	s9 =	sor.u32 $0xD0000000, s2;
	s6 =	simm.s32 $0x108;
	_ =	swait.ge @!p0 [sflag:s8], $0x0  }
0x24: {  	s3 =	sadd.s32 $0x88, s3;
	s6 =	simm.s32 @!p1 $0x1082;
	[sflag:s4] =	ssyncset.s32 $0xFFFFF086  }
0x25: {  	[simem:s6], [sflag:s4] =	dma.local [hbm:s3], $0xF7A  }
0x26: {  	[smem:$0x3F93] =	sst s1;
	(tag) =	ssettag s2;
	_ =	strace s9  }
0x27: {  	s1 =	sld [smem:$0x3FA3]  }
0x28: {  	s2 =	sld [smem:$0x3FA4]  }
0x29: {  	s4 =	sld [smem:$0x3FA6]  }
0x2a: {  	p0 =	seq.s32 s5, $0x0;
	s5 =	sld [smem:$0x3FA7]  }
0x2b: {  	s6 =	sld [smem:$0x3FA8]  }
0x2c: {  	s7 =	sld [smem:$0x3FA9]  }
0x2d: {  	s3 =	simm.s32 $0x108;
	s8 =	sld [smem:$0x3FAA]  }
0x2e: {  	s3 =	simm.s32 @!p0 $0x1082;
	s9 =	sld [smem:$0x3FAB]  }
0x2f: {  	lr =	sadd.s32 s0, s3;
	s0 =	sld [smem:$0x3FA2]  }
0x30: {  	s3 =	sld [smem:$0x3FA5]  }
0x31: {  	[smem:$0x3FAE] =	sst s10  }
0x32: {  	s10 =	sld [smem:$0x3FAC];
	_ =	sdelay $0x3  }
0x33: {  	p0 =	seq.s32 s10, $0x1;
	s10 =	sld [smem:$0x3FAE];
	_ =	sdelay $0x3  }
0x34: {  	[smem:$0x3FAE] =	sst s10  }
0x35: {  	s10 =	sld [smem:$0x3FAD];
	_ =	sdelay $0x3  }
0x36: {  	p1 =	seq.s32 s10, $0x1;
	s10 =	sld [smem:$0x3FAE];
	_ =	sdelay $0x3  }
0x37: {  	[smem:$0x3FAE] =	sst s10  }
0x38: {  	s10 =	sld [smem:$0x3FAF]  }
0x39: {  	_ = 	snop;
	(pc) =	sbr.ind lr, $3  }
0x3a: {  	_ = 	snop  }
0x3b: {  	_ = 	snop  }
0x3c: {  	p2 =	seq.s32 s10, $0x1;
	s10 =	sld [smem:$0x3FAE]  }
0x3d: {  	_ =	shalt  }
0x3e: {  	_ =	shalt  }
0x3f: {  	_ =	shalt  }
0x40: {  	_ =	shalt  }
0x41: {  	_ =	shalt  }
0x42: {  	_ =	shalt  }
0x43: {  	_ =	shalt  }
0x44: {  	_ =	shalt  }
0x45: {  	_ =	shalt  }
0x46: {  	_ =	shalt  }
0x47: {  	_ =	shalt  }
0x48: {  	_ =	shalt  }
0x49: {  	_ =	shalt  }
0x4a: {  	_ =	shalt  }
0x4b: {  	_ =	shalt  }
0x4c: {  	_ =	shalt  }
0x4d: {  	_ =	shalt  }
0x4e: {  	_ =	shalt  }
0x4f: {  	_ =	shalt  }
0x50: {  	_ =	shalt  }
0x51: {  	_ =	shalt  }
0x52: {  	_ =	shalt  }
0x53: {  	_ =	shalt  }
0x54: {  	_ =	shalt  }
0x55: {  	_ =	shalt  }
0x56: {  	_ =	shalt  }
0x57: {  	_ =	shalt  }
0x58: {  	_ =	shalt  }
0x59: {  	_ =	shalt  }
0x5a: {  	_ =	shalt  }
0x5b: {  	_ =	shalt  }
0x5c: {  	_ =	shalt  }
0x5d: {  	_ =	shalt  }
0x5e: {  	_ =	shalt  }
0x5f: {  	_ =	shalt  }
0x60: {  	_ =	shalt  }
0x61: {  	_ =	shalt  }
0x62: {  	_ =	shalt  }
0x63: {  	_ =	shalt  }
0x64: {  	_ =	shalt  }
0x65: {  	_ =	shalt  }
0x66: {  	_ =	shalt  }
0x67: {  	_ =	shalt  }
0x68: {  	_ =	shalt  }
0x69: {  	_ =	shalt  }
0x6a: {  	_ =	shalt  }
0x6b: {  	_ =	shalt  }
0x6c: {  	_ =	shalt  }
0x6d: {  	_ =	shalt  }
0x6e: {  	_ =	shalt  }
0x6f: {  	_ =	shalt  }
0x70: {  	_ =	shalt  }
0x71: {  	_ =	shalt  }
0x72: {  	_ =	shalt  }
0x73: {  	_ =	shalt  }
0x74: {  	_ =	shalt  }
0x75: {  	_ =	shalt  }
0x76: {  	_ =	shalt  }
0x77: {  	_ =	shalt  }
0x78: {  	_ =	shalt  }
0x79: {  	_ =	shalt  }
0x7a: {  	_ =	shalt  }
0x7b: {  	_ =	shalt  }
0x7c: {  	_ =	shalt  }
0x7d: {  	_ =	shalt  }
0x7e: {  	_ =	shalt  }
0x7f: {  	_ =	shalt  }
0x80: {  	_ =	shalt  }
0x81: {  	_ =	shalt  }
0x82: {  	_ =	shalt  }
0x83: {  	_ =	shalt  }
0x84: {  	_ =	shalt  }
0x85: {  	_ =	shalt  }
0x86: {  	_ =	shalt  }
0x87: {  	_ =	shalt  }
.Lfunc_end0:
.L_simem_size_0:
called_computation.5_lowered:
.L_overlay_start_0:
0x88: {  	s2 =	sld [smem:$0x3FD9]  }
0x89: {  	s3 =	sld [smem:$0x3FFE];
	_ =	sdelay $0x1  }
0x8a: {  	s1 =	srdreg.scid  }
0x8b: {  	s0 =	sand.u32 $0x1, s1  }
0x8c: {  	s17 =	sshll.u32 s0, $0xA;
	s2 =	sadd.s32 s3, s2  }
0x8d: {  	s2 =	sadd.s32 s2, s17  }
0x8e: {  	[smem:$0x3FBA] =	sst s2  }
0x8f: {  	_ = 	snop  }
0x90: {  	s2 =	sld [smem:$0x3FD0];
	(tm) =	ssettm $0x1  }
0x91: {  	s18 =	sld [smem:$0x3FFB];
	_ =	sdelay $0x3  }
0x92: {  	_ =	strace s18  }
0x93: {  	s3 =	sld [smem:$0x3FFC];
	_ =	sdelay $0x3  }
0x94: {  	_ =	strace s3  }
0x95: {  	s3 =	sld [smem:$0x3FFD];
	_ =	sdelay $0x3  }
0x96: {  	_ =	strace s3  }
0x97: {  	_ =	strace $0x8FFFFFFF  }
0x98: {  	s19 =	sld [smem:$0x3FDB];
	_ =	sdelay $0x1  }
0x99: {  	s4 =	simm.s32 $_scs_section_size  }
0x9a: {  	s5 =	simm.s32 $_size__tile_overlayer_lowered;
	s6 =	simm.s32 $_tile_overlayer_lowered  }
0x9b: {  	s22 =	simm.s32 $0x1BFF;
	s21 =	sshll.u32 s6, $0x1;
	s3 =	sadd.s32 s4, s19  }
0x9c: {  	s7 =	simm.s32 $0x0;
	s20 =	sshll.u32 s5, $0x1;
	s5 =	sadd.s32 s21, s3  }
0x9d: {  	[timem:s7], [sflag:s22] =	dma.local [hbm:s5], s20  }
0x9e: {  	_ =	swait.ge [sflag:s22], s20  }
0x9f: {  	s4 =	ssub.s32 $0x0, s20;
	[sflag:s22] =	ssyncset.done $0x0  }
0xa0: {  	[sflag:s22] =	ssyncadd.s32 s4;
	_ =	sdelay $0x1  }
0xa1: {  	s23 =	simm.s32 $0x1B8B  }
0xa2: {  	_ =	swait.ge [sflag:s23], $0x1  }
0xa3: {  	[sflag:s23] =	ssyncset.done $0x0  }
0xa4: {  	s25 =	simm.s32 $0x1B8E;
	s24 =	sld [smem:$0x3FFE];
	[sflag:s23] =	ssyncadd.s32 $0xFFFFFFFF  }
0xa5: {  	s26 =	simm.s32 $execute0_lowered;
	[smem:$0x3FD2] =	sst s25  }
0xa6: {  	s5 =	sshll.u32 s26, $0x1;
	_ =	strace $0x80000055;
	[dreg:$0x1] =	wrdreg $0xFFFFFFFF  }
0xa7: {  	s28 =	simm.s32 $_size_execute0_lowered;
	s3 =	sadd.s32 s3, s5;
	[dreg:$0x0] =	wrdreg $0x0  }
0xa8: {  	s5 =	sshll.u32 s28, $0x1;
	[dreg:$0x2] =	wrdreg s3  }
0xa9: {  	[dreg:$0x3] =	wrdreg s5  }
0xaa: {  	[dreg:$0x4] =	wrdreg $0xC0  }
0xab: {  	_ =	task [dreg:s7], $0x5FFFF  }
0xac: {  	[dreg:$0x1] =	wrdreg $0xFFFFFFFF  }
0xad: {  	[dreg:$0x0] =	wrdreg $0x60  }
0xae: {  	[dreg:$0x2] =	wrdreg s24  }
0xaf: {  	[dreg:$0x3] =	wrdreg s2  }
0xb0: {  	[dreg:$0x4] =	wrdreg $0x0  }
0xb1: {  	[dreg:$0x5] =	wrdreg $0x9  }
0xb2: {  	_ =	task.clear_ibuf [dreg:s7], $0x6FFFF;
	_ =	strace $0x90000055  }
0xb3: {  	s29 =	simm.s32 $0x9;
	_ =	strace $0x80000057  }
0xb4: {  	_ =	swait.ge [sflag:s29], $0x1  }
0xb5: {  	[sflag:s29] =	ssyncadd.s32 $0xFFFFFFFF  }
0xb6: {  	_ =	strace $0x90000057  }
0xb7: {  	_ =	sfence  }
0xb8: {  	s30 =	sld [smem:$0x0];
	_ =	sdelay $0x2  }
0xb9: {  	s31 =	sshll.u32 s1, $0xD;
	s1 =	sshrl.u32 s1, $0x2  }
0xba: {  	s3 =	sand.u32 $0x4000, s31;
	s1 =	sadd.s32 s1, s30  }
0xbb: {  	s0 =	sor.u32 s3, s0;
	s1 =	sshll.u32 s1, $0x11  }
0xbc: {  	s0 =	sor.u32 s1, s0  }
0xbd: {  	s0 =	sadd.s32 $0x8F2B, s0  }
0xbe: {  	[sflag:s0] =	ssyncadd.remote.s32 $0x1  }
0xbf: {  	_ =	sfence.sel $0xFFFF  }
0xc0: {  	[dreg:$0x0] =	wrdreg $0xFFFFFFFF;
	(pc) =	sbr.abs _section_cstart, $3  }
0xc1: {  	[dreg:$0x1] =	wrdreg $0xFFFFFFFF  }
0xc2: {  	_ =	task.clear_ibuf [dreg:s7], $0x2FFFF;
	_ =	strace $0x9FFFFFFF  }
0xc3: {  	(tm) =	ssettm $0x7FFFFFFF  }
tec
execute0_lowered:
.L_overlay_start_1:
0x0: {  	(tag) =	ssettag $0x1  }
0x1: {  	s0 =	rddreg [dreg:$0x0]  }
0x2: {  	s1 =	rddreg [dreg:$0x1]  }
0x3: {  	s2 =	rddreg [dreg:$0x2];
	s3 =	simm.s32 $0x0  }
0x4: {  	s4 =	srdreg.scid;
	s11 =	stileid.u32;
	s28 =	simm.s32 $0x80  }
0x5: {  	s29 =	simm.s32 $0x16800;
	s30 =	simm.s32 $0x1A800;
	s31 =	simm.s32 $0x2  }
0x6: {  	[smem:$0x7FF] =	sst s3;
	s4 =	sand.u32 $0x1, s4;
	s5 =	sadd.s32 $0x4400, s0  }
0x7: {  	s8 =	smul.u32 $0x50000, s11;
	s6 =	sadd.s32 $0xE400, s0;
	s9 =	sshll.u32 s11, $0x6  }
0x8: {  	s7 =	smul.u32 $0x28000, s4;
	_ =	strace $0x80000056;
	s4 =	ssub.s32 $0x2, s4  }
0x9: {  	[dreg:$0x4] =	wrdreg s9;
	s14 =	sshrl.u32 s4, $0x1;
	s8 =	sshrl.u32 s8, $0x2  }
0xa: {  	s15 =	sadd.s32 s8, s2;
	s8 =	sor.u32 $0x1C01, s9;
	s9 =	smul.u32 $0xA0, s11  }
0xb: {  	s0 =	sadd.s32 s7, s0;
	s4 =	ssub.s32 s4, s14;
	s11 =	smul.u32 $0x2800, s11  }
0xc: {  	s7 =	simm.s32 $0x16780;
	s10 =	sadd.s32 $0xE800, s0;
	s0 =	sadd.s32 $0x5E800, s0  }
0xd: {  	s4 =	smax.u32 s4, $0x1;
	s22 =	sadd.s32 $0x2000, s15;
	s13 =	sadd.s32 $0x4000, s15  }
0xe: {  	s14 =	sadd.s32 $0x6000, s15;
	s16 =	sadd.s32 $0x8000, s15;
	s17 =	sadd.s32 $0xA000, s15  }
0xf: {  	s18 =	sadd.s32 $0xC000, s15;
	s19 =	sadd.s32 $0xE000, s15;
	s20 =	sadd.s32 $0x10000, s15  }
0x10: {  	s21 =	sadd.s32 $0x12000, s15;
	[dreg:$0x5] =	wrdreg s4;
	s4 =	sshrl.u32 s22, $0x3  }
0x11: {  	s12 =	sshrl.u32 s15, $0x3;
	s23 =	sshrl.u32 s13, $0x3;
	[dreg:$0x6] =	wrdreg s4  }
0x12: {  	s24 =	sshrl.u32 s14, $0x3;
	s25 =	sshrl.u32 s16, $0x3;
	[dreg:$0x7] =	wrdreg s23  }
0x13: {  	s26 =	sshrl.u32 s17, $0x3;
	s18 =	sshrl.u32 s18, $0x3;
	[dreg:$0x8] =	wrdreg s24  }
0x14: {  	s19 =	sshrl.u32 s19, $0x3;
	s20 =	sshrl.u32 s20, $0x3;
	[dreg:$0x9] =	wrdreg s25  }
0x15: {  	s21 =	sshrl.u32 s21, $0x3;
	s22 =	simm.s32 $0x1;
	[dreg:$0xa] =	wrdreg s26  }
0x16: {  	s23 =	simm.s32 $0x14000;
	s24 =	sadd.s32 s11, s0;
	s25 =	simm.s32 $0x3  }
0x17: {  	s26 =	simm.s32 $0x15400;
	s0 =	simm.s32 $0x15380;
	s4 =	simm.s32 $0x16700  }
.LBB2_1:
0x18: {  	[spmem:s12], [sflag:s8] =	dma.local [hbm:s6], $0x400  }
0x19: {  	s11 =	rddreg [dreg:$0x6]  }
0x1a: {  	[spmem:s11], [sflag:s8] =	dma.local [hbm:s6], $0x400  }
0x1b: {  	s11 =	rddreg [dreg:$0x7]  }
0x1c: {  	[spmem:s11], [sflag:s8] =	dma.local [hbm:s6], $0x400  }
0x1d: {  	s11 =	rddreg [dreg:$0x8]  }
0x1e: {  	[spmem:s11], [sflag:s8] =	dma.local [hbm:s6], $0x400  }
0x1f: {  	s11 =	rddreg [dreg:$0x9]  }
0x20: {  	[spmem:s11], [sflag:s8] =	dma.local [hbm:s6], $0x400  }
0x21: {  	s11 =	rddreg [dreg:$0xa]  }
0x22: {  	[spmem:s11], [sflag:s8] =	dma.local [hbm:s6], $0x400  }
0x23: {  	[spmem:s18], [sflag:s8] =	dma.local [hbm:s6], $0x400  }
0x24: {  	[spmem:s19], [sflag:s8] =	dma.local [hbm:s6], $0x400  }
0x25: {  	[spmem:s20], [sflag:s8] =	dma.local [hbm:s6], $0x400  }
0x26: {  	[spmem:s21], [sflag:s8] =	dma.local [hbm:s6], $0x400  }
0x27: {  	_ =	swait.ge [sflag:s22], $0x400  }
0x28: {  	[sflag:s22] =	ssyncset.done $0x0  }
0x29: {  	[sflag:s22] =	ssyncadd.s32 $0xFFFFFC00  }
0x2a: {  	_ =	swait.ge [sflag:s22], $0x400  }
0x2b: {  	[sflag:s22] =	ssyncset.done $0x0  }
0x2c: {  	[sflag:s22] =	ssyncadd.s32 $0xFFFFFC00  }
0x2d: {  	_ =	swait.ge [sflag:s22], $0x400  }
0x2e: {  	[sflag:s22] =	ssyncset.done $0x0  }
0x2f: {  	[sflag:s22] =	ssyncadd.s32 $0xFFFFFC00  }
0x30: {  	_ =	swait.ge [sflag:s22], $0x400  }
0x31: {  	[sflag:s22] =	ssyncset.done $0x0  }
0x32: {  	[sflag:s22] =	ssyncadd.s32 $0xFFFFFC00  }
0x33: {  	_ =	swait.ge [sflag:s22], $0x400  }
0x34: {  	[sflag:s22] =	ssyncset.done $0x0  }
0x35: {  	[sflag:s22] =	ssyncadd.s32 $0xFFFFFC00  }
0x36: {  	_ =	swait.ge [sflag:s22], $0x400  }
0x37: {  	[sflag:s22] =	ssyncset.done $0x0  }
0x38: {  	[sflag:s22] =	ssyncadd.s32 $0xFFFFFC00  }
0x39: {  	_ =	swait.ge [sflag:s22], $0x400  }
0x3a: {  	[sflag:s22] =	ssyncset.done $0x0  }
0x3b: {  	[sflag:s22] =	ssyncadd.s32 $0xFFFFFC00  }
0x3c: {  	_ =	swait.ge [sflag:s22], $0x400  }
0x3d: {  	[sflag:s22] =	ssyncset.done $0x0  }
0x3e: {  	[sflag:s22] =	ssyncadd.s32 $0xFFFFFC00  }
0x3f: {  	_ =	swait.ge [sflag:s22], $0x400  }
0x40: {  	[sflag:s22] =	ssyncset.done $0x0  }
0x41: {  	[sflag:s22] =	ssyncadd.s32 $0xFFFFFC00  }
0x42: {  	_ =	swait.ge [sflag:s22], $0x400  }
0x43: {  	[sflag:s22] =	ssyncset.done $0x0  }
0x44: {  	[sflag:s22] =	ssyncadd.s32 $0xFFFFFC00  }
0x45: {  	s11 =	simm.s32 $0x0;
	[bflag:$0x0] =	sbarrier.arrive $0xFFFF  }
.LBB2_2:
0x46: {  	s13 =	smul.u32 $0x28, s11;
	_ =	sdelay $0x1  }
0x47: {  	s13 =	sadd.s32 s9, s13  }
0x48: {  	s13 =	sshll.u32 s13, $0x4  }
0x49: {  	s15 =	simm.s32 $0x0;
	s14 =	sadd.s32 s5, s13  }
0x4a: {  	[tilespmem:s23], [sflag:$0x3] =	stream.linear.gather [hbm4b:s14+s15], $0x1400, $0x38;
	[tilespmem:$0x1E800] =	vst v63  }
0x4b: {  	_ =	swait.ge [sflag:s25], $0x1400  }
0x4c: {  	[sflag:s25] =	ssyncset.done $0x0  }
0x4d: {  	s13 =	sadd.s32 s1, s13;
	[sflag:s25] =	ssyncadd.s32 $0xFFFFEC00  }
0x4e: {  	[tilespmem:s26], [sflag:$0x3] =	stream.linear.gather [hbm4b:s13+s15], $0x1400, $0x38;
	[tilespmem:$0x1E800] =	vst v63  }
0x4f: {  	_ =	swait.ge [sflag:s25], $0x1400  }
0x50: {  	[sflag:s25] =	ssyncset.done $0x0  }
0x51: {  	[sflag:s25] =	ssyncadd.s32 $0xFFFFEC00  }
0x52: {  	[tilespmem:s29], [sflag:$0x1] =	stream.indirect.gather [hbm4b:s10+s28], $0x80, s23, s28, $0xb8;
	[tilespmem:$0x1E800] =	vst v63  }
0x53: {  	s14 =	simm.s32 $0x14080  }
0x54: {  	[tilespmem:s30], [sflag:$0x2] =	stream.indirect.gather [hbm4b:s10+s28], $0x80, s14, s28, $0xb8;
	[tilespmem:$0x1E800] =	vst v63  }
0x55: {  	_ =	swait.ge [sflag:s22], $0x4000  }
0x56: {  	[sflag:s22] =	ssyncset.done $0x0  }
0x57: {  	s15 =	simm.s32 $0x15400;
	[sflag:s22] =	ssyncadd.s32 $0xFFFFC000  }
0x58: {  	[spmem:s2] =	stream.indirect.scatter.add.f32 [tilespmem:s29], [sflag:$0x3], $0x80, s15, s28, $0xb8;
	[tilespmem:$0x1E800] =	vst v63  }
0x59: {  	_ =	swait.ge [sflag:s25], $0x4000  }
0x5a: {  	[sflag:s25] =	ssyncset.done $0x0  }
0x5b: {  	s16 =	simm.s32 $0x14100;
	[sflag:s25] =	ssyncadd.s32 $0xFFFFC000  }
0x5c: {  	[tilespmem:s29], [sflag:$0x1] =	stream.indirect.gather [hbm4b:s10+s28], $0x80, s16, s28, $0xb8;
	[tilespmem:$0x1E800] =	vst v63  }
0x5d: {  	_ =	swait.ge [sflag:s31], $0x4000  }
0x5e: {  	[sflag:s31] =	ssyncset.done $0x0  }
0x5f: {  	s17 =	simm.s32 $0x15480;
	[sflag:s31] =	ssyncadd.s32 $0xFFFFC000  }
0x60: {  	[spmem:s2] =	stream.indirect.scatter.add.f32 [tilespmem:s30], [sflag:$0x3], $0x80, s17, s28, $0xb8;
	[tilespmem:$0x1E800] =	vst v63  }
0x61: {  	_ =	swait.ge [sflag:s25], $0x4000  }
0x62: {  	s13 =	simm.s32 $0x100;
	s14 =	simm.s32 $0x800;
	[sflag:s25] =	ssyncset.done $0x0  }
.LBB2_3:
0x63: {  	s15 =	sadd.s32 $0x14080, s13  }
0x64: {  	[sflag:s25] =	ssyncadd.s32 $0xFFFFC000;
	s16 =	smov.u32 s14;
	s17 =	sadd.s32 $0x400, s14  }
0x65: {  	[tilespmem:s30], [sflag:$0x2] =	stream.indirect.gather [hbm4b:s10+s28], $0x80, s15, s28, $0xb8;
	[tilespmem:$0x1E800] =	vst v63  }
0x66: {  	p0 =	sne.s32 s14, $0x4800;
	_ =	swait.ge [sflag:s22], $0x4000  }
0x67: {  	[sflag:s22] =	ssyncset.done $0x0  }
0x68: {  	s14 =	sadd.s32 $0x15400, s13;
	[sflag:s22] =	ssyncadd.s32 $0xFFFFC000  }
0x69: {  	[spmem:s2] =	stream.indirect.scatter.add.f32 [tilespmem:s29], [sflag:$0x3], $0x80, s14, s28, $0xb8;
	[tilespmem:$0x1E800] =	vst v63  }
0x6a: {  	_ =	swait.ge [sflag:s25], $0x4000  }
0x6b: {  	[sflag:s25] =	ssyncset.done $0x0  }
0x6c: {  	s14 =	sadd.s32 $0x14100, s13;
	[sflag:s25] =	ssyncadd.s32 $0xFFFFC000  }
0x6d: {  	[tilespmem:s29], [sflag:$0x1] =	stream.indirect.gather [hbm4b:s10+s28], $0x80, s14, s28, $0xb8;
	[tilespmem:$0x1E800] =	vst v63  }
0x6e: {  	_ =	swait.ge [sflag:s31], $0x4000  }
.Ltmp0:
0x6f: {  	[sflag:s31] =	ssyncset.done $0x0;
	(pc) =	sbr.rel @p0 .LBB2_3-.Ltmp0, $4  }
0x70: {  	s13 =	sadd.s32 $0x15480, s13;
	[sflag:s31] =	ssyncadd.s32 $0xFFFFC000  }
0x71: {  	[spmem:s2] =	stream.indirect.scatter.add.f32 [tilespmem:s30], [sflag:$0x3], $0x80, s13, s28, $0xb8;
	[tilespmem:$0x1E800] =	vst v63  }
0x72: {  	_ =	swait.ge [sflag:s25], $0x4000  }
0x73: {  	s14 =	smov.u32 s17;
	s13 =	sshra.s32 s16, $0x2;
	[sflag:s25] =	ssyncset.done $0x0  }
0x74: {  	s14 =	sadd.s32 $0x14080, s13;
	[sflag:s25] =	ssyncadd.s32 $0xFFFFC000  }
0x75: {  	[tilespmem:s30], [sflag:$0x2] =	stream.indirect.gather [hbm4b:s10+s28], $0x80, s14, s28, $0xb8;
	[tilespmem:$0x1E800] =	vst v63  }
0x76: {  	_ =	swait.ge [sflag:s22], $0x4000  }
0x77: {  	[sflag:s22] =	ssyncset.done $0x0  }
0x78: {  	s15 =	sadd.s32 $0x15400, s13;
	[sflag:s22] =	ssyncadd.s32 $0xFFFFC000  }
0x79: {  	[spmem:s2] =	stream.indirect.scatter.add.f32 [tilespmem:s29], [sflag:$0x3], $0x80, s15, s28, $0xb8;
	[tilespmem:$0x1E800] =	vst v63  }
0x7a: {  	_ =	swait.ge [sflag:s25], $0x4000  }
0x7b: {  	[sflag:s25] =	ssyncset.done $0x0  }
0x7c: {  	s16 =	sadd.s32 $0x14100, s13;
	[sflag:s25] =	ssyncadd.s32 $0xFFFFC000  }
0x7d: {  	[tilespmem:s29], [sflag:$0x1] =	stream.indirect.gather [hbm4b:s10+s28], $0x80, s16, s28, $0xb8;
	[tilespmem:$0x1E800] =	vst v63  }
0x7e: {  	_ =	swait.ge [sflag:s31], $0x4000  }
0x7f: {  	[sflag:s31] =	ssyncset.done $0x0  }
0x80: {  	s17 =	sadd.s32 $0x15480, s13;
	[sflag:s31] =	ssyncadd.s32 $0xFFFFC000  }
0x81: {  	[spmem:s2] =	stream.indirect.scatter.add.f32 [tilespmem:s30], [sflag:$0x3], $0x80, s17, s28, $0xb8;
	[tilespmem:$0x1E800] =	vst v63  }
0x82: {  	_ =	swait.ge [sflag:s25], $0x4000  }
0x83: {  	[sflag:s25] =	ssyncset.done $0x0  }
0x84: {  	[sflag:s25] =	ssyncadd.s32 $0xFFFFC000  }
0x85: {  	[tilespmem:s30], [sflag:$0x2] =	stream.indirect.gather [hbm4b:s10+s28], $0x80, s0, s28, $0xb8;
	[tilespmem:$0x1E800] =	vst v63  }
0x86: {  	_ =	swait.ge [sflag:s22], $0x4000  }
0x87: {  	[sflag:s22] =	ssyncset.done $0x0  }
0x88: {  	[sflag:s22] =	ssyncadd.s32 $0xFFFFC000  }
0x89: {  	[spmem:s2] =	stream.indirect.scatter.add.f32 [tilespmem:s29], [sflag:$0x3], $0x80, s4, s28, $0xb8;
	[tilespmem:$0x1E800] =	vst v63  }
0x8a: {  	_ =	swait.ge [sflag:s25], $0x4000  }
0x8b: {  	[sflag:s25] =	ssyncset.done $0x0  }
0x8c: {  	[sflag:s25] =	ssyncadd.s32 $0xFFFFC000  }
0x8d: {  	s11 =	sadd.s32 $0x1, s11;
	_ =	swait.ge [sflag:s31], $0x4000  }
0x8e: {  	p0 =	sne.s32 s11, $0x4;
	[sflag:s31] =	ssyncset.done $0x0  }
.Ltmp1:
0x8f: {  	[sflag:s31] =	ssyncadd.s32 $0xFFFFC000;
	(pc) =	sbr.rel @p0 .LBB2_2-.Ltmp1, $4  }
0x90: {  	[spmem:s2] =	stream.indirect.scatter.add.f32 [tilespmem:s30], [sflag:$0x3], $0x80, s7, s28, $0xb8;
	[tilespmem:$0x1E800] =	vst v63  }
0x91: {  	_ =	swait.ge [sflag:s25], $0x4000  }
0x92: {  	[sflag:s25] =	ssyncset.done $0x0  }
0x93: {  	[sflag:s25] =	ssyncadd.s32 $0xFFFFC000  }
0x94: {  	[bflag:$0x0] =	sbarrier.arrive $0xFFFF  }
0x95: {  	s11 =	rddreg [dreg:$0x4]  }
0x96: {  	s11 =	sor.u32 $0x1C03, s11  }
0x97: {  	[hbm:s24], [sflag:s11] =	dma.local [spmem:s12], $0x2800  }
0x98: {  	_ =	swait.ge [sflag:s25], $0x2800  }
0x99: {  	s3 =	sadd.s32 $0x1, s3;
	s17 =	rddreg [dreg:$0x5]  }
0x9a: {  	p0 =	sne.s32 s3, s17  }
.Ltmp2:
0x9b: {  	_ = 	snop;
	(pc) =	sbr.rel @p0 .LBB2_1-.Ltmp2, $3  }
0x9c: {  	_ =	sdelay $0x1  }
0x9d: {  	[sflag:s25] =	ssyncset.done $0x0  }
0x9e: {  	[sflag:s25] =	ssyncadd.s32 $0xFFFFD800  }
0x9f: {  	_ =	sfence.sel $0x180000  }
0xa0: {  	[bflag:$0x0] =	sbarrier.arrive $0xFFFF  }
0xa1: {  	_ =	strace $0x90000056  }
0xa2: {  	s0 =	stileid.u32;
	[bflag:$0x2] =	sbarrier.arrive $0xFFFF  }
0xa3: {  	p0 =	sne.s32 s0, $0x0;
	s0 =	rddreg [dreg:$0x3]  }
0xa4: {  	s0 =	sadd.s32 @!p0 $0x100000, s0  }
0xa5: {  	[sflag:s0] =	ssyncadd.tile.s32 @!p0 $0x1;
	_ =	shalt  }
.Lfunc_end2:
_tile_overlayer_lowered:
.L_overlay_start_2:
0xa6: {  	(tag) =	ssettag $0x2  }
0xa7: {  	s0 =	rddreg [dreg:$0x0];
	s2 =	stileid.u32  }
0xa8: {  	s1 =	rddreg [dreg:$0x1];
	p0 =	sne.s32 s2, $0x0  }
0xa9: {  	s3 =	rddreg [dreg:$0x2];
	[bflag:$0x3] =	sbarrier.arrive $0xFFFF;
	s2 =	simm.s32 @!p0 $0x1C03  }
0xaa: {  	[timem:s3], [sflag:s2] =	dma.local @!p0 [hbm:s0], s1  }
0xab: {  	s0 =	simm.s32 @!p0 $0x3  }
0xac: {  	_ =	swait.ge @!p0 [sflag:s0], s1  }
0xad: {  	s1 =	ssub.s32 @!p0 $0x0, s1;
	[sflag:s0] =	ssyncset.done @!p0 $0x0  }
0xae: {  	[sflag:s0] =	ssyncadd.s32 @!p0 s1  }
0xaf: {  	[bflag:$0x3] =	sbarrier.arrive $0xFFFF  }
0xb0: {  	_ =	shalt  }

// kernel: kernel.34.cloned.1.call-start
scs
__scs_entry_jumppad:
0x0: {  	(pc) =	sbr.rel $0x88, $3  }
0x1: {  	(tag) =	ssettag $0x0;
	lr =	simm.s32 $0x1  }
0x2: {  	[smem:$0x3F93] =	sst lr;
	_ =	strace $0xD0000000  }
0x3: {  	_ = 	snop  }
0x4: {  	_ = 	snop  }
0x5: {  	_ = 	snop  }
0x6: {  	_ = 	snop  }
0x7: {  	_ = 	snop  }
__scs_overlays_trampoline_lowered:
0x8: {  	[smem:$0x3FA2] =	sst s0  }
0x9: {  	[smem:$0x3FA3] =	sst s1  }
0xa: {  	[smem:$0x3FA4] =	sst s2  }
0xb: {  	[smem:$0x3FA5] =	sst s3  }
0xc: {  	[smem:$0x3FA6] =	sst s4  }
0xd: {  	[smem:$0x3FA7] =	sst s5  }
0xe: {  	[smem:$0x3FA8] =	sst s6  }
0xf: {  	[smem:$0x3FA9] =	sst s7  }
0x10: {  	[smem:$0x3FAA] =	sst s8  }
0x11: {  	[smem:$0x3FAB] =	sst s9;
	s0 =	simm.s32 @!p0 $0x0  }
0x12: {  	s1 =	sld [smem:$0x3F91];
	s0 =	simm.s32 @p0 $0x1  }
0x13: {  	[smem:$0x3FAC] =	sst s0;
	s0 =	simm.s32 @!p1 $0x0  }
0x14: {  	s2 =	sld [smem:$0x3F90];
	s0 =	simm.s32 @p1 $0x1  }
0x15: {  	[smem:$0x3FAD] =	sst s0;
	s0 =	simm.s32 @!p2 $0x0  }
0x16: {  	s3 =	sld [smem:$0x3FDB];
	s0 =	simm.s32 @p2 $0x1  }
0x17: {  	s4 =	simm.s32 $0x1BF5;
	[smem:$0x3FAF] =	sst s0  }
0x18: {  	s0 =	sld [smem:$0x3F92];
	_ =	swait.ge [sflag:s4], $0x0  }
0x19: {  	s7 =	sld [smem:$0x3F93]  }
0x1a: {  	s8 =	sadd.s32 $0xFFFFE003, lr  }
0x1b: {  	s9 =	sadd.s32 $0xFFFFFEF7, lr;
	s5 =	simm.s32 $0xFFFFFFFF;
	p2 =	slt.u32 s8, $0xFFFFF086  }
0x1c: {  	p1 =	slt.u32 s9, $0xF7A;
	s5 =	simm.s32 @!p2 $0x0  }
0x1d: {  	s5 =	simm.s32 @p1 $0x1;
	p0 =	seq.s32 s7, s2  }
0x1e: {  	s7 =	smul.u32 @!p0 $0xF7A, s2;
	p2 =	seq.s32 @!p0 s5, $0x0  }
0x1f: {  	s9 =	smul.u32 $0xF7A, s1;
	s8 =	simm.s32 @!p0 $0x1BF5;
	p2 =	por !p2, p0  }
0x20: {  	[sflag:s8] =	ssyncset.s32 @!p0 $0xFFFFF086;
	s6 =	sadd.s32 @!p0 s3, s7;
	s7 =	simm.s32 @!p0 $0x108  }
0x21: {  	s3 =	sadd.s32 s3, s9;
	s6 =	sadd.s32 @!p0 $0x88, s6;
	s7 =	simm.s32 @p2 $0x1082  }
0x22: {  	[simem:s7], [sflag:s8] =	dma.local @!p0 [hbm:s6], $0xF7A  }
0x23: {  	s9 =	sor.u32 $0xD0000000, s2;
	s6 =	simm.s32 $0x108;
	_ =	swait.ge @!p0 [sflag:s8], $0x0  }
0x24: {  	s3 =	sadd.s32 $0x88, s3;
	s6 =	simm.s32 @!p1 $0x1082;
	[sflag:s4] =	ssyncset.s32 $0xFFFFF086  }
0x25: {  	[simem:s6], [sflag:s4] =	dma.local [hbm:s3], $0xF7A  }
0x26: {  	[smem:$0x3F93] =	sst s1;
	(tag) =	ssettag s2;
	_ =	strace s9  }
0x27: {  	s1 =	sld [smem:$0x3FA3]  }
0x28: {  	s2 =	sld [smem:$0x3FA4]  }
0x29: {  	s4 =	sld [smem:$0x3FA6]  }
0x2a: {  	p0 =	seq.s32 s5, $0x0;
	s5 =	sld [smem:$0x3FA7]  }
0x2b: {  	s6 =	sld [smem:$0x3FA8]  }
0x2c: {  	s7 =	sld [smem:$0x3FA9]  }
0x2d: {  	s3 =	simm.s32 $0x108;
	s8 =	sld [smem:$0x3FAA]  }
0x2e: {  	s3 =	simm.s32 @!p0 $0x1082;
	s9 =	sld [smem:$0x3FAB]  }
0x2f: {  	lr =	sadd.s32 s0, s3;
	s0 =	sld [smem:$0x3FA2]  }
0x30: {  	s3 =	sld [smem:$0x3FA5]  }
0x31: {  	[smem:$0x3FAE] =	sst s10  }
0x32: {  	s10 =	sld [smem:$0x3FAC];
	_ =	sdelay $0x3  }
0x33: {  	p0 =	seq.s32 s10, $0x1;
	s10 =	sld [smem:$0x3FAE];
	_ =	sdelay $0x3  }
0x34: {  	[smem:$0x3FAE] =	sst s10  }
0x35: {  	s10 =	sld [smem:$0x3FAD];
	_ =	sdelay $0x3  }
0x36: {  	p1 =	seq.s32 s10, $0x1;
	s10 =	sld [smem:$0x3FAE];
	_ =	sdelay $0x3  }
0x37: {  	[smem:$0x3FAE] =	sst s10  }
0x38: {  	s10 =	sld [smem:$0x3FAF]  }
0x39: {  	_ = 	snop;
	(pc) =	sbr.ind lr, $3  }
0x3a: {  	_ = 	snop  }
0x3b: {  	_ = 	snop  }
0x3c: {  	p2 =	seq.s32 s10, $0x1;
	s10 =	sld [smem:$0x3FAE]  }
0x3d: {  	_ =	shalt  }
0x3e: {  	_ =	shalt  }
0x3f: {  	_ =	shalt  }
0x40: {  	_ =	shalt  }
0x41: {  	_ =	shalt  }
0x42: {  	_ =	shalt  }
0x43: {  	_ =	shalt  }
0x44: {  	_ =	shalt  }
0x45: {  	_ =	shalt  }
0x46: {  	_ =	shalt  }
0x47: {  	_ =	shalt  }
0x48: {  	_ =	shalt  }
0x49: {  	_ =	shalt  }
0x4a: {  	_ =	shalt  }
0x4b: {  	_ =	shalt  }
0x4c: {  	_ =	shalt  }
0x4d: {  	_ =	shalt  }
0x4e: {  	_ =	shalt  }
0x4f: {  	_ =	shalt  }
0x50: {  	_ =	shalt  }
0x51: {  	_ =	shalt  }
0x52: {  	_ =	shalt  }
0x53: {  	_ =	shalt  }
0x54: {  	_ =	shalt  }
0x55: {  	_ =	shalt  }
0x56: {  	_ =	shalt  }
0x57: {  	_ =	shalt  }
0x58: {  	_ =	shalt  }
0x59: {  	_ =	shalt  }
0x5a: {  	_ =	shalt  }
0x5b: {  	_ =	shalt  }
0x5c: {  	_ =	shalt  }
0x5d: {  	_ =	shalt  }
0x5e: {  	_ =	shalt  }
0x5f: {  	_ =	shalt  }
0x60: {  	_ =	shalt  }
0x61: {  	_ =	shalt  }
0x62: {  	_ =	shalt  }
0x63: {  	_ =	shalt  }
0x64: {  	_ =	shalt  }
0x65: {  	_ =	shalt  }
0x66: {  	_ =	shalt  }
0x67: {  	_ =	shalt  }
0x68: {  	_ =	shalt  }
0x69: {  	_ =	shalt  }
0x6a: {  	_ =	shalt  }
0x6b: {  	_ =	shalt  }
0x6c: {  	_ =	shalt  }
0x6d: {  	_ =	shalt  }
0x6e: {  	_ =	shalt  }
0x6f: {  	_ =	shalt  }
0x70: {  	_ =	shalt  }
0x71: {  	_ =	shalt  }
0x72: {  	_ =	shalt  }
0x73: {  	_ =	shalt  }
0x74: {  	_ =	shalt  }
0x75: {  	_ =	shalt  }
0x76: {  	_ =	shalt  }
0x77: {  	_ =	shalt  }
0x78: {  	_ =	shalt  }
0x79: {  	_ =	shalt  }
0x7a: {  	_ =	shalt  }
0x7b: {  	_ =	shalt  }
0x7c: {  	_ =	shalt  }
0x7d: {  	_ =	shalt  }
0x7e: {  	_ =	shalt  }
0x7f: {  	_ =	shalt  }
0x80: {  	_ =	shalt  }
0x81: {  	_ =	shalt  }
0x82: {  	_ =	shalt  }
0x83: {  	_ =	shalt  }
0x84: {  	_ =	shalt  }
0x85: {  	_ =	shalt  }
0x86: {  	_ =	shalt  }
0x87: {  	_ =	shalt  }
.Lfunc_end0:
.L_simem_size_0:
called_computation.6_lowered:
.L_overlay_start_0:
0x88: {  	s2 =	sld [smem:$0x3FD9]  }
0x89: {  	s3 =	sld [smem:$0x3FFE];
	_ =	sdelay $0x1  }
0x8a: {  	s1 =	srdreg.scid  }
0x8b: {  	s0 =	sand.u32 $0x1, s1  }
0x8c: {  	s17 =	sshll.u32 s0, $0xA;
	s2 =	sadd.s32 s3, s2  }
0x8d: {  	s2 =	sadd.s32 s2, s17  }
0x8e: {  	[smem:$0x3FBA] =	sst s2  }
0x8f: {  	_ = 	snop  }
0x90: {  	s2 =	sld [smem:$0x3FD0];
	(tm) =	ssettm $0x1  }
0x91: {  	s18 =	sld [smem:$0x3FFB];
	_ =	sdelay $0x3  }
0x92: {  	_ =	strace s18  }
0x93: {  	s3 =	sld [smem:$0x3FFC];
	_ =	sdelay $0x3  }
0x94: {  	_ =	strace s3  }
0x95: {  	s3 =	sld [smem:$0x3FFD];
	_ =	sdelay $0x3  }
0x96: {  	_ =	strace s3  }
0x97: {  	_ =	strace $0x8FFFFFFF  }
0x98: {  	s19 =	sld [smem:$0x3FDB];
	_ =	sdelay $0x1  }
0x99: {  	s4 =	simm.s32 $_scs_section_size  }
0x9a: {  	s5 =	simm.s32 $_size__tile_overlayer_lowered;
	s6 =	simm.s32 $_tile_overlayer_lowered  }
0x9b: {  	s22 =	simm.s32 $0x1BFF;
	s21 =	sshll.u32 s6, $0x1;
	s3 =	sadd.s32 s4, s19  }
0x9c: {  	s7 =	simm.s32 $0x0;
	s20 =	sshll.u32 s5, $0x1;
	s5 =	sadd.s32 s21, s3  }
0x9d: {  	[timem:s7], [sflag:s22] =	dma.local [hbm:s5], s20  }
0x9e: {  	_ =	swait.ge [sflag:s22], s20  }
0x9f: {  	s4 =	ssub.s32 $0x0, s20;
	[sflag:s22] =	ssyncset.done $0x0  }
0xa0: {  	[sflag:s22] =	ssyncadd.s32 s4;
	_ =	sdelay $0x1  }
0xa1: {  	s23 =	simm.s32 $0x1B8B  }
0xa2: {  	_ =	swait.ge [sflag:s23], $0x1  }
0xa3: {  	[sflag:s23] =	ssyncset.done $0x0  }
0xa4: {  	s25 =	simm.s32 $0x1B8E;
	s24 =	sld [smem:$0x3FFE];
	[sflag:s23] =	ssyncadd.s32 $0xFFFFFFFF  }
0xa5: {  	s26 =	simm.s32 $execute0_lowered;
	[smem:$0x3FD2] =	sst s25  }
0xa6: {  	s5 =	sshll.u32 s26, $0x1;
	_ =	strace $0x80000058;
	[dreg:$0x1] =	wrdreg $0xFFFFFFFF  }
0xa7: {  	s28 =	simm.s32 $_size_execute0_lowered;
	s3 =	sadd.s32 s3, s5;
	[dreg:$0x0] =	wrdreg $0x0  }
0xa8: {  	s5 =	sshll.u32 s28, $0x1;
	[dreg:$0x2] =	wrdreg s3  }
0xa9: {  	[dreg:$0x3] =	wrdreg s5  }
0xaa: {  	[dreg:$0x4] =	wrdreg $0xC0  }
0xab: {  	_ =	task [dreg:s7], $0x5FFFF  }
0xac: {  	[dreg:$0x1] =	wrdreg $0xFFFFFFFF  }
0xad: {  	[dreg:$0x0] =	wrdreg $0x60  }
0xae: {  	[dreg:$0x2] =	wrdreg s24  }
0xaf: {  	[dreg:$0x3] =	wrdreg s2  }
0xb0: {  	[dreg:$0x4] =	wrdreg $0x0  }
0xb1: {  	[dreg:$0x5] =	wrdreg $0x9  }
0xb2: {  	_ =	task.clear_ibuf [dreg:s7], $0x6FFFF;
	_ =	strace $0x90000058  }
0xb3: {  	s29 =	simm.s32 $0x9;
	_ =	strace $0x8000005A  }
0xb4: {  	_ =	swait.ge [sflag:s29], $0x1  }
0xb5: {  	[sflag:s29] =	ssyncadd.s32 $0xFFFFFFFF  }
0xb6: {  	_ =	strace $0x9000005A  }
0xb7: {  	_ =	sfence  }
0xb8: {  	s30 =	sld [smem:$0x0];
	_ =	sdelay $0x2  }
0xb9: {  	s31 =	sshll.u32 s1, $0xD;
	s1 =	sshrl.u32 s1, $0x2  }
0xba: {  	s3 =	sand.u32 $0x4000, s31;
	s1 =	sadd.s32 s1, s30  }
0xbb: {  	s0 =	sor.u32 s3, s0;
	s1 =	sshll.u32 s1, $0x11  }
0xbc: {  	s0 =	sor.u32 s1, s0  }
0xbd: {  	s0 =	sadd.s32 $0x8F2B, s0  }
0xbe: {  	[sflag:s0] =	ssyncadd.remote.s32 $0x1  }
0xbf: {  	_ =	sfence.sel $0xFFFF  }
0xc0: {  	[dreg:$0x0] =	wrdreg $0xFFFFFFFF;
	(pc) =	sbr.abs _section_cstart, $3  }
0xc1: {  	[dreg:$0x1] =	wrdreg $0xFFFFFFFF  }
0xc2: {  	_ =	task.clear_ibuf [dreg:s7], $0x2FFFF;
	_ =	strace $0x9FFFFFFF  }
0xc3: {  	(tm) =	ssettm $0x7FFFFFFF  }
tec
execute0_lowered:
.L_overlay_start_1:
0x0: {  	(tag) =	ssettag $0x1  }
0x1: {  	s0 =	rddreg [dreg:$0x0]  }
0x2: {  	s1 =	rddreg [dreg:$0x1]  }
0x3: {  	s2 =	rddreg [dreg:$0x2];
	s3 =	simm.s32 $0x0  }
0x4: {  	s4 =	srdreg.scid;
	s11 =	stileid.u32;
	s28 =	simm.s32 $0x80  }
0x5: {  	s29 =	simm.s32 $0x16800;
	s30 =	simm.s32 $0x1A800;
	s31 =	simm.s32 $0x2  }
0x6: {  	[smem:$0x7FF] =	sst s3;
	s4 =	sand.u32 $0x1, s4;
	s5 =	sadd.s32 $0x4400, s0  }
0x7: {  	s8 =	smul.u32 $0x50000, s11;
	s6 =	sadd.s32 $0xE400, s0;
	s9 =	sshll.u32 s11, $0x6  }
0x8: {  	s7 =	smul.u32 $0x28000, s4;
	_ =	strace $0x80000059;
	s4 =	ssub.s32 $0x2, s4  }
0x9: {  	[dreg:$0x4] =	wrdreg s9;
	s14 =	sshrl.u32 s4, $0x1;
	s8 =	sshrl.u32 s8, $0x2  }
0xa: {  	s15 =	sadd.s32 s8, s2;
	s8 =	sor.u32 $0x1C01, s9;
	s9 =	smul.u32 $0xA0, s11  }
0xb: {  	s0 =	sadd.s32 s7, s0;
	s4 =	ssub.s32 s4, s14;
	s11 =	smul.u32 $0x2800, s11  }
0xc: {  	s7 =	simm.s32 $0x16780;
	s10 =	sadd.s32 $0xE800, s0;
	s0 =	sadd.s32 $0x5E800, s0  }
0xd: {  	s4 =	smax.u32 s4, $0x1;
	s22 =	sadd.s32 $0x2000, s15;
	s13 =	sadd.s32 $0x4000, s15  }
0xe: {  	s14 =	sadd.s32 $0x6000, s15;
	s16 =	sadd.s32 $0x8000, s15;
	s17 =	sadd.s32 $0xA000, s15  }
0xf: {  	s18 =	sadd.s32 $0xC000, s15;
	s19 =	sadd.s32 $0xE000, s15;
	s20 =	sadd.s32 $0x10000, s15  }
0x10: {  	s21 =	sadd.s32 $0x12000, s15;
	[dreg:$0x5] =	wrdreg s4;
	s4 =	sshrl.u32 s22, $0x3  }
0x11: {  	s12 =	sshrl.u32 s15, $0x3;
	s23 =	sshrl.u32 s13, $0x3;
	[dreg:$0x6] =	wrdreg s4  }
0x12: {  	s24 =	sshrl.u32 s14, $0x3;
	s25 =	sshrl.u32 s16, $0x3;
	[dreg:$0x7] =	wrdreg s23  }
0x13: {  	s26 =	sshrl.u32 s17, $0x3;
	s18 =	sshrl.u32 s18, $0x3;
	[dreg:$0x8] =	wrdreg s24  }
0x14: {  	s19 =	sshrl.u32 s19, $0x3;
	s20 =	sshrl.u32 s20, $0x3;
	[dreg:$0x9] =	wrdreg s25  }
0x15: {  	s21 =	sshrl.u32 s21, $0x3;
	s22 =	simm.s32 $0x1;
	[dreg:$0xa] =	wrdreg s26  }
0x16: {  	s23 =	simm.s32 $0x14000;
	s24 =	sadd.s32 s11, s0;
	s25 =	simm.s32 $0x3  }
0x17: {  	s26 =	simm.s32 $0x15400;
	s0 =	simm.s32 $0x15380;
	s4 =	simm.s32 $0x16700  }
.LBB2_1:
0x18: {  	[spmem:s12], [sflag:s8] =	dma.local [hbm:s6], $0x400  }
0x19: {  	s11 =	rddreg [dreg:$0x6]  }
0x1a: {  	[spmem:s11], [sflag:s8] =	dma.local [hbm:s6], $0x400  }
0x1b: {  	s11 =	rddreg [dreg:$0x7]  }
0x1c: {  	[spmem:s11], [sflag:s8] =	dma.local [hbm:s6], $0x400  }
0x1d: {  	s11 =	rddreg [dreg:$0x8]  }
0x1e: {  	[spmem:s11], [sflag:s8] =	dma.local [hbm:s6], $0x400  }
0x1f: {  	s11 =	rddreg [dreg:$0x9]  }
0x20: {  	[spmem:s11], [sflag:s8] =	dma.local [hbm:s6], $0x400  }
0x21: {  	s11 =	rddreg [dreg:$0xa]  }
0x22: {  	[spmem:s11], [sflag:s8] =	dma.local [hbm:s6], $0x400  }
0x23: {  	[spmem:s18], [sflag:s8] =	dma.local [hbm:s6], $0x400  }
0x24: {  	[spmem:s19], [sflag:s8] =	dma.local [hbm:s6], $0x400  }
0x25: {  	[spmem:s20], [sflag:s8] =	dma.local [hbm:s6], $0x400  }
0x26: {  	[spmem:s21], [sflag:s8] =	dma.local [hbm:s6], $0x400  }
0x27: {  	_ =	swait.ge [sflag:s22], $0x400  }
0x28: {  	[sflag:s22] =	ssyncset.done $0x0  }
0x29: {  	[sflag:s22] =	ssyncadd.s32 $0xFFFFFC00  }
0x2a: {  	_ =	swait.ge [sflag:s22], $0x400  }
0x2b: {  	[sflag:s22] =	ssyncset.done $0x0  }
0x2c: {  	[sflag:s22] =	ssyncadd.s32 $0xFFFFFC00  }
0x2d: {  	_ =	swait.ge [sflag:s22], $0x400  }
0x2e: {  	[sflag:s22] =	ssyncset.done $0x0  }
0x2f: {  	[sflag:s22] =	ssyncadd.s32 $0xFFFFFC00  }
0x30: {  	_ =	swait.ge [sflag:s22], $0x400  }
0x31: {  	[sflag:s22] =	ssyncset.done $0x0  }
0x32: {  	[sflag:s22] =	ssyncadd.s32 $0xFFFFFC00  }
0x33: {  	_ =	swait.ge [sflag:s22], $0x400  }
0x34: {  	[sflag:s22] =	ssyncset.done $0x0  }
0x35: {  	[sflag:s22] =	ssyncadd.s32 $0xFFFFFC00  }
0x36: {  	_ =	swait.ge [sflag:s22], $0x400  }
0x37: {  	[sflag:s22] =	ssyncset.done $0x0  }
0x38: {  	[sflag:s22] =	ssyncadd.s32 $0xFFFFFC00  }
0x39: {  	_ =	swait.ge [sflag:s22], $0x400  }
0x3a: {  	[sflag:s22] =	ssyncset.done $0x0  }
0x3b: {  	[sflag:s22] =	ssyncadd.s32 $0xFFFFFC00  }
0x3c: {  	_ =	swait.ge [sflag:s22], $0x400  }
0x3d: {  	[sflag:s22] =	ssyncset.done $0x0  }
0x3e: {  	[sflag:s22] =	ssyncadd.s32 $0xFFFFFC00  }
0x3f: {  	_ =	swait.ge [sflag:s22], $0x400  }
0x40: {  	[sflag:s22] =	ssyncset.done $0x0  }
0x41: {  	[sflag:s22] =	ssyncadd.s32 $0xFFFFFC00  }
0x42: {  	_ =	swait.ge [sflag:s22], $0x400  }
0x43: {  	[sflag:s22] =	ssyncset.done $0x0  }
0x44: {  	[sflag:s22] =	ssyncadd.s32 $0xFFFFFC00  }
0x45: {  	s11 =	simm.s32 $0x0;
	[bflag:$0x0] =	sbarrier.arrive $0xFFFF  }
.LBB2_2:
0x46: {  	s13 =	smul.u32 $0x28, s11;
	_ =	sdelay $0x1  }
0x47: {  	s13 =	sadd.s32 s9, s13  }
0x48: {  	s13 =	sshll.u32 s13, $0x4  }
0x49: {  	s15 =	simm.s32 $0x0;
	s14 =	sadd.s32 s5, s13  }
0x4a: {  	[tilespmem:s23], [sflag:$0x3] =	stream.linear.gather [hbm4b:s14+s15], $0x1400, $0x38;
	[tilespmem:$0x1E800] =	vst v63  }
0x4b: {  	_ =	swait.ge [sflag:s25], $0x1400  }
0x4c: {  	[sflag:s25] =	ssyncset.done $0x0  }
0x4d: {  	s13 =	sadd.s32 s1, s13;
	[sflag:s25] =	ssyncadd.s32 $0xFFFFEC00  }
0x4e: {  	[tilespmem:s26], [sflag:$0x3] =	stream.linear.gather [hbm4b:s13+s15], $0x1400, $0x38;
	[tilespmem:$0x1E800] =	vst v63  }
0x4f: {  	_ =	swait.ge [sflag:s25], $0x1400  }
0x50: {  	[sflag:s25] =	ssyncset.done $0x0  }
0x51: {  	[sflag:s25] =	ssyncadd.s32 $0xFFFFEC00  }
0x52: {  	[tilespmem:s29], [sflag:$0x1] =	stream.indirect.gather [hbm4b:s10+s28], $0x80, s23, s28, $0xb8;
	[tilespmem:$0x1E800] =	vst v63  }
0x53: {  	s14 =	simm.s32 $0x14080  }
0x54: {  	[tilespmem:s30], [sflag:$0x2] =	stream.indirect.gather [hbm4b:s10+s28], $0x80, s14, s28, $0xb8;
	[tilespmem:$0x1E800] =	vst v63  }
0x55: {  	_ =	swait.ge [sflag:s22], $0x4000  }
0x56: {  	[sflag:s22] =	ssyncset.done $0x0  }
0x57: {  	s15 =	simm.s32 $0x15400;
	[sflag:s22] =	ssyncadd.s32 $0xFFFFC000  }
0x58: {  	[spmem:s2] =	stream.indirect.scatter.add.f32 [tilespmem:s29], [sflag:$0x3], $0x80, s15, s28, $0xb8;
	[tilespmem:$0x1E800] =	vst v63  }
0x59: {  	_ =	swait.ge [sflag:s25], $0x4000  }
0x5a: {  	[sflag:s25] =	ssyncset.done $0x0  }
0x5b: {  	s16 =	simm.s32 $0x14100;
	[sflag:s25] =	ssyncadd.s32 $0xFFFFC000  }
0x5c: {  	[tilespmem:s29], [sflag:$0x1] =	stream.indirect.gather [hbm4b:s10+s28], $0x80, s16, s28, $0xb8;
	[tilespmem:$0x1E800] =	vst v63  }
0x5d: {  	_ =	swait.ge [sflag:s31], $0x4000  }
0x5e: {  	[sflag:s31] =	ssyncset.done $0x0  }
0x5f: {  	s17 =	simm.s32 $0x15480;
	[sflag:s31] =	ssyncadd.s32 $0xFFFFC000  }
0x60: {  	[spmem:s2] =	stream.indirect.scatter.add.f32 [tilespmem:s30], [sflag:$0x3], $0x80, s17, s28, $0xb8;
	[tilespmem:$0x1E800] =	vst v63  }
0x61: {  	_ =	swait.ge [sflag:s25], $0x4000  }
0x62: {  	s13 =	simm.s32 $0x100;
	s14 =	simm.s32 $0x800;
	[sflag:s25] =	ssyncset.done $0x0  }
.LBB2_3:
0x63: {  	s15 =	sadd.s32 $0x14080, s13  }
0x64: {  	[sflag:s25] =	ssyncadd.s32 $0xFFFFC000;
	s16 =	smov.u32 s14;
	s17 =	sadd.s32 $0x400, s14  }
0x65: {  	[tilespmem:s30], [sflag:$0x2] =	stream.indirect.gather [hbm4b:s10+s28], $0x80, s15, s28, $0xb8;
	[tilespmem:$0x1E800] =	vst v63  }
0x66: {  	p0 =	sne.s32 s14, $0x4800;
	_ =	swait.ge [sflag:s22], $0x4000  }
0x67: {  	[sflag:s22] =	ssyncset.done $0x0  }
0x68: {  	s14 =	sadd.s32 $0x15400, s13;
	[sflag:s22] =	ssyncadd.s32 $0xFFFFC000  }
0x69: {  	[spmem:s2] =	stream.indirect.scatter.add.f32 [tilespmem:s29], [sflag:$0x3], $0x80, s14, s28, $0xb8;
	[tilespmem:$0x1E800] =	vst v63  }
0x6a: {  	_ =	swait.ge [sflag:s25], $0x4000  }
0x6b: {  	[sflag:s25] =	ssyncset.done $0x0  }
0x6c: {  	s14 =	sadd.s32 $0x14100, s13;
	[sflag:s25] =	ssyncadd.s32 $0xFFFFC000  }
0x6d: {  	[tilespmem:s29], [sflag:$0x1] =	stream.indirect.gather [hbm4b:s10+s28], $0x80, s14, s28, $0xb8;
	[tilespmem:$0x1E800] =	vst v63  }
0x6e: {  	_ =	swait.ge [sflag:s31], $0x4000  }
.Ltmp0:
0x6f: {  	[sflag:s31] =	ssyncset.done $0x0;
	(pc) =	sbr.rel @p0 .LBB2_3-.Ltmp0, $4  }
0x70: {  	s13 =	sadd.s32 $0x15480, s13;
	[sflag:s31] =	ssyncadd.s32 $0xFFFFC000  }
0x71: {  	[spmem:s2] =	stream.indirect.scatter.add.f32 [tilespmem:s30], [sflag:$0x3], $0x80, s13, s28, $0xb8;
	[tilespmem:$0x1E800] =	vst v63  }
0x72: {  	_ =	swait.ge [sflag:s25], $0x4000  }
0x73: {  	s14 =	smov.u32 s17;
	s13 =	sshra.s32 s16, $0x2;
	[sflag:s25] =	ssyncset.done $0x0  }
0x74: {  	s14 =	sadd.s32 $0x14080, s13;
	[sflag:s25] =	ssyncadd.s32 $0xFFFFC000  }
0x75: {  	[tilespmem:s30], [sflag:$0x2] =	stream.indirect.gather [hbm4b:s10+s28], $0x80, s14, s28, $0xb8;
	[tilespmem:$0x1E800] =	vst v63  }
0x76: {  	_ =	swait.ge [sflag:s22], $0x4000  }
0x77: {  	[sflag:s22] =	ssyncset.done $0x0  }
0x78: {  	s15 =	sadd.s32 $0x15400, s13;
	[sflag:s22] =	ssyncadd.s32 $0xFFFFC000  }
0x79: {  	[spmem:s2] =	stream.indirect.scatter.add.f32 [tilespmem:s29], [sflag:$0x3], $0x80, s15, s28, $0xb8;
	[tilespmem:$0x1E800] =	vst v63  }
0x7a: {  	_ =	swait.ge [sflag:s25], $0x4000  }
0x7b: {  	[sflag:s25] =	ssyncset.done $0x0  }
0x7c: {  	s16 =	sadd.s32 $0x14100, s13;
	[sflag:s25] =	ssyncadd.s32 $0xFFFFC000  }
0x7d: {  	[tilespmem:s29], [sflag:$0x1] =	stream.indirect.gather [hbm4b:s10+s28], $0x80, s16, s28, $0xb8;
	[tilespmem:$0x1E800] =	vst v63  }
0x7e: {  	_ =	swait.ge [sflag:s31], $0x4000  }
0x7f: {  	[sflag:s31] =	ssyncset.done $0x0  }
0x80: {  	s17 =	sadd.s32 $0x15480, s13;
	[sflag:s31] =	ssyncadd.s32 $0xFFFFC000  }
0x81: {  	[spmem:s2] =	stream.indirect.scatter.add.f32 [tilespmem:s30], [sflag:$0x3], $0x80, s17, s28, $0xb8;
	[tilespmem:$0x1E800] =	vst v63  }
0x82: {  	_ =	swait.ge [sflag:s25], $0x4000  }
0x83: {  	[sflag:s25] =	ssyncset.done $0x0  }
0x84: {  	[sflag:s25] =	ssyncadd.s32 $0xFFFFC000  }
0x85: {  	[tilespmem:s30], [sflag:$0x2] =	stream.indirect.gather [hbm4b:s10+s28], $0x80, s0, s28, $0xb8;
	[tilespmem:$0x1E800] =	vst v63  }
0x86: {  	_ =	swait.ge [sflag:s22], $0x4000  }
0x87: {  	[sflag:s22] =	ssyncset.done $0x0  }
0x88: {  	[sflag:s22] =	ssyncadd.s32 $0xFFFFC000  }
0x89: {  	[spmem:s2] =	stream.indirect.scatter.add.f32 [tilespmem:s29], [sflag:$0x3], $0x80, s4, s28, $0xb8;
	[tilespmem:$0x1E800] =	vst v63  }
0x8a: {  	_ =	swait.ge [sflag:s25], $0x4000  }
0x8b: {  	[sflag:s25] =	ssyncset.done $0x0  }
0x8c: {  	[sflag:s25] =	ssyncadd.s32 $0xFFFFC000  }
0x8d: {  	s11 =	sadd.s32 $0x1, s11;
	_ =	swait.ge [sflag:s31], $0x4000  }
0x8e: {  	p0 =	sne.s32 s11, $0x4;
	[sflag:s31] =	ssyncset.done $0x0  }
.Ltmp1:
0x8f: {  	[sflag:s31] =	ssyncadd.s32 $0xFFFFC000;
	(pc) =	sbr.rel @p0 .LBB2_2-.Ltmp1, $4  }
0x90: {  	[spmem:s2] =	stream.indirect.scatter.add.f32 [tilespmem:s30], [sflag:$0x3], $0x80, s7, s28, $0xb8;
	[tilespmem:$0x1E800] =	vst v63  }
0x91: {  	_ =	swait.ge [sflag:s25], $0x4000  }
0x92: {  	[sflag:s25] =	ssyncset.done $0x0  }
0x93: {  	[sflag:s25] =	ssyncadd.s32 $0xFFFFC000  }
0x94: {  	[bflag:$0x0] =	sbarrier.arrive $0xFFFF  }
0x95: {  	s11 =	rddreg [dreg:$0x4]  }
0x96: {  	s11 =	sor.u32 $0x1C03, s11  }
0x97: {  	[hbm:s24], [sflag:s11] =	dma.local [spmem:s12], $0x2800  }
0x98: {  	_ =	swait.ge [sflag:s25], $0x2800  }
0x99: {  	s3 =	sadd.s32 $0x1, s3;
	s17 =	rddreg [dreg:$0x5]  }
0x9a: {  	p0 =	sne.s32 s3, s17  }
.Ltmp2:
0x9b: {  	_ = 	snop;
	(pc) =	sbr.rel @p0 .LBB2_1-.Ltmp2, $3  }
0x9c: {  	_ =	sdelay $0x1  }
0x9d: {  	[sflag:s25] =	ssyncset.done $0x0  }
0x9e: {  	[sflag:s25] =	ssyncadd.s32 $0xFFFFD800  }
0x9f: {  	_ =	sfence.sel $0x180000  }
0xa0: {  	[bflag:$0x0] =	sbarrier.arrive $0xFFFF  }
0xa1: {  	_ =	strace $0x90000059  }
0xa2: {  	s0 =	stileid.u32;
	[bflag:$0x2] =	sbarrier.arrive $0xFFFF  }
0xa3: {  	p0 =	sne.s32 s0, $0x0;
	s0 =	rddreg [dreg:$0x3]  }
0xa4: {  	s0 =	sadd.s32 @!p0 $0x100000, s0  }
0xa5: {  	[sflag:s0] =	ssyncadd.tile.s32 @!p0 $0x1;
	_ =	shalt  }
.Lfunc_end2:
_tile_overlayer_lowered:
.L_overlay_start_2:
0xa6: {  	(tag) =	ssettag $0x2  }
0xa7: {  	s0 =	rddreg [dreg:$0x0];
	s2 =	stileid.u32  }
0xa8: {  	s1 =	rddreg [dreg:$0x1];
	p0 =	sne.s32 s2, $0x0  }
0xa9: {  	s3 =	rddreg [dreg:$0x2];
	[bflag:$0x3] =	sbarrier.arrive $0xFFFF;
	s2 =	simm.s32 @!p0 $0x1C03  }
0xaa: {  	[timem:s3], [sflag:s2] =	dma.local @!p0 [hbm:s0], s1  }
0xab: {  	s0 =	simm.s32 @!p0 $0x3  }
0xac: {  	_ =	swait.ge @!p0 [sflag:s0], s1  }
0xad: {  	s1 =	ssub.s32 @!p0 $0x0, s1;
	[sflag:s0] =	ssyncset.done @!p0 $0x0  }
0xae: {  	[sflag:s0] =	ssyncadd.s32 @!p0 s1  }
0xaf: {  	[bflag:$0x3] =	sbarrier.arrive $0xFFFF  }
0xb0: {  	_ =	shalt  }

</sc_bundles>
